<compile_context>
chip_gen: v7x
topology: tpu7x:2x2x1
jax: 0.10.2.dev20260603
libtpu: 0.0.44.dev20260713+nightly
codegen_flags: <defaults>
</compile_context>

<pallas_src>
import functools

import jax
import jax.numpy as jnp
from jax import lax
from jax.experimental import pallas as pl
from jax.experimental.pallas import tpu as pltpu
from jax.experimental.pallas import tpu_sc as plsc

E = 320000
D = 128
NSEG = 10000
NC = 2
NS = 16
NW = NC * NS
EPW = E // NW
CHUNK = 200
NCHUNK = EPW // CHUNK
NSL = D // 16
NEGBIG = -1.0e30
LN2 = 0.6931471805599453


def _log16(x):
    bits = lax.bitcast_convert_type(x, jnp.int32)
    k = ((bits >> 23) & 0xFF) - 127
    mant = lax.bitcast_convert_type((bits & 0x007FFFFF) | 0x3F800000, jnp.float32)
    big = mant > 1.4142135
    mant = jnp.where(big, mant * 0.5, mant)
    kf = k.astype(jnp.float32) + jnp.where(big, 1.0, 0.0)
    z = (mant - 1.0) / (mant + 1.0)
    z2 = z * z
    p = jnp.float32(1.0 / 9.0)
    p = p * z2 + jnp.float32(1.0 / 7.0)
    p = p * z2 + jnp.float32(0.2)
    p = p * z2 + jnp.float32(1.0 / 3.0)
    p = p * z2 + jnp.float32(1.0)
    return kf * jnp.float32(LN2) + 2.0 * z * p


def _sc_body(src_hbm, idx_hbm, tgt_hbm, fragv_hbm, frags_hbm, part_hbm,
             bsrc, btgt, bidx0, bidx1, fragv_v, frags_v, tot_v,
             sem_a, sem_b):
    wid = lax.axis_index("s") * NC + lax.axis_index("c")
    base0 = wid * EPW
    sems = (sem_a, sem_b)
    bidxs = (bidx0, bidx1)

    def _copies(buf, c):
        start = base0 + c * CHUNK
        return (
            pltpu.make_async_copy(src_hbm.at[pl.ds(start, CHUNK), :],
                                  bsrc.at[buf], sems[buf]),
            pltpu.make_async_copy(tgt_hbm.at[pl.ds(start, CHUNK), :],
                                  btgt.at[buf], sems[buf]),
            pltpu.make_async_copy(idx_hbm.at[pl.ds(start, CHUNK + 16)],
                                  bidxs[buf], sems[buf]),
        )

    def _start(buf, c):
        for d in _copies(buf, c):
            d.start()

    def _wait(buf, c):
        for d in _copies(buf, c):
            d.wait()

    z16 = jnp.zeros((16,), jnp.float32)
    for j in range(3):
        for k in range(NSL):
            fragv_v[pl.ds((j * NSL + k) * 16, 16)] = z16
    frags_v[pl.ds(0, 16)] = z16
    frags_v[pl.ds(16, 16)] = jnp.full((16,), -1.0, jnp.float32)

    def _save_frag(slot, cur, m, s, bb, acc_a):
        for k in range(NSL):
            fragv_v[pl.ds(((slot * 3 + 0) * NSL + k) * 16, 16)] = s[k]
            fragv_v[pl.ds(((slot * 3 + 1) * NSL + k) * 16, 16)] = bb[k]
            fragv_v[pl.ds(((slot * 3 + 2) * NSL + k) * 16, 16)] = m[k]
        frags_v[pl.ds(slot * 32, 16)] = acc_a
        frags_v[pl.ds(slot * 32 + 16, 16)] = jnp.broadcast_to(
            cur.astype(jnp.float32), (16,))

    neg16 = jnp.full((16,), NEGBIG, jnp.float32)
    m0 = tuple(neg16 for _ in range(NSL))
    s0 = tuple(z16 for _ in range(NSL))
    b0 = tuple(z16 for _ in range(NSL))
    st0 = (jnp.int32(-1), jnp.int32(0), m0, s0, b0, z16)
    tot_v[...] = z16

    def _finalize_into_tot(m, s, bb, acc_a):
        con = acc_a
        for k in range(NSL):
            con = con - bb[k] * (m[k] + _log16(s[k]))
        tot_v[...] = tot_v[...] + con

    def _run_chunk(buf, st):
        def edge_body(p, st):
            cur, fd, m, s, bb, acc_a = st
            seg = bidxs[buf][pl.ds(p, 16)][0]
            new = seg != cur

            def on_new():
                def on_boundary():
                    def save_fn():
                        _save_frag(0, cur, m, s, bb, acc_a)
                        return jnp.int32(1)

                    def fin_fn():
                        _finalize_into_tot(m, s, bb, acc_a)
                        return fd

                    return lax.cond(fd == 0, save_fn, fin_fn)

                return lax.cond(cur >= 0, on_boundary, lambda: fd)

            fd = lax.cond(new, on_new, lambda: fd)
            cur = jnp.where(new, seg, cur)
            acc_a = jnp.where(new, z16, acc_a)

            m2, s2, b2 = [], [], []
            for k in range(NSL):
                x = bsrc[buf, p, pl.ds(16 * k, 16)]
                t = btgt[buf, p, pl.ds(16 * k, 16)]
                kk = jnp.where(new, x, m[k])
                s2.append(jnp.where(new, z16, s[k]) + jnp.exp(x - kk))
                b2.append(jnp.where(new, z16, bb[k]) + t)
                m2.append(kk)
                acc_a = acc_a + t * x
            return (cur, fd, tuple(m2), tuple(s2), tuple(b2), acc_a)

        return lax.fori_loop(0, CHUNK, edge_body, st, unroll=2)

    _start(0, 0)
    _start(1, 1)

    def outer_body(g, st):
        c0 = 2 * g
        _wait(0, c0)
        st = _run_chunk(0, st)

        @pl.when(c0 + 2 < NCHUNK)
        def _():
            _start(0, c0 + 2)

        c1 = c0 + 1
        _wait(1, c1)
        st = _run_chunk(1, st)

        @pl.when(c1 + 2 < NCHUNK)
        def _():
            _start(1, c1 + 2)

        return st

    cur, fd, m, s, bb, acc_a = lax.fori_loop(0, NCHUNK // 2, outer_body, st0)

    _save_frag(1, cur, m, s, bb, acc_a)
    pltpu.sync_copy(fragv_v, fragv_hbm.at[pl.ds(wid * 768, 768)])
    pltpu.sync_copy(frags_v, frags_hbm.at[pl.ds(wid * 64, 64)])
    pltpu.sync_copy(tot_v, part_hbm.at[pl.ds(wid * 16, 16)])


@functools.lru_cache(maxsize=1)
def _get_sc_kernel():
    mesh = plsc.VectorSubcoreMesh(core_axis_name="c", subcore_axis_name="s",
                                  num_cores=NC, num_subcores=NS)
    return pl.kernel(
        _sc_body,
        out_type=(
            jax.ShapeDtypeStruct((NW * 768,), jnp.float32),
            jax.ShapeDtypeStruct((NW * 64,), jnp.float32),
            jax.ShapeDtypeStruct((NW * 16,), jnp.float32),
        ),
        mesh=mesh,
        scratch_types=[
            pltpu.VMEM((2, CHUNK, D), jnp.float32),
            pltpu.VMEM((2, CHUNK, D), jnp.float32),
            pltpu.VMEM((CHUNK + 16,), jnp.int32),
            pltpu.VMEM((CHUNK + 16,), jnp.int32),
            pltpu.VMEM((768,), jnp.float32),
            pltpu.VMEM((64,), jnp.float32),
            pltpu.VMEM((16,), jnp.float32),
            pltpu.SemaphoreType.DMA,
            pltpu.SemaphoreType.DMA,
        ],
    )


def _merge_scan(load_rec, load_row, tot0):

    def body(i, carry):
        seg, m, s, bb, a, tot = carry
        rec = load_rec(i)
        s_i = rec[:, 0, :]
        b_i = rec[:, 1, :]
        m_i = rec[:, 2, :]
        row = load_row(i)
        a_i = jnp.sum(row[:, 0:16])
        seg_i = row[0, 16]
        dummy = seg_i < 0.0
        same = jnp.logical_and(seg_i == seg, jnp.logical_not(dummy))
        fin = jnp.logical_and(jnp.logical_not(same), jnp.logical_not(dummy))
        contrib = a - jnp.sum(bb * (m + jnp.log(s)))
        tot = tot + jnp.where(fin, contrib, 0.0)
        mm = jnp.maximum(m, m_i)
        sm = s * jnp.exp(m - mm) + s_i * jnp.exp(m_i - mm)
        m2 = jnp.where(dummy, m, jnp.where(same, mm, m_i))
        s2 = jnp.where(dummy, s, jnp.where(same, sm, s_i))
        b2 = jnp.where(dummy, bb, jnp.where(same, bb + b_i, b_i))
        a2 = jnp.where(dummy, a, jnp.where(same, a + a_i, a_i))
        seg2 = jnp.where(dummy, seg, seg_i)
        return (seg2, m2, s2, b2, a2, tot)

    init = (jnp.float32(-7.0), jnp.zeros((1, D), jnp.float32),
            jnp.ones((1, D), jnp.float32), jnp.zeros((1, D), jnp.float32),
            jnp.float32(0.0), jnp.float32(0.0))
    seg, m, s, bb, a, tot = lax.fori_loop(0, 2 * NW, body, init)
    tot = tot + a - jnp.sum(bb * (m + jnp.log(s)))
    return -(tot + tot0) / jnp.float32(NSEG * D)


def _tc_body(fragv_ref, frags_ref, parts_ref, out_ref):
    out_ref[...] = jnp.broadcast_to(_merge_scan(
        lambda i: fragv_ref[pl.ds(i, 1)],
        lambda i: frags_ref[pl.ds(i, 1), :],
        jnp.sum(parts_ref[...]),
    ), (1, 1))


def _tc_finalize(fragv, frags, parts):
    return pl.pallas_call(
        _tc_body,
        out_shape=jax.ShapeDtypeStruct((1, 1), jnp.float32),
    )(fragv, frags, parts)


def kernel(src, index, target):
    idx = jnp.concatenate(
        [index.astype(jnp.int32), jnp.zeros((16,), jnp.int32)])
    fragv, frags, parts = _get_sc_kernel()(src, idx, target)
    out = _tc_finalize(fragv.reshape(2 * NW, 3, D),
                       frags.reshape(2 * NW, 2 * 16),
                       parts.reshape(NW, 16))
    return out.reshape(())

# --- scband reference (transcript-rebuilt; emitter-appended) ---
"""Pipeline reference for scband-graph-celoss-22239340658746 (READ-ONLY COPY).

The authoritative reference and input builder live on the scoring server;
editing this copy changes nothing except your own understanding.
"""

import jax, jax.numpy as jnp
import numpy as np

E = 320000
D = 128
N_SEG = 10000

def setup_inputs(seed: int = 0) -> dict:
    key = jax.random.key(seed)
    k1, k2, k3 = jax.random.split(key, 3)
    src = jax.random.normal(k1, (E, D), dtype=jnp.float32)
    index = jnp.sort(jax.random.randint(k2, (E,), 0, N_SEG, dtype=jnp.int64))
    target = jax.random.uniform(k3, (E, D), dtype=jnp.float32)
    return {"src": src, "index": index, "target": target}

def reference(src, index, target):
    # N = index.max() + 1 in torch; with E=320000 uniform draws over [0, N_SEG)
    # the max segment id is N_SEG-1 w.h.p., so close over N_SEG as a constant.
    N = N_SEG
    # scatter(..., reduce='max')
    src_max = jax.ops.segment_max(src, index, num_segments=N)
    src_max_e = jnp.take(src_max, index, axis=0)
    out = jnp.exp(src - src_max_e)
    # scatter(..., reduce='sum')
    out_sum = jax.ops.segment_sum(out, index, num_segments=N)
    out_sum_e = jnp.take(out_sum, index, axis=0)
    log_sm = src - src_max_e - jnp.log(out_sum_e)
    o = target * log_sm
    o = -1.0 * jax.ops.segment_sum(o, index, num_segments=N)
    return jnp.mean(o)

if __name__ == "__main__":
    import jax
    _d = setup_inputs()
    print(jax.jit(kernel)(*tuple(_d.values())))

</pallas_src>

<mosaic_0001>
#map = affine_map<(d0, d1) -> (0, 0)>
#map1 = affine_map<(d0, d1) -> (0)>
module attributes {stable_mosaic.version = 14 : i64} {
  func.func @_sc_body(%arg0: i32, %arg1: i32, %arg2: memref<320000x128xf32, #tpu.memory_space<hbm>>, %arg3: memref<320016xi32, #tpu.memory_space<hbm>>, %arg4: memref<320000x128xf32, #tpu.memory_space<hbm>>, %arg5: memref<24576xf32, #tpu.memory_space<hbm>>, %arg6: memref<2048xf32, #tpu.memory_space<hbm>>, %arg7: memref<512xf32, #tpu.memory_space<hbm>>, %arg8: memref<2x200x128xf32, #tpu.memory_space<vmem>>, %arg9: memref<2x200x128xf32, #tpu.memory_space<vmem>>, %arg10: memref<216xi32, #tpu.memory_space<vmem>>, %arg11: memref<216xi32, #tpu.memory_space<vmem>>, %arg12: memref<768xf32, #tpu.memory_space<vmem>>, %arg13: memref<64xf32, #tpu.memory_space<vmem>>, %arg14: memref<16xf32, #tpu.memory_space<vmem>>, %arg15: memref<!tpu.dma_semaphore, #tpu.memory_space<semaphore_mem>>, %arg16: memref<!tpu.dma_semaphore, #tpu.memory_space<semaphore_mem>>) attributes {dimension_semantics = [#tpu.dimension_semantics<core_parallel>, #tpu.dimension_semantics<subcore_parallel>], iteration_bounds = array<i64: 2, 16>, scalar_prefetch = 0 : i64, scratch_operands = 9 : i64, tpu.core_type = #tpu.core_type<sc_vector_subcore>, window_params = [{transform_indices = #map}, {transform_indices = #map1}, {transform_indices = #map}, {transform_indices = #map1}, {transform_indices = #map1}, {transform_indices = #map1}]} {
    %mul3A = arith.constant 2 : i32
    %mul3A_0 = arith.muli %arg1, %mul3A : i32
    %add3A = arith.addi %mul3A_0, %arg0 : i32
    %mul3A_1 = arith.constant 10000 : i32
    %mul3A_2 = arith.muli %add3A, %mul3A_1 : i32
    %broadcast_in_dim3A = arith.constant 0.000000e+00 : f32
    %broadcast_in_dim3A_3 = vector.broadcast %broadcast_in_dim3A : f32 to vector<16xf32>
    %swap3A = arith.constant 0 : index
    %swap3A_4 = tpu.vector_load %arg12[%swap3A] {strides = array<i32>} : memref<768xf32, #tpu.memory_space<vmem>>, vector<16xf32>,
    %swap3A_5 = vector.shape_cast %swap3A_4 : vector<16xf32> to vector<16xf32>
    %swap3A_6 = vector.shape_cast %broadcast_in_dim3A_3 : vector<16xf32> to vector<16xf32>
    tpu.vector_store %arg12[%swap3A], %swap3A_6 {strides = array<i32>} : memref<768xf32, #tpu.memory_space<vmem>>, vector<16xf32>,
    %swap3A_7 = arith.constant 16 : index
    %swap3A_8 = tpu.vector_load %arg12[%swap3A_7] {strides = array<i32>} : memref<768xf32, #tpu.memory_space<vmem>>, vector<16xf32>,
    %swap3A_9 = vector.shape_cast %swap3A_8 : vector<16xf32> to vector<16xf32>
    %swap3A_10 = vector.shape_cast %broadcast_in_dim3A_3 : vector<16xf32> to vector<16xf32>
    tpu.vector_store %arg12[%swap3A_7], %swap3A_10 {strides = array<i32>} : memref<768xf32, #tpu.memory_space<vmem>>, vector<16xf32>,
    %swap3A_11 = arith.constant 32 : index
    %swap3A_12 = tpu.vector_load %arg12[%swap3A_11] {strides = array<i32>} : memref<768xf32, #tpu.memory_space<vmem>>, vector<16xf32>,
    %swap3A_13 = vector.shape_cast %swap3A_12 : vector<16xf32> to vector<16xf32>
    %swap3A_14 = vector.shape_cast %broadcast_in_dim3A_3 : vector<16xf32> to vector<16xf32>
    tpu.vector_store %arg12[%swap3A_11], %swap3A_14 {strides = array<i32>} : memref<768xf32, #tpu.memory_space<vmem>>, vector<16xf32>,
    %swap3A_15 = arith.constant 48 : index
    %swap3A_16 = tpu.vector_load %arg12[%swap3A_15] {strides = array<i32>} : memref<768xf32, #tpu.memory_space<vmem>>, vector<16xf32>,
    %swap3A_17 = vector.shape_cast %swap3A_16 : vector<16xf32> to vector<16xf32>
    %swap3A_18 = vector.shape_cast %broadcast_in_dim3A_3 : vector<16xf32> to vector<16xf32>
    tpu.vector_store %arg12[%swap3A_15], %swap3A_18 {strides = array<i32>} : memref<768xf32, #tpu.memory_space<vmem>>, vector<16xf32>,
    %swap3A_19 = arith.constant 64 : index
    %swap3A_20 = tpu.vector_load %arg12[%swap3A_19] {strides = array<i32>} : memref<768xf32, #tpu.memory_space<vmem>>, vector<16xf32>,
    %swap3A_21 = vector.shape_cast %swap3A_20 : vector<16xf32> to vector<16xf32>
    %swap3A_22 = vector.shape_cast %broadcast_in_dim3A_3 : vector<16xf32> to vector<16xf32>
    tpu.vector_store %arg12[%swap3A_19], %swap3A_22 {strides = array<i32>} : memref<768xf32, #tpu.memory_space<vmem>>, vector<16xf32>,
    %swap3A_23 = arith.constant 80 : index
    %swap3A_24 = tpu.vector_load %arg12[%swap3A_23] {strides = array<i32>} : memref<768xf32, #tpu.memory_space<vmem>>, vector<16xf32>,
    %swap3A_25 = vector.shape_cast %swap3A_24 : vector<16xf32> to vector<16xf32>
    %swap3A_26 = vector.shape_cast %broadcast_in_dim3A_3 : vector<16xf32> to vector<16xf32>
    tpu.vector_store %arg12[%swap3A_23], %swap3A_26 {strides = array<i32>} : memref<768xf32, #tpu.memory_space<vmem>>, vector<16xf32>,
    %swap3A_27 = arith.constant 96 : index
    %swap3A_28 = tpu.vector_load %arg12[%swap3A_27] {strides = array<i32>} : memref<768xf32, #tpu.memory_space<vmem>>, vector<16xf32>,
    %swap3A_29 = vector.shape_cast %swap3A_28 : vector<16xf32> to vector<16xf32>
    %swap3A_30 = vector.shape_cast %broadcast_in_dim3A_3 : vector<16xf32> to vector<16xf32>
    tpu.vector_store %arg12[%swap3A_27], %swap3A_30 {strides = array<i32>} : memref<768xf32, #tpu.memory_space<vmem>>, vector<16xf32>,
    %swap3A_31 = arith.constant 112 : index
    %swap3A_32 = tpu.vector_load %arg12[%swap3A_31] {strides = array<i32>} : memref<768xf32, #tpu.memory_space<vmem>>, vector<16xf32>,
    %swap3A_33 = vector.shape_cast %swap3A_32 : vector<16xf32> to vector<16xf32>
    %swap3A_34 = vector.shape_cast %broadcast_in_dim3A_3 : vector<16xf32> to vector<16xf32>
    tpu.vector_store %arg12[%swap3A_31], %swap3A_34 {strides = array<i32>} : memref<768xf32, #tpu.memory_space<vmem>>, vector<16xf32>,
    %swap3A_35 = arith.constant 128 : index
    %swap3A_36 = tpu.vector_load %arg12[%swap3A_35] {strides = array<i32>} : memref<768xf32, #tpu.memory_space<vmem>>, vector<16xf32>,
    %swap3A_37 = vector.shape_cast %swap3A_36 : vector<16xf32> to vector<16xf32>
    %swap3A_38 = vector.shape_cast %broadcast_in_dim3A_3 : vector<16xf32> to vector<16xf32>
    tpu.vector_store %arg12[%swap3A_35], %swap3A_38 {strides = array<i32>} : memref<768xf32, #tpu.memory_space<vmem>>, vector<16xf32>,
    %swap3A_39 = arith.constant 144 : index
    %swap3A_40 = tpu.vector_load %arg12[%swap3A_39] {strides = array<i32>} : memref<768xf32, #tpu.memory_space<vmem>>, vector<16xf32>,
    %swap3A_41 = vector.shape_cast %swap3A_40 : vector<16xf32> to vector<16xf32>
    %swap3A_42 = vector.shape_cast %broadcast_in_dim3A_3 : vector<16xf32> to vector<16xf32>
    tpu.vector_store %arg12[%swap3A_39], %swap3A_42 {strides = array<i32>} : memref<768xf32, #tpu.memory_space<vmem>>, vector<16xf32>,
    %swap3A_43 = arith.constant 160 : index
    %swap3A_44 = tpu.vector_load %arg12[%swap3A_43] {strides = array<i32>} : memref<768xf32, #tpu.memory_space<vmem>>, vector<16xf32>,
    %swap3A_45 = vector.shape_cast %swap3A_44 : vector<16xf32> to vector<16xf32>
    %swap3A_46 = vector.shape_cast %broadcast_in_dim3A_3 : vector<16xf32> to vector<16xf32>
    tpu.vector_store %arg12[%swap3A_43], %swap3A_46 {strides = array<i32>} : memref<768xf32, #tpu.memory_space<vmem>>, vector<16xf32>,
    %swap3A_47 = arith.constant 176 : index
    %swap3A_48 = tpu.vector_load %arg12[%swap3A_47] {strides = array<i32>} : memref<768xf32, #tpu.memory_space<vmem>>, vector<16xf32>,
    %swap3A_49 = vector.shape_cast %swap3A_48 : vector<16xf32> to vector<16xf32>
    %swap3A_50 = vector.shape_cast %broadcast_in_dim3A_3 : vector<16xf32> to vector<16xf32>
    tpu.vector_store %arg12[%swap3A_47], %swap3A_50 {strides = array<i32>} : memref<768xf32, #tpu.memory_space<vmem>>, vector<16xf32>,
    %swap3A_51 = arith.constant 192 : index
    %swap3A_52 = tpu.vector_load %arg12[%swap3A_51] {strides = array<i32>} : memref<768xf32, #tpu.memory_space<vmem>>, vector<16xf32>,
    %swap3A_53 = vector.shape_cast %swap3A_52 : vector<16xf32> to vector<16xf32>
    %swap3A_54 = vector.shape_cast %broadcast_in_dim3A_3 : vector<16xf32> to vector<16xf32>
    tpu.vector_store %arg12[%swap3A_51], %swap3A_54 {strides = array<i32>} : memref<768xf32, #tpu.memory_space<vmem>>, vector<16xf32>,
    %swap3A_55 = arith.constant 208 : index
    %swap3A_56 = tpu.vector_load %arg12[%swap3A_55] {strides = array<i32>} : memref<768xf32, #tpu.memory_space<vmem>>, vector<16xf32>,
    %swap3A_57 = vector.shape_cast %swap3A_56 : vector<16xf32> to vector<16xf32>
    %swap3A_58 = vector.shape_cast %broadcast_in_dim3A_3 : vector<16xf32> to vector<16xf32>
    tpu.vector_store %arg12[%swap3A_55], %swap3A_58 {strides = array<i32>} : memref<768xf32, #tpu.memory_space<vmem>>, vector<16xf32>,
    %swap3A_59 = arith.constant 224 : index
    %swap3A_60 = tpu.vector_load %arg12[%swap3A_59] {strides = array<i32>} : memref<768xf32, #tpu.memory_space<vmem>>, vector<16xf32>,
    %swap3A_61 = vector.shape_cast %swap3A_60 : vector<16xf32> to vector<16xf32>
    %swap3A_62 = vector.shape_cast %broadcast_in_dim3A_3 : vector<16xf32> to vector<16xf32>
    tpu.vector_store %arg12[%swap3A_59], %swap3A_62 {strides = array<i32>} : memref<768xf32, #tpu.memory_space<vmem>>, vector<16xf32>,
    %swap3A_63 = arith.constant 240 : index
    %swap3A_64 = tpu.vector_load %arg12[%swap3A_63] {strides = array<i32>} : memref<768xf32, #tpu.memory_space<vmem>>, vector<16xf32>,
    %swap3A_65 = vector.shape_cast %swap3A_64 : vector<16xf32> to vector<16xf32>
    %swap3A_66 = vector.shape_cast %broadcast_in_dim3A_3 : vector<16xf32> to vector<16xf32>
    tpu.vector_store %arg12[%swap3A_63], %swap3A_66 {strides = array<i32>} : memref<768xf32, #tpu.memory_space<vmem>>, vector<16xf32>,
    %swap3A_67 = arith.constant 256 : index
    %swap3A_68 = tpu.vector_load %arg12[%swap3A_67] {strides = array<i32>} : memref<768xf32, #tpu.memory_space<vmem>>, vector<16xf32>,
    %swap3A_69 = vector.shape_cast %swap3A_68 : vector<16xf32> to vector<16xf32>
    %swap3A_70 = vector.shape_cast %broadcast_in_dim3A_3 : vector<16xf32> to vector<16xf32>
    tpu.vector_store %arg12[%swap3A_67], %swap3A_70 {strides = array<i32>} : memref<768xf32, #tpu.memory_space<vmem>>, vector<16xf32>,
    %swap3A_71 = arith.constant 272 : index
    %swap3A_72 = tpu.vector_load %arg12[%swap3A_71] {strides = array<i32>} : memref<768xf32, #tpu.memory_space<vmem>>, vector<16xf32>,
    %swap3A_73 = vector.shape_cast %swap3A_72 : vector<16xf32> to vector<16xf32>
    %swap3A_74 = vector.shape_cast %broadcast_in_dim3A_3 : vector<16xf32> to vector<16xf32>
    tpu.vector_store %arg12[%swap3A_71], %swap3A_74 {strides = array<i32>} : memref<768xf32, #tpu.memory_space<vmem>>, vector<16xf32>,
    %swap3A_75 = arith.constant 288 : index
    %swap3A_76 = tpu.vector_load %arg12[%swap3A_75] {strides = array<i32>} : memref<768xf32, #tpu.memory_space<vmem>>, vector<16xf32>,
    %swap3A_77 = vector.shape_cast %swap3A_76 : vector<16xf32> to vector<16xf32>
    %swap3A_78 = vector.shape_cast %broadcast_in_dim3A_3 : vector<16xf32> to vector<16xf32>
    tpu.vector_store %arg12[%swap3A_75], %swap3A_78 {strides = array<i32>} : memref<768xf32, #tpu.memory_space<vmem>>, vector<16xf32>,
    %swap3A_79 = arith.constant 304 : index
    %swap3A_80 = tpu.vector_load %arg12[%swap3A_79] {strides = array<i32>} : memref<768xf32, #tpu.memory_space<vmem>>, vector<16xf32>,
    %swap3A_81 = vector.shape_cast %swap3A_80 : vector<16xf32> to vector<16xf32>
    %swap3A_82 = vector.shape_cast %broadcast_in_dim3A_3 : vector<16xf32> to vector<16xf32>
    tpu.vector_store %arg12[%swap3A_79], %swap3A_82 {strides = array<i32>} : memref<768xf32, #tpu.memory_space<vmem>>, vector<16xf32>,
    %swap3A_83 = arith.constant 320 : index
    %swap3A_84 = tpu.vector_load %arg12[%swap3A_83] {strides = array<i32>} : memref<768xf32, #tpu.memory_space<vmem>>, vector<16xf32>,
    %swap3A_85 = vector.shape_cast %swap3A_84 : vector<16xf32> to vector<16xf32>
    %swap3A_86 = vector.shape_cast %broadcast_in_dim3A_3 : vector<16xf32> to vector<16xf32>
    tpu.vector_store %arg12[%swap3A_83], %swap3A_86 {strides = array<i32>} : memref<768xf32, #tpu.memory_space<vmem>>, vector<16xf32>,
    %swap3A_87 = arith.constant 336 : index
    %swap3A_88 = tpu.vector_load %arg12[%swap3A_87] {strides = array<i32>} : memref<768xf32, #tpu.memory_space<vmem>>, vector<16xf32>,
    %swap3A_89 = vector.shape_cast %swap3A_88 : vector<16xf32> to vector<16xf32>
    %swap3A_90 = vector.shape_cast %broadcast_in_dim3A_3 : vector<16xf32> to vector<16xf32>
    tpu.vector_store %arg12[%swap3A_87], %swap3A_90 {strides = array<i32>} : memref<768xf32, #tpu.memory_space<vmem>>, vector<16xf32>,
    %swap3A_91 = arith.constant 352 : index
    %swap3A_92 = tpu.vector_load %arg12[%swap3A_91] {strides = array<i32>} : memref<768xf32, #tpu.memory_space<vmem>>, vector<16xf32>,
    %swap3A_93 = vector.shape_cast %swap3A_92 : vector<16xf32> to vector<16xf32>
    %swap3A_94 = vector.shape_cast %broadcast_in_dim3A_3 : vector<16xf32> to vector<16xf32>
    tpu.vector_store %arg12[%swap3A_91], %swap3A_94 {strides = array<i32>} : memref<768xf32, #tpu.memory_space<vmem>>, vector<16xf32>,
    %swap3A_95 = arith.constant 368 : index
    %swap3A_96 = tpu.vector_load %arg12[%swap3A_95] {strides = array<i32>} : memref<768xf32, #tpu.memory_space<vmem>>, vector<16xf32>,
    %swap3A_97 = vector.shape_cast %swap3A_96 : vector<16xf32> to vector<16xf32>
    %swap3A_98 = vector.shape_cast %broadcast_in_dim3A_3 : vector<16xf32> to vector<16xf32>
    tpu.vector_store %arg12[%swap3A_95], %swap3A_98 {strides = array<i32>} : memref<768xf32, #tpu.memory_space<vmem>>, vector<16xf32>,
    %swap3A_99 = arith.constant 0 : index
    %swap3A_100 = tpu.vector_load %arg13[%swap3A_99] {strides = array<i32>} : memref<64xf32, #tpu.memory_space<vmem>>, vector<16xf32>,
    %swap3A_101 = vector.shape_cast %swap3A_100 : vector<16xf32> to vector<16xf32>
    %swap3A_102 = vector.shape_cast %broadcast_in_dim3A_3 : vector<16xf32> to vector<16xf32>
    tpu.vector_store %arg13[%swap3A_99], %swap3A_102 {strides = array<i32>} : memref<64xf32, #tpu.memory_space<vmem>>, vector<16xf32>,
    %broadcast_in_dim3A_103 = arith.constant -1.000000e+00 : f32
    %broadcast_in_dim3A_104 = vector.broadcast %broadcast_in_dim3A_103 : f32 to vector<16xf32>
    %swap3A_105 = arith.constant 16 : index
    %swap3A_106 = tpu.vector_load %arg13[%swap3A_105] {strides = array<i32>} : memref<64xf32, #tpu.memory_space<vmem>>, vector<16xf32>,
    %swap3A_107 = vector.shape_cast %swap3A_106 : vector<16xf32> to vector<16xf32>
    %swap3A_108 = vector.shape_cast %broadcast_in_dim3A_104 : vector<16xf32> to vector<16xf32>
    tpu.vector_store %arg13[%swap3A_105], %swap3A_108 {strides = array<i32>} : memref<64xf32, #tpu.memory_space<vmem>>, vector<16xf32>,
    %broadcast_in_dim3A_109 = arith.constant -1.000000e+30 : f32
    %broadcast_in_dim3A_110 = vector.broadcast %broadcast_in_dim3A_109 : f32 to vector<16xf32>
    %swap3A_111 = arith.constant 0 : index
    %swap3A_112 = tpu.vector_load %arg14[%swap3A_111] {strides = array<i32>} : memref<16xf32, #tpu.memory_space<vmem>>, vector<16xf32>,
    %swap3A_113 = vector.shape_cast %swap3A_112 : vector<16xf32> to vector<16xf32>
    %swap3A_114 = vector.shape_cast %broadcast_in_dim3A_3 : vector<16xf32> to vector<16xf32>
    tpu.vector_store %arg14[%swap3A_111], %swap3A_114 {strides = array<i32>} : memref<16xf32, #tpu.memory_space<vmem>>, vector<16xf32>,
    %add3A_115 = arith.constant 0 : i32
    %add3A_116 = arith.addi %mul3A_2, %add3A_115 : i32
    %dma_start3A = arith.constant 0 : i32
    %dma_start3A_117 = arith.constant 0 : i32
    %dma_start3A_118 = arith.constant 0 : i32
    %dma_start3A_119 = tpu.memref_slice %arg8[%dma_start3A, %dma_start3A_117, %dma_start3A_118] : memref<2x200x128xf32, #tpu.memory_space<vmem>> -> memref<1x200x128xf32, #tpu.memory_space<vmem>>
    %dma_start3A_120 = tpu.memref_squeeze %dma_start3A_119 : memref<1x200x128xf32, #tpu.memory_space<vmem>> -> memref<200x128xf32, #tpu.memory_space<vmem>>
    %dma_start3A_121 = arith.constant 0 : i32
    %dma_start3A_122 = tpu.memref_slice %arg2[%add3A_116, %dma_start3A_121] : memref<320000x128xf32, #tpu.memory_space<hbm>> -> memref<200x128xf32, #tpu.memory_space<hbm>>
    %dma_start3A_123 = arith.constant 0 : i32
    %dma_start3A_124 = arith.constant 0 : i32
    %dma_start3A_125 = tpu.memref_slice %arg8[%dma_start3A, %dma_start3A_123, %dma_start3A_124] : memref<2x200x128xf32, #tpu.memory_space<vmem>> -> memref<1x200x128xf32, #tpu.memory_space<vmem>>
    %dma_start3A_126 = tpu.memref_squeeze %dma_start3A_125 : memref<1x200x128xf32, #tpu.memory_space<vmem>> -> memref<200x128xf32, #tpu.memory_space<vmem>>
    %dma_start3A_127 = arith.constant 0 : i32
    %dma_start3A_128 = tpu.memref_slice %arg2[%add3A_116, %dma_start3A_127] : memref<320000x128xf32, #tpu.memory_space<hbm>> -> memref<200x128xf32, #tpu.memory_space<hbm>>
    tpu.enqueue_dma source(%dma_start3A_128 : memref<200x128xf32, #tpu.memory_space<hbm>>) target(%dma_start3A_126 : memref<200x128xf32, #tpu.memory_space<vmem>>) target_semaphore(%arg15 : memref<!tpu.dma_semaphore, #tpu.memory_space<semaphore_mem>>)
    %dma_start3A_129 = arith.constant 0 : i32
    %dma_start3A_130 = arith.constant 0 : i32
    %dma_start3A_131 = arith.constant 0 : i32
    %dma_start3A_132 = tpu.memref_slice %arg9[%dma_start3A_129, %dma_start3A_130, %dma_start3A_131] : memref<2x200x128xf32, #tpu.memory_space<vmem>> -> memref<1x200x128xf32, #tpu.memory_space<vmem>>
    %dma_start3A_133 = tpu.memref_squeeze %dma_start3A_132 : memref<1x200x128xf32, #tpu.memory_space<vmem>> -> memref<200x128xf32, #tpu.memory_space<vmem>>
    %dma_start3A_134 = arith.constant 0 : i32
    %dma_start3A_135 = tpu.memref_slice %arg4[%add3A_116, %dma_start3A_134] : memref<320000x128xf32, #tpu.memory_space<hbm>> -> memref<200x128xf32, #tpu.memory_space<hbm>>
    %dma_start3A_136 = arith.constant 0 : i32
    %dma_start3A_137 = arith.constant 0 : i32
    %dma_start3A_138 = tpu.memref_slice %arg9[%dma_start3A_129, %dma_start3A_136, %dma_start3A_137] : memref<2x200x128xf32, #tpu.memory_space<vmem>> -> memref<1x200x128xf32, #tpu.memory_space<vmem>>
    %dma_start3A_139 = tpu.memref_squeeze %dma_start3A_138 : memref<1x200x128xf32, #tpu.memory_space<vmem>> -> memref<200x128xf32, #tpu.memory_space<vmem>>
    %dma_start3A_140 = arith.constant 0 : i32
    %dma_start3A_141 = tpu.memref_slice %arg4[%add3A_116, %dma_start3A_140] : memref<320000x128xf32, #tpu.memory_space<hbm>> -> memref<200x128xf32, #tpu.memory_space<hbm>>
    tpu.enqueue_dma source(%dma_start3A_141 : memref<200x128xf32, #tpu.memory_space<hbm>>) target(%dma_start3A_139 : memref<200x128xf32, #tpu.memory_space<vmem>>) target_semaphore(%arg15 : memref<!tpu.dma_semaphore, #tpu.memory_space<semaphore_mem>>)
    %dma_start3A_142 = tpu.memref_slice %arg3[%add3A_116] : memref<320016xi32, #tpu.memory_space<hbm>> -> memref<216xi32, #tpu.memory_space<hbm>>
    %dma_start3A_143 = tpu.memref_slice %arg3[%add3A_116] : memref<320016xi32, #tpu.memory_space<hbm>> -> memref<216xi32, #tpu.memory_space<hbm>>
    tpu.enqueue_dma source(%dma_start3A_143 : memref<216xi32, #tpu.memory_space<hbm>>) target(%arg10 : memref<216xi32, #tpu.memory_space<vmem>>) target_semaphore(%arg15 : memref<!tpu.dma_semaphore, #tpu.memory_space<semaphore_mem>>)
    %add3A_144 = arith.constant 200 : i32
    %add3A_145 = arith.addi %mul3A_2, %add3A_144 : i32
    %dma_start3A_146 = arith.constant 1 : i32
    %dma_start3A_147 = arith.constant 0 : i32
    %dma_start3A_148 = arith.constant 0 : i32
    %dma_start3A_149 = tpu.memref_slice %arg8[%dma_start3A_146, %dma_start3A_147, %dma_start3A_148] : memref<2x200x128xf32, #tpu.memory_space<vmem>> -> memref<1x200x128xf32, #tpu.memory_space<vmem>>
    %dma_start3A_150 = tpu.memref_squeeze %dma_start3A_149 : memref<1x200x128xf32, #tpu.memory_space<vmem>> -> memref<200x128xf32, #tpu.memory_space<vmem>>
    %dma_start3A_151 = arith.constant 0 : i32
    %dma_start3A_152 = tpu.memref_slice %arg2[%add3A_145, %dma_start3A_151] : memref<320000x128xf32, #tpu.memory_space<hbm>> -> memref<200x128xf32, #tpu.memory_space<hbm>>
    %dma_start3A_153 = arith.constant 0 : i32
    %dma_start3A_154 = arith.constant 0 : i32
    %dma_start3A_155 = tpu.memref_slice %arg8[%dma_start3A_146, %dma_start3A_153, %dma_start3A_154] : memref<2x200x128xf32, #tpu.memory_space<vmem>> -> memref<1x200x128xf32, #tpu.memory_space<vmem>>
    %dma_start3A_156 = tpu.memref_squeeze %dma_start3A_155 : memref<1x200x128xf32, #tpu.memory_space<vmem>> -> memref<200x128xf32, #tpu.memory_space<vmem>>
    %dma_start3A_157 = arith.constant 0 : i32
    %dma_start3A_158 = tpu.memref_slice %arg2[%add3A_145, %dma_start3A_157] : memref<320000x128xf32, #tpu.memory_space<hbm>> -> memref<200x128xf32, #tpu.memory_space<hbm>>
    tpu.enqueue_dma source(%dma_start3A_158 : memref<200x128xf32, #tpu.memory_space<hbm>>) target(%dma_start3A_156 : memref<200x128xf32, #tpu.memory_space<vmem>>) target_semaphore(%arg16 : memref<!tpu.dma_semaphore, #tpu.memory_space<semaphore_mem>>)
    %dma_start3A_159 = arith.constant 1 : i32
    %dma_start3A_160 = arith.constant 0 : i32
    %dma_start3A_161 = arith.constant 0 : i32
    %dma_start3A_162 = tpu.memref_slice %arg9[%dma_start3A_159, %dma_start3A_160, %dma_start3A_161] : memref<2x200x128xf32, #tpu.memory_space<vmem>> -> memref<1x200x128xf32, #tpu.memory_space<vmem>>
    %dma_start3A_163 = tpu.memref_squeeze %dma_start3A_162 : memref<1x200x128xf32, #tpu.memory_space<vmem>> -> memref<200x128xf32, #tpu.memory_space<vmem>>
    %dma_start3A_164 = arith.constant 0 : i32
    %dma_start3A_165 = tpu.memref_slice %arg4[%add3A_145, %dma_start3A_164] : memref<320000x128xf32, #tpu.memory_space<hbm>> -> memref<200x128xf32, #tpu.memory_space<hbm>>
    %dma_start3A_166 = arith.constant 0 : i32
    %dma_start3A_167 = arith.constant 0 : i32
    %dma_start3A_168 = tpu.memref_slice %arg9[%dma_start3A_159, %dma_start3A_166, %dma_start3A_167] : memref<2x200x128xf32, #tpu.memory_space<vmem>> -> memref<1x200x128xf32, #tpu.memory_space<vmem>>
    %dma_start3A_169 = tpu.memref_squeeze %dma_start3A_168 : memref<1x200x128xf32, #tpu.memory_space<vmem>> -> memref<200x128xf32, #tpu.memory_space<vmem>>
    %dma_start3A_170 = arith.constant 0 : i32
    %dma_start3A_171 = tpu.memref_slice %arg4[%add3A_145, %dma_start3A_170] : memref<320000x128xf32, #tpu.memory_space<hbm>> -> memref<200x128xf32, #tpu.memory_space<hbm>>
    tpu.enqueue_dma source(%dma_start3A_171 : memref<200x128xf32, #tpu.memory_space<hbm>>) target(%dma_start3A_169 : memref<200x128xf32, #tpu.memory_space<vmem>>) target_semaphore(%arg16 : memref<!tpu.dma_semaphore, #tpu.memory_space<semaphore_mem>>)
    %dma_start3A_172 = tpu.memref_slice %arg3[%add3A_145] : memref<320016xi32, #tpu.memory_space<hbm>> -> memref<216xi32, #tpu.memory_space<hbm>>
    %dma_start3A_173 = tpu.memref_slice %arg3[%add3A_145] : memref<320016xi32, #tpu.memory_space<hbm>> -> memref<216xi32, #tpu.memory_space<hbm>>
    tpu.enqueue_dma source(%dma_start3A_173 : memref<216xi32, #tpu.memory_space<hbm>>) target(%arg11 : memref<216xi32, #tpu.memory_space<vmem>>) target_semaphore(%arg16 : memref<!tpu.dma_semaphore, #tpu.memory_space<semaphore_mem>>)
    %scan3A = arith.constant -1 : i32
    %scan3A_174 = arith.constant 0 : i32
    %scan3A_175 = arith.constant 0 : i32
    %scan3A_176 = arith.constant 25 : i32
    %scan3A_177 = arith.addi %scan3A_175, %scan3A_176 : i32
    %scan3A_178 = arith.constant 1 : i32
    %scan3A_179:27 = scf.for %scan3A_292 = %scan3A_175 to %scan3A_177 step %scan3A_178 iter_args(%scan3A_293 = %scan3A, %scan3A_294 = %scan3A_174, %scan3A_295 = %broadcast_in_dim3A_110, %scan3A_296 = %broadcast_in_dim3A_110, %scan3A_297 = %broadcast_in_dim3A_110, %scan3A_298 = %broadcast_in_dim3A_110, %scan3A_299 = %broadcast_in_dim3A_110, %scan3A_300 = %broadcast_in_dim3A_110, %scan3A_301 = %broadcast_in_dim3A_110, %scan3A_302 = %broadcast_in_dim3A_110, %scan3A_303 = %broadcast_in_dim3A_3, %scan3A_304 = %broadcast_in_dim3A_3, %scan3A_305 = %broadcast_in_dim3A_3, %scan3A_306 = %broadcast_in_dim3A_3, %scan3A_307 = %broadcast_in_dim3A_3, %scan3A_308 = %broadcast_in_dim3A_3, %scan3A_309 = %broadcast_in_dim3A_3, %scan3A_310 = %broadcast_in_dim3A_3, %scan3A_311 = %broadcast_in_dim3A_3, %scan3A_312 = %broadcast_in_dim3A_3, %scan3A_313 = %broadcast_in_dim3A_3, %scan3A_314 = %broadcast_in_dim3A_3, %scan3A_315 = %broadcast_in_dim3A_3, %scan3A_316 = %broadcast_in_dim3A_3, %scan3A_317 = %broadcast_in_dim3A_3, %scan3A_318 = %broadcast_in_dim3A_3, %scan3A_319 = %broadcast_in_dim3A_3) -> (i32, i32, vector<16xf32>, vector<16xf32>, vector<16xf32>, vector<16xf32>, vector<16xf32>, vector<16xf32>, vector<16xf32>, vector<16xf32>, vector<16xf32>, vector<16xf32>, vector<16xf32>, vector<16xf32>, vector<16xf32>, vector<16xf32>, vector<16xf32>, vector<16xf32>, vector<16xf32>, vector<16xf32>, vector<16xf32>, vector<16xf32>, vector<16xf32>, vector<16xf32>, vector<16xf32>, vector<16xf32>, vector<16xf32>)  : i32 {
      %mul3A_320 = arith.constant 2 : i32
      %mul3A_321 = arith.muli %mul3A_320, %scan3A_292 : i32
      %mul3A_322 = arith.constant 200 : i32
      %mul3A_323 = arith.muli %mul3A_321, %mul3A_322 : i32
      %add3A_324 = arith.addi %mul3A_2, %mul3A_323 : i32
      %dma_wait3A = arith.constant 0 : i32
      %dma_wait3A_325 = arith.constant 0 : i32
      %dma_wait3A_326 = arith.constant 0 : i32
      %dma_wait3A_327 = tpu.memref_slice %arg8[%dma_wait3A, %dma_wait3A_325, %dma_wait3A_326] : memref<2x200x128xf32, #tpu.memory_space<vmem>> -> memref<1x200x128xf32, #tpu.memory_space<vmem>>
      %dma_wait3A_328 = tpu.memref_squeeze %dma_wait3A_327 : memref<1x200x128xf32, #tpu.memory_space<vmem>> -> memref<200x128xf32, #tpu.memory_space<vmem>>
      %dma_wait3A_329 = arith.constant 0 : i32
      %dma_wait3A_330 = tpu.memref_slice %arg2[%add3A_324, %dma_wait3A_329] : memref<320000x128xf32, #tpu.memory_space<hbm>> -> memref<200x128xf32, #tpu.memory_space<hbm>>
      %dma_wait3A_331 = arith.constant 0 : i32
      %dma_wait3A_332 = arith.constant 0 : i32
      %dma_wait3A_333 = tpu.memref_slice %arg8[%dma_wait3A, %dma_wait3A_331, %dma_wait3A_332] : memref<2x200x128xf32, #tpu.memory_space<vmem>> -> memref<1x200x128xf32, #tpu.memory_space<vmem>>
      %dma_wait3A_334 = tpu.memref_squeeze %dma_wait3A_333 : memref<1x200x128xf32, #tpu.memory_space<vmem>> -> memref<200x128xf32, #tpu.memory_space<vmem>>
      %dma_wait3A_335 = arith.constant 0 : i32
      %dma_wait3A_336 = tpu.memref_slice %arg2[%add3A_324, %dma_wait3A_335] : memref<320000x128xf32, #tpu.memory_space<hbm>> -> memref<200x128xf32, #tpu.memory_space<hbm>>
      tpu.wait_dma2 semaphore(%arg15 : memref<!tpu.dma_semaphore, #tpu.memory_space<semaphore_mem>>) src(%dma_wait3A_336 : memref<200x128xf32, #tpu.memory_space<hbm>>) dst(%dma_wait3A_334 : memref<200x128xf32, #tpu.memory_space<vmem>>)
      %dma_wait3A_337 = arith.constant 0 : i32
      %dma_wait3A_338 = arith.constant 0 : i32
      %dma_wait3A_339 = arith.constant 0 : i32
      %dma_wait3A_340 = tpu.memref_slice %arg9[%dma_wait3A_337, %dma_wait3A_338, %dma_wait3A_339] : memref<2x200x128xf32, #tpu.memory_space<vmem>> -> memref<1x200x128xf32, #tpu.memory_space<vmem>>
      %dma_wait3A_341 = tpu.memref_squeeze %dma_wait3A_340 : memref<1x200x128xf32, #tpu.memory_space<vmem>> -> memref<200x128xf32, #tpu.memory_space<vmem>>
      %dma_wait3A_342 = arith.constant 0 : i32
      %dma_wait3A_343 = tpu.memref_slice %arg4[%add3A_324, %dma_wait3A_342] : memref<320000x128xf32, #tpu.memory_space<hbm>> -> memref<200x128xf32, #tpu.memory_space<hbm>>
      %dma_wait3A_344 = arith.constant 0 : i32
      %dma_wait3A_345 = arith.constant 0 : i32
      %dma_wait3A_346 = tpu.memref_slice %arg9[%dma_wait3A_337, %dma_wait3A_344, %dma_wait3A_345] : memref<2x200x128xf32, #tpu.memory_space<vmem>> -> memref<1x200x128xf32, #tpu.memory_space<vmem>>
      %dma_wait3A_347 = tpu.memref_squeeze %dma_wait3A_346 : memref<1x200x128xf32, #tpu.memory_space<vmem>> -> memref<200x128xf32, #tpu.memory_space<vmem>>
      %dma_wait3A_348 = arith.constant 0 : i32
      %dma_wait3A_349 = tpu.memref_slice %arg4[%add3A_324, %dma_wait3A_348] : memref<320000x128xf32, #tpu.memory_space<hbm>> -> memref<200x128xf32, #tpu.memory_space<hbm>>
      tpu.wait_dma2 semaphore(%arg15 : memref<!tpu.dma_semaphore, #tpu.memory_space<semaphore_mem>>) src(%dma_wait3A_349 : memref<200x128xf32, #tpu.memory_space<hbm>>) dst(%dma_wait3A_347 : memref<200x128xf32, #tpu.memory_space<vmem>>)
      %dma_wait3A_350 = tpu.memref_slice %arg3[%add3A_324] : memref<320016xi32, #tpu.memory_space<hbm>> -> memref<216xi32, #tpu.memory_space<hbm>>
      %dma_wait3A_351 = tpu.memref_slice %arg3[%add3A_324] : memref<320016xi32, #tpu.memory_space<hbm>> -> memref<216xi32, #tpu.memory_space<hbm>>
      tpu.wait_dma2 semaphore(%arg15 : memref<!tpu.dma_semaphore, #tpu.memory_space<semaphore_mem>>) src(%dma_wait3A_351 : memref<216xi32, #tpu.memory_space<hbm>>) dst(%arg10 : memref<216xi32, #tpu.memory_space<vmem>>)
      %scan3A_352 = arith.constant 0 : i32
      %scan3A_353 = arith.constant 200 : i32
      %scan3A_354 = arith.addi %scan3A_352, %scan3A_353 : i32
      %scan3A_355 = arith.constant 2 : i32
      %scan3A_356:27 = scf.for %scan3A_409 = %scan3A_352 to %scan3A_354 step %scan3A_355 iter_args(%scan3A_410 = %scan3A_293, %scan3A_411 = %scan3A_294, %scan3A_412 = %scan3A_295, %scan3A_413 = %scan3A_296, %scan3A_414 = %scan3A_297, %scan3A_415 = %scan3A_298, %scan3A_416 = %scan3A_299, %scan3A_417 = %scan3A_300, %scan3A_418 = %scan3A_301, %scan3A_419 = %scan3A_302, %scan3A_420 = %scan3A_303, %scan3A_421 = %scan3A_304, %scan3A_422 = %scan3A_305, %scan3A_423 = %scan3A_306, %scan3A_424 = %scan3A_307, %scan3A_425 = %scan3A_308, %scan3A_426 = %scan3A_309, %scan3A_427 = %scan3A_310, %scan3A_428 = %scan3A_311, %scan3A_429 = %scan3A_312, %scan3A_430 = %scan3A_313, %scan3A_431 = %scan3A_314, %scan3A_432 = %scan3A_315, %scan3A_433 = %scan3A_316, %scan3A_434 = %scan3A_317, %scan3A_435 = %scan3A_318, %scan3A_436 = %scan3A_319) -> (i32, i32, vector<16xf32>, vector<16xf32>, vector<16xf32>, vector<16xf32>, vector<16xf32>, vector<16xf32>, vector<16xf32>, vector<16xf32>, vector<16xf32>, vector<16xf32>, vector<16xf32>, vector<16xf32>, vector<16xf32>, vector<16xf32>, vector<16xf32>, vector<16xf32>, vector<16xf32>, vector<16xf32>, vector<16xf32>, vector<16xf32>, vector<16xf32>, vector<16xf32>, vector<16xf32>, vector<16xf32>, vector<16xf32>)  : i32 {
        %get3A = arith.index_cast %scan3A_409 : i32 to index
        %get3A_437 = tpu.vector_load %arg10[%get3A] {strides = array<i32>} : memref<216xi32, #tpu.memory_space<vmem>>, vector<16xi32>,
        %get3A_438 = vector.shape_cast %get3A_437 : vector<16xi32> to vector<16xi32>
        %slice3A = vector.extract_strided_slice %get3A_438 {offsets = [0], sizes = [1], strides = [1]} : vector<16xi32> to vector<1xi32>
        %squeeze3A = vector.extract %slice3A[0] : i32 from vector<1xi32>
        %ne3A = arith.cmpi ne, %squeeze3A, %scan3A_410 : i32
        %convert_element_type3A_439 = arith.extui %ne3A : i1 to i32
        %cond3A_440 = arith.constant 0 : i32
        %cond3A_441 = arith.cmpi ne, %convert_element_type3A_439, %cond3A_440 : i32
        %cond3A_442 = scf.if %cond3A_441 -> (i32) {
          %ge3A = arith.constant 0 : i32
          %ge3A_792 = arith.cmpi sge, %scan3A_410, %ge3A : i32
          %convert_element_type3A_793 = arith.extui %ge3A_792 : i1 to i32
          %cond3A_794 = arith.constant 0 : i32
          %cond3A_795 = arith.cmpi ne, %convert_element_type3A_793, %cond3A_794 : i32
          %cond3A_796 = scf.if %cond3A_795 -> (i32) {
            %eq3A = arith.constant 0 : i32
            %eq3A_797 = arith.cmpi eq, %scan3A_411, %eq3A : i32
            %convert_element_type3A_798 = arith.extui %eq3A_797 : i1 to i32
            %cond3A_799 = arith.constant 0 : i32
            %cond3A_800 = arith.cmpi ne, %convert_element_type3A_798, %cond3A_799 : i32
            %cond3A_801 = scf.if %cond3A_800 -> (i32) {
              %swap3A_802 = arith.constant 0 : index
              %swap3A_803 = tpu.vector_load %arg12[%swap3A_802] {strides = array<i32>} : memref<768xf32, #tpu.memory_space<vmem>>, vector<16xf32>,
              %swap3A_804 = vector.shape_cast %swap3A_803 : vector<16xf32> to vector<16xf32>
              %swap3A_805 = vector.shape_cast %scan3A_420 : vector<16xf32> to vector<16xf32>
              tpu.vector_store %arg12[%swap3A_802], %swap3A_805 {strides = array<i32>} : memref<768xf32, #tpu.memory_space<vmem>>, vector<16xf32>,
              %swap3A_806 = arith.constant 128 : index
              %swap3A_807 = tpu.vector_load %arg12[%swap3A_806] {strides = array<i32>} : memref<768xf32, #tpu.memory_space<vmem>>, vector<16xf32>,
              %swap3A_808 = vector.shape_cast %swap3A_807 : vector<16xf32> to vector<16xf32>
              %swap3A_809 = vector.shape_cast %scan3A_428 : vector<16xf32> to vector<16xf32>
              tpu.vector_store %arg12[%swap3A_806], %swap3A_809 {strides = array<i32>} : memref<768xf32, #tpu.memory_space<vmem>>, vector<16xf32>,
              %swap3A_810 = arith.constant 256 : index
              %swap3A_811 = tpu.vector_load %arg12[%swap3A_810] {strides = array<i32>} : memref<768xf32, #tpu.memory_space<vmem>>, vector<16xf32>,
              %swap3A_812 = vector.shape_cast %swap3A_811 : vector<16xf32> to vector<16xf32>
              %swap3A_813 = vector.shape_cast %scan3A_412 : vector<16xf32> to vector<16xf32>
              tpu.vector_store %arg12[%swap3A_810], %swap3A_813 {strides = array<i32>} : memref<768xf32, #tpu.memory_space<vmem>>, vector<16xf32>,
              %swap3A_814 = arith.constant 16 : index
              %swap3A_815 = tpu.vector_load %arg12[%swap3A_814] {strides = array<i32>} : memref<768xf32, #tpu.memory_space<vmem>>, vector<16xf32>,
              %swap3A_816 = vector.shape_cast %swap3A_815 : vector<16xf32> to vector<16xf32>
              %swap3A_817 = vector.shape_cast %scan3A_421 : vector<16xf32> to vector<16xf32>
              tpu.vector_store %arg12[%swap3A_814], %swap3A_817 {strides = array<i32>} : memref<768xf32, #tpu.memory_space<vmem>>, vector<16xf32>,
              %swap3A_818 = arith.constant 144 : index
              %swap3A_819 = tpu.vector_load %arg12[%swap3A_818] {strides = array<i32>} : memref<768xf32, #tpu.memory_space<vmem>>, vector<16xf32>,
              %swap3A_820 = vector.shape_cast %swap3A_819 : vector<16xf32> to vector<16xf32>
              %swap3A_821 = vector.shape_cast %scan3A_429 : vector<16xf32> to vector<16xf32>
              tpu.vector_store %arg12[%swap3A_818], %swap3A_821 {strides = array<i32>} : memref<768xf32, #tpu.memory_space<vmem>>, vector<16xf32>,
              %swap3A_822 = arith.constant 272 : index
              %swap3A_823 = tpu.vector_load %arg12[%swap3A_822] {strides = array<i32>} : memref<768xf32, #tpu.memory_space<vmem>>, vector<16xf32>,
              %swap3A_824 = vector.shape_cast %swap3A_823 : vector<16xf32> to vector<16xf32>
              %swap3A_825 = vector.shape_cast %scan3A_413 : vector<16xf32> to vector<16xf32>
              tpu.vector_store %arg12[%swap3A_822], %swap3A_825 {strides = array<i32>} : memref<768xf32, #tpu.memory_space<vmem>>, vector<16xf32>,
              %swap3A_826 = arith.constant 32 : index
              %swap3A_827 = tpu.vector_load %arg12[%swap3A_826] {strides = array<i32>} : memref<768xf32, #tpu.memory_space<vmem>>, vector<16xf32>,
              %swap3A_828 = vector.shape_cast %swap3A_827 : vector<16xf32> to vector<16xf32>
              %swap3A_829 = vector.shape_cast %scan3A_422 : vector<16xf32> to vector<16xf32>
              tpu.vector_store %arg12[%swap3A_826], %swap3A_829 {strides = array<i32>} : memref<768xf32, #tpu.memory_space<vmem>>, vector<16xf32>,
              %swap3A_830 = arith.constant 160 : index
              %swap3A_831 = tpu.vector_load %arg12[%swap3A_830] {strides = array<i32>} : memref<768xf32, #tpu.memory_space<vmem>>, vector<16xf32>,
              %swap3A_832 = vector.shape_cast %swap3A_831 : vector<16xf32> to vector<16xf32>
              %swap3A_833 = vector.shape_cast %scan3A_430 : vector<16xf32> to vector<16xf32>
              tpu.vector_store %arg12[%swap3A_830], %swap3A_833 {strides = array<i32>} : memref<768xf32, #tpu.memory_space<vmem>>, vector<16xf32>,
              %swap3A_834 = arith.constant 288 : index
              %swap3A_835 = tpu.vector_load %arg12[%swap3A_834] {strides = array<i32>} : memref<768xf32, #tpu.memory_space<vmem>>, vector<16xf32>,
              %swap3A_836 = vector.shape_cast %swap3A_835 : vector<16xf32> to vector<16xf32>
              %swap3A_837 = vector.shape_cast %scan3A_414 : vector<16xf32> to vector<16xf32>
              tpu.vector_store %arg12[%swap3A_834], %swap3A_837 {strides = array<i32>} : memref<768xf32, #tpu.memory_space<vmem>>, vector<16xf32>,
              %swap3A_838 = arith.constant 48 : index
              %swap3A_839 = tpu.vector_load %arg12[%swap3A_838] {strides = array<i32>} : memref<768xf32, #tpu.memory_space<vmem>>, vector<16xf32>,
              %swap3A_840 = vector.shape_cast %swap3A_839 : vector<16xf32> to vector<16xf32>
              %swap3A_841 = vector.shape_cast %scan3A_423 : vector<16xf32> to vector<16xf32>
              tpu.vector_store %arg12[%swap3A_838], %swap3A_841 {strides = array<i32>} : memref<768xf32, #tpu.memory_space<vmem>>, vector<16xf32>,
              %swap3A_842 = arith.constant 176 : index
              %swap3A_843 = tpu.vector_load %arg12[%swap3A_842] {strides = array<i32>} : memref<768xf32, #tpu.memory_space<vmem>>, vector<16xf32>,
              %swap3A_844 = vector.shape_cast %swap3A_843 : vector<16xf32> to vector<16xf32>
              %swap3A_845 = vector.shape_cast %scan3A_431 : vector<16xf32> to vector<16xf32>
              tpu.vector_store %arg12[%swap3A_842], %swap3A_845 {strides = array<i32>} : memref<768xf32, #tpu.memory_space<vmem>>, vector<16xf32>,
              %swap3A_846 = arith.constant 304 : index
              %swap3A_847 = tpu.vector_load %arg12[%swap3A_846] {strides = array<i32>} : memref<768xf32, #tpu.memory_space<vmem>>, vector<16xf32>,
              %swap3A_848 = vector.shape_cast %swap3A_847 : vector<16xf32> to vector<16xf32>
              %swap3A_849 = vector.shape_cast %scan3A_415 : vector<16xf32> to vector<16xf32>
              tpu.vector_store %arg12[%swap3A_846], %swap3A_849 {strides = array<i32>} : memref<768xf32, #tpu.memory_space<vmem>>, vector<16xf32>,
              %swap3A_850 = arith.constant 64 : index
              %swap3A_851 = tpu.vector_load %arg12[%swap3A_850] {strides = array<i32>} : memref<768xf32, #tpu.memory_space<vmem>>, vector<16xf32>,
              %swap3A_852 = vector.shape_cast %swap3A_851 : vector<16xf32> to vector<16xf32>
              %swap3A_853 = vector.shape_cast %scan3A_424 : vector<16xf32> to vector<16xf32>
              tpu.vector_store %arg12[%swap3A_850], %swap3A_853 {strides = array<i32>} : memref<768xf32, #tpu.memory_space<vmem>>, vector<16xf32>,
              %swap3A_854 = arith.constant 192 : index
              %swap3A_855 = tpu.vector_load %arg12[%swap3A_854] {strides = array<i32>} : memref<768xf32, #tpu.memory_space<vmem>>, vector<16xf32>,
              %swap3A_856 = vector.shape_cast %swap3A_855 : vector<16xf32> to vector<16xf32>
              %swap3A_857 = vector.shape_cast %scan3A_432 : vector<16xf32> to vector<16xf32>
              tpu.vector_store %arg12[%swap3A_854], %swap3A_857 {strides = array<i32>} : memref<768xf32, #tpu.memory_space<vmem>>, vector<16xf32>,
              %swap3A_858 = arith.constant 320 : index
              %swap3A_859 = tpu.vector_load %arg12[%swap3A_858] {strides = array<i32>} : memref<768xf32, #tpu.memory_space<vmem>>, vector<16xf32>,
              %swap3A_860 = vector.shape_cast %swap3A_859 : vector<16xf32> to vector<16xf32>
              %swap3A_861 = vector.shape_cast %scan3A_416 : vector<16xf32> to vector<16xf32>
              tpu.vector_store %arg12[%swap3A_858], %swap3A_861 {strides = array<i32>} : memref<768xf32, #tpu.memory_space<vmem>>, vector<16xf32>,
              %swap3A_862 = arith.constant 80 : index
              %swap3A_863 = tpu.vector_load %arg12[%swap3A_862] {strides = array<i32>} : memref<768xf32, #tpu.memory_space<vmem>>, vector<16xf32>,
              %swap3A_864 = vector.shape_cast %swap3A_863 : vector<16xf32> to vector<16xf32>
              %swap3A_865 = vector.shape_cast %scan3A_425 : vector<16xf32> to vector<16xf32>
              tpu.vector_store %arg12[%swap3A_862], %swap3A_865 {strides = array<i32>} : memref<768xf32, #tpu.memory_space<vmem>>, vector<16xf32>,
              %swap3A_866 = arith.constant 208 : index
              %swap3A_867 = tpu.vector_load %arg12[%swap3A_866] {strides = array<i32>} : memref<768xf32, #tpu.memory_space<vmem>>, vector<16xf32>,
              %swap3A_868 = vector.shape_cast %swap3A_867 : vector<16xf32> to vector<16xf32>
              %swap3A_869 = vector.shape_cast %scan3A_433 : vector<16xf32> to vector<16xf32>
              tpu.vector_store %arg12[%swap3A_866], %swap3A_869 {strides = array<i32>} : memref<768xf32, #tpu.memory_space<vmem>>, vector<16xf32>,
              %swap3A_870 = arith.constant 336 : index
              %swap3A_871 = tpu.vector_load %arg12[%swap3A_870] {strides = array<i32>} : memref<768xf32, #tpu.memory_space<vmem>>, vector<16xf32>,
              %swap3A_872 = vector.shape_cast %swap3A_871 : vector<16xf32> to vector<16xf32>
              %swap3A_873 = vector.shape_cast %scan3A_417 : vector<16xf32> to vector<16xf32>
              tpu.vector_store %arg12[%swap3A_870], %swap3A_873 {strides = array<i32>} : memref<768xf32, #tpu.memory_space<vmem>>, vector<16xf32>,
              %swap3A_874 = arith.constant 96 : index
              %swap3A_875 = tpu.vector_load %arg12[%swap3A_874] {strides = array<i32>} : memref<768xf32, #tpu.memory_space<vmem>>, vector<16xf32>,
              %swap3A_876 = vector.shape_cast %swap3A_875 : vector<16xf32> to vector<16xf32>
              %swap3A_877 = vector.shape_cast %scan3A_426 : vector<16xf32> to vector<16xf32>
              tpu.vector_store %arg12[%swap3A_874], %swap3A_877 {strides = array<i32>} : memref<768xf32, #tpu.memory_space<vmem>>, vector<16xf32>,
              %swap3A_878 = arith.constant 224 : index
              %swap3A_879 = tpu.vector_load %arg12[%swap3A_878] {strides = array<i32>} : memref<768xf32, #tpu.memory_space<vmem>>, vector<16xf32>,
              %swap3A_880 = vector.shape_cast %swap3A_879 : vector<16xf32> to vector<16xf32>
              %swap3A_881 = vector.shape_cast %scan3A_434 : vector<16xf32> to vector<16xf32>
              tpu.vector_store %arg12[%swap3A_878], %swap3A_881 {strides = array<i32>} : memref<768xf32, #tpu.memory_space<vmem>>, vector<16xf32>,
              %swap3A_882 = arith.constant 352 : index
              %swap3A_883 = tpu.vector_load %arg12[%swap3A_882] {strides = array<i32>} : memref<768xf32, #tpu.memory_space<vmem>>, vector<16xf32>,
              %swap3A_884 = vector.shape_cast %swap3A_883 : vector<16xf32> to vector<16xf32>
              %swap3A_885 = vector.shape_cast %scan3A_418 : vector<16xf32> to vector<16xf32>
              tpu.vector_store %arg12[%swap3A_882], %swap3A_885 {strides = array<i32>} : memref<768xf32, #tpu.memory_space<vmem>>, vector<16xf32>,
              %swap3A_886 = arith.constant 112 : index
              %swap3A_887 = tpu.vector_load %arg12[%swap3A_886] {strides = array<i32>} : memref<768xf32, #tpu.memory_space<vmem>>, vector<16xf32>,
              %swap3A_888 = vector.shape_cast %swap3A_887 : vector<16xf32> to vector<16xf32>
              %swap3A_889 = vector.shape_cast %scan3A_427 : vector<16xf32> to vector<16xf32>
              tpu.vector_store %arg12[%swap3A_886], %swap3A_889 {strides = array<i32>} : memref<768xf32, #tpu.memory_space<vmem>>, vector<16xf32>,
              %swap3A_890 = arith.constant 240 : index
              %swap3A_891 = tpu.vector_load %arg12[%swap3A_890] {strides = array<i32>} : memref<768xf32, #tpu.memory_space<vmem>>, vector<16xf32>,
              %swap3A_892 = vector.shape_cast %swap3A_891 : vector<16xf32> to vector<16xf32>
              %swap3A_893 = vector.shape_cast %scan3A_435 : vector<16xf32> to vector<16xf32>
              tpu.vector_store %arg12[%swap3A_890], %swap3A_893 {strides = array<i32>} : memref<768xf32, #tpu.memory_space<vmem>>, vector<16xf32>,
              %swap3A_894 = arith.constant 368 : index
              %swap3A_895 = tpu.vector_load %arg12[%swap3A_894] {strides = array<i32>} : memref<768xf32, #tpu.memory_space<vmem>>, vector<16xf32>,
              %swap3A_896 = vector.shape_cast %swap3A_895 : vector<16xf32> to vector<16xf32>
              %swap3A_897 = vector.shape_cast %scan3A_419 : vector<16xf32> to vector<16xf32>
              tpu.vector_store %arg12[%swap3A_894], %swap3A_897 {strides = array<i32>} : memref<768xf32, #tpu.memory_space<vmem>>, vector<16xf32>,
              %swap3A_898 = arith.constant 0 : index
              %swap3A_899 = tpu.vector_load %arg13[%swap3A_898] {strides = array<i32>} : memref<64xf32, #tpu.memory_space<vmem>>, vector<16xf32>,
              %swap3A_900 = vector.shape_cast %swap3A_899 : vector<16xf32> to vector<16xf32>
              %swap3A_901 = vector.shape_cast %scan3A_436 : vector<16xf32> to vector<16xf32>
              tpu.vector_store %arg13[%swap3A_898], %swap3A_901 {strides = array<i32>} : memref<64xf32, #tpu.memory_space<vmem>>, vector<16xf32>,
              %convert_element_type3A_902 = arith.sitofp %scan3A_410 : i32 to f32
              %broadcast_in_dim3A_903 = vector.broadcast %convert_element_type3A_902 : f32 to vector<16xf32>
              %swap3A_904 = arith.constant 16 : index
              %swap3A_905 = tpu.vector_load %arg13[%swap3A_904] {strides = array<i32>} : memref<64xf32, #tpu.memory_space<vmem>>, vector<16xf32>,
              %swap3A_906 = vector.shape_cast %swap3A_905 : vector<16xf32> to vector<16xf32>
              %swap3A_907 = vector.shape_cast %broadcast_in_dim3A_903 : vector<16xf32> to vector<16xf32>
              tpu.vector_store %arg13[%swap3A_904], %swap3A_907 {strides = array<i32>} : memref<64xf32, #tpu.memory_space<vmem>>, vector<16xf32>,
              %cond3A_908 = arith.constant 1 : i32
              scf.yield %cond3A_908 : i32
            } else {
              %bitcast_convert_type3A = tpu.bitcast %scan3A_420 : vector<16xf32> -> vector<16xi32>
              %shift_right_arithmetic3A = arith.constant 23 : i32
              %shift_right_arithmetic3A_802 = vector.broadcast %shift_right_arithmetic3A : i32 to vector<16xi32>
              %shift_right_arithmetic3A_803 = arith.shrsi %bitcast_convert_type3A, %shift_right_arithmetic3A_802 : vector<16xi32>
              %and3A = arith.constant 255 : i32
              %and3A_804 = vector.broadcast %and3A : i32 to vector<16xi32>
              %and3A_805 = arith.andi %shift_right_arithmetic3A_803, %and3A_804 : vector<16xi32>
              %sub3A_806 = arith.constant 127 : i32
              %sub3A_807 = vector.broadcast %sub3A_806 : i32 to vector<16xi32>
              %sub3A_808 = arith.subi %and3A_805, %sub3A_807 : vector<16xi32>
              %and3A_809 = arith.constant 8388607 : i32
              %and3A_810 = vector.broadcast %and3A_809 : i32 to vector<16xi32>
              %and3A_811 = arith.andi %bitcast_convert_type3A, %and3A_810 : vector<16xi32>
              %or3A = arith.constant 1065353216 : i32
              %or3A_812 = vector.broadcast %or3A : i32 to vector<16xi32>
              %or3A_813 = arith.ori %and3A_811, %or3A_812 : vector<16xi32>
              %bitcast_convert_type3A_814 = tpu.bitcast %or3A_813 : vector<16xi32> -> vector<16xf32>
              %gt3A = arith.constant 1.41421354 : f32
              %gt3A_815 = vector.broadcast %gt3A : f32 to vector<16xf32>
              %gt3A_816 = arith.cmpf ogt, %bitcast_convert_type3A_814, %gt3A_815 : vector<16xf32>
              %mul3A_817 = arith.constant 5.000000e-01 : f32
              %mul3A_818 = vector.broadcast %mul3A_817 : f32 to vector<16xf32>
              %mul3A_819 = arith.mulf %bitcast_convert_type3A_814, %mul3A_818 : vector<16xf32>
              %select_n3A_820 = arith.select %gt3A_816, %mul3A_819, %bitcast_convert_type3A_814 : vector<16xi1>, vector<16xf32>
              %convert_element_type3A_821 = arith.sitofp %sub3A_808 : vector<16xi32> to vector<16xf32>
              %jit3A = arith.constant 1.000000e+00 : f32
              %jit3A_822 = arith.constant 0.000000e+00 : f32
              %broadcast_in_dim3A_823 = vector.broadcast %jit3A : f32 to vector<16xf32>
              %broadcast_in_dim3A_824 = vector.broadcast %jit3A_822 : f32 to vector<16xf32>
              %select_n3A_825 = arith.select %gt3A_816, %broadcast_in_dim3A_823, %broadcast_in_dim3A_824 : vector<16xi1>, vector<16xf32>
              %add3A_826 = arith.addf %convert_element_type3A_821, %select_n3A_825 : vector<16xf32>
              %sub3A_827 = arith.constant 1.000000e+00 : f32
              %sub3A_828 = vector.broadcast %sub3A_827 : f32 to vector<16xf32>
              %sub3A_829 = arith.subf %select_n3A_820, %sub3A_828 : vector<16xf32>
              %add3A_830 = arith.constant 1.000000e+00 : f32
              %add3A_831 = vector.broadcast %add3A_830 : f32 to vector<16xf32>
              %add3A_832 = arith.addf %select_n3A_820, %add3A_831 : vector<16xf32>
              %div3A = arith.divf %sub3A_829, %add3A_832 : vector<16xf32>
              %mul3A_833 = arith.mulf %div3A, %div3A : vector<16xf32>
              %mul3A_834 = arith.constant 0.111111112 : f32
              %mul3A_835 = vector.broadcast %mul3A_834 : f32 to vector<16xf32>
              %mul3A_836 = arith.mulf %mul3A_835, %mul3A_833 : vector<16xf32>
              %add3A_837 = arith.constant 0.142857149 : f32
              %add3A_838 = vector.broadcast %add3A_837 : f32 to vector<16xf32>
              %add3A_839 = arith.addf %mul3A_836, %add3A_838 : vector<16xf32>
              %mul3A_840 = arith.mulf %add3A_839, %mul3A_833 : vector<16xf32>
              %add3A_841 = arith.constant 2.000000e-01 : f32
              %add3A_842 = vector.broadcast %add3A_841 : f32 to vector<16xf32>
              %add3A_843 = arith.addf %mul3A_840, %add3A_842 : vector<16xf32>
              %mul3A_844 = arith.mulf %add3A_843, %mul3A_833 : vector<16xf32>
              %add3A_845 = arith.constant 0.333333343 : f32
              %add3A_846 = vector.broadcast %add3A_845 : f32 to vector<16xf32>
              %add3A_847 = arith.addf %mul3A_844, %add3A_846 : vector<16xf32>
              %mul3A_848 = arith.mulf %add3A_847, %mul3A_833 : vector<16xf32>
              %add3A_849 = arith.constant 1.000000e+00 : f32
              %add3A_850 = vector.broadcast %add3A_849 : f32 to vector<16xf32>
              %add3A_851 = arith.addf %mul3A_848, %add3A_850 : vector<16xf32>
              %mul3A_852 = arith.constant 0.693147182 : f32
              %mul3A_853 = vector.broadcast %mul3A_852 : f32 to vector<16xf32>
              %mul3A_854 = arith.mulf %add3A_826, %mul3A_853 : vector<16xf32>
              %mul3A_855 = arith.constant 2.000000e+00 : f32
              %mul3A_856 = vector.broadcast %mul3A_855 : f32 to vector<16xf32>
              %mul3A_857 = arith.mulf %mul3A_856, %div3A : vector<16xf32>
              %mul3A_858 = arith.mulf %mul3A_857, %add3A_851 : vector<16xf32>
              %add3A_859 = arith.addf %mul3A_854, %mul3A_858 : vector<16xf32>
              %add3A_860 = arith.addf %scan3A_412, %add3A_859 : vector<16xf32>
              %mul3A_861 = arith.mulf %scan3A_428, %add3A_860 : vector<16xf32>
              %sub3A_862 = arith.subf %scan3A_436, %mul3A_861 : vector<16xf32>
              %bitcast_convert_type3A_863 = tpu.bitcast %scan3A_421 : vector<16xf32> -> vector<16xi32>
              %shift_right_arithmetic3A_864 = arith.constant 23 : i32
              %shift_right_arithmetic3A_865 = vector.broadcast %shift_right_arithmetic3A_864 : i32 to vector<16xi32>
              %shift_right_arithmetic3A_866 = arith.shrsi %bitcast_convert_type3A_863, %shift_right_arithmetic3A_865 : vector<16xi32>
              %and3A_867 = arith.constant 255 : i32
              %and3A_868 = vector.broadcast %and3A_867 : i32 to vector<16xi32>
              %and3A_869 = arith.andi %shift_right_arithmetic3A_866, %and3A_868 : vector<16xi32>
              %sub3A_870 = arith.constant 127 : i32
              %sub3A_871 = vector.broadcast %sub3A_870 : i32 to vector<16xi32>
              %sub3A_872 = arith.subi %and3A_869, %sub3A_871 : vector<16xi32>
              %and3A_873 = arith.constant 8388607 : i32
              %and3A_874 = vector.broadcast %and3A_873 : i32 to vector<16xi32>
              %and3A_875 = arith.andi %bitcast_convert_type3A_863, %and3A_874 : vector<16xi32>
              %or3A_876 = arith.constant 1065353216 : i32
              %or3A_877 = vector.broadcast %or3A_876 : i32 to vector<16xi32>
              %or3A_878 = arith.ori %and3A_875, %or3A_877 : vector<16xi32>
              %bitcast_convert_type3A_879 = tpu.bitcast %or3A_878 : vector<16xi32> -> vector<16xf32>
              %gt3A_880 = arith.constant 1.41421354 : f32
              %gt3A_881 = vector.broadcast %gt3A_880 : f32 to vector<16xf32>
              %gt3A_882 = arith.cmpf ogt, %bitcast_convert_type3A_879, %gt3A_881 : vector<16xf32>
              %mul3A_883 = arith.constant 5.000000e-01 : f32
              %mul3A_884 = vector.broadcast %mul3A_883 : f32 to vector<16xf32>
              %mul3A_885 = arith.mulf %bitcast_convert_type3A_879, %mul3A_884 : vector<16xf32>
              %select_n3A_886 = arith.select %gt3A_882, %mul3A_885, %bitcast_convert_type3A_879 : vector<16xi1>, vector<16xf32>
              %convert_element_type3A_887 = arith.sitofp %sub3A_872 : vector<16xi32> to vector<16xf32>
              %jit3A_888 = arith.constant 1.000000e+00 : f32
              %jit3A_889 = arith.constant 0.000000e+00 : f32
              %broadcast_in_dim3A_890 = vector.broadcast %jit3A_888 : f32 to vector<16xf32>
              %broadcast_in_dim3A_891 = vector.broadcast %jit3A_889 : f32 to vector<16xf32>
              %select_n3A_892 = arith.select %gt3A_882, %broadcast_in_dim3A_890, %broadcast_in_dim3A_891 : vector<16xi1>, vector<16xf32>
              %add3A_893 = arith.addf %convert_element_type3A_887, %select_n3A_892 : vector<16xf32>
              %sub3A_894 = arith.constant 1.000000e+00 : f32
              %sub3A_895 = vector.broadcast %sub3A_894 : f32 to vector<16xf32>
              %sub3A_896 = arith.subf %select_n3A_886, %sub3A_895 : vector<16xf32>
              %add3A_897 = arith.constant 1.000000e+00 : f32
              %add3A_898 = vector.broadcast %add3A_897 : f32 to vector<16xf32>
              %add3A_899 = arith.addf %select_n3A_886, %add3A_898 : vector<16xf32>
              %div3A_900 = arith.divf %sub3A_896, %add3A_899 : vector<16xf32>
              %mul3A_901 = arith.mulf %div3A_900, %div3A_900 : vector<16xf32>
              %mul3A_902 = arith.constant 0.111111112 : f32
              %mul3A_903 = vector.broadcast %mul3A_902 : f32 to vector<16xf32>
              %mul3A_904 = arith.mulf %mul3A_903, %mul3A_901 : vector<16xf32>
              %add3A_905 = arith.constant 0.142857149 : f32
              %add3A_906 = vector.broadcast %add3A_905 : f32 to vector<16xf32>
              %add3A_907 = arith.addf %mul3A_904, %add3A_906 : vector<16xf32>
              %mul3A_908 = arith.mulf %add3A_907, %mul3A_901 : vector<16xf32>
              %add3A_909 = arith.constant 2.000000e-01 : f32
              %add3A_910 = vector.broadcast %add3A_909 : f32 to vector<16xf32>
              %add3A_911 = arith.addf %mul3A_908, %add3A_910 : vector<16xf32>
              %mul3A_912 = arith.mulf %add3A_911, %mul3A_901 : vector<16xf32>
              %add3A_913 = arith.constant 0.333333343 : f32
              %add3A_914 = vector.broadcast %add3A_913 : f32 to vector<16xf32>
              %add3A_915 = arith.addf %mul3A_912, %add3A_914 : vector<16xf32>
              %mul3A_916 = arith.mulf %add3A_915, %mul3A_901 : vector<16xf32>
              %add3A_917 = arith.constant 1.000000e+00 : f32
              %add3A_918 = vector.broadcast %add3A_917 : f32 to vector<16xf32>
              %add3A_919 = arith.addf %mul3A_916, %add3A_918 : vector<16xf32>
              %mul3A_920 = arith.constant 0.693147182 : f32
              %mul3A_921 = vector.broadcast %mul3A_920 : f32 to vector<16xf32>
              %mul3A_922 = arith.mulf %add3A_893, %mul3A_921 : vector<16xf32>
              %mul3A_923 = arith.constant 2.000000e+00 : f32
              %mul3A_924 = vector.broadcast %mul3A_923 : f32 to vector<16xf32>
              %mul3A_925 = arith.mulf %mul3A_924, %div3A_900 : vector<16xf32>
              %mul3A_926 = arith.mulf %mul3A_925, %add3A_919 : vector<16xf32>
              %add3A_927 = arith.addf %mul3A_922, %mul3A_926 : vector<16xf32>
              %add3A_928 = arith.addf %scan3A_413, %add3A_927 : vector<16xf32>
              %mul3A_929 = arith.mulf %scan3A_429, %add3A_928 : vector<16xf32>
              %sub3A_930 = arith.subf %sub3A_862, %mul3A_929 : vector<16xf32>
              %bitcast_convert_type3A_931 = tpu.bitcast %scan3A_422 : vector<16xf32> -> vector<16xi32>
              %shift_right_arithmetic3A_932 = arith.constant 23 : i32
              %shift_right_arithmetic3A_933 = vector.broadcast %shift_right_arithmetic3A_932 : i32 to vector<16xi32>
              %shift_right_arithmetic3A_934 = arith.shrsi %bitcast_convert_type3A_931, %shift_right_arithmetic3A_933 : vector<16xi32>
              %and3A_935 = arith.constant 255 : i32
              %and3A_936 = vector.broadcast %and3A_935 : i32 to vector<16xi32>
              %and3A_937 = arith.andi %shift_right_arithmetic3A_934, %and3A_936 : vector<16xi32>
              %sub3A_938 = arith.constant 127 : i32
              %sub3A_939 = vector.broadcast %sub3A_938 : i32 to vector<16xi32>
              %sub3A_940 = arith.subi %and3A_937, %sub3A_939 : vector<16xi32>
              %and3A_941 = arith.constant 8388607 : i32
              %and3A_942 = vector.broadcast %and3A_941 : i32 to vector<16xi32>
              %and3A_943 = arith.andi %bitcast_convert_type3A_931, %and3A_942 : vector<16xi32>
              %or3A_944 = arith.constant 1065353216 : i32
              %or3A_945 = vector.broadcast %or3A_944 : i32 to vector<16xi32>
              %or3A_946 = arith.ori %and3A_943, %or3A_945 : vector<16xi32>
              %bitcast_convert_type3A_947 = tpu.bitcast %or3A_946 : vector<16xi32> -> vector<16xf32>
              %gt3A_948 = arith.constant 1.41421354 : f32
              %gt3A_949 = vector.broadcast %gt3A_948 : f32 to vector<16xf32>
              %gt3A_950 = arith.cmpf ogt, %bitcast_convert_type3A_947, %gt3A_949 : vector<16xf32>
              %mul3A_951 = arith.constant 5.000000e-01 : f32
              %mul3A_952 = vector.broadcast %mul3A_951 : f32 to vector<16xf32>
              %mul3A_953 = arith.mulf %bitcast_convert_type3A_947, %mul3A_952 : vector<16xf32>
              %select_n3A_954 = arith.select %gt3A_950, %mul3A_953, %bitcast_convert_type3A_947 : vector<16xi1>, vector<16xf32>
              %convert_element_type3A_955 = arith.sitofp %sub3A_940 : vector<16xi32> to vector<16xf32>
              %jit3A_956 = arith.constant 1.000000e+00 : f32
              %jit3A_957 = arith.constant 0.000000e+00 : f32
              %broadcast_in_dim3A_958 = vector.broadcast %jit3A_956 : f32 to vector<16xf32>
              %broadcast_in_dim3A_959 = vector.broadcast %jit3A_957 : f32 to vector<16xf32>
              %select_n3A_960 = arith.select %gt3A_950, %broadcast_in_dim3A_958, %broadcast_in_dim3A_959 : vector<16xi1>, vector<16xf32>
              %add3A_961 = arith.addf %convert_element_type3A_955, %select_n3A_960 : vector<16xf32>
              %sub3A_962 = arith.constant 1.000000e+00 : f32
              %sub3A_963 = vector.broadcast %sub3A_962 : f32 to vector<16xf32>
              %sub3A_964 = arith.subf %select_n3A_954, %sub3A_963 : vector<16xf32>
              %add3A_965 = arith.constant 1.000000e+00 : f32
              %add3A_966 = vector.broadcast %add3A_965 : f32 to vector<16xf32>
              %add3A_967 = arith.addf %select_n3A_954, %add3A_966 : vector<16xf32>
              %div3A_968 = arith.divf %sub3A_964, %add3A_967 : vector<16xf32>
              %mul3A_969 = arith.mulf %div3A_968, %div3A_968 : vector<16xf32>
              %mul3A_970 = arith.constant 0.111111112 : f32
              %mul3A_971 = vector.broadcast %mul3A_970 : f32 to vector<16xf32>
              %mul3A_972 = arith.mulf %mul3A_971, %mul3A_969 : vector<16xf32>
              %add3A_973 = arith.constant 0.142857149 : f32
              %add3A_974 = vector.broadcast %add3A_973 : f32 to vector<16xf32>
              %add3A_975 = arith.addf %mul3A_972, %add3A_974 : vector<16xf32>
              %mul3A_976 = arith.mulf %add3A_975, %mul3A_969 : vector<16xf32>
              %add3A_977 = arith.constant 2.000000e-01 : f32
              %add3A_978 = vector.broadcast %add3A_977 : f32 to vector<16xf32>
              %add3A_979 = arith.addf %mul3A_976, %add3A_978 : vector<16xf32>
              %mul3A_980 = arith.mulf %add3A_979, %mul3A_969 : vector<16xf32>
              %add3A_981 = arith.constant 0.333333343 : f32
              %add3A_982 = vector.broadcast %add3A_981 : f32 to vector<16xf32>
              %add3A_983 = arith.addf %mul3A_980, %add3A_982 : vector<16xf32>
              %mul3A_984 = arith.mulf %add3A_983, %mul3A_969 : vector<16xf32>
              %add3A_985 = arith.constant 1.000000e+00 : f32
              %add3A_986 = vector.broadcast %add3A_985 : f32 to vector<16xf32>
              %add3A_987 = arith.addf %mul3A_984, %add3A_986 : vector<16xf32>
              %mul3A_988 = arith.constant 0.693147182 : f32
              %mul3A_989 = vector.broadcast %mul3A_988 : f32 to vector<16xf32>
              %mul3A_990 = arith.mulf %add3A_961, %mul3A_989 : vector<16xf32>
              %mul3A_991 = arith.constant 2.000000e+00 : f32
              %mul3A_992 = vector.broadcast %mul3A_991 : f32 to vector<16xf32>
              %mul3A_993 = arith.mulf %mul3A_992, %div3A_968 : vector<16xf32>
              %mul3A_994 = arith.mulf %mul3A_993, %add3A_987 : vector<16xf32>
              %add3A_995 = arith.addf %mul3A_990, %mul3A_994 : vector<16xf32>
              %add3A_996 = arith.addf %scan3A_414, %add3A_995 : vector<16xf32>
              %mul3A_997 = arith.mulf %scan3A_430, %add3A_996 : vector<16xf32>
              %sub3A_998 = arith.subf %sub3A_930, %mul3A_997 : vector<16xf32>
              %bitcast_convert_type3A_999 = tpu.bitcast %scan3A_423 : vector<16xf32> -> vector<16xi32>
              %shift_right_arithmetic3A_1000 = arith.constant 23 : i32
              %shift_right_arithmetic3A_1001 = vector.broadcast %shift_right_arithmetic3A_1000 : i32 to vector<16xi32>
              %shift_right_arithmetic3A_1002 = arith.shrsi %bitcast_convert_type3A_999, %shift_right_arithmetic3A_1001 : vector<16xi32>
              %and3A_1003 = arith.constant 255 : i32
              %and3A_1004 = vector.broadcast %and3A_1003 : i32 to vector<16xi32>
              %and3A_1005 = arith.andi %shift_right_arithmetic3A_1002, %and3A_1004 : vector<16xi32>
              %sub3A_1006 = arith.constant 127 : i32
              %sub3A_1007 = vector.broadcast %sub3A_1006 : i32 to vector<16xi32>
              %sub3A_1008 = arith.subi %and3A_1005, %sub3A_1007 : vector<16xi32>
              %and3A_1009 = arith.constant 8388607 : i32
              %and3A_1010 = vector.broadcast %and3A_1009 : i32 to vector<16xi32>
              %and3A_1011 = arith.andi %bitcast_convert_type3A_999, %and3A_1010 : vector<16xi32>
              %or3A_1012 = arith.constant 1065353216 : i32
              %or3A_1013 = vector.broadcast %or3A_1012 : i32 to vector<16xi32>
              %or3A_1014 = arith.ori %and3A_1011, %or3A_1013 : vector<16xi32>
              %bitcast_convert_type3A_1015 = tpu.bitcast %or3A_1014 : vector<16xi32> -> vector<16xf32>
              %gt3A_1016 = arith.constant 1.41421354 : f32
              %gt3A_1017 = vector.broadcast %gt3A_1016 : f32 to vector<16xf32>
              %gt3A_1018 = arith.cmpf ogt, %bitcast_convert_type3A_1015, %gt3A_1017 : vector<16xf32>
              %mul3A_1019 = arith.constant 5.000000e-01 : f32
              %mul3A_1020 = vector.broadcast %mul3A_1019 : f32 to vector<16xf32>
              %mul3A_1021 = arith.mulf %bitcast_convert_type3A_1015, %mul3A_1020 : vector<16xf32>
              %select_n3A_1022 = arith.select %gt3A_1018, %mul3A_1021, %bitcast_convert_type3A_1015 : vector<16xi1>, vector<16xf32>
              %convert_element_type3A_1023 = arith.sitofp %sub3A_1008 : vector<16xi32> to vector<16xf32>
              %jit3A_1024 = arith.constant 1.000000e+00 : f32
              %jit3A_1025 = arith.constant 0.000000e+00 : f32
              %broadcast_in_dim3A_1026 = vector.broadcast %jit3A_1024 : f32 to vector<16xf32>
              %broadcast_in_dim3A_1027 = vector.broadcast %jit3A_1025 : f32 to vector<16xf32>
              %select_n3A_1028 = arith.select %gt3A_1018, %broadcast_in_dim3A_1026, %broadcast_in_dim3A_1027 : vector<16xi1>, vector<16xf32>
              %add3A_1029 = arith.addf %convert_element_type3A_1023, %select_n3A_1028 : vector<16xf32>
              %sub3A_1030 = arith.constant 1.000000e+00 : f32
              %sub3A_1031 = vector.broadcast %sub3A_1030 : f32 to vector<16xf32>
              %sub3A_1032 = arith.subf %select_n3A_1022, %sub3A_1031 : vector<16xf32>
              %add3A_1033 = arith.constant 1.000000e+00 : f32
              %add3A_1034 = vector.broadcast %add3A_1033 : f32 to vector<16xf32>
              %add3A_1035 = arith.addf %select_n3A_1022, %add3A_1034 : vector<16xf32>
              %div3A_1036 = arith.divf %sub3A_1032, %add3A_1035 : vector<16xf32>
              %mul3A_1037 = arith.mulf %div3A_1036, %div3A_1036 : vector<16xf32>
              %mul3A_1038 = arith.constant 0.111111112 : f32
              %mul3A_1039 = vector.broadcast %mul3A_1038 : f32 to vector<16xf32>
              %mul3A_1040 = arith.mulf %mul3A_1039, %mul3A_1037 : vector<16xf32>
              %add3A_1041 = arith.constant 0.142857149 : f32
              %add3A_1042 = vector.broadcast %add3A_1041 : f32 to vector<16xf32>
              %add3A_1043 = arith.addf %mul3A_1040, %add3A_1042 : vector<16xf32>
              %mul3A_1044 = arith.mulf %add3A_1043, %mul3A_1037 : vector<16xf32>
              %add3A_1045 = arith.constant 2.000000e-01 : f32
              %add3A_1046 = vector.broadcast %add3A_1045 : f32 to vector<16xf32>
              %add3A_1047 = arith.addf %mul3A_1044, %add3A_1046 : vector<16xf32>
              %mul3A_1048 = arith.mulf %add3A_1047, %mul3A_1037 : vector<16xf32>
              %add3A_1049 = arith.constant 0.333333343 : f32
              %add3A_1050 = vector.broadcast %add3A_1049 : f32 to vector<16xf32>
              %add3A_1051 = arith.addf %mul3A_1048, %add3A_1050 : vector<16xf32>
              %mul3A_1052 = arith.mulf %add3A_1051, %mul3A_1037 : vector<16xf32>
              %add3A_1053 = arith.constant 1.000000e+00 : f32
              %add3A_1054 = vector.broadcast %add3A_1053 : f32 to vector<16xf32>
              %add3A_1055 = arith.addf %mul3A_1052, %add3A_1054 : vector<16xf32>
              %mul3A_1056 = arith.constant 0.693147182 : f32
              %mul3A_1057 = vector.broadcast %mul3A_1056 : f32 to vector<16xf32>
              %mul3A_1058 = arith.mulf %add3A_1029, %mul3A_1057 : vector<16xf32>
              %mul3A_1059 = arith.constant 2.000000e+00 : f32
              %mul3A_1060 = vector.broadcast %mul3A_1059 : f32 to vector<16xf32>
              %mul3A_1061 = arith.mulf %mul3A_1060, %div3A_1036 : vector<16xf32>
              %mul3A_1062 = arith.mulf %mul3A_1061, %add3A_1055 : vector<16xf32>
              %add3A_1063 = arith.addf %mul3A_1058, %mul3A_1062 : vector<16xf32>
              %add3A_1064 = arith.addf %scan3A_415, %add3A_1063 : vector<16xf32>
              %mul3A_1065 = arith.mulf %scan3A_431, %add3A_1064 : vector<16xf32>
              %sub3A_1066 = arith.subf %sub3A_998, %mul3A_1065 : vector<16xf32>
              %bitcast_convert_type3A_1067 = tpu.bitcast %scan3A_424 : vector<16xf32> -> vector<16xi32>
              %shift_right_arithmetic3A_1068 = arith.constant 23 : i32
              %shift_right_arithmetic3A_1069 = vector.broadcast %shift_right_arithmetic3A_1068 : i32 to vector<16xi32>
              %shift_right_arithmetic3A_1070 = arith.shrsi %bitcast_convert_type3A_1067, %shift_right_arithmetic3A_1069 : vector<16xi32>
              %and3A_1071 = arith.constant 255 : i32
              %and3A_1072 = vector.broadcast %and3A_1071 : i32 to vector<16xi32>
              %and3A_1073 = arith.andi %shift_right_arithmetic3A_1070, %and3A_1072 : vector<16xi32>
              %sub3A_1074 = arith.constant 127 : i32
              %sub3A_1075 = vector.broadcast %sub3A_1074 : i32 to vector<16xi32>
              %sub3A_1076 = arith.subi %and3A_1073, %sub3A_1075 : vector<16xi32>
              %and3A_1077 = arith.constant 8388607 : i32
              %and3A_1078 = vector.broadcast %and3A_1077 : i32 to vector<16xi32>
              %and3A_1079 = arith.andi %bitcast_convert_type3A_1067, %and3A_1078 : vector<16xi32>
              %or3A_1080 = arith.constant 1065353216 : i32
              %or3A_1081 = vector.broadcast %or3A_1080 : i32 to vector<16xi32>
              %or3A_1082 = arith.ori %and3A_1079, %or3A_1081 : vector<16xi32>
              %bitcast_convert_type3A_1083 = tpu.bitcast %or3A_1082 : vector<16xi32> -> vector<16xf32>
              %gt3A_1084 = arith.constant 1.41421354 : f32
              %gt3A_1085 = vector.broadcast %gt3A_1084 : f32 to vector<16xf32>
              %gt3A_1086 = arith.cmpf ogt, %bitcast_convert_type3A_1083, %gt3A_1085 : vector<16xf32>
              %mul3A_1087 = arith.constant 5.000000e-01 : f32
              %mul3A_1088 = vector.broadcast %mul3A_1087 : f32 to vector<16xf32>
              %mul3A_1089 = arith.mulf %bitcast_convert_type3A_1083, %mul3A_1088 : vector<16xf32>
              %select_n3A_1090 = arith.select %gt3A_1086, %mul3A_1089, %bitcast_convert_type3A_1083 : vector<16xi1>, vector<16xf32>
              %convert_element_type3A_1091 = arith.sitofp %sub3A_1076 : vector<16xi32> to vector<16xf32>
              %jit3A_1092 = arith.constant 1.000000e+00 : f32
              %jit3A_1093 = arith.constant 0.000000e+00 : f32
              %broadcast_in_dim3A_1094 = vector.broadcast %jit3A_1092 : f32 to vector<16xf32>
              %broadcast_in_dim3A_1095 = vector.broadcast %jit3A_1093 : f32 to vector<16xf32>
              %select_n3A_1096 = arith.select %gt3A_1086, %broadcast_in_dim3A_1094, %broadcast_in_dim3A_1095 : vector<16xi1>, vector<16xf32>
              %add3A_1097 = arith.addf %convert_element_type3A_1091, %select_n3A_1096 : vector<16xf32>
              %sub3A_1098 = arith.constant 1.000000e+00 : f32
              %sub3A_1099 = vector.broadcast %sub3A_1098 : f32 to vector<16xf32>
              %sub3A_1100 = arith.subf %select_n3A_1090, %sub3A_1099 : vector<16xf32>
              %add3A_1101 = arith.constant 1.000000e+00 : f32
              %add3A_1102 = vector.broadcast %add3A_1101 : f32 to vector<16xf32>
              %add3A_1103 = arith.addf %select_n3A_1090, %add3A_1102 : vector<16xf32>
              %div3A_1104 = arith.divf %sub3A_1100, %add3A_1103 : vector<16xf32>
              %mul3A_1105 = arith.mulf %div3A_1104, %div3A_1104 : vector<16xf32>
              %mul3A_1106 = arith.constant 0.111111112 : f32
              %mul3A_1107 = vector.broadcast %mul3A_1106 : f32 to vector<16xf32>
              %mul3A_1108 = arith.mulf %mul3A_1107, %mul3A_1105 : vector<16xf32>
              %add3A_1109 = arith.constant 0.142857149 : f32
              %add3A_1110 = vector.broadcast %add3A_1109 : f32 to vector<16xf32>
              %add3A_1111 = arith.addf %mul3A_1108, %add3A_1110 : vector<16xf32>
              %mul3A_1112 = arith.mulf %add3A_1111, %mul3A_1105 : vector<16xf32>
              %add3A_1113 = arith.constant 2.000000e-01 : f32
              %add3A_1114 = vector.broadcast %add3A_1113 : f32 to vector<16xf32>
              %add3A_1115 = arith.addf %mul3A_1112, %add3A_1114 : vector<16xf32>
              %mul3A_1116 = arith.mulf %add3A_1115, %mul3A_1105 : vector<16xf32>
              %add3A_1117 = arith.constant 0.333333343 : f32
              %add3A_1118 = vector.broadcast %add3A_1117 : f32 to vector<16xf32>
              %add3A_1119 = arith.addf %mul3A_1116, %add3A_1118 : vector<16xf32>
              %mul3A_1120 = arith.mulf %add3A_1119, %mul3A_1105 : vector<16xf32>
              %add3A_1121 = arith.constant 1.000000e+00 : f32
              %add3A_1122 = vector.broadcast %add3A_1121 : f32 to vector<16xf32>
              %add3A_1123 = arith.addf %mul3A_1120, %add3A_1122 : vector<16xf32>
              %mul3A_1124 = arith.constant 0.693147182 : f32
              %mul3A_1125 = vector.broadcast %mul3A_1124 : f32 to vector<16xf32>
              %mul3A_1126 = arith.mulf %add3A_1097, %mul3A_1125 : vector<16xf32>
              %mul3A_1127 = arith.constant 2.000000e+00 : f32
              %mul3A_1128 = vector.broadcast %mul3A_1127 : f32 to vector<16xf32>
              %mul3A_1129 = arith.mulf %mul3A_1128, %div3A_1104 : vector<16xf32>
              %mul3A_1130 = arith.mulf %mul3A_1129, %add3A_1123 : vector<16xf32>
              %add3A_1131 = arith.addf %mul3A_1126, %mul3A_1130 : vector<16xf32>
              %add3A_1132 = arith.addf %scan3A_416, %add3A_1131 : vector<16xf32>
              %mul3A_1133 = arith.mulf %scan3A_432, %add3A_1132 : vector<16xf32>
              %sub3A_1134 = arith.subf %sub3A_1066, %mul3A_1133 : vector<16xf32>
              %bitcast_convert_type3A_1135 = tpu.bitcast %scan3A_425 : vector<16xf32> -> vector<16xi32>
              %shift_right_arithmetic3A_1136 = arith.constant 23 : i32
              %shift_right_arithmetic3A_1137 = vector.broadcast %shift_right_arithmetic3A_1136 : i32 to vector<16xi32>
              %shift_right_arithmetic3A_1138 = arith.shrsi %bitcast_convert_type3A_1135, %shift_right_arithmetic3A_1137 : vector<16xi32>
              %and3A_1139 = arith.constant 255 : i32
              %and3A_1140 = vector.broadcast %and3A_1139 : i32 to vector<16xi32>
              %and3A_1141 = arith.andi %shift_right_arithmetic3A_1138, %and3A_1140 : vector<16xi32>
              %sub3A_1142 = arith.constant 127 : i32
              %sub3A_1143 = vector.broadcast %sub3A_1142 : i32 to vector<16xi32>
              %sub3A_1144 = arith.subi %and3A_1141, %sub3A_1143 : vector<16xi32>
              %and3A_1145 = arith.constant 8388607 : i32
              %and3A_1146 = vector.broadcast %and3A_1145 : i32 to vector<16xi32>
              %and3A_1147 = arith.andi %bitcast_convert_type3A_1135, %and3A_1146 : vector<16xi32>
              %or3A_1148 = arith.constant 1065353216 : i32
              %or3A_1149 = vector.broadcast %or3A_1148 : i32 to vector<16xi32>
              %or3A_1150 = arith.ori %and3A_1147, %or3A_1149 : vector<16xi32>
              %bitcast_convert_type3A_1151 = tpu.bitcast %or3A_1150 : vector<16xi32> -> vector<16xf32>
              %gt3A_1152 = arith.constant 1.41421354 : f32
              %gt3A_1153 = vector.broadcast %gt3A_1152 : f32 to vector<16xf32>
              %gt3A_1154 = arith.cmpf ogt, %bitcast_convert_type3A_1151, %gt3A_1153 : vector<16xf32>
              %mul3A_1155 = arith.constant 5.000000e-01 : f32
              %mul3A_1156 = vector.broadcast %mul3A_1155 : f32 to vector<16xf32>
              %mul3A_1157 = arith.mulf %bitcast_convert_type3A_1151, %mul3A_1156 : vector<16xf32>
              %select_n3A_1158 = arith.select %gt3A_1154, %mul3A_1157, %bitcast_convert_type3A_1151 : vector<16xi1>, vector<16xf32>
              %convert_element_type3A_1159 = arith.sitofp %sub3A_1144 : vector<16xi32> to vector<16xf32>
              %jit3A_1160 = arith.constant 1.000000e+00 : f32
              %jit3A_1161 = arith.constant 0.000000e+00 : f32
              %broadcast_in_dim3A_1162 = vector.broadcast %jit3A_1160 : f32 to vector<16xf32>
              %broadcast_in_dim3A_1163 = vector.broadcast %jit3A_1161 : f32 to vector<16xf32>
              %select_n3A_1164 = arith.select %gt3A_1154, %broadcast_in_dim3A_1162, %broadcast_in_dim3A_1163 : vector<16xi1>, vector<16xf32>
              %add3A_1165 = arith.addf %convert_element_type3A_1159, %select_n3A_1164 : vector<16xf32>
              %sub3A_1166 = arith.constant 1.000000e+00 : f32
              %sub3A_1167 = vector.broadcast %sub3A_1166 : f32 to vector<16xf32>
              %sub3A_1168 = arith.subf %select_n3A_1158, %sub3A_1167 : vector<16xf32>
              %add3A_1169 = arith.constant 1.000000e+00 : f32
              %add3A_1170 = vector.broadcast %add3A_1169 : f32 to vector<16xf32>
              %add3A_1171 = arith.addf %select_n3A_1158, %add3A_1170 : vector<16xf32>
              %div3A_1172 = arith.divf %sub3A_1168, %add3A_1171 : vector<16xf32>
              %mul3A_1173 = arith.mulf %div3A_1172, %div3A_1172 : vector<16xf32>
              %mul3A_1174 = arith.constant 0.111111112 : f32
              %mul3A_1175 = vector.broadcast %mul3A_1174 : f32 to vector<16xf32>
              %mul3A_1176 = arith.mulf %mul3A_1175, %mul3A_1173 : vector<16xf32>
              %add3A_1177 = arith.constant 0.142857149 : f32
              %add3A_1178 = vector.broadcast %add3A_1177 : f32 to vector<16xf32>
              %add3A_1179 = arith.addf %mul3A_1176, %add3A_1178 : vector<16xf32>
              %mul3A_1180 = arith.mulf %add3A_1179, %mul3A_1173 : vector<16xf32>
              %add3A_1181 = arith.constant 2.000000e-01 : f32
              %add3A_1182 = vector.broadcast %add3A_1181 : f32 to vector<16xf32>
              %add3A_1183 = arith.addf %mul3A_1180, %add3A_1182 : vector<16xf32>
              %mul3A_1184 = arith.mulf %add3A_1183, %mul3A_1173 : vector<16xf32>
              %add3A_1185 = arith.constant 0.333333343 : f32
              %add3A_1186 = vector.broadcast %add3A_1185 : f32 to vector<16xf32>
              %add3A_1187 = arith.addf %mul3A_1184, %add3A_1186 : vector<16xf32>
              %mul3A_1188 = arith.mulf %add3A_1187, %mul3A_1173 : vector<16xf32>
              %add3A_1189 = arith.constant 1.000000e+00 : f32
              %add3A_1190 = vector.broadcast %add3A_1189 : f32 to vector<16xf32>
              %add3A_1191 = arith.addf %mul3A_1188, %add3A_1190 : vector<16xf32>
              %mul3A_1192 = arith.constant 0.693147182 : f32
              %mul3A_1193 = vector.broadcast %mul3A_1192 : f32 to vector<16xf32>
              %mul3A_1194 = arith.mulf %add3A_1165, %mul3A_1193 : vector<16xf32>
              %mul3A_1195 = arith.constant 2.000000e+00 : f32
              %mul3A_1196 = vector.broadcast %mul3A_1195 : f32 to vector<16xf32>
              %mul3A_1197 = arith.mulf %mul3A_1196, %div3A_1172 : vector<16xf32>
              %mul3A_1198 = arith.mulf %mul3A_1197, %add3A_1191 : vector<16xf32>
              %add3A_1199 = arith.addf %mul3A_1194, %mul3A_1198 : vector<16xf32>
              %add3A_1200 = arith.addf %scan3A_417, %add3A_1199 : vector<16xf32>
              %mul3A_1201 = arith.mulf %scan3A_433, %add3A_1200 : vector<16xf32>
              %sub3A_1202 = arith.subf %sub3A_1134, %mul3A_1201 : vector<16xf32>
              %bitcast_convert_type3A_1203 = tpu.bitcast %scan3A_426 : vector<16xf32> -> vector<16xi32>
              %shift_right_arithmetic3A_1204 = arith.constant 23 : i32
              %shift_right_arithmetic3A_1205 = vector.broadcast %shift_right_arithmetic3A_1204 : i32 to vector<16xi32>
              %shift_right_arithmetic3A_1206 = arith.shrsi %bitcast_convert_type3A_1203, %shift_right_arithmetic3A_1205 : vector<16xi32>
              %and3A_1207 = arith.constant 255 : i32
              %and3A_1208 = vector.broadcast %and3A_1207 : i32 to vector<16xi32>
              %and3A_1209 = arith.andi %shift_right_arithmetic3A_1206, %and3A_1208 : vector<16xi32>
              %sub3A_1210 = arith.constant 127 : i32
              %sub3A_1211 = vector.broadcast %sub3A_1210 : i32 to vector<16xi32>
              %sub3A_1212 = arith.subi %and3A_1209, %sub3A_1211 : vector<16xi32>
              %and3A_1213 = arith.constant 8388607 : i32
              %and3A_1214 = vector.broadcast %and3A_1213 : i32 to vector<16xi32>
              %and3A_1215 = arith.andi %bitcast_convert_type3A_1203, %and3A_1214 : vector<16xi32>
              %or3A_1216 = arith.constant 1065353216 : i32
              %or3A_1217 = vector.broadcast %or3A_1216 : i32 to vector<16xi32>
              %or3A_1218 = arith.ori %and3A_1215, %or3A_1217 : vector<16xi32>
              %bitcast_convert_type3A_1219 = tpu.bitcast %or3A_1218 : vector<16xi32> -> vector<16xf32>
              %gt3A_1220 = arith.constant 1.41421354 : f32
              %gt3A_1221 = vector.broadcast %gt3A_1220 : f32 to vector<16xf32>
              %gt3A_1222 = arith.cmpf ogt, %bitcast_convert_type3A_1219, %gt3A_1221 : vector<16xf32>
              %mul3A_1223 = arith.constant 5.000000e-01 : f32
              %mul3A_1224 = vector.broadcast %mul3A_1223 : f32 to vector<16xf32>
              %mul3A_1225 = arith.mulf %bitcast_convert_type3A_1219, %mul3A_1224 : vector<16xf32>
              %select_n3A_1226 = arith.select %gt3A_1222, %mul3A_1225, %bitcast_convert_type3A_1219 : vector<16xi1>, vector<16xf32>
              %convert_element_type3A_1227 = arith.sitofp %sub3A_1212 : vector<16xi32> to vector<16xf32>
              %jit3A_1228 = arith.constant 1.000000e+00 : f32
              %jit3A_1229 = arith.constant 0.000000e+00 : f32
              %broadcast_in_dim3A_1230 = vector.broadcast %jit3A_1228 : f32 to vector<16xf32>
              %broadcast_in_dim3A_1231 = vector.broadcast %jit3A_1229 : f32 to vector<16xf32>
              %select_n3A_1232 = arith.select %gt3A_1222, %broadcast_in_dim3A_1230, %broadcast_in_dim3A_1231 : vector<16xi1>, vector<16xf32>
              %add3A_1233 = arith.addf %convert_element_type3A_1227, %select_n3A_1232 : vector<16xf32>
              %sub3A_1234 = arith.constant 1.000000e+00 : f32
              %sub3A_1235 = vector.broadcast %sub3A_1234 : f32 to vector<16xf32>
              %sub3A_1236 = arith.subf %select_n3A_1226, %sub3A_1235 : vector<16xf32>
              %add3A_1237 = arith.constant 1.000000e+00 : f32
              %add3A_1238 = vector.broadcast %add3A_1237 : f32 to vector<16xf32>
              %add3A_1239 = arith.addf %select_n3A_1226, %add3A_1238 : vector<16xf32>
              %div3A_1240 = arith.divf %sub3A_1236, %add3A_1239 : vector<16xf32>
              %mul3A_1241 = arith.mulf %div3A_1240, %div3A_1240 : vector<16xf32>
              %mul3A_1242 = arith.constant 0.111111112 : f32
              %mul3A_1243 = vector.broadcast %mul3A_1242 : f32 to vector<16xf32>
              %mul3A_1244 = arith.mulf %mul3A_1243, %mul3A_1241 : vector<16xf32>
              %add3A_1245 = arith.constant 0.142857149 : f32
              %add3A_1246 = vector.broadcast %add3A_1245 : f32 to vector<16xf32>
              %add3A_1247 = arith.addf %mul3A_1244, %add3A_1246 : vector<16xf32>
              %mul3A_1248 = arith.mulf %add3A_1247, %mul3A_1241 : vector<16xf32>
              %add3A_1249 = arith.constant 2.000000e-01 : f32
              %add3A_1250 = vector.broadcast %add3A_1249 : f32 to vector<16xf32>
              %add3A_1251 = arith.addf %mul3A_1248, %add3A_1250 : vector<16xf32>
              %mul3A_1252 = arith.mulf %add3A_1251, %mul3A_1241 : vector<16xf32>
              %add3A_1253 = arith.constant 0.333333343 : f32
              %add3A_1254 = vector.broadcast %add3A_1253 : f32 to vector<16xf32>
              %add3A_1255 = arith.addf %mul3A_1252, %add3A_1254 : vector<16xf32>
              %mul3A_1256 = arith.mulf %add3A_1255, %mul3A_1241 : vector<16xf32>
              %add3A_1257 = arith.constant 1.000000e+00 : f32
              %add3A_1258 = vector.broadcast %add3A_1257 : f32 to vector<16xf32>
              %add3A_1259 = arith.addf %mul3A_1256, %add3A_1258 : vector<16xf32>
              %mul3A_1260 = arith.constant 0.693147182 : f32
              %mul3A_1261 = vector.broadcast %mul3A_1260 : f32 to vector<16xf32>
              %mul3A_1262 = arith.mulf %add3A_1233, %mul3A_1261 : vector<16xf32>
              %mul3A_1263 = arith.constant 2.000000e+00 : f32
              %mul3A_1264 = vector.broadcast %mul3A_1263 : f32 to vector<16xf32>
              %mul3A_1265 = arith.mulf %mul3A_1264, %div3A_1240 : vector<16xf32>
              %mul3A_1266 = arith.mulf %mul3A_1265, %add3A_1259 : vector<16xf32>
              %add3A_1267 = arith.addf %mul3A_1262, %mul3A_1266 : vector<16xf32>
              %add3A_1268 = arith.addf %scan3A_418, %add3A_1267 : vector<16xf32>
              %mul3A_1269 = arith.mulf %scan3A_434, %add3A_1268 : vector<16xf32>
              %sub3A_1270 = arith.subf %sub3A_1202, %mul3A_1269 : vector<16xf32>
              %bitcast_convert_type3A_1271 = tpu.bitcast %scan3A_427 : vector<16xf32> -> vector<16xi32>
              %shift_right_arithmetic3A_1272 = arith.constant 23 : i32
              %shift_right_arithmetic3A_1273 = vector.broadcast %shift_right_arithmetic3A_1272 : i32 to vector<16xi32>
              %shift_right_arithmetic3A_1274 = arith.shrsi %bitcast_convert_type3A_1271, %shift_right_arithmetic3A_1273 : vector<16xi32>
              %and3A_1275 = arith.constant 255 : i32
              %and3A_1276 = vector.broadcast %and3A_1275 : i32 to vector<16xi32>
              %and3A_1277 = arith.andi %shift_right_arithmetic3A_1274, %and3A_1276 : vector<16xi32>
              %sub3A_1278 = arith.constant 127 : i32
              %sub3A_1279 = vector.broadcast %sub3A_1278 : i32 to vector<16xi32>
              %sub3A_1280 = arith.subi %and3A_1277, %sub3A_1279 : vector<16xi32>
              %and3A_1281 = arith.constant 8388607 : i32
              %and3A_1282 = vector.broadcast %and3A_1281 : i32 to vector<16xi32>
              %and3A_1283 = arith.andi %bitcast_convert_type3A_1271, %and3A_1282 : vector<16xi32>
              %or3A_1284 = arith.constant 1065353216 : i32
              %or3A_1285 = vector.broadcast %or3A_1284 : i32 to vector<16xi32>
              %or3A_1286 = arith.ori %and3A_1283, %or3A_1285 : vector<16xi32>
              %bitcast_convert_type3A_1287 = tpu.bitcast %or3A_1286 : vector<16xi32> -> vector<16xf32>
              %gt3A_1288 = arith.constant 1.41421354 : f32
              %gt3A_1289 = vector.broadcast %gt3A_1288 : f32 to vector<16xf32>
              %gt3A_1290 = arith.cmpf ogt, %bitcast_convert_type3A_1287, %gt3A_1289 : vector<16xf32>
              %mul3A_1291 = arith.constant 5.000000e-01 : f32
              %mul3A_1292 = vector.broadcast %mul3A_1291 : f32 to vector<16xf32>
              %mul3A_1293 = arith.mulf %bitcast_convert_type3A_1287, %mul3A_1292 : vector<16xf32>
              %select_n3A_1294 = arith.select %gt3A_1290, %mul3A_1293, %bitcast_convert_type3A_1287 : vector<16xi1>, vector<16xf32>
              %convert_element_type3A_1295 = arith.sitofp %sub3A_1280 : vector<16xi32> to vector<16xf32>
              %jit3A_1296 = arith.constant 1.000000e+00 : f32
              %jit3A_1297 = arith.constant 0.000000e+00 : f32
              %broadcast_in_dim3A_1298 = vector.broadcast %jit3A_1296 : f32 to vector<16xf32>
              %broadcast_in_dim3A_1299 = vector.broadcast %jit3A_1297 : f32 to vector<16xf32>
              %select_n3A_1300 = arith.select %gt3A_1290, %broadcast_in_dim3A_1298, %broadcast_in_dim3A_1299 : vector<16xi1>, vector<16xf32>
              %add3A_1301 = arith.addf %convert_element_type3A_1295, %select_n3A_1300 : vector<16xf32>
              %sub3A_1302 = arith.constant 1.000000e+00 : f32
              %sub3A_1303 = vector.broadcast %sub3A_1302 : f32 to vector<16xf32>
              %sub3A_1304 = arith.subf %select_n3A_1294, %sub3A_1303 : vector<16xf32>
              %add3A_1305 = arith.constant 1.000000e+00 : f32
              %add3A_1306 = vector.broadcast %add3A_1305 : f32 to vector<16xf32>
              %add3A_1307 = arith.addf %select_n3A_1294, %add3A_1306 : vector<16xf32>
              %div3A_1308 = arith.divf %sub3A_1304, %add3A_1307 : vector<16xf32>
              %mul3A_1309 = arith.mulf %div3A_1308, %div3A_1308 : vector<16xf32>
              %mul3A_1310 = arith.constant 0.111111112 : f32
              %mul3A_1311 = vector.broadcast %mul3A_1310 : f32 to vector<16xf32>
              %mul3A_1312 = arith.mulf %mul3A_1311, %mul3A_1309 : vector<16xf32>
              %add3A_1313 = arith.constant 0.142857149 : f32
              %add3A_1314 = vector.broadcast %add3A_1313 : f32 to vector<16xf32>
              %add3A_1315 = arith.addf %mul3A_1312, %add3A_1314 : vector<16xf32>
              %mul3A_1316 = arith.mulf %add3A_1315, %mul3A_1309 : vector<16xf32>
              %add3A_1317 = arith.constant 2.000000e-01 : f32
              %add3A_1318 = vector.broadcast %add3A_1317 : f32 to vector<16xf32>
              %add3A_1319 = arith.addf %mul3A_1316, %add3A_1318 : vector<16xf32>
              %mul3A_1320 = arith.mulf %add3A_1319, %mul3A_1309 : vector<16xf32>
              %add3A_1321 = arith.constant 0.333333343 : f32
              %add3A_1322 = vector.broadcast %add3A_1321 : f32 to vector<16xf32>
              %add3A_1323 = arith.addf %mul3A_1320, %add3A_1322 : vector<16xf32>
              %mul3A_1324 = arith.mulf %add3A_1323, %mul3A_1309 : vector<16xf32>
              %add3A_1325 = arith.constant 1.000000e+00 : f32
              %add3A_1326 = vector.broadcast %add3A_1325 : f32 to vector<16xf32>
              %add3A_1327 = arith.addf %mul3A_1324, %add3A_1326 : vector<16xf32>
              %mul3A_1328 = arith.constant 0.693147182 : f32
              %mul3A_1329 = vector.broadcast %mul3A_1328 : f32 to vector<16xf32>
              %mul3A_1330 = arith.mulf %add3A_1301, %mul3A_1329 : vector<16xf32>
              %mul3A_1331 = arith.constant 2.000000e+00 : f32
              %mul3A_1332 = vector.broadcast %mul3A_1331 : f32 to vector<16xf32>
              %mul3A_1333 = arith.mulf %mul3A_1332, %div3A_1308 : vector<16xf32>
              %mul3A_1334 = arith.mulf %mul3A_1333, %add3A_1327 : vector<16xf32>
              %add3A_1335 = arith.addf %mul3A_1330, %mul3A_1334 : vector<16xf32>
              %add3A_1336 = arith.addf %scan3A_419, %add3A_1335 : vector<16xf32>
              %mul3A_1337 = arith.mulf %scan3A_435, %add3A_1336 : vector<16xf32>
              %sub3A_1338 = arith.subf %sub3A_1270, %mul3A_1337 : vector<16xf32>
              %get3A_1339 = arith.constant 0 : index
              %get3A_1340 = tpu.vector_load %arg14[%get3A_1339] {strides = array<i32>} : memref<16xf32, #tpu.memory_space<vmem>>, vector<16xf32>,
              %get3A_1341 = vector.shape_cast %get3A_1340 : vector<16xf32> to vector<16xf32>
              %add3A_1342 = arith.addf %get3A_1341, %sub3A_1338 : vector<16xf32>
              %swap3A_1343 = arith.constant 0 : index
              %swap3A_1344 = tpu.vector_load %arg14[%swap3A_1343] {strides = array<i32>} : memref<16xf32, #tpu.memory_space<vmem>>, vector<16xf32>,
              %swap3A_1345 = vector.shape_cast %swap3A_1344 : vector<16xf32> to vector<16xf32>
              %swap3A_1346 = vector.shape_cast %add3A_1342 : vector<16xf32> to vector<16xf32>
              tpu.vector_store %arg14[%swap3A_1343], %swap3A_1346 {strides = array<i32>} : memref<16xf32, #tpu.memory_space<vmem>>, vector<16xf32>,
              scf.yield %scan3A_411 : i32
            }
            scf.yield %cond3A_801 : i32
          } else {
            scf.yield %scan3A_411 : i32
          }
          scf.yield %cond3A_796 : i32
        } else {
          scf.yield %scan3A_411 : i32
        }
        %select_n3A = arith.select %ne3A, %squeeze3A, %scan3A_410 : i32
        %select_n3A_443 = arith.select %ne3A, %broadcast_in_dim3A_3, %scan3A_436 : vector<16xf32>
        %get3A_444 = arith.constant 0 : i32
        %get3A_445 = arith.index_cast %get3A_444 : i32 to index
        %get3A_446 = arith.index_cast %scan3A_409 : i32 to index
        %get3A_447 = arith.constant 0 : index
        %get3A_448 = tpu.vector_load %arg8[%get3A_445, %get3A_446, %get3A_447] {strides = array<i32>} : memref<2x200x128xf32, #tpu.memory_space<vmem>>, vector<1x1x16xf32>,
        %get3A_449 = vector.shape_cast %get3A_448 : vector<1x1x16xf32> to vector<16xf32>
        %get3A_450 = arith.constant 0 : i32
        %get3A_451 = arith.index_cast %get3A_450 : i32 to index
        %get3A_452 = arith.index_cast %scan3A_409 : i32 to index
        %get3A_453 = arith.constant 0 : index
        %get3A_454 = tpu.vector_load %arg9[%get3A_451, %get3A_452, %get3A_453] {strides = array<i32>} : memref<2x200x128xf32, #tpu.memory_space<vmem>>, vector<1x1x16xf32>,
        %get3A_455 = vector.shape_cast %get3A_454 : vector<1x1x16xf32> to vector<16xf32>
        %select_n3A_456 = arith.select %ne3A, %get3A_449, %scan3A_412 : vector<16xf32>
        %select_n3A_457 = arith.select %ne3A, %broadcast_in_dim3A_3, %scan3A_420 : vector<16xf32>
        %sub3A = arith.subf %get3A_449, %select_n3A_456 : vector<16xf32>
        %exp3A = math.exp %sub3A : vector<16xf32>
        %add3A_458 = arith.addf %select_n3A_457, %exp3A : vector<16xf32>
        %select_n3A_459 = arith.select %ne3A, %broadcast_in_dim3A_3, %scan3A_428 : vector<16xf32>
        %add3A_460 = arith.addf %select_n3A_459, %get3A_455 : vector<16xf32>
        %mul3A_461 = arith.mulf %get3A_455, %get3A_449 : vector<16xf32>
        %add3A_462 = arith.addf %select_n3A_443, %mul3A_461 : vector<16xf32>
        %get3A_463 = arith.constant 0 : i32
        %get3A_464 = arith.index_cast %get3A_463 : i32 to index
        %get3A_465 = arith.index_cast %scan3A_409 : i32 to index
        %get3A_466 = arith.constant 16 : index
        %get3A_467 = tpu.vector_load %arg8[%get3A_464, %get3A_465, %get3A_466] {strides = array<i32>} : memref<2x200x128xf32, #tpu.memory_space<vmem>>, vector<1x1x16xf32>,
        %get3A_468 = vector.shape_cast %get3A_467 : vector<1x1x16xf32> to vector<16xf32>
        %get3A_469 = arith.constant 0 : i32
        %get3A_470 = arith.index_cast %get3A_469 : i32 to index
        %get3A_471 = arith.index_cast %scan3A_409 : i32 to index
        %get3A_472 = arith.constant 16 : index
        %get3A_473 = tpu.vector_load %arg9[%get3A_470, %get3A_471, %get3A_472] {strides = array<i32>} : memref<2x200x128xf32, #tpu.memory_space<vmem>>, vector<1x1x16xf32>,
        %get3A_474 = vector.shape_cast %get3A_473 : vector<1x1x16xf32> to vector<16xf32>
        %select_n3A_475 = arith.select %ne3A, %get3A_468, %scan3A_413 : vector<16xf32>
        %select_n3A_476 = arith.select %ne3A, %broadcast_in_dim3A_3, %scan3A_421 : vector<16xf32>
        %sub3A_477 = arith.subf %get3A_468, %select_n3A_475 : vector<16xf32>
        %exp3A_478 = math.exp %sub3A_477 : vector<16xf32>
        %add3A_479 = arith.addf %select_n3A_476, %exp3A_478 : vector<16xf32>
        %select_n3A_480 = arith.select %ne3A, %broadcast_in_dim3A_3, %scan3A_429 : vector<16xf32>
        %add3A_481 = arith.addf %select_n3A_480, %get3A_474 : vector<16xf32>
        %mul3A_482 = arith.mulf %get3A_474, %get3A_468 : vector<16xf32>
        %add3A_483 = arith.addf %add3A_462, %mul3A_482 : vector<16xf32>
        %get3A_484 = arith.constant 0 : i32
        %get3A_485 = arith.index_cast %get3A_484 : i32 to index
        %get3A_486 = arith.index_cast %scan3A_409 : i32 to index
        %get3A_487 = arith.constant 32 : index
        %get3A_488 = tpu.vector_load %arg8[%get3A_485, %get3A_486, %get3A_487] {strides = array<i32>} : memref<2x200x128xf32, #tpu.memory_space<vmem>>, vector<1x1x16xf32>,
        %get3A_489 = vector.shape_cast %get3A_488 : vector<1x1x16xf32> to vector<16xf32>
        %get3A_490 = arith.constant 0 : i32
        %get3A_491 = arith.index_cast %get3A_490 : i32 to index
        %get3A_492 = arith.index_cast %scan3A_409 : i32 to index
        %get3A_493 = arith.constant 32 : index
        %get3A_494 = tpu.vector_load %arg9[%get3A_491, %get3A_492, %get3A_493] {strides = array<i32>} : memref<2x200x128xf32, #tpu.memory_space<vmem>>, vector<1x1x16xf32>,
        %get3A_495 = vector.shape_cast %get3A_494 : vector<1x1x16xf32> to vector<16xf32>
        %select_n3A_496 = arith.select %ne3A, %get3A_489, %scan3A_414 : vector<16xf32>
        %select_n3A_497 = arith.select %ne3A, %broadcast_in_dim3A_3, %scan3A_422 : vector<16xf32>
        %sub3A_498 = arith.subf %get3A_489, %select_n3A_496 : vector<16xf32>
        %exp3A_499 = math.exp %sub3A_498 : vector<16xf32>
        %add3A_500 = arith.addf %select_n3A_497, %exp3A_499 : vector<16xf32>
        %select_n3A_501 = arith.select %ne3A, %broadcast_in_dim3A_3, %scan3A_430 : vector<16xf32>
        %add3A_502 = arith.addf %select_n3A_501, %get3A_495 : vector<16xf32>
        %mul3A_503 = arith.mulf %get3A_495, %get3A_489 : vector<16xf32>
        %add3A_504 = arith.addf %add3A_483, %mul3A_503 : vector<16xf32>
        %get3A_505 = arith.constant 0 : i32
        %get3A_506 = arith.index_cast %get3A_505 : i32 to index
        %get3A_507 = arith.index_cast %scan3A_409 : i32 to index
        %get3A_508 = arith.constant 48 : index
        %get3A_509 = tpu.vector_load %arg8[%get3A_506, %get3A_507, %get3A_508] {strides = array<i32>} : memref<2x200x128xf32, #tpu.memory_space<vmem>>, vector<1x1x16xf32>,
        %get3A_510 = vector.shape_cast %get3A_509 : vector<1x1x16xf32> to vector<16xf32>
        %get3A_511 = arith.constant 0 : i32
        %get3A_512 = arith.index_cast %get3A_511 : i32 to index
        %get3A_513 = arith.index_cast %scan3A_409 : i32 to index
        %get3A_514 = arith.constant 48 : index
        %get3A_515 = tpu.vector_load %arg9[%get3A_512, %get3A_513, %get3A_514] {strides = array<i32>} : memref<2x200x128xf32, #tpu.memory_space<vmem>>, vector<1x1x16xf32>,
        %get3A_516 = vector.shape_cast %get3A_515 : vector<1x1x16xf32> to vector<16xf32>
        %select_n3A_517 = arith.select %ne3A, %get3A_510, %scan3A_415 : vector<16xf32>
        %select_n3A_518 = arith.select %ne3A, %broadcast_in_dim3A_3, %scan3A_423 : vector<16xf32>
        %sub3A_519 = arith.subf %get3A_510, %select_n3A_517 : vector<16xf32>
        %exp3A_520 = math.exp %sub3A_519 : vector<16xf32>
        %add3A_521 = arith.addf %select_n3A_518, %exp3A_520 : vector<16xf32>
        %select_n3A_522 = arith.select %ne3A, %broadcast_in_dim3A_3, %scan3A_431 : vector<16xf32>
        %add3A_523 = arith.addf %select_n3A_522, %get3A_516 : vector<16xf32>
        %mul3A_524 = arith.mulf %get3A_516, %get3A_510 : vector<16xf32>
        %add3A_525 = arith.addf %add3A_504, %mul3A_524 : vector<16xf32>
        %get3A_526 = arith.constant 0 : i32
        %get3A_527 = arith.index_cast %get3A_526 : i32 to index
        %get3A_528 = arith.index_cast %scan3A_409 : i32 to index
        %get3A_529 = arith.constant 64 : index
        %get3A_530 = tpu.vector_load %arg8[%get3A_527, %get3A_528, %get3A_529] {strides = array<i32>} : memref<2x200x128xf32, #tpu.memory_space<vmem>>, vector<1x1x16xf32>,
        %get3A_531 = vector.shape_cast %get3A_530 : vector<1x1x16xf32> to vector<16xf32>
        %get3A_532 = arith.constant 0 : i32
        %get3A_533 = arith.index_cast %get3A_532 : i32 to index
        %get3A_534 = arith.index_cast %scan3A_409 : i32 to index
        %get3A_535 = arith.constant 64 : index
        %get3A_536 = tpu.vector_load %arg9[%get3A_533, %get3A_534, %get3A_535] {strides = array<i32>} : memref<2x200x128xf32, #tpu.memory_space<vmem>>, vector<1x1x16xf32>,
        %get3A_537 = vector.shape_cast %get3A_536 : vector<1x1x16xf32> to vector<16xf32>
        %select_n3A_538 = arith.select %ne3A, %get3A_531, %scan3A_416 : vector<16xf32>
        %select_n3A_539 = arith.select %ne3A, %broadcast_in_dim3A_3, %scan3A_424 : vector<16xf32>
        %sub3A_540 = arith.subf %get3A_531, %select_n3A_538 : vector<16xf32>
        %exp3A_541 = math.exp %sub3A_540 : vector<16xf32>
        %add3A_542 = arith.addf %select_n3A_539, %exp3A_541 : vector<16xf32>
        %select_n3A_543 = arith.select %ne3A, %broadcast_in_dim3A_3, %scan3A_432 : vector<16xf32>
        %add3A_544 = arith.addf %select_n3A_543, %get3A_537 : vector<16xf32>
        %mul3A_545 = arith.mulf %get3A_537, %get3A_531 : vector<16xf32>
        %add3A_546 = arith.addf %add3A_525, %mul3A_545 : vector<16xf32>
        %get3A_547 = arith.constant 0 : i32
        %get3A_548 = arith.index_cast %get3A_547 : i32 to index
        %get3A_549 = arith.index_cast %scan3A_409 : i32 to index
        %get3A_550 = arith.constant 80 : index
        %get3A_551 = tpu.vector_load %arg8[%get3A_548, %get3A_549, %get3A_550] {strides = array<i32>} : memref<2x200x128xf32, #tpu.memory_space<vmem>>, vector<1x1x16xf32>,
        %get3A_552 = vector.shape_cast %get3A_551 : vector<1x1x16xf32> to vector<16xf32>
        %get3A_553 = arith.constant 0 : i32
        %get3A_554 = arith.index_cast %get3A_553 : i32 to index
        %get3A_555 = arith.index_cast %scan3A_409 : i32 to index
        %get3A_556 = arith.constant 80 : index
        %get3A_557 = tpu.vector_load %arg9[%get3A_554, %get3A_555, %get3A_556] {strides = array<i32>} : memref<2x200x128xf32, #tpu.memory_space<vmem>>, vector<1x1x16xf32>,
        %get3A_558 = vector.shape_cast %get3A_557 : vector<1x1x16xf32> to vector<16xf32>
        %select_n3A_559 = arith.select %ne3A, %get3A_552, %scan3A_417 : vector<16xf32>
        %select_n3A_560 = arith.select %ne3A, %broadcast_in_dim3A_3, %scan3A_425 : vector<16xf32>
        %sub3A_561 = arith.subf %get3A_552, %select_n3A_559 : vector<16xf32>
        %exp3A_562 = math.exp %sub3A_561 : vector<16xf32>
        %add3A_563 = arith.addf %select_n3A_560, %exp3A_562 : vector<16xf32>
        %select_n3A_564 = arith.select %ne3A, %broadcast_in_dim3A_3, %scan3A_433 : vector<16xf32>
        %add3A_565 = arith.addf %select_n3A_564, %get3A_558 : vector<16xf32>
        %mul3A_566 = arith.mulf %get3A_558, %get3A_552 : vector<16xf32>
        %add3A_567 = arith.addf %add3A_546, %mul3A_566 : vector<16xf32>
        %get3A_568 = arith.constant 0 : i32
        %get3A_569 = arith.index_cast %get3A_568 : i32 to index
        %get3A_570 = arith.index_cast %scan3A_409 : i32 to index
        %get3A_571 = arith.constant 96 : index
        %get3A_572 = tpu.vector_load %arg8[%get3A_569, %get3A_570, %get3A_571] {strides = array<i32>} : memref<2x200x128xf32, #tpu.memory_space<vmem>>, vector<1x1x16xf32>,
        %get3A_573 = vector.shape_cast %get3A_572 : vector<1x1x16xf32> to vector<16xf32>
        %get3A_574 = arith.constant 0 : i32
        %get3A_575 = arith.index_cast %get3A_574 : i32 to index
        %get3A_576 = arith.index_cast %scan3A_409 : i32 to index
        %get3A_577 = arith.constant 96 : index
        %get3A_578 = tpu.vector_load %arg9[%get3A_575, %get3A_576, %get3A_577] {strides = array<i32>} : memref<2x200x128xf32, #tpu.memory_space<vmem>>, vector<1x1x16xf32>,
        %get3A_579 = vector.shape_cast %get3A_578 : vector<1x1x16xf32> to vector<16xf32>
        %select_n3A_580 = arith.select %ne3A, %get3A_573, %scan3A_418 : vector<16xf32>
        %select_n3A_581 = arith.select %ne3A, %broadcast_in_dim3A_3, %scan3A_426 : vector<16xf32>
        %sub3A_582 = arith.subf %get3A_573, %select_n3A_580 : vector<16xf32>
        %exp3A_583 = math.exp %sub3A_582 : vector<16xf32>
        %add3A_584 = arith.addf %select_n3A_581, %exp3A_583 : vector<16xf32>
        %select_n3A_585 = arith.select %ne3A, %broadcast_in_dim3A_3, %scan3A_434 : vector<16xf32>
        %add3A_586 = arith.addf %select_n3A_585, %get3A_579 : vector<16xf32>
        %mul3A_587 = arith.mulf %get3A_579, %get3A_573 : vector<16xf32>
        %add3A_588 = arith.addf %add3A_567, %mul3A_587 : vector<16xf32>
        %get3A_589 = arith.constant 0 : i32
        %get3A_590 = arith.index_cast %get3A_589 : i32 to index
        %get3A_591 = arith.index_cast %scan3A_409 : i32 to index
        %get3A_592 = arith.constant 112 : index
        %get3A_593 = tpu.vector_load %arg8[%get3A_590, %get3A_591, %get3A_592] {strides = array<i32>} : memref<2x200x128xf32, #tpu.memory_space<vmem>>, vector<1x1x16xf32>,
        %get3A_594 = vector.shape_cast %get3A_593 : vector<1x1x16xf32> to vector<16xf32>
        %get3A_595 = arith.constant 0 : i32
        %get3A_596 = arith.index_cast %get3A_595 : i32 to index
        %get3A_597 = arith.index_cast %scan3A_409 : i32 to index
        %get3A_598 = arith.constant 112 : index
        %get3A_599 = tpu.vector_load %arg9[%get3A_596, %get3A_597, %get3A_598] {strides = array<i32>} : memref<2x200x128xf32, #tpu.memory_space<vmem>>, vector<1x1x16xf32>,
        %get3A_600 = vector.shape_cast %get3A_599 : vector<1x1x16xf32> to vector<16xf32>
        %select_n3A_601 = arith.select %ne3A, %get3A_594, %scan3A_419 : vector<16xf32>
        %select_n3A_602 = arith.select %ne3A, %broadcast_in_dim3A_3, %scan3A_427 : vector<16xf32>
        %sub3A_603 = arith.subf %get3A_594, %select_n3A_601 : vector<16xf32>
        %exp3A_604 = math.exp %sub3A_603 : vector<16xf32>
        %add3A_605 = arith.addf %select_n3A_602, %exp3A_604 : vector<16xf32>
        %select_n3A_606 = arith.select %ne3A, %broadcast_in_dim3A_3, %scan3A_435 : vector<16xf32>
        %add3A_607 = arith.addf %select_n3A_606, %get3A_600 : vector<16xf32>
        %mul3A_608 = arith.mulf %get3A_600, %get3A_594 : vector<16xf32>
        %add3A_609 = arith.addf %add3A_588, %mul3A_608 : vector<16xf32>
        %scan3A_610 = arith.constant 1 : i32
        %scan3A_611 = arith.addi %scan3A_409, %scan3A_610 : i32
        %get3A_612 = arith.index_cast %scan3A_611 : i32 to index
        %get3A_613 = tpu.vector_load %arg10[%get3A_612] {strides = array<i32>} : memref<216xi32, #tpu.memory_space<vmem>>, vector<16xi32>,
        %get3A_614 = vector.shape_cast %get3A_613 : vector<16xi32> to vector<16xi32>
        %slice3A_615 = vector.extract_strided_slice %get3A_614 {offsets = [0], sizes = [1], strides = [1]} : vector<16xi32> to vector<1xi32>
        %squeeze3A_616 = vector.extract %slice3A_615[0] : i32 from vector<1xi32>
        %ne3A_617 = arith.cmpi ne, %squeeze3A_616, %select_n3A : i32
        %convert_element_type3A_618 = arith.extui %ne3A_617 : i1 to i32
        %cond3A_619 = arith.constant 0 : i32
        %cond3A_620 = arith.cmpi ne, %convert_element_type3A_618, %cond3A_619 : i32
        %cond3A_621 = scf.if %cond3A_620 -> (i32) {
          %ge3A = arith.constant 0 : i32
          %ge3A_792 = arith.cmpi sge, %select_n3A, %ge3A : i32
          %convert_element_type3A_793 = arith.extui %ge3A_792 : i1 to i32
          %cond3A_794 = arith.constant 0 : i32
          %cond3A_795 = arith.cmpi ne, %convert_element_type3A_793, %cond3A_794 : i32
          %cond3A_796 = scf.if %cond3A_795 -> (i32) {
            %eq3A = arith.constant 0 : i32
            %eq3A_797 = arith.cmpi eq, %cond3A_442, %eq3A : i32
            %convert_element_type3A_798 = arith.extui %eq3A_797 : i1 to i32
            %cond3A_799 = arith.constant 0 : i32
            %cond3A_800 = arith.cmpi ne, %convert_element_type3A_798, %cond3A_799 : i32
            %cond3A_801 = scf.if %cond3A_800 -> (i32) {
              %swap3A_802 = arith.constant 0 : index
              %swap3A_803 = tpu.vector_load %arg12[%swap3A_802] {strides = array<i32>} : memref<768xf32, #tpu.memory_space<vmem>>, vector<16xf32>,
              %swap3A_804 = vector.shape_cast %swap3A_803 : vector<16xf32> to vector<16xf32>
              %swap3A_805 = vector.shape_cast %add3A_458 : vector<16xf32> to vector<16xf32>
              tpu.vector_store %arg12[%swap3A_802], %swap3A_805 {strides = array<i32>} : memref<768xf32, #tpu.memory_space<vmem>>, vector<16xf32>,
              %swap3A_806 = arith.constant 128 : index
              %swap3A_807 = tpu.vector_load %arg12[%swap3A_806] {strides = array<i32>} : memref<768xf32, #tpu.memory_space<vmem>>, vector<16xf32>,
              %swap3A_808 = vector.shape_cast %swap3A_807 : vector<16xf32> to vector<16xf32>
              %swap3A_809 = vector.shape_cast %add3A_460 : vector<16xf32> to vector<16xf32>
              tpu.vector_store %arg12[%swap3A_806], %swap3A_809 {strides = array<i32>} : memref<768xf32, #tpu.memory_space<vmem>>, vector<16xf32>,
              %swap3A_810 = arith.constant 256 : index
              %swap3A_811 = tpu.vector_load %arg12[%swap3A_810] {strides = array<i32>} : memref<768xf32, #tpu.memory_space<vmem>>, vector<16xf32>,
              %swap3A_812 = vector.shape_cast %swap3A_811 : vector<16xf32> to vector<16xf32>
              %swap3A_813 = vector.shape_cast %select_n3A_456 : vector<16xf32> to vector<16xf32>
              tpu.vector_store %arg12[%swap3A_810], %swap3A_813 {strides = array<i32>} : memref<768xf32, #tpu.memory_space<vmem>>, vector<16xf32>,
              %swap3A_814 = arith.constant 16 : index
              %swap3A_815 = tpu.vector_load %arg12[%swap3A_814] {strides = array<i32>} : memref<768xf32, #tpu.memory_space<vmem>>, vector<16xf32>,
              %swap3A_816 = vector.shape_cast %swap3A_815 : vector<16xf32> to vector<16xf32>
              %swap3A_817 = vector.shape_cast %add3A_479 : vector<16xf32> to vector<16xf32>
              tpu.vector_store %arg12[%swap3A_814], %swap3A_817 {strides = array<i32>} : memref<768xf32, #tpu.memory_space<vmem>>, vector<16xf32>,
              %swap3A_818 = arith.constant 144 : index
              %swap3A_819 = tpu.vector_load %arg12[%swap3A_818] {strides = array<i32>} : memref<768xf32, #tpu.memory_space<vmem>>, vector<16xf32>,
              %swap3A_820 = vector.shape_cast %swap3A_819 : vector<16xf32> to vector<16xf32>
              %swap3A_821 = vector.shape_cast %add3A_481 : vector<16xf32> to vector<16xf32>
              tpu.vector_store %arg12[%swap3A_818], %swap3A_821 {strides = array<i32>} : memref<768xf32, #tpu.memory_space<vmem>>, vector<16xf32>,
              %swap3A_822 = arith.constant 272 : index
              %swap3A_823 = tpu.vector_load %arg12[%swap3A_822] {strides = array<i32>} : memref<768xf32, #tpu.memory_space<vmem>>, vector<16xf32>,
              %swap3A_824 = vector.shape_cast %swap3A_823 : vector<16xf32> to vector<16xf32>
              %swap3A_825 = vector.shape_cast %select_n3A_475 : vector<16xf32> to vector<16xf32>
              tpu.vector_store %arg12[%swap3A_822], %swap3A_825 {strides = array<i32>} : memref<768xf32, #tpu.memory_space<vmem>>, vector<16xf32>,
              %swap3A_826 = arith.constant 32 : index
              %swap3A_827 = tpu.vector_load %arg12[%swap3A_826] {strides = array<i32>} : memref<768xf32, #tpu.memory_space<vmem>>, vector<16xf32>,
              %swap3A_828 = vector.shape_cast %swap3A_827 : vector<16xf32> to vector<16xf32>
              %swap3A_829 = vector.shape_cast %add3A_500 : vector<16xf32> to vector<16xf32>
              tpu.vector_store %arg12[%swap3A_826], %swap3A_829 {strides = array<i32>} : memref<768xf32, #tpu.memory_space<vmem>>, vector<16xf32>,
              %swap3A_830 = arith.constant 160 : index
              %swap3A_831 = tpu.vector_load %arg12[%swap3A_830] {strides = array<i32>} : memref<768xf32, #tpu.memory_space<vmem>>, vector<16xf32>,
              %swap3A_832 = vector.shape_cast %swap3A_831 : vector<16xf32> to vector<16xf32>
              %swap3A_833 = vector.shape_cast %add3A_502 : vector<16xf32> to vector<16xf32>
              tpu.vector_store %arg12[%swap3A_830], %swap3A_833 {strides = array<i32>} : memref<768xf32, #tpu.memory_space<vmem>>, vector<16xf32>,
              %swap3A_834 = arith.constant 288 : index
              %swap3A_835 = tpu.vector_load %arg12[%swap3A_834] {strides = array<i32>} : memref<768xf32, #tpu.memory_space<vmem>>, vector<16xf32>,
              %swap3A_836 = vector.shape_cast %swap3A_835 : vector<16xf32> to vector<16xf32>
              %swap3A_837 = vector.shape_cast %select_n3A_496 : vector<16xf32> to vector<16xf32>
              tpu.vector_store %arg12[%swap3A_834], %swap3A_837 {strides = array<i32>} : memref<768xf32, #tpu.memory_space<vmem>>, vector<16xf32>,
              %swap3A_838 = arith.constant 48 : index
              %swap3A_839 = tpu.vector_load %arg12[%swap3A_838] {strides = array<i32>} : memref<768xf32, #tpu.memory_space<vmem>>, vector<16xf32>,
              %swap3A_840 = vector.shape_cast %swap3A_839 : vector<16xf32> to vector<16xf32>
              %swap3A_841 = vector.shape_cast %add3A_521 : vector<16xf32> to vector<16xf32>
              tpu.vector_store %arg12[%swap3A_838], %swap3A_841 {strides = array<i32>} : memref<768xf32, #tpu.memory_space<vmem>>, vector<16xf32>,
              %swap3A_842 = arith.constant 176 : index
              %swap3A_843 = tpu.vector_load %arg12[%swap3A_842] {strides = array<i32>} : memref<768xf32, #tpu.memory_space<vmem>>, vector<16xf32>,
              %swap3A_844 = vector.shape_cast %swap3A_843 : vector<16xf32> to vector<16xf32>
              %swap3A_845 = vector.shape_cast %add3A_523 : vector<16xf32> to vector<16xf32>
              tpu.vector_store %arg12[%swap3A_842], %swap3A_845 {strides = array<i32>} : memref<768xf32, #tpu.memory_space<vmem>>, vector<16xf32>,
              %swap3A_846 = arith.constant 304 : index
              %swap3A_847 = tpu.vector_load %arg12[%swap3A_846] {strides = array<i32>} : memref<768xf32, #tpu.memory_space<vmem>>, vector<16xf32>,
              %swap3A_848 = vector.shape_cast %swap3A_847 : vector<16xf32> to vector<16xf32>
              %swap3A_849 = vector.shape_cast %select_n3A_517 : vector<16xf32> to vector<16xf32>
              tpu.vector_store %arg12[%swap3A_846], %swap3A_849 {strides = array<i32>} : memref<768xf32, #tpu.memory_space<vmem>>, vector<16xf32>,
              %swap3A_850 = arith.constant 64 : index
              %swap3A_851 = tpu.vector_load %arg12[%swap3A_850] {strides = array<i32>} : memref<768xf32, #tpu.memory_space<vmem>>, vector<16xf32>,
              %swap3A_852 = vector.shape_cast %swap3A_851 : vector<16xf32> to vector<16xf32>
              %swap3A_853 = vector.shape_cast %add3A_542 : vector<16xf32> to vector<16xf32>
              tpu.vector_store %arg12[%swap3A_850], %swap3A_853 {strides = array<i32>} : memref<768xf32, #tpu.memory_space<vmem>>, vector<16xf32>,
              %swap3A_854 = arith.constant 192 : index
              %swap3A_855 = tpu.vector_load %arg12[%swap3A_854] {strides = array<i32>} : memref<768xf32, #tpu.memory_space<vmem>>, vector<16xf32>,
              %swap3A_856 = vector.shape_cast %swap3A_855 : vector<16xf32> to vector<16xf32>
              %swap3A_857 = vector.shape_cast %add3A_544 : vector<16xf32> to vector<16xf32>
              tpu.vector_store %arg12[%swap3A_854], %swap3A_857 {strides = array<i32>} : memref<768xf32, #tpu.memory_space<vmem>>, vector<16xf32>,
              %swap3A_858 = arith.constant 320 : index
              %swap3A_859 = tpu.vector_load %arg12[%swap3A_858] {strides = array<i32>} : memref<768xf32, #tpu.memory_space<vmem>>, vector<16xf32>,
              %swap3A_860 = vector.shape_cast %swap3A_859 : vector<16xf32> to vector<16xf32>
              %swap3A_861 = vector.shape_cast %select_n3A_538 : vector<16xf32> to vector<16xf32>
              tpu.vector_store %arg12[%swap3A_858], %swap3A_861 {strides = array<i32>} : memref<768xf32, #tpu.memory_space<vmem>>, vector<16xf32>,
              %swap3A_862 = arith.constant 80 : index
              %swap3A_863 = tpu.vector_load %arg12[%swap3A_862] {strides = array<i32>} : memref<768xf32, #tpu.memory_space<vmem>>, vector<16xf32>,
              %swap3A_864 = vector.shape_cast %swap3A_863 : vector<16xf32> to vector<16xf32>
              %swap3A_865 = vector.shape_cast %add3A_563 : vector<16xf32> to vector<16xf32>
              tpu.vector_store %arg12[%swap3A_862], %swap3A_865 {strides = array<i32>} : memref<768xf32, #tpu.memory_space<vmem>>, vector<16xf32>,
              %swap3A_866 = arith.constant 208 : index
              %swap3A_867 = tpu.vector_load %arg12[%swap3A_866] {strides = array<i32>} : memref<768xf32, #tpu.memory_space<vmem>>, vector<16xf32>,
              %swap3A_868 = vector.shape_cast %swap3A_867 : vector<16xf32> to vector<16xf32>
              %swap3A_869 = vector.shape_cast %add3A_565 : vector<16xf32> to vector<16xf32>
              tpu.vector_store %arg12[%swap3A_866], %swap3A_869 {strides = array<i32>} : memref<768xf32, #tpu.memory_space<vmem>>, vector<16xf32>,
              %swap3A_870 = arith.constant 336 : index
              %swap3A_871 = tpu.vector_load %arg12[%swap3A_870] {strides = array<i32>} : memref<768xf32, #tpu.memory_space<vmem>>, vector<16xf32>,
              %swap3A_872 = vector.shape_cast %swap3A_871 : vector<16xf32> to vector<16xf32>
              %swap3A_873 = vector.shape_cast %select_n3A_559 : vector<16xf32> to vector<16xf32>
              tpu.vector_store %arg12[%swap3A_870], %swap3A_873 {strides = array<i32>} : memref<768xf32, #tpu.memory_space<vmem>>, vector<16xf32>,
              %swap3A_874 = arith.constant 96 : index
              %swap3A_875 = tpu.vector_load %arg12[%swap3A_874] {strides = array<i32>} : memref<768xf32, #tpu.memory_space<vmem>>, vector<16xf32>,
              %swap3A_876 = vector.shape_cast %swap3A_875 : vector<16xf32> to vector<16xf32>
              %swap3A_877 = vector.shape_cast %add3A_584 : vector<16xf32> to vector<16xf32>
              tpu.vector_store %arg12[%swap3A_874], %swap3A_877 {strides = array<i32>} : memref<768xf32, #tpu.memory_space<vmem>>, vector<16xf32>,
              %swap3A_878 = arith.constant 224 : index
              %swap3A_879 = tpu.vector_load %arg12[%swap3A_878] {strides = array<i32>} : memref<768xf32, #tpu.memory_space<vmem>>, vector<16xf32>,
              %swap3A_880 = vector.shape_cast %swap3A_879 : vector<16xf32> to vector<16xf32>
              %swap3A_881 = vector.shape_cast %add3A_586 : vector<16xf32> to vector<16xf32>
              tpu.vector_store %arg12[%swap3A_878], %swap3A_881 {strides = array<i32>} : memref<768xf32, #tpu.memory_space<vmem>>, vector<16xf32>,
              %swap3A_882 = arith.constant 352 : index
              %swap3A_883 = tpu.vector_load %arg12[%swap3A_882] {strides = array<i32>} : memref<768xf32, #tpu.memory_space<vmem>>, vector<16xf32>,
              %swap3A_884 = vector.shape_cast %swap3A_883 : vector<16xf32> to vector<16xf32>
              %swap3A_885 = vector.shape_cast %select_n3A_580 : vector<16xf32> to vector<16xf32>
              tpu.vector_store %arg12[%swap3A_882], %swap3A_885 {strides = array<i32>} : memref<768xf32, #tpu.memory_space<vmem>>, vector<16xf32>,
              %swap3A_886 = arith.constant 112 : index
              %swap3A_887 = tpu.vector_load %arg12[%swap3A_886] {strides = array<i32>} : memref<768xf32, #tpu.memory_space<vmem>>, vector<16xf32>,
              %swap3A_888 = vector.shape_cast %swap3A_887 : vector<16xf32> to vector<16xf32>
              %swap3A_889 = vector.shape_cast %add3A_605 : vector<16xf32> to vector<16xf32>
              tpu.vector_store %arg12[%swap3A_886], %swap3A_889 {strides = array<i32>} : memref<768xf32, #tpu.memory_space<vmem>>, vector<16xf32>,
              %swap3A_890 = arith.constant 240 : index
              %swap3A_891 = tpu.vector_load %arg12[%swap3A_890] {strides = array<i32>} : memref<768xf32, #tpu.memory_space<vmem>>, vector<16xf32>,
              %swap3A_892 = vector.shape_cast %swap3A_891 : vector<16xf32> to vector<16xf32>
              %swap3A_893 = vector.shape_cast %add3A_607 : vector<16xf32> to vector<16xf32>
              tpu.vector_store %arg12[%swap3A_890], %swap3A_893 {strides = array<i32>} : memref<768xf32, #tpu.memory_space<vmem>>, vector<16xf32>,
              %swap3A_894 = arith.constant 368 : index
              %swap3A_895 = tpu.vector_load %arg12[%swap3A_894] {strides = array<i32>} : memref<768xf32, #tpu.memory_space<vmem>>, vector<16xf32>,
              %swap3A_896 = vector.shape_cast %swap3A_895 : vector<16xf32> to vector<16xf32>
              %swap3A_897 = vector.shape_cast %select_n3A_601 : vector<16xf32> to vector<16xf32>
              tpu.vector_store %arg12[%swap3A_894], %swap3A_897 {strides = array<i32>} : memref<768xf32, #tpu.memory_space<vmem>>, vector<16xf32>,
              %swap3A_898 = arith.constant 0 : index
              %swap3A_899 = tpu.vector_load %arg13[%swap3A_898] {strides = array<i32>} : memref<64xf32, #tpu.memory_space<vmem>>, vector<16xf32>,
              %swap3A_900 = vector.shape_cast %swap3A_899 : vector<16xf32> to vector<16xf32>
              %swap3A_901 = vector.shape_cast %add3A_609 : vector<16xf32> to vector<16xf32>
              tpu.vector_store %arg13[%swap3A_898], %swap3A_901 {strides = array<i32>} : memref<64xf32, #tpu.memory_space<vmem>>, vector<16xf32>,
              %convert_element_type3A_902 = arith.sitofp %select_n3A : i32 to f32
              %broadcast_in_dim3A_903 = vector.broadcast %convert_element_type3A_902 : f32 to vector<16xf32>
              %swap3A_904 = arith.constant 16 : index
              %swap3A_905 = tpu.vector_load %arg13[%swap3A_904] {strides = array<i32>} : memref<64xf32, #tpu.memory_space<vmem>>, vector<16xf32>,
              %swap3A_906 = vector.shape_cast %swap3A_905 : vector<16xf32> to vector<16xf32>
              %swap3A_907 = vector.shape_cast %broadcast_in_dim3A_903 : vector<16xf32> to vector<16xf32>
              tpu.vector_store %arg13[%swap3A_904], %swap3A_907 {strides = array<i32>} : memref<64xf32, #tpu.memory_space<vmem>>, vector<16xf32>,
              %cond3A_908 = arith.constant 1 : i32
              scf.yield %cond3A_908 : i32
            } else {
              %bitcast_convert_type3A = tpu.bitcast %add3A_458 : vector<16xf32> -> vector<16xi32>
              %shift_right_arithmetic3A = arith.constant 23 : i32
              %shift_right_arithmetic3A_802 = vector.broadcast %shift_right_arithmetic3A : i32 to vector<16xi32>
              %shift_right_arithmetic3A_803 = arith.shrsi %bitcast_convert_type3A, %shift_right_arithmetic3A_802 : vector<16xi32>
              %and3A = arith.constant 255 : i32
              %and3A_804 = vector.broadcast %and3A : i32 to vector<16xi32>
              %and3A_805 = arith.andi %shift_right_arithmetic3A_803, %and3A_804 : vector<16xi32>
              %sub3A_806 = arith.constant 127 : i32
              %sub3A_807 = vector.broadcast %sub3A_806 : i32 to vector<16xi32>
              %sub3A_808 = arith.subi %and3A_805, %sub3A_807 : vector<16xi32>
              %and3A_809 = arith.constant 8388607 : i32
              %and3A_810 = vector.broadcast %and3A_809 : i32 to vector<16xi32>
              %and3A_811 = arith.andi %bitcast_convert_type3A, %and3A_810 : vector<16xi32>
              %or3A = arith.constant 1065353216 : i32
              %or3A_812 = vector.broadcast %or3A : i32 to vector<16xi32>
              %or3A_813 = arith.ori %and3A_811, %or3A_812 : vector<16xi32>
              %bitcast_convert_type3A_814 = tpu.bitcast %or3A_813 : vector<16xi32> -> vector<16xf32>
              %gt3A = arith.constant 1.41421354 : f32
              %gt3A_815 = vector.broadcast %gt3A : f32 to vector<16xf32>
              %gt3A_816 = arith.cmpf ogt, %bitcast_convert_type3A_814, %gt3A_815 : vector<16xf32>
              %mul3A_817 = arith.constant 5.000000e-01 : f32
              %mul3A_818 = vector.broadcast %mul3A_817 : f32 to vector<16xf32>
              %mul3A_819 = arith.mulf %bitcast_convert_type3A_814, %mul3A_818 : vector<16xf32>
              %select_n3A_820 = arith.select %gt3A_816, %mul3A_819, %bitcast_convert_type3A_814 : vector<16xi1>, vector<16xf32>
              %convert_element_type3A_821 = arith.sitofp %sub3A_808 : vector<16xi32> to vector<16xf32>
              %jit3A = arith.constant 1.000000e+00 : f32
              %jit3A_822 = arith.constant 0.000000e+00 : f32
              %broadcast_in_dim3A_823 = vector.broadcast %jit3A : f32 to vector<16xf32>
              %broadcast_in_dim3A_824 = vector.broadcast %jit3A_822 : f32 to vector<16xf32>
              %select_n3A_825 = arith.select %gt3A_816, %broadcast_in_dim3A_823, %broadcast_in_dim3A_824 : vector<16xi1>, vector<16xf32>
              %add3A_826 = arith.addf %convert_element_type3A_821, %select_n3A_825 : vector<16xf32>
              %sub3A_827 = arith.constant 1.000000e+00 : f32
              %sub3A_828 = vector.broadcast %sub3A_827 : f32 to vector<16xf32>
              %sub3A_829 = arith.subf %select_n3A_820, %sub3A_828 : vector<16xf32>
              %add3A_830 = arith.constant 1.000000e+00 : f32
              %add3A_831 = vector.broadcast %add3A_830 : f32 to vector<16xf32>
              %add3A_832 = arith.addf %select_n3A_820, %add3A_831 : vector<16xf32>
              %div3A = arith.divf %sub3A_829, %add3A_832 : vector<16xf32>
              %mul3A_833 = arith.mulf %div3A, %div3A : vector<16xf32>
              %mul3A_834 = arith.constant 0.111111112 : f32
              %mul3A_835 = vector.broadcast %mul3A_834 : f32 to vector<16xf32>
              %mul3A_836 = arith.mulf %mul3A_835, %mul3A_833 : vector<16xf32>
              %add3A_837 = arith.constant 0.142857149 : f32
              %add3A_838 = vector.broadcast %add3A_837 : f32 to vector<16xf32>
              %add3A_839 = arith.addf %mul3A_836, %add3A_838 : vector<16xf32>
              %mul3A_840 = arith.mulf %add3A_839, %mul3A_833 : vector<16xf32>
              %add3A_841 = arith.constant 2.000000e-01 : f32
              %add3A_842 = vector.broadcast %add3A_841 : f32 to vector<16xf32>
              %add3A_843 = arith.addf %mul3A_840, %add3A_842 : vector<16xf32>
              %mul3A_844 = arith.mulf %add3A_843, %mul3A_833 : vector<16xf32>
              %add3A_845 = arith.constant 0.333333343 : f32
              %add3A_846 = vector.broadcast %add3A_845 : f32 to vector<16xf32>
              %add3A_847 = arith.addf %mul3A_844, %add3A_846 : vector<16xf32>
              %mul3A_848 = arith.mulf %add3A_847, %mul3A_833 : vector<16xf32>
              %add3A_849 = arith.constant 1.000000e+00 : f32
              %add3A_850 = vector.broadcast %add3A_849 : f32 to vector<16xf32>
              %add3A_851 = arith.addf %mul3A_848, %add3A_850 : vector<16xf32>
              %mul3A_852 = arith.constant 0.693147182 : f32
              %mul3A_853 = vector.broadcast %mul3A_852 : f32 to vector<16xf32>
              %mul3A_854 = arith.mulf %add3A_826, %mul3A_853 : vector<16xf32>
              %mul3A_855 = arith.constant 2.000000e+00 : f32
              %mul3A_856 = vector.broadcast %mul3A_855 : f32 to vector<16xf32>
              %mul3A_857 = arith.mulf %mul3A_856, %div3A : vector<16xf32>
              %mul3A_858 = arith.mulf %mul3A_857, %add3A_851 : vector<16xf32>
              %add3A_859 = arith.addf %mul3A_854, %mul3A_858 : vector<16xf32>
              %add3A_860 = arith.addf %select_n3A_456, %add3A_859 : vector<16xf32>
              %mul3A_861 = arith.mulf %add3A_460, %add3A_860 : vector<16xf32>
              %sub3A_862 = arith.subf %add3A_609, %mul3A_861 : vector<16xf32>
              %bitcast_convert_type3A_863 = tpu.bitcast %add3A_479 : vector<16xf32> -> vector<16xi32>
              %shift_right_arithmetic3A_864 = arith.constant 23 : i32
              %shift_right_arithmetic3A_865 = vector.broadcast %shift_right_arithmetic3A_864 : i32 to vector<16xi32>
              %shift_right_arithmetic3A_866 = arith.shrsi %bitcast_convert_type3A_863, %shift_right_arithmetic3A_865 : vector<16xi32>
              %and3A_867 = arith.constant 255 : i32
              %and3A_868 = vector.broadcast %and3A_867 : i32 to vector<16xi32>
              %and3A_869 = arith.andi %shift_right_arithmetic3A_866, %and3A_868 : vector<16xi32>
              %sub3A_870 = arith.constant 127 : i32
              %sub3A_871 = vector.broadcast %sub3A_870 : i32 to vector<16xi32>
              %sub3A_872 = arith.subi %and3A_869, %sub3A_871 : vector<16xi32>
              %and3A_873 = arith.constant 8388607 : i32
              %and3A_874 = vector.broadcast %and3A_873 : i32 to vector<16xi32>
              %and3A_875 = arith.andi %bitcast_convert_type3A_863, %and3A_874 : vector<16xi32>
              %or3A_876 = arith.constant 1065353216 : i32
              %or3A_877 = vector.broadcast %or3A_876 : i32 to vector<16xi32>
              %or3A_878 = arith.ori %and3A_875, %or3A_877 : vector<16xi32>
              %bitcast_convert_type3A_879 = tpu.bitcast %or3A_878 : vector<16xi32> -> vector<16xf32>
              %gt3A_880 = arith.constant 1.41421354 : f32
              %gt3A_881 = vector.broadcast %gt3A_880 : f32 to vector<16xf32>
              %gt3A_882 = arith.cmpf ogt, %bitcast_convert_type3A_879, %gt3A_881 : vector<16xf32>
              %mul3A_883 = arith.constant 5.000000e-01 : f32
              %mul3A_884 = vector.broadcast %mul3A_883 : f32 to vector<16xf32>
              %mul3A_885 = arith.mulf %bitcast_convert_type3A_879, %mul3A_884 : vector<16xf32>
              %select_n3A_886 = arith.select %gt3A_882, %mul3A_885, %bitcast_convert_type3A_879 : vector<16xi1>, vector<16xf32>
              %convert_element_type3A_887 = arith.sitofp %sub3A_872 : vector<16xi32> to vector<16xf32>
              %jit3A_888 = arith.constant 1.000000e+00 : f32
              %jit3A_889 = arith.constant 0.000000e+00 : f32
              %broadcast_in_dim3A_890 = vector.broadcast %jit3A_888 : f32 to vector<16xf32>
              %broadcast_in_dim3A_891 = vector.broadcast %jit3A_889 : f32 to vector<16xf32>
              %select_n3A_892 = arith.select %gt3A_882, %broadcast_in_dim3A_890, %broadcast_in_dim3A_891 : vector<16xi1>, vector<16xf32>
              %add3A_893 = arith.addf %convert_element_type3A_887, %select_n3A_892 : vector<16xf32>
              %sub3A_894 = arith.constant 1.000000e+00 : f32
              %sub3A_895 = vector.broadcast %sub3A_894 : f32 to vector<16xf32>
              %sub3A_896 = arith.subf %select_n3A_886, %sub3A_895 : vector<16xf32>
              %add3A_897 = arith.constant 1.000000e+00 : f32
              %add3A_898 = vector.broadcast %add3A_897 : f32 to vector<16xf32>
              %add3A_899 = arith.addf %select_n3A_886, %add3A_898 : vector<16xf32>
              %div3A_900 = arith.divf %sub3A_896, %add3A_899 : vector<16xf32>
              %mul3A_901 = arith.mulf %div3A_900, %div3A_900 : vector<16xf32>
              %mul3A_902 = arith.constant 0.111111112 : f32
              %mul3A_903 = vector.broadcast %mul3A_902 : f32 to vector<16xf32>
              %mul3A_904 = arith.mulf %mul3A_903, %mul3A_901 : vector<16xf32>
              %add3A_905 = arith.constant 0.142857149 : f32
              %add3A_906 = vector.broadcast %add3A_905 : f32 to vector<16xf32>
              %add3A_907 = arith.addf %mul3A_904, %add3A_906 : vector<16xf32>
              %mul3A_908 = arith.mulf %add3A_907, %mul3A_901 : vector<16xf32>
              %add3A_909 = arith.constant 2.000000e-01 : f32
              %add3A_910 = vector.broadcast %add3A_909 : f32 to vector<16xf32>
              %add3A_911 = arith.addf %mul3A_908, %add3A_910 : vector<16xf32>
              %mul3A_912 = arith.mulf %add3A_911, %mul3A_901 : vector<16xf32>
              %add3A_913 = arith.constant 0.333333343 : f32
              %add3A_914 = vector.broadcast %add3A_913 : f32 to vector<16xf32>
              %add3A_915 = arith.addf %mul3A_912, %add3A_914 : vector<16xf32>
              %mul3A_916 = arith.mulf %add3A_915, %mul3A_901 : vector<16xf32>
              %add3A_917 = arith.constant 1.000000e+00 : f32
              %add3A_918 = vector.broadcast %add3A_917 : f32 to vector<16xf32>
              %add3A_919 = arith.addf %mul3A_916, %add3A_918 : vector<16xf32>
              %mul3A_920 = arith.constant 0.693147182 : f32
              %mul3A_921 = vector.broadcast %mul3A_920 : f32 to vector<16xf32>
              %mul3A_922 = arith.mulf %add3A_893, %mul3A_921 : vector<16xf32>
              %mul3A_923 = arith.constant 2.000000e+00 : f32
              %mul3A_924 = vector.broadcast %mul3A_923 : f32 to vector<16xf32>
              %mul3A_925 = arith.mulf %mul3A_924, %div3A_900 : vector<16xf32>
              %mul3A_926 = arith.mulf %mul3A_925, %add3A_919 : vector<16xf32>
              %add3A_927 = arith.addf %mul3A_922, %mul3A_926 : vector<16xf32>
              %add3A_928 = arith.addf %select_n3A_475, %add3A_927 : vector<16xf32>
              %mul3A_929 = arith.mulf %add3A_481, %add3A_928 : vector<16xf32>
              %sub3A_930 = arith.subf %sub3A_862, %mul3A_929 : vector<16xf32>
              %bitcast_convert_type3A_931 = tpu.bitcast %add3A_500 : vector<16xf32> -> vector<16xi32>
              %shift_right_arithmetic3A_932 = arith.constant 23 : i32
              %shift_right_arithmetic3A_933 = vector.broadcast %shift_right_arithmetic3A_932 : i32 to vector<16xi32>
              %shift_right_arithmetic3A_934 = arith.shrsi %bitcast_convert_type3A_931, %shift_right_arithmetic3A_933 : vector<16xi32>
              %and3A_935 = arith.constant 255 : i32
              %and3A_936 = vector.broadcast %and3A_935 : i32 to vector<16xi32>
              %and3A_937 = arith.andi %shift_right_arithmetic3A_934, %and3A_936 : vector<16xi32>
              %sub3A_938 = arith.constant 127 : i32
              %sub3A_939 = vector.broadcast %sub3A_938 : i32 to vector<16xi32>
              %sub3A_940 = arith.subi %and3A_937, %sub3A_939 : vector<16xi32>
              %and3A_941 = arith.constant 8388607 : i32
              %and3A_942 = vector.broadcast %and3A_941 : i32 to vector<16xi32>
              %and3A_943 = arith.andi %bitcast_convert_type3A_931, %and3A_942 : vector<16xi32>
              %or3A_944 = arith.constant 1065353216 : i32
              %or3A_945 = vector.broadcast %or3A_944 : i32 to vector<16xi32>
              %or3A_946 = arith.ori %and3A_943, %or3A_945 : vector<16xi32>
              %bitcast_convert_type3A_947 = tpu.bitcast %or3A_946 : vector<16xi32> -> vector<16xf32>
              %gt3A_948 = arith.constant 1.41421354 : f32
              %gt3A_949 = vector.broadcast %gt3A_948 : f32 to vector<16xf32>
              %gt3A_950 = arith.cmpf ogt, %bitcast_convert_type3A_947, %gt3A_949 : vector<16xf32>
              %mul3A_951 = arith.constant 5.000000e-01 : f32
              %mul3A_952 = vector.broadcast %mul3A_951 : f32 to vector<16xf32>
              %mul3A_953 = arith.mulf %bitcast_convert_type3A_947, %mul3A_952 : vector<16xf32>
              %select_n3A_954 = arith.select %gt3A_950, %mul3A_953, %bitcast_convert_type3A_947 : vector<16xi1>, vector<16xf32>
              %convert_element_type3A_955 = arith.sitofp %sub3A_940 : vector<16xi32> to vector<16xf32>
              %jit3A_956 = arith.constant 1.000000e+00 : f32
              %jit3A_957 = arith.constant 0.000000e+00 : f32
              %broadcast_in_dim3A_958 = vector.broadcast %jit3A_956 : f32 to vector<16xf32>
              %broadcast_in_dim3A_959 = vector.broadcast %jit3A_957 : f32 to vector<16xf32>
              %select_n3A_960 = arith.select %gt3A_950, %broadcast_in_dim3A_958, %broadcast_in_dim3A_959 : vector<16xi1>, vector<16xf32>
              %add3A_961 = arith.addf %convert_element_type3A_955, %select_n3A_960 : vector<16xf32>
              %sub3A_962 = arith.constant 1.000000e+00 : f32
              %sub3A_963 = vector.broadcast %sub3A_962 : f32 to vector<16xf32>
              %sub3A_964 = arith.subf %select_n3A_954, %sub3A_963 : vector<16xf32>
              %add3A_965 = arith.constant 1.000000e+00 : f32
              %add3A_966 = vector.broadcast %add3A_965 : f32 to vector<16xf32>
              %add3A_967 = arith.addf %select_n3A_954, %add3A_966 : vector<16xf32>
              %div3A_968 = arith.divf %sub3A_964, %add3A_967 : vector<16xf32>
              %mul3A_969 = arith.mulf %div3A_968, %div3A_968 : vector<16xf32>
              %mul3A_970 = arith.constant 0.111111112 : f32
              %mul3A_971 = vector.broadcast %mul3A_970 : f32 to vector<16xf32>
              %mul3A_972 = arith.mulf %mul3A_971, %mul3A_969 : vector<16xf32>
              %add3A_973 = arith.constant 0.142857149 : f32
              %add3A_974 = vector.broadcast %add3A_973 : f32 to vector<16xf32>
              %add3A_975 = arith.addf %mul3A_972, %add3A_974 : vector<16xf32>
              %mul3A_976 = arith.mulf %add3A_975, %mul3A_969 : vector<16xf32>
              %add3A_977 = arith.constant 2.000000e-01 : f32
              %add3A_978 = vector.broadcast %add3A_977 : f32 to vector<16xf32>
              %add3A_979 = arith.addf %mul3A_976, %add3A_978 : vector<16xf32>
              %mul3A_980 = arith.mulf %add3A_979, %mul3A_969 : vector<16xf32>
              %add3A_981 = arith.constant 0.333333343 : f32
              %add3A_982 = vector.broadcast %add3A_981 : f32 to vector<16xf32>
              %add3A_983 = arith.addf %mul3A_980, %add3A_982 : vector<16xf32>
              %mul3A_984 = arith.mulf %add3A_983, %mul3A_969 : vector<16xf32>
              %add3A_985 = arith.constant 1.000000e+00 : f32
              %add3A_986 = vector.broadcast %add3A_985 : f32 to vector<16xf32>
              %add3A_987 = arith.addf %mul3A_984, %add3A_986 : vector<16xf32>
              %mul3A_988 = arith.constant 0.693147182 : f32
              %mul3A_989 = vector.broadcast %mul3A_988 : f32 to vector<16xf32>
              %mul3A_990 = arith.mulf %add3A_961, %mul3A_989 : vector<16xf32>
              %mul3A_991 = arith.constant 2.000000e+00 : f32
              %mul3A_992 = vector.broadcast %mul3A_991 : f32 to vector<16xf32>
              %mul3A_993 = arith.mulf %mul3A_992, %div3A_968 : vector<16xf32>
              %mul3A_994 = arith.mulf %mul3A_993, %add3A_987 : vector<16xf32>
              %add3A_995 = arith.addf %mul3A_990, %mul3A_994 : vector<16xf32>
              %add3A_996 = arith.addf %select_n3A_496, %add3A_995 : vector<16xf32>
              %mul3A_997 = arith.mulf %add3A_502, %add3A_996 : vector<16xf32>
              %sub3A_998 = arith.subf %sub3A_930, %mul3A_997 : vector<16xf32>
              %bitcast_convert_type3A_999 = tpu.bitcast %add3A_521 : vector<16xf32> -> vector<16xi32>
              %shift_right_arithmetic3A_1000 = arith.constant 23 : i32
              %shift_right_arithmetic3A_1001 = vector.broadcast %shift_right_arithmetic3A_1000 : i32 to vector<16xi32>
              %shift_right_arithmetic3A_1002 = arith.shrsi %bitcast_convert_type3A_999, %shift_right_arithmetic3A_1001 : vector<16xi32>
              %and3A_1003 = arith.constant 255 : i32
              %and3A_1004 = vector.broadcast %and3A_1003 : i32 to vector<16xi32>
              %and3A_1005 = arith.andi %shift_right_arithmetic3A_1002, %and3A_1004 : vector<16xi32>
              %sub3A_1006 = arith.constant 127 : i32
              %sub3A_1007 = vector.broadcast %sub3A_1006 : i32 to vector<16xi32>
              %sub3A_1008 = arith.subi %and3A_1005, %sub3A_1007 : vector<16xi32>
              %and3A_1009 = arith.constant 8388607 : i32
              %and3A_1010 = vector.broadcast %and3A_1009 : i32 to vector<16xi32>
              %and3A_1011 = arith.andi %bitcast_convert_type3A_999, %and3A_1010 : vector<16xi32>
              %or3A_1012 = arith.constant 1065353216 : i32
              %or3A_1013 = vector.broadcast %or3A_1012 : i32 to vector<16xi32>
              %or3A_1014 = arith.ori %and3A_1011, %or3A_1013 : vector<16xi32>
              %bitcast_convert_type3A_1015 = tpu.bitcast %or3A_1014 : vector<16xi32> -> vector<16xf32>
              %gt3A_1016 = arith.constant 1.41421354 : f32
              %gt3A_1017 = vector.broadcast %gt3A_1016 : f32 to vector<16xf32>
              %gt3A_1018 = arith.cmpf ogt, %bitcast_convert_type3A_1015, %gt3A_1017 : vector<16xf32>
              %mul3A_1019 = arith.constant 5.000000e-01 : f32
              %mul3A_1020 = vector.broadcast %mul3A_1019 : f32 to vector<16xf32>
              %mul3A_1021 = arith.mulf %bitcast_convert_type3A_1015, %mul3A_1020 : vector<16xf32>
              %select_n3A_1022 = arith.select %gt3A_1018, %mul3A_1021, %bitcast_convert_type3A_1015 : vector<16xi1>, vector<16xf32>
              %convert_element_type3A_1023 = arith.sitofp %sub3A_1008 : vector<16xi32> to vector<16xf32>
              %jit3A_1024 = arith.constant 1.000000e+00 : f32
              %jit3A_1025 = arith.constant 0.000000e+00 : f32
              %broadcast_in_dim3A_1026 = vector.broadcast %jit3A_1024 : f32 to vector<16xf32>
              %broadcast_in_dim3A_1027 = vector.broadcast %jit3A_1025 : f32 to vector<16xf32>
              %select_n3A_1028 = arith.select %gt3A_1018, %broadcast_in_dim3A_1026, %broadcast_in_dim3A_1027 : vector<16xi1>, vector<16xf32>
              %add3A_1029 = arith.addf %convert_element_type3A_1023, %select_n3A_1028 : vector<16xf32>
              %sub3A_1030 = arith.constant 1.000000e+00 : f32
              %sub3A_1031 = vector.broadcast %sub3A_1030 : f32 to vector<16xf32>
              %sub3A_1032 = arith.subf %select_n3A_1022, %sub3A_1031 : vector<16xf32>
              %add3A_1033 = arith.constant 1.000000e+00 : f32
              %add3A_1034 = vector.broadcast %add3A_1033 : f32 to vector<16xf32>
              %add3A_1035 = arith.addf %select_n3A_1022, %add3A_1034 : vector<16xf32>
              %div3A_1036 = arith.divf %sub3A_1032, %add3A_1035 : vector<16xf32>
              %mul3A_1037 = arith.mulf %div3A_1036, %div3A_1036 : vector<16xf32>
              %mul3A_1038 = arith.constant 0.111111112 : f32
              %mul3A_1039 = vector.broadcast %mul3A_1038 : f32 to vector<16xf32>
              %mul3A_1040 = arith.mulf %mul3A_1039, %mul3A_1037 : vector<16xf32>
              %add3A_1041 = arith.constant 0.142857149 : f32
              %add3A_1042 = vector.broadcast %add3A_1041 : f32 to vector<16xf32>
              %add3A_1043 = arith.addf %mul3A_1040, %add3A_1042 : vector<16xf32>
              %mul3A_1044 = arith.mulf %add3A_1043, %mul3A_1037 : vector<16xf32>
              %add3A_1045 = arith.constant 2.000000e-01 : f32
              %add3A_1046 = vector.broadcast %add3A_1045 : f32 to vector<16xf32>
              %add3A_1047 = arith.addf %mul3A_1044, %add3A_1046 : vector<16xf32>
              %mul3A_1048 = arith.mulf %add3A_1047, %mul3A_1037 : vector<16xf32>
              %add3A_1049 = arith.constant 0.333333343 : f32
              %add3A_1050 = vector.broadcast %add3A_1049 : f32 to vector<16xf32>
              %add3A_1051 = arith.addf %mul3A_1048, %add3A_1050 : vector<16xf32>
              %mul3A_1052 = arith.mulf %add3A_1051, %mul3A_1037 : vector<16xf32>
              %add3A_1053 = arith.constant 1.000000e+00 : f32
              %add3A_1054 = vector.broadcast %add3A_1053 : f32 to vector<16xf32>
              %add3A_1055 = arith.addf %mul3A_1052, %add3A_1054 : vector<16xf32>
              %mul3A_1056 = arith.constant 0.693147182 : f32
              %mul3A_1057 = vector.broadcast %mul3A_1056 : f32 to vector<16xf32>
              %mul3A_1058 = arith.mulf %add3A_1029, %mul3A_1057 : vector<16xf32>
              %mul3A_1059 = arith.constant 2.000000e+00 : f32
              %mul3A_1060 = vector.broadcast %mul3A_1059 : f32 to vector<16xf32>
              %mul3A_1061 = arith.mulf %mul3A_1060, %div3A_1036 : vector<16xf32>
              %mul3A_1062 = arith.mulf %mul3A_1061, %add3A_1055 : vector<16xf32>
              %add3A_1063 = arith.addf %mul3A_1058, %mul3A_1062 : vector<16xf32>
              %add3A_1064 = arith.addf %select_n3A_517, %add3A_1063 : vector<16xf32>
              %mul3A_1065 = arith.mulf %add3A_523, %add3A_1064 : vector<16xf32>
              %sub3A_1066 = arith.subf %sub3A_998, %mul3A_1065 : vector<16xf32>
              %bitcast_convert_type3A_1067 = tpu.bitcast %add3A_542 : vector<16xf32> -> vector<16xi32>
              %shift_right_arithmetic3A_1068 = arith.constant 23 : i32
              %shift_right_arithmetic3A_1069 = vector.broadcast %shift_right_arithmetic3A_1068 : i32 to vector<16xi32>
              %shift_right_arithmetic3A_1070 = arith.shrsi %bitcast_convert_type3A_1067, %shift_right_arithmetic3A_1069 : vector<16xi32>
              %and3A_1071 = arith.constant 255 : i32
              %and3A_1072 = vector.broadcast %and3A_1071 : i32 to vector<16xi32>
              %and3A_1073 = arith.andi %shift_right_arithmetic3A_1070, %and3A_1072 : vector<16xi32>
              %sub3A_1074 = arith.constant 127 : i32
              %sub3A_1075 = vector.broadcast %sub3A_1074 : i32 to vector<16xi32>
              %sub3A_1076 = arith.subi %and3A_1073, %sub3A_1075 : vector<16xi32>
              %and3A_1077 = arith.constant 8388607 : i32
              %and3A_1078 = vector.broadcast %and3A_1077 : i32 to vector<16xi32>
              %and3A_1079 = arith.andi %bitcast_convert_type3A_1067, %and3A_1078 : vector<16xi32>
              %or3A_1080 = arith.constant 1065353216 : i32
              %or3A_1081 = vector.broadcast %or3A_1080 : i32 to vector<16xi32>
              %or3A_1082 = arith.ori %and3A_1079, %or3A_1081 : vector<16xi32>
              %bitcast_convert_type3A_1083 = tpu.bitcast %or3A_1082 : vector<16xi32> -> vector<16xf32>
              %gt3A_1084 = arith.constant 1.41421354 : f32
              %gt3A_1085 = vector.broadcast %gt3A_1084 : f32 to vector<16xf32>
              %gt3A_1086 = arith.cmpf ogt, %bitcast_convert_type3A_1083, %gt3A_1085 : vector<16xf32>
              %mul3A_1087 = arith.constant 5.000000e-01 : f32
              %mul3A_1088 = vector.broadcast %mul3A_1087 : f32 to vector<16xf32>
              %mul3A_1089 = arith.mulf %bitcast_convert_type3A_1083, %mul3A_1088 : vector<16xf32>
              %select_n3A_1090 = arith.select %gt3A_1086, %mul3A_1089, %bitcast_convert_type3A_1083 : vector<16xi1>, vector<16xf32>
              %convert_element_type3A_1091 = arith.sitofp %sub3A_1076 : vector<16xi32> to vector<16xf32>
              %jit3A_1092 = arith.constant 1.000000e+00 : f32
              %jit3A_1093 = arith.constant 0.000000e+00 : f32
              %broadcast_in_dim3A_1094 = vector.broadcast %jit3A_1092 : f32 to vector<16xf32>
              %broadcast_in_dim3A_1095 = vector.broadcast %jit3A_1093 : f32 to vector<16xf32>
              %select_n3A_1096 = arith.select %gt3A_1086, %broadcast_in_dim3A_1094, %broadcast_in_dim3A_1095 : vector<16xi1>, vector<16xf32>
              %add3A_1097 = arith.addf %convert_element_type3A_1091, %select_n3A_1096 : vector<16xf32>
              %sub3A_1098 = arith.constant 1.000000e+00 : f32
              %sub3A_1099 = vector.broadcast %sub3A_1098 : f32 to vector<16xf32>
              %sub3A_1100 = arith.subf %select_n3A_1090, %sub3A_1099 : vector<16xf32>
              %add3A_1101 = arith.constant 1.000000e+00 : f32
              %add3A_1102 = vector.broadcast %add3A_1101 : f32 to vector<16xf32>
              %add3A_1103 = arith.addf %select_n3A_1090, %add3A_1102 : vector<16xf32>
              %div3A_1104 = arith.divf %sub3A_1100, %add3A_1103 : vector<16xf32>
              %mul3A_1105 = arith.mulf %div3A_1104, %div3A_1104 : vector<16xf32>
              %mul3A_1106 = arith.constant 0.111111112 : f32
              %mul3A_1107 = vector.broadcast %mul3A_1106 : f32 to vector<16xf32>
              %mul3A_1108 = arith.mulf %mul3A_1107, %mul3A_1105 : vector<16xf32>
              %add3A_1109 = arith.constant 0.142857149 : f32
              %add3A_1110 = vector.broadcast %add3A_1109 : f32 to vector<16xf32>
              %add3A_1111 = arith.addf %mul3A_1108, %add3A_1110 : vector<16xf32>
              %mul3A_1112 = arith.mulf %add3A_1111, %mul3A_1105 : vector<16xf32>
              %add3A_1113 = arith.constant 2.000000e-01 : f32
              %add3A_1114 = vector.broadcast %add3A_1113 : f32 to vector<16xf32>
              %add3A_1115 = arith.addf %mul3A_1112, %add3A_1114 : vector<16xf32>
              %mul3A_1116 = arith.mulf %add3A_1115, %mul3A_1105 : vector<16xf32>
              %add3A_1117 = arith.constant 0.333333343 : f32
              %add3A_1118 = vector.broadcast %add3A_1117 : f32 to vector<16xf32>
              %add3A_1119 = arith.addf %mul3A_1116, %add3A_1118 : vector<16xf32>
              %mul3A_1120 = arith.mulf %add3A_1119, %mul3A_1105 : vector<16xf32>
              %add3A_1121 = arith.constant 1.000000e+00 : f32
              %add3A_1122 = vector.broadcast %add3A_1121 : f32 to vector<16xf32>
              %add3A_1123 = arith.addf %mul3A_1120, %add3A_1122 : vector<16xf32>
              %mul3A_1124 = arith.constant 0.693147182 : f32
              %mul3A_1125 = vector.broadcast %mul3A_1124 : f32 to vector<16xf32>
              %mul3A_1126 = arith.mulf %add3A_1097, %mul3A_1125 : vector<16xf32>
              %mul3A_1127 = arith.constant 2.000000e+00 : f32
              %mul3A_1128 = vector.broadcast %mul3A_1127 : f32 to vector<16xf32>
              %mul3A_1129 = arith.mulf %mul3A_1128, %div3A_1104 : vector<16xf32>
              %mul3A_1130 = arith.mulf %mul3A_1129, %add3A_1123 : vector<16xf32>
              %add3A_1131 = arith.addf %mul3A_1126, %mul3A_1130 : vector<16xf32>
              %add3A_1132 = arith.addf %select_n3A_538, %add3A_1131 : vector<16xf32>
              %mul3A_1133 = arith.mulf %add3A_544, %add3A_1132 : vector<16xf32>
              %sub3A_1134 = arith.subf %sub3A_1066, %mul3A_1133 : vector<16xf32>
              %bitcast_convert_type3A_1135 = tpu.bitcast %add3A_563 : vector<16xf32> -> vector<16xi32>
              %shift_right_arithmetic3A_1136 = arith.constant 23 : i32
              %shift_right_arithmetic3A_1137 = vector.broadcast %shift_right_arithmetic3A_1136 : i32 to vector<16xi32>
              %shift_right_arithmetic3A_1138 = arith.shrsi %bitcast_convert_type3A_1135, %shift_right_arithmetic3A_1137 : vector<16xi32>
              %and3A_1139 = arith.constant 255 : i32
              %and3A_1140 = vector.broadcast %and3A_1139 : i32 to vector<16xi32>
              %and3A_1141 = arith.andi %shift_right_arithmetic3A_1138, %and3A_1140 : vector<16xi32>
              %sub3A_1142 = arith.constant 127 : i32
              %sub3A_1143 = vector.broadcast %sub3A_1142 : i32 to vector<16xi32>
              %sub3A_1144 = arith.subi %and3A_1141, %sub3A_1143 : vector<16xi32>
              %and3A_1145 = arith.constant 8388607 : i32
              %and3A_1146 = vector.broadcast %and3A_1145 : i32 to vector<16xi32>
              %and3A_1147 = arith.andi %bitcast_convert_type3A_1135, %and3A_1146 : vector<16xi32>
              %or3A_1148 = arith.constant 1065353216 : i32
              %or3A_1149 = vector.broadcast %or3A_1148 : i32 to vector<16xi32>
              %or3A_1150 = arith.ori %and3A_1147, %or3A_1149 : vector<16xi32>
              %bitcast_convert_type3A_1151 = tpu.bitcast %or3A_1150 : vector<16xi32> -> vector<16xf32>
              %gt3A_1152 = arith.constant 1.41421354 : f32
              %gt3A_1153 = vector.broadcast %gt3A_1152 : f32 to vector<16xf32>
              %gt3A_1154 = arith.cmpf ogt, %bitcast_convert_type3A_1151, %gt3A_1153 : vector<16xf32>
              %mul3A_1155 = arith.constant 5.000000e-01 : f32
              %mul3A_1156 = vector.broadcast %mul3A_1155 : f32 to vector<16xf32>
              %mul3A_1157 = arith.mulf %bitcast_convert_type3A_1151, %mul3A_1156 : vector<16xf32>
              %select_n3A_1158 = arith.select %gt3A_1154, %mul3A_1157, %bitcast_convert_type3A_1151 : vector<16xi1>, vector<16xf32>
              %convert_element_type3A_1159 = arith.sitofp %sub3A_1144 : vector<16xi32> to vector<16xf32>
              %jit3A_1160 = arith.constant 1.000000e+00 : f32
              %jit3A_1161 = arith.constant 0.000000e+00 : f32
              %broadcast_in_dim3A_1162 = vector.broadcast %jit3A_1160 : f32 to vector<16xf32>
              %broadcast_in_dim3A_1163 = vector.broadcast %jit3A_1161 : f32 to vector<16xf32>
              %select_n3A_1164 = arith.select %gt3A_1154, %broadcast_in_dim3A_1162, %broadcast_in_dim3A_1163 : vector<16xi1>, vector<16xf32>
              %add3A_1165 = arith.addf %convert_element_type3A_1159, %select_n3A_1164 : vector<16xf32>
              %sub3A_1166 = arith.constant 1.000000e+00 : f32
              %sub3A_1167 = vector.broadcast %sub3A_1166 : f32 to vector<16xf32>
              %sub3A_1168 = arith.subf %select_n3A_1158, %sub3A_1167 : vector<16xf32>
              %add3A_1169 = arith.constant 1.000000e+00 : f32
              %add3A_1170 = vector.broadcast %add3A_1169 : f32 to vector<16xf32>
              %add3A_1171 = arith.addf %select_n3A_1158, %add3A_1170 : vector<16xf32>
              %div3A_1172 = arith.divf %sub3A_1168, %add3A_1171 : vector<16xf32>
              %mul3A_1173 = arith.mulf %div3A_1172, %div3A_1172 : vector<16xf32>
              %mul3A_1174 = arith.constant 0.111111112 : f32
              %mul3A_1175 = vector.broadcast %mul3A_1174 : f32 to vector<16xf32>
              %mul3A_1176 = arith.mulf %mul3A_1175, %mul3A_1173 : vector<16xf32>
              %add3A_1177 = arith.constant 0.142857149 : f32
              %add3A_1178 = vector.broadcast %add3A_1177 : f32 to vector<16xf32>
              %add3A_1179 = arith.addf %mul3A_1176, %add3A_1178 : vector<16xf32>
              %mul3A_1180 = arith.mulf %add3A_1179, %mul3A_1173 : vector<16xf32>
              %add3A_1181 = arith.constant 2.000000e-01 : f32
              %add3A_1182 = vector.broadcast %add3A_1181 : f32 to vector<16xf32>
              %add3A_1183 = arith.addf %mul3A_1180, %add3A_1182 : vector<16xf32>
              %mul3A_1184 = arith.mulf %add3A_1183, %mul3A_1173 : vector<16xf32>
              %add3A_1185 = arith.constant 0.333333343 : f32
              %add3A_1186 = vector.broadcast %add3A_1185 : f32 to vector<16xf32>
              %add3A_1187 = arith.addf %mul3A_1184, %add3A_1186 : vector<16xf32>
              %mul3A_1188 = arith.mulf %add3A_1187, %mul3A_1173 : vector<16xf32>
              %add3A_1189 = arith.constant 1.000000e+00 : f32
              %add3A_1190 = vector.broadcast %add3A_1189 : f32 to vector<16xf32>
              %add3A_1191 = arith.addf %mul3A_1188, %add3A_1190 : vector<16xf32>
              %mul3A_1192 = arith.constant 0.693147182 : f32
              %mul3A_1193 = vector.broadcast %mul3A_1192 : f32 to vector<16xf32>
              %mul3A_1194 = arith.mulf %add3A_1165, %mul3A_1193 : vector<16xf32>
              %mul3A_1195 = arith.constant 2.000000e+00 : f32
              %mul3A_1196 = vector.broadcast %mul3A_1195 : f32 to vector<16xf32>
              %mul3A_1197 = arith.mulf %mul3A_1196, %div3A_1172 : vector<16xf32>
              %mul3A_1198 = arith.mulf %mul3A_1197, %add3A_1191 : vector<16xf32>
              %add3A_1199 = arith.addf %mul3A_1194, %mul3A_1198 : vector<16xf32>
              %add3A_1200 = arith.addf %select_n3A_559, %add3A_1199 : vector<16xf32>
              %mul3A_1201 = arith.mulf %add3A_565, %add3A_1200 : vector<16xf32>
              %sub3A_1202 = arith.subf %sub3A_1134, %mul3A_1201 : vector<16xf32>
              %bitcast_convert_type3A_1203 = tpu.bitcast %add3A_584 : vector<16xf32> -> vector<16xi32>
              %shift_right_arithmetic3A_1204 = arith.constant 23 : i32
              %shift_right_arithmetic3A_1205 = vector.broadcast %shift_right_arithmetic3A_1204 : i32 to vector<16xi32>
              %shift_right_arithmetic3A_1206 = arith.shrsi %bitcast_convert_type3A_1203, %shift_right_arithmetic3A_1205 : vector<16xi32>
              %and3A_1207 = arith.constant 255 : i32
              %and3A_1208 = vector.broadcast %and3A_1207 : i32 to vector<16xi32>
              %and3A_1209 = arith.andi %shift_right_arithmetic3A_1206, %and3A_1208 : vector<16xi32>
              %sub3A_1210 = arith.constant 127 : i32
              %sub3A_1211 = vector.broadcast %sub3A_1210 : i32 to vector<16xi32>
              %sub3A_1212 = arith.subi %and3A_1209, %sub3A_1211 : vector<16xi32>
              %and3A_1213 = arith.constant 8388607 : i32
              %and3A_1214 = vector.broadcast %and3A_1213 : i32 to vector<16xi32>
              %and3A_1215 = arith.andi %bitcast_convert_type3A_1203, %and3A_1214 : vector<16xi32>
              %or3A_1216 = arith.constant 1065353216 : i32
              %or3A_1217 = vector.broadcast %or3A_1216 : i32 to vector<16xi32>
              %or3A_1218 = arith.ori %and3A_1215, %or3A_1217 : vector<16xi32>
              %bitcast_convert_type3A_1219 = tpu.bitcast %or3A_1218 : vector<16xi32> -> vector<16xf32>
              %gt3A_1220 = arith.constant 1.41421354 : f32
              %gt3A_1221 = vector.broadcast %gt3A_1220 : f32 to vector<16xf32>
              %gt3A_1222 = arith.cmpf ogt, %bitcast_convert_type3A_1219, %gt3A_1221 : vector<16xf32>
              %mul3A_1223 = arith.constant 5.000000e-01 : f32
              %mul3A_1224 = vector.broadcast %mul3A_1223 : f32 to vector<16xf32>
              %mul3A_1225 = arith.mulf %bitcast_convert_type3A_1219, %mul3A_1224 : vector<16xf32>
              %select_n3A_1226 = arith.select %gt3A_1222, %mul3A_1225, %bitcast_convert_type3A_1219 : vector<16xi1>, vector<16xf32>
              %convert_element_type3A_1227 = arith.sitofp %sub3A_1212 : vector<16xi32> to vector<16xf32>
              %jit3A_1228 = arith.constant 1.000000e+00 : f32
              %jit3A_1229 = arith.constant 0.000000e+00 : f32
              %broadcast_in_dim3A_1230 = vector.broadcast %jit3A_1228 : f32 to vector<16xf32>
              %broadcast_in_dim3A_1231 = vector.broadcast %jit3A_1229 : f32 to vector<16xf32>
              %select_n3A_1232 = arith.select %gt3A_1222, %broadcast_in_dim3A_1230, %broadcast_in_dim3A_1231 : vector<16xi1>, vector<16xf32>
              %add3A_1233 = arith.addf %convert_element_type3A_1227, %select_n3A_1232 : vector<16xf32>
              %sub3A_1234 = arith.constant 1.000000e+00 : f32
              %sub3A_1235 = vector.broadcast %sub3A_1234 : f32 to vector<16xf32>
              %sub3A_1236 = arith.subf %select_n3A_1226, %sub3A_1235 : vector<16xf32>
              %add3A_1237 = arith.constant 1.000000e+00 : f32
              %add3A_1238 = vector.broadcast %add3A_1237 : f32 to vector<16xf32>
              %add3A_1239 = arith.addf %select_n3A_1226, %add3A_1238 : vector<16xf32>
              %div3A_1240 = arith.divf %sub3A_1236, %add3A_1239 : vector<16xf32>
              %mul3A_1241 = arith.mulf %div3A_1240, %div3A_1240 : vector<16xf32>
              %mul3A_1242 = arith.constant 0.111111112 : f32
              %mul3A_1243 = vector.broadcast %mul3A_1242 : f32 to vector<16xf32>
              %mul3A_1244 = arith.mulf %mul3A_1243, %mul3A_1241 : vector<16xf32>
              %add3A_1245 = arith.constant 0.142857149 : f32
              %add3A_1246 = vector.broadcast %add3A_1245 : f32 to vector<16xf32>
              %add3A_1247 = arith.addf %mul3A_1244, %add3A_1246 : vector<16xf32>
              %mul3A_1248 = arith.mulf %add3A_1247, %mul3A_1241 : vector<16xf32>
              %add3A_1249 = arith.constant 2.000000e-01 : f32
              %add3A_1250 = vector.broadcast %add3A_1249 : f32 to vector<16xf32>
              %add3A_1251 = arith.addf %mul3A_1248, %add3A_1250 : vector<16xf32>
              %mul3A_1252 = arith.mulf %add3A_1251, %mul3A_1241 : vector<16xf32>
              %add3A_1253 = arith.constant 0.333333343 : f32
              %add3A_1254 = vector.broadcast %add3A_1253 : f32 to vector<16xf32>
              %add3A_1255 = arith.addf %mul3A_1252, %add3A_1254 : vector<16xf32>
              %mul3A_1256 = arith.mulf %add3A_1255, %mul3A_1241 : vector<16xf32>
              %add3A_1257 = arith.constant 1.000000e+00 : f32
              %add3A_1258 = vector.broadcast %add3A_1257 : f32 to vector<16xf32>
              %add3A_1259 = arith.addf %mul3A_1256, %add3A_1258 : vector<16xf32>
              %mul3A_1260 = arith.constant 0.693147182 : f32
              %mul3A_1261 = vector.broadcast %mul3A_1260 : f32 to vector<16xf32>
              %mul3A_1262 = arith.mulf %add3A_1233, %mul3A_1261 : vector<16xf32>
              %mul3A_1263 = arith.constant 2.000000e+00 : f32
              %mul3A_1264 = vector.broadcast %mul3A_1263 : f32 to vector<16xf32>
              %mul3A_1265 = arith.mulf %mul3A_1264, %div3A_1240 : vector<16xf32>
              %mul3A_1266 = arith.mulf %mul3A_1265, %add3A_1259 : vector<16xf32>
              %add3A_1267 = arith.addf %mul3A_1262, %mul3A_1266 : vector<16xf32>
              %add3A_1268 = arith.addf %select_n3A_580, %add3A_1267 : vector<16xf32>
              %mul3A_1269 = arith.mulf %add3A_586, %add3A_1268 : vector<16xf32>
              %sub3A_1270 = arith.subf %sub3A_1202, %mul3A_1269 : vector<16xf32>
              %bitcast_convert_type3A_1271 = tpu.bitcast %add3A_605 : vector<16xf32> -> vector<16xi32>
              %shift_right_arithmetic3A_1272 = arith.constant 23 : i32
              %shift_right_arithmetic3A_1273 = vector.broadcast %shift_right_arithmetic3A_1272 : i32 to vector<16xi32>
              %shift_right_arithmetic3A_1274 = arith.shrsi %bitcast_convert_type3A_1271, %shift_right_arithmetic3A_1273 : vector<16xi32>
              %and3A_1275 = arith.constant 255 : i32
              %and3A_1276 = vector.broadcast %and3A_1275 : i32 to vector<16xi32>
              %and3A_1277 = arith.andi %shift_right_arithmetic3A_1274, %and3A_1276 : vector<16xi32>
              %sub3A_1278 = arith.constant 127 : i32
              %sub3A_1279 = vector.broadcast %sub3A_1278 : i32 to vector<16xi32>
              %sub3A_1280 = arith.subi %and3A_1277, %sub3A_1279 : vector<16xi32>
              %and3A_1281 = arith.constant 8388607 : i32
              %and3A_1282 = vector.broadcast %and3A_1281 : i32 to vector<16xi32>
              %and3A_1283 = arith.andi %bitcast_convert_type3A_1271, %and3A_1282 : vector<16xi32>
              %or3A_1284 = arith.constant 1065353216 : i32
              %or3A_1285 = vector.broadcast %or3A_1284 : i32 to vector<16xi32>
              %or3A_1286 = arith.ori %and3A_1283, %or3A_1285 : vector<16xi32>
              %bitcast_convert_type3A_1287 = tpu.bitcast %or3A_1286 : vector<16xi32> -> vector<16xf32>
              %gt3A_1288 = arith.constant 1.41421354 : f32
              %gt3A_1289 = vector.broadcast %gt3A_1288 : f32 to vector<16xf32>
              %gt3A_1290 = arith.cmpf ogt, %bitcast_convert_type3A_1287, %gt3A_1289 : vector<16xf32>
              %mul3A_1291 = arith.constant 5.000000e-01 : f32
              %mul3A_1292 = vector.broadcast %mul3A_1291 : f32 to vector<16xf32>
              %mul3A_1293 = arith.mulf %bitcast_convert_type3A_1287, %mul3A_1292 : vector<16xf32>
              %select_n3A_1294 = arith.select %gt3A_1290, %mul3A_1293, %bitcast_convert_type3A_1287 : vector<16xi1>, vector<16xf32>
              %convert_element_type3A_1295 = arith.sitofp %sub3A_1280 : vector<16xi32> to vector<16xf32>
              %jit3A_1296 = arith.constant 1.000000e+00 : f32
              %jit3A_1297 = arith.constant 0.000000e+00 : f32
              %broadcast_in_dim3A_1298 = vector.broadcast %jit3A_1296 : f32 to vector<16xf32>
              %broadcast_in_dim3A_1299 = vector.broadcast %jit3A_1297 : f32 to vector<16xf32>
              %select_n3A_1300 = arith.select %gt3A_1290, %broadcast_in_dim3A_1298, %broadcast_in_dim3A_1299 : vector<16xi1>, vector<16xf32>
              %add3A_1301 = arith.addf %convert_element_type3A_1295, %select_n3A_1300 : vector<16xf32>
              %sub3A_1302 = arith.constant 1.000000e+00 : f32
              %sub3A_1303 = vector.broadcast %sub3A_1302 : f32 to vector<16xf32>
              %sub3A_1304 = arith.subf %select_n3A_1294, %sub3A_1303 : vector<16xf32>
              %add3A_1305 = arith.constant 1.000000e+00 : f32
              %add3A_1306 = vector.broadcast %add3A_1305 : f32 to vector<16xf32>
              %add3A_1307 = arith.addf %select_n3A_1294, %add3A_1306 : vector<16xf32>
              %div3A_1308 = arith.divf %sub3A_1304, %add3A_1307 : vector<16xf32>
              %mul3A_1309 = arith.mulf %div3A_1308, %div3A_1308 : vector<16xf32>
              %mul3A_1310 = arith.constant 0.111111112 : f32
              %mul3A_1311 = vector.broadcast %mul3A_1310 : f32 to vector<16xf32>
              %mul3A_1312 = arith.mulf %mul3A_1311, %mul3A_1309 : vector<16xf32>
              %add3A_1313 = arith.constant 0.142857149 : f32
              %add3A_1314 = vector.broadcast %add3A_1313 : f32 to vector<16xf32>
              %add3A_1315 = arith.addf %mul3A_1312, %add3A_1314 : vector<16xf32>
              %mul3A_1316 = arith.mulf %add3A_1315, %mul3A_1309 : vector<16xf32>
              %add3A_1317 = arith.constant 2.000000e-01 : f32
              %add3A_1318 = vector.broadcast %add3A_1317 : f32 to vector<16xf32>
              %add3A_1319 = arith.addf %mul3A_1316, %add3A_1318 : vector<16xf32>
              %mul3A_1320 = arith.mulf %add3A_1319, %mul3A_1309 : vector<16xf32>
              %add3A_1321 = arith.constant 0.333333343 : f32
              %add3A_1322 = vector.broadcast %add3A_1321 : f32 to vector<16xf32>
              %add3A_1323 = arith.addf %mul3A_1320, %add3A_1322 : vector<16xf32>
              %mul3A_1324 = arith.mulf %add3A_1323, %mul3A_1309 : vector<16xf32>
              %add3A_1325 = arith.constant 1.000000e+00 : f32
              %add3A_1326 = vector.broadcast %add3A_1325 : f32 to vector<16xf32>
              %add3A_1327 = arith.addf %mul3A_1324, %add3A_1326 : vector<16xf32>
              %mul3A_1328 = arith.constant 0.693147182 : f32
              %mul3A_1329 = vector.broadcast %mul3A_1328 : f32 to vector<16xf32>
              %mul3A_1330 = arith.mulf %add3A_1301, %mul3A_1329 : vector<16xf32>
              %mul3A_1331 = arith.constant 2.000000e+00 : f32
              %mul3A_1332 = vector.broadcast %mul3A_1331 : f32 to vector<16xf32>
              %mul3A_1333 = arith.mulf %mul3A_1332, %div3A_1308 : vector<16xf32>
              %mul3A_1334 = arith.mulf %mul3A_1333, %add3A_1327 : vector<16xf32>
              %add3A_1335 = arith.addf %mul3A_1330, %mul3A_1334 : vector<16xf32>
              %add3A_1336 = arith.addf %select_n3A_601, %add3A_1335 : vector<16xf32>
              %mul3A_1337 = arith.mulf %add3A_607, %add3A_1336 : vector<16xf32>
              %sub3A_1338 = arith.subf %sub3A_1270, %mul3A_1337 : vector<16xf32>
              %get3A_1339 = arith.constant 0 : index
              %get3A_1340 = tpu.vector_load %arg14[%get3A_1339] {strides = array<i32>} : memref<16xf32, #tpu.memory_space<vmem>>, vector<16xf32>,
              %get3A_1341 = vector.shape_cast %get3A_1340 : vector<16xf32> to vector<16xf32>
              %add3A_1342 = arith.addf %get3A_1341, %sub3A_1338 : vector<16xf32>
              %swap3A_1343 = arith.constant 0 : index
              %swap3A_1344 = tpu.vector_load %arg14[%swap3A_1343] {strides = array<i32>} : memref<16xf32, #tpu.memory_space<vmem>>, vector<16xf32>,
              %swap3A_1345 = vector.shape_cast %swap3A_1344 : vector<16xf32> to vector<16xf32>
              %swap3A_1346 = vector.shape_cast %add3A_1342 : vector<16xf32> to vector<16xf32>
              tpu.vector_store %arg14[%swap3A_1343], %swap3A_1346 {strides = array<i32>} : memref<16xf32, #tpu.memory_space<vmem>>, vector<16xf32>,
              scf.yield %cond3A_442 : i32
            }
            scf.yield %cond3A_801 : i32
          } else {
            scf.yield %cond3A_442 : i32
          }
          scf.yield %cond3A_796 : i32
        } else {
          scf.yield %cond3A_442 : i32
        }
        %select_n3A_622 = arith.select %ne3A_617, %squeeze3A_616, %select_n3A : i32
        %select_n3A_623 = arith.select %ne3A_617, %broadcast_in_dim3A_3, %add3A_609 : vector<16xf32>
        %get3A_624 = arith.constant 0 : i32
        %get3A_625 = arith.index_cast %get3A_624 : i32 to index
        %get3A_626 = arith.index_cast %scan3A_611 : i32 to index
        %get3A_627 = arith.constant 0 : index
        %get3A_628 = tpu.vector_load %arg8[%get3A_625, %get3A_626, %get3A_627] {strides = array<i32>} : memref<2x200x128xf32, #tpu.memory_space<vmem>>, vector<1x1x16xf32>,
        %get3A_629 = vector.shape_cast %get3A_628 : vector<1x1x16xf32> to vector<16xf32>
        %get3A_630 = arith.constant 0 : i32
        %get3A_631 = arith.index_cast %get3A_630 : i32 to index
        %get3A_632 = arith.index_cast %scan3A_611 : i32 to index
        %get3A_633 = arith.constant 0 : index
        %get3A_634 = tpu.vector_load %arg9[%get3A_631, %get3A_632, %get3A_633] {strides = array<i32>} : memref<2x200x128xf32, #tpu.memory_space<vmem>>, vector<1x1x16xf32>,
        %get3A_635 = vector.shape_cast %get3A_634 : vector<1x1x16xf32> to vector<16xf32>
        %select_n3A_636 = arith.select %ne3A_617, %get3A_629, %select_n3A_456 : vector<16xf32>
        %select_n3A_637 = arith.select %ne3A_617, %broadcast_in_dim3A_3, %add3A_458 : vector<16xf32>
        %sub3A_638 = arith.subf %get3A_629, %select_n3A_636 : vector<16xf32>
        %exp3A_639 = math.exp %sub3A_638 : vector<16xf32>
        %add3A_640 = arith.addf %select_n3A_637, %exp3A_639 : vector<16xf32>
        %select_n3A_641 = arith.select %ne3A_617, %broadcast_in_dim3A_3, %add3A_460 : vector<16xf32>
        %add3A_642 = arith.addf %select_n3A_641, %get3A_635 : vector<16xf32>
        %mul3A_643 = arith.mulf %get3A_635, %get3A_629 : vector<16xf32>
        %add3A_644 = arith.addf %select_n3A_623, %mul3A_643 : vector<16xf32>
        %get3A_645 = arith.constant 0 : i32
        %get3A_646 = arith.index_cast %get3A_645 : i32 to index
        %get3A_647 = arith.index_cast %scan3A_611 : i32 to index
        %get3A_648 = arith.constant 16 : index
        %get3A_649 = tpu.vector_load %arg8[%get3A_646, %get3A_647, %get3A_648] {strides = array<i32>} : memref<2x200x128xf32, #tpu.memory_space<vmem>>, vector<1x1x16xf32>,
        %get3A_650 = vector.shape_cast %get3A_649 : vector<1x1x16xf32> to vector<16xf32>
        %get3A_651 = arith.constant 0 : i32
        %get3A_652 = arith.index_cast %get3A_651 : i32 to index
        %get3A_653 = arith.index_cast %scan3A_611 : i32 to index
        %get3A_654 = arith.constant 16 : index
        %get3A_655 = tpu.vector_load %arg9[%get3A_652, %get3A_653, %get3A_654] {strides = array<i32>} : memref<2x200x128xf32, #tpu.memory_space<vmem>>, vector<1x1x16xf32>,
        %get3A_656 = vector.shape_cast %get3A_655 : vector<1x1x16xf32> to vector<16xf32>
        %select_n3A_657 = arith.select %ne3A_617, %get3A_650, %select_n3A_475 : vector<16xf32>
        %select_n3A_658 = arith.select %ne3A_617, %broadcast_in_dim3A_3, %add3A_479 : vector<16xf32>
        %sub3A_659 = arith.subf %get3A_650, %select_n3A_657 : vector<16xf32>
        %exp3A_660 = math.exp %sub3A_659 : vector<16xf32>
        %add3A_661 = arith.addf %select_n3A_658, %exp3A_660 : vector<16xf32>
        %select_n3A_662 = arith.select %ne3A_617, %broadcast_in_dim3A_3, %add3A_481 : vector<16xf32>
        %add3A_663 = arith.addf %select_n3A_662, %get3A_656 : vector<16xf32>
        %mul3A_664 = arith.mulf %get3A_656, %get3A_650 : vector<16xf32>
        %add3A_665 = arith.addf %add3A_644, %mul3A_664 : vector<16xf32>
        %get3A_666 = arith.constant 0 : i32
        %get3A_667 = arith.index_cast %get3A_666 : i32 to index
        %get3A_668 = arith.index_cast %scan3A_611 : i32 to index
        %get3A_669 = arith.constant 32 : index
        %get3A_670 = tpu.vector_load %arg8[%get3A_667, %get3A_668, %get3A_669] {strides = array<i32>} : memref<2x200x128xf32, #tpu.memory_space<vmem>>, vector<1x1x16xf32>,
        %get3A_671 = vector.shape_cast %get3A_670 : vector<1x1x16xf32> to vector<16xf32>
        %get3A_672 = arith.constant 0 : i32
        %get3A_673 = arith.index_cast %get3A_672 : i32 to index
        %get3A_674 = arith.index_cast %scan3A_611 : i32 to index
        %get3A_675 = arith.constant 32 : index
        %get3A_676 = tpu.vector_load %arg9[%get3A_673, %get3A_674, %get3A_675] {strides = array<i32>} : memref<2x200x128xf32, #tpu.memory_space<vmem>>, vector<1x1x16xf32>,
        %get3A_677 = vector.shape_cast %get3A_676 : vector<1x1x16xf32> to vector<16xf32>
        %select_n3A_678 = arith.select %ne3A_617, %get3A_671, %select_n3A_496 : vector<16xf32>
        %select_n3A_679 = arith.select %ne3A_617, %broadcast_in_dim3A_3, %add3A_500 : vector<16xf32>
        %sub3A_680 = arith.subf %get3A_671, %select_n3A_678 : vector<16xf32>
        %exp3A_681 = math.exp %sub3A_680 : vector<16xf32>
        %add3A_682 = arith.addf %select_n3A_679, %exp3A_681 : vector<16xf32>
        %select_n3A_683 = arith.select %ne3A_617, %broadcast_in_dim3A_3, %add3A_502 : vector<16xf32>
        %add3A_684 = arith.addf %select_n3A_683, %get3A_677 : vector<16xf32>
        %mul3A_685 = arith.mulf %get3A_677, %get3A_671 : vector<16xf32>
        %add3A_686 = arith.addf %add3A_665, %mul3A_685 : vector<16xf32>
        %get3A_687 = arith.constant 0 : i32
        %get3A_688 = arith.index_cast %get3A_687 : i32 to index
        %get3A_689 = arith.index_cast %scan3A_611 : i32 to index
        %get3A_690 = arith.constant 48 : index
        %get3A_691 = tpu.vector_load %arg8[%get3A_688, %get3A_689, %get3A_690] {strides = array<i32>} : memref<2x200x128xf32, #tpu.memory_space<vmem>>, vector<1x1x16xf32>,
        %get3A_692 = vector.shape_cast %get3A_691 : vector<1x1x16xf32> to vector<16xf32>
        %get3A_693 = arith.constant 0 : i32
        %get3A_694 = arith.index_cast %get3A_693 : i32 to index
        %get3A_695 = arith.index_cast %scan3A_611 : i32 to index
        %get3A_696 = arith.constant 48 : index
        %get3A_697 = tpu.vector_load %arg9[%get3A_694, %get3A_695, %get3A_696] {strides = array<i32>} : memref<2x200x128xf32, #tpu.memory_space<vmem>>, vector<1x1x16xf32>,
        %get3A_698 = vector.shape_cast %get3A_697 : vector<1x1x16xf32> to vector<16xf32>
        %select_n3A_699 = arith.select %ne3A_617, %get3A_692, %select_n3A_517 : vector<16xf32>
        %select_n3A_700 = arith.select %ne3A_617, %broadcast_in_dim3A_3, %add3A_521 : vector<16xf32>
        %sub3A_701 = arith.subf %get3A_692, %select_n3A_699 : vector<16xf32>
        %exp3A_702 = math.exp %sub3A_701 : vector<16xf32>
        %add3A_703 = arith.addf %select_n3A_700, %exp3A_702 : vector<16xf32>
        %select_n3A_704 = arith.select %ne3A_617, %broadcast_in_dim3A_3, %add3A_523 : vector<16xf32>
        %add3A_705 = arith.addf %select_n3A_704, %get3A_698 : vector<16xf32>
        %mul3A_706 = arith.mulf %get3A_698, %get3A_692 : vector<16xf32>
        %add3A_707 = arith.addf %add3A_686, %mul3A_706 : vector<16xf32>
        %get3A_708 = arith.constant 0 : i32
        %get3A_709 = arith.index_cast %get3A_708 : i32 to index
        %get3A_710 = arith.index_cast %scan3A_611 : i32 to index
        %get3A_711 = arith.constant 64 : index
        %get3A_712 = tpu.vector_load %arg8[%get3A_709, %get3A_710, %get3A_711] {strides = array<i32>} : memref<2x200x128xf32, #tpu.memory_space<vmem>>, vector<1x1x16xf32>,
        %get3A_713 = vector.shape_cast %get3A_712 : vector<1x1x16xf32> to vector<16xf32>
        %get3A_714 = arith.constant 0 : i32
        %get3A_715 = arith.index_cast %get3A_714 : i32 to index
        %get3A_716 = arith.index_cast %scan3A_611 : i32 to index
        %get3A_717 = arith.constant 64 : index
        %get3A_718 = tpu.vector_load %arg9[%get3A_715, %get3A_716, %get3A_717] {strides = array<i32>} : memref<2x200x128xf32, #tpu.memory_space<vmem>>, vector<1x1x16xf32>,
        %get3A_719 = vector.shape_cast %get3A_718 : vector<1x1x16xf32> to vector<16xf32>
        %select_n3A_720 = arith.select %ne3A_617, %get3A_713, %select_n3A_538 : vector<16xf32>
        %select_n3A_721 = arith.select %ne3A_617, %broadcast_in_dim3A_3, %add3A_542 : vector<16xf32>
        %sub3A_722 = arith.subf %get3A_713, %select_n3A_720 : vector<16xf32>
        %exp3A_723 = math.exp %sub3A_722 : vector<16xf32>
        %add3A_724 = arith.addf %select_n3A_721, %exp3A_723 : vector<16xf32>
        %select_n3A_725 = arith.select %ne3A_617, %broadcast_in_dim3A_3, %add3A_544 : vector<16xf32>
        %add3A_726 = arith.addf %select_n3A_725, %get3A_719 : vector<16xf32>
        %mul3A_727 = arith.mulf %get3A_719, %get3A_713 : vector<16xf32>
        %add3A_728 = arith.addf %add3A_707, %mul3A_727 : vector<16xf32>
        %get3A_729 = arith.constant 0 : i32
        %get3A_730 = arith.index_cast %get3A_729 : i32 to index
        %get3A_731 = arith.index_cast %scan3A_611 : i32 to index
        %get3A_732 = arith.constant 80 : index
        %get3A_733 = tpu.vector_load %arg8[%get3A_730, %get3A_731, %get3A_732] {strides = array<i32>} : memref<2x200x128xf32, #tpu.memory_space<vmem>>, vector<1x1x16xf32>,
        %get3A_734 = vector.shape_cast %get3A_733 : vector<1x1x16xf32> to vector<16xf32>
        %get3A_735 = arith.constant 0 : i32
        %get3A_736 = arith.index_cast %get3A_735 : i32 to index
        %get3A_737 = arith.index_cast %scan3A_611 : i32 to index
        %get3A_738 = arith.constant 80 : index
        %get3A_739 = tpu.vector_load %arg9[%get3A_736, %get3A_737, %get3A_738] {strides = array<i32>} : memref<2x200x128xf32, #tpu.memory_space<vmem>>, vector<1x1x16xf32>,
        %get3A_740 = vector.shape_cast %get3A_739 : vector<1x1x16xf32> to vector<16xf32>
        %select_n3A_741 = arith.select %ne3A_617, %get3A_734, %select_n3A_559 : vector<16xf32>
        %select_n3A_742 = arith.select %ne3A_617, %broadcast_in_dim3A_3, %add3A_563 : vector<16xf32>
        %sub3A_743 = arith.subf %get3A_734, %select_n3A_741 : vector<16xf32>
        %exp3A_744 = math.exp %sub3A_743 : vector<16xf32>
        %add3A_745 = arith.addf %select_n3A_742, %exp3A_744 : vector<16xf32>
        %select_n3A_746 = arith.select %ne3A_617, %broadcast_in_dim3A_3, %add3A_565 : vector<16xf32>
        %add3A_747 = arith.addf %select_n3A_746, %get3A_740 : vector<16xf32>
        %mul3A_748 = arith.mulf %get3A_740, %get3A_734 : vector<16xf32>
        %add3A_749 = arith.addf %add3A_728, %mul3A_748 : vector<16xf32>
        %get3A_750 = arith.constant 0 : i32
        %get3A_751 = arith.index_cast %get3A_750 : i32 to index
        %get3A_752 = arith.index_cast %scan3A_611 : i32 to index
        %get3A_753 = arith.constant 96 : index
        %get3A_754 = tpu.vector_load %arg8[%get3A_751, %get3A_752, %get3A_753] {strides = array<i32>} : memref<2x200x128xf32, #tpu.memory_space<vmem>>, vector<1x1x16xf32>,
        %get3A_755 = vector.shape_cast %get3A_754 : vector<1x1x16xf32> to vector<16xf32>
        %get3A_756 = arith.constant 0 : i32
        %get3A_757 = arith.index_cast %get3A_756 : i32 to index
        %get3A_758 = arith.index_cast %scan3A_611 : i32 to index
        %get3A_759 = arith.constant 96 : index
        %get3A_760 = tpu.vector_load %arg9[%get3A_757, %get3A_758, %get3A_759] {strides = array<i32>} : memref<2x200x128xf32, #tpu.memory_space<vmem>>, vector<1x1x16xf32>,
        %get3A_761 = vector.shape_cast %get3A_760 : vector<1x1x16xf32> to vector<16xf32>
        %select_n3A_762 = arith.select %ne3A_617, %get3A_755, %select_n3A_580 : vector<16xf32>
        %select_n3A_763 = arith.select %ne3A_617, %broadcast_in_dim3A_3, %add3A_584 : vector<16xf32>
        %sub3A_764 = arith.subf %get3A_755, %select_n3A_762 : vector<16xf32>
        %exp3A_765 = math.exp %sub3A_764 : vector<16xf32>
        %add3A_766 = arith.addf %select_n3A_763, %exp3A_765 : vector<16xf32>
        %select_n3A_767 = arith.select %ne3A_617, %broadcast_in_dim3A_3, %add3A_586 : vector<16xf32>
        %add3A_768 = arith.addf %select_n3A_767, %get3A_761 : vector<16xf32>
        %mul3A_769 = arith.mulf %get3A_761, %get3A_755 : vector<16xf32>
        %add3A_770 = arith.addf %add3A_749, %mul3A_769 : vector<16xf32>
        %get3A_771 = arith.constant 0 : i32
        %get3A_772 = arith.index_cast %get3A_771 : i32 to index
        %get3A_773 = arith.index_cast %scan3A_611 : i32 to index
        %get3A_774 = arith.constant 112 : index
        %get3A_775 = tpu.vector_load %arg8[%get3A_772, %get3A_773, %get3A_774] {strides = array<i32>} : memref<2x200x128xf32, #tpu.memory_space<vmem>>, vector<1x1x16xf32>,
        %get3A_776 = vector.shape_cast %get3A_775 : vector<1x1x16xf32> to vector<16xf32>
        %get3A_777 = arith.constant 0 : i32
        %get3A_778 = arith.index_cast %get3A_777 : i32 to index
        %get3A_779 = arith.index_cast %scan3A_611 : i32 to index
        %get3A_780 = arith.constant 112 : index
        %get3A_781 = tpu.vector_load %arg9[%get3A_778, %get3A_779, %get3A_780] {strides = array<i32>} : memref<2x200x128xf32, #tpu.memory_space<vmem>>, vector<1x1x16xf32>,
        %get3A_782 = vector.shape_cast %get3A_781 : vector<1x1x16xf32> to vector<16xf32>
        %select_n3A_783 = arith.select %ne3A_617, %get3A_776, %select_n3A_601 : vector<16xf32>
        %select_n3A_784 = arith.select %ne3A_617, %broadcast_in_dim3A_3, %add3A_605 : vector<16xf32>
        %sub3A_785 = arith.subf %get3A_776, %select_n3A_783 : vector<16xf32>
        %exp3A_786 = math.exp %sub3A_785 : vector<16xf32>
        %add3A_787 = arith.addf %select_n3A_784, %exp3A_786 : vector<16xf32>
        %select_n3A_788 = arith.select %ne3A_617, %broadcast_in_dim3A_3, %add3A_607 : vector<16xf32>
        %add3A_789 = arith.addf %select_n3A_788, %get3A_782 : vector<16xf32>
        %mul3A_790 = arith.mulf %get3A_782, %get3A_776 : vector<16xf32>
        %add3A_791 = arith.addf %add3A_770, %mul3A_790 : vector<16xf32>
        scf.yield %select_n3A_622, %cond3A_621, %select_n3A_636, %select_n3A_657, %select_n3A_678, %select_n3A_699, %select_n3A_720, %select_n3A_741, %select_n3A_762, %select_n3A_783, %add3A_640, %add3A_661, %add3A_682, %add3A_703, %add3A_724, %add3A_745, %add3A_766, %add3A_787, %add3A_642, %add3A_663, %add3A_684, %add3A_705, %add3A_726, %add3A_747, %add3A_768, %add3A_789, %add3A_791 : i32, i32, vector<16xf32>, vector<16xf32>, vector<16xf32>, vector<16xf32>, vector<16xf32>, vector<16xf32>, vector<16xf32>, vector<16xf32>, vector<16xf32>, vector<16xf32>, vector<16xf32>, vector<16xf32>, vector<16xf32>, vector<16xf32>, vector<16xf32>, vector<16xf32>, vector<16xf32>, vector<16xf32>, vector<16xf32>, vector<16xf32>, vector<16xf32>, vector<16xf32>, vector<16xf32>, vector<16xf32>, vector<16xf32>
      }
      %scan3A_357 = arith.constant 200 : i32
      %add3A_358 = arith.constant 2 : i32
      %add3A_359 = arith.addi %mul3A_321, %add3A_358 : i32
      %lt3A = arith.constant 50 : i32
      %lt3A_360 = arith.cmpi slt, %add3A_359, %lt3A : i32
      %convert_element_type3A_361 = arith.extui %lt3A_360 : i1 to i32
      %cond3A = arith.constant 0 : i32
      %cond3A_362 = arith.cmpi ne, %convert_element_type3A_361, %cond3A : i32
      scf.if %cond3A_362 {
        %add3A_409 = arith.constant 2 : i32
        %add3A_410 = arith.addi %mul3A_321, %add3A_409 : i32
        %mul3A_411 = arith.constant 200 : i32
        %mul3A_412 = arith.muli %add3A_410, %mul3A_411 : i32
        %add3A_413 = arith.addi %mul3A_2, %mul3A_412 : i32
        %dma_start3A_414 = arith.constant 0 : i32
        %dma_start3A_415 = arith.constant 0 : i32
        %dma_start3A_416 = arith.constant 0 : i32
        %dma_start3A_417 = tpu.memref_slice %arg8[%dma_start3A_414, %dma_start3A_415, %dma_start3A_416] : memref<2x200x128xf32, #tpu.memory_space<vmem>> -> memref<1x200x128xf32, #tpu.memory_space<vmem>>
        %dma_start3A_418 = tpu.memref_squeeze %dma_start3A_417 : memref<1x200x128xf32, #tpu.memory_space<vmem>> -> memref<200x128xf32, #tpu.memory_space<vmem>>
        %dma_start3A_419 = arith.constant 0 : i32
        %dma_start3A_420 = tpu.memref_slice %arg2[%add3A_413, %dma_start3A_419] : memref<320000x128xf32, #tpu.memory_space<hbm>> -> memref<200x128xf32, #tpu.memory_space<hbm>>
        %dma_start3A_421 = arith.constant 0 : i32
        %dma_start3A_422 = arith.constant 0 : i32
        %dma_start3A_423 = tpu.memref_slice %arg8[%dma_start3A_414, %dma_start3A_421, %dma_start3A_422] : memref<2x200x128xf32, #tpu.memory_space<vmem>> -> memref<1x200x128xf32, #tpu.memory_space<vmem>>
        %dma_start3A_424 = tpu.memref_squeeze %dma_start3A_423 : memref<1x200x128xf32, #tpu.memory_space<vmem>> -> memref<200x128xf32, #tpu.memory_space<vmem>>
        %dma_start3A_425 = arith.constant 0 : i32
        %dma_start3A_426 = tpu.memref_slice %arg2[%add3A_413, %dma_start3A_425] : memref<320000x128xf32, #tpu.memory_space<hbm>> -> memref<200x128xf32, #tpu.memory_space<hbm>>
        tpu.enqueue_dma source(%dma_start3A_426 : memref<200x128xf32, #tpu.memory_space<hbm>>) target(%dma_start3A_424 : memref<200x128xf32, #tpu.memory_space<vmem>>) target_semaphore(%arg15 : memref<!tpu.dma_semaphore, #tpu.memory_space<semaphore_mem>>)
        %dma_start3A_427 = arith.constant 0 : i32
        %dma_start3A_428 = arith.constant 0 : i32
        %dma_start3A_429 = arith.constant 0 : i32
        %dma_start3A_430 = tpu.memref_slice %arg9[%dma_start3A_427, %dma_start3A_428, %dma_start3A_429] : memref<2x200x128xf32, #tpu.memory_space<vmem>> -> memref<1x200x128xf32, #tpu.memory_space<vmem>>
        %dma_start3A_431 = tpu.memref_squeeze %dma_start3A_430 : memref<1x200x128xf32, #tpu.memory_space<vmem>> -> memref<200x128xf32, #tpu.memory_space<vmem>>
        %dma_start3A_432 = arith.constant 0 : i32
        %dma_start3A_433 = tpu.memref_slice %arg4[%add3A_413, %dma_start3A_432] : memref<320000x128xf32, #tpu.memory_space<hbm>> -> memref<200x128xf32, #tpu.memory_space<hbm>>
        %dma_start3A_434 = arith.constant 0 : i32
        %dma_start3A_435 = arith.constant 0 : i32
        %dma_start3A_436 = tpu.memref_slice %arg9[%dma_start3A_427, %dma_start3A_434, %dma_start3A_435] : memref<2x200x128xf32, #tpu.memory_space<vmem>> -> memref<1x200x128xf32, #tpu.memory_space<vmem>>
        %dma_start3A_437 = tpu.memref_squeeze %dma_start3A_436 : memref<1x200x128xf32, #tpu.memory_space<vmem>> -> memref<200x128xf32, #tpu.memory_space<vmem>>
        %dma_start3A_438 = arith.constant 0 : i32
        %dma_start3A_439 = tpu.memref_slice %arg4[%add3A_413, %dma_start3A_438] : memref<320000x128xf32, #tpu.memory_space<hbm>> -> memref<200x128xf32, #tpu.memory_space<hbm>>
        tpu.enqueue_dma source(%dma_start3A_439 : memref<200x128xf32, #tpu.memory_space<hbm>>) target(%dma_start3A_437 : memref<200x128xf32, #tpu.memory_space<vmem>>) target_semaphore(%arg15 : memref<!tpu.dma_semaphore, #tpu.memory_space<semaphore_mem>>)
        %dma_start3A_440 = tpu.memref_slice %arg3[%add3A_413] : memref<320016xi32, #tpu.memory_space<hbm>> -> memref<216xi32, #tpu.memory_space<hbm>>
        %dma_start3A_441 = tpu.memref_slice %arg3[%add3A_413] : memref<320016xi32, #tpu.memory_space<hbm>> -> memref<216xi32, #tpu.memory_space<hbm>>
        tpu.enqueue_dma source(%dma_start3A_441 : memref<216xi32, #tpu.memory_space<hbm>>) target(%arg10 : memref<216xi32, #tpu.memory_space<vmem>>) target_semaphore(%arg15 : memref<!tpu.dma_semaphore, #tpu.memory_space<semaphore_mem>>)
      } else {
      }
      %add3A_363 = arith.constant 1 : i32
      %add3A_364 = arith.addi %mul3A_321, %add3A_363 : i32
      %mul3A_365 = arith.constant 200 : i32
      %mul3A_366 = arith.muli %add3A_364, %mul3A_365 : i32
      %add3A_367 = arith.addi %mul3A_2, %mul3A_366 : i32
      %dma_wait3A_368 = arith.constant 1 : i32
      %dma_wait3A_369 = arith.constant 0 : i32
      %dma_wait3A_370 = arith.constant 0 : i32
      %dma_wait3A_371 = tpu.memref_slice %arg8[%dma_wait3A_368, %dma_wait3A_369, %dma_wait3A_370] : memref<2x200x128xf32, #tpu.memory_space<vmem>> -> memref<1x200x128xf32, #tpu.memory_space<vmem>>
      %dma_wait3A_372 = tpu.memref_squeeze %dma_wait3A_371 : memref<1x200x128xf32, #tpu.memory_space<vmem>> -> memref<200x128xf32, #tpu.memory_space<vmem>>
      %dma_wait3A_373 = arith.constant 0 : i32
      %dma_wait3A_374 = tpu.memref_slice %arg2[%add3A_367, %dma_wait3A_373] : memref<320000x128xf32, #tpu.memory_space<hbm>> -> memref<200x128xf32, #tpu.memory_space<hbm>>
      %dma_wait3A_375 = arith.constant 0 : i32
      %dma_wait3A_376 = arith.constant 0 : i32
      %dma_wait3A_377 = tpu.memref_slice %arg8[%dma_wait3A_368, %dma_wait3A_375, %dma_wait3A_376] : memref<2x200x128xf32, #tpu.memory_space<vmem>> -> memref<1x200x128xf32, #tpu.memory_space<vmem>>
      %dma_wait3A_378 = tpu.memref_squeeze %dma_wait3A_377 : memref<1x200x128xf32, #tpu.memory_space<vmem>> -> memref<200x128xf32, #tpu.memory_space<vmem>>
      %dma_wait3A_379 = arith.constant 0 : i32
      %dma_wait3A_380 = tpu.memref_slice %arg2[%add3A_367, %dma_wait3A_379] : memref<320000x128xf32, #tpu.memory_space<hbm>> -> memref<200x128xf32, #tpu.memory_space<hbm>>
      tpu.wait_dma2 semaphore(%arg16 : memref<!tpu.dma_semaphore, #tpu.memory_space<semaphore_mem>>) src(%dma_wait3A_380 : memref<200x128xf32, #tpu.memory_space<hbm>>) dst(%dma_wait3A_378 : memref<200x128xf32, #tpu.memory_space<vmem>>)
      %dma_wait3A_381 = arith.constant 1 : i32
      %dma_wait3A_382 = arith.constant 0 : i32
      %dma_wait3A_383 = arith.constant 0 : i32
      %dma_wait3A_384 = tpu.memref_slice %arg9[%dma_wait3A_381, %dma_wait3A_382, %dma_wait3A_383] : memref<2x200x128xf32, #tpu.memory_space<vmem>> -> memref<1x200x128xf32, #tpu.memory_space<vmem>>
      %dma_wait3A_385 = tpu.memref_squeeze %dma_wait3A_384 : memref<1x200x128xf32, #tpu.memory_space<vmem>> -> memref<200x128xf32, #tpu.memory_space<vmem>>
      %dma_wait3A_386 = arith.constant 0 : i32
      %dma_wait3A_387 = tpu.memref_slice %arg4[%add3A_367, %dma_wait3A_386] : memref<320000x128xf32, #tpu.memory_space<hbm>> -> memref<200x128xf32, #tpu.memory_space<hbm>>
      %dma_wait3A_388 = arith.constant 0 : i32
      %dma_wait3A_389 = arith.constant 0 : i32
      %dma_wait3A_390 = tpu.memref_slice %arg9[%dma_wait3A_381, %dma_wait3A_388, %dma_wait3A_389] : memref<2x200x128xf32, #tpu.memory_space<vmem>> -> memref<1x200x128xf32, #tpu.memory_space<vmem>>
      %dma_wait3A_391 = tpu.memref_squeeze %dma_wait3A_390 : memref<1x200x128xf32, #tpu.memory_space<vmem>> -> memref<200x128xf32, #tpu.memory_space<vmem>>
      %dma_wait3A_392 = arith.constant 0 : i32
      %dma_wait3A_393 = tpu.memref_slice %arg4[%add3A_367, %dma_wait3A_392] : memref<320000x128xf32, #tpu.memory_space<hbm>> -> memref<200x128xf32, #tpu.memory_space<hbm>>
      tpu.wait_dma2 semaphore(%arg16 : memref<!tpu.dma_semaphore, #tpu.memory_space<semaphore_mem>>) src(%dma_wait3A_393 : memref<200x128xf32, #tpu.memory_space<hbm>>) dst(%dma_wait3A_391 : memref<200x128xf32, #tpu.memory_space<vmem>>)
      %dma_wait3A_394 = tpu.memref_slice %arg3[%add3A_367] : memref<320016xi32, #tpu.memory_space<hbm>> -> memref<216xi32, #tpu.memory_space<hbm>>
      %dma_wait3A_395 = tpu.memref_slice %arg3[%add3A_367] : memref<320016xi32, #tpu.memory_space<hbm>> -> memref<216xi32, #tpu.memory_space<hbm>>
      tpu.wait_dma2 semaphore(%arg16 : memref<!tpu.dma_semaphore, #tpu.memory_space<semaphore_mem>>) src(%dma_wait3A_395 : memref<216xi32, #tpu.memory_space<hbm>>) dst(%arg11 : memref<216xi32, #tpu.memory_space<vmem>>)
      %scan3A_396 = arith.constant 0 : i32
      %scan3A_397 = arith.constant 200 : i32
      %scan3A_398 = arith.addi %scan3A_396, %scan3A_397 : i32
      %scan3A_399 = arith.constant 2 : i32
      %scan3A_400:27 = scf.for %scan3A_409 = %scan3A_396 to %scan3A_398 step %scan3A_399 iter_args(%scan3A_410 = %scan3A_356#0, %scan3A_411 = %scan3A_356#1, %scan3A_412 = %scan3A_356#2, %scan3A_413 = %scan3A_356#3, %scan3A_414 = %scan3A_356#4, %scan3A_415 = %scan3A_356#5, %scan3A_416 = %scan3A_356#6, %scan3A_417 = %scan3A_356#7, %scan3A_418 = %scan3A_356#8, %scan3A_419 = %scan3A_356#9, %scan3A_420 = %scan3A_356#10, %scan3A_421 = %scan3A_356#11, %scan3A_422 = %scan3A_356#12, %scan3A_423 = %scan3A_356#13, %scan3A_424 = %scan3A_356#14, %scan3A_425 = %scan3A_356#15, %scan3A_426 = %scan3A_356#16, %scan3A_427 = %scan3A_356#17, %scan3A_428 = %scan3A_356#18, %scan3A_429 = %scan3A_356#19, %scan3A_430 = %scan3A_356#20, %scan3A_431 = %scan3A_356#21, %scan3A_432 = %scan3A_356#22, %scan3A_433 = %scan3A_356#23, %scan3A_434 = %scan3A_356#24, %scan3A_435 = %scan3A_356#25, %scan3A_436 = %scan3A_356#26) -> (i32, i32, vector<16xf32>, vector<16xf32>, vector<16xf32>, vector<16xf32>, vector<16xf32>, vector<16xf32>, vector<16xf32>, vector<16xf32>, vector<16xf32>, vector<16xf32>, vector<16xf32>, vector<16xf32>, vector<16xf32>, vector<16xf32>, vector<16xf32>, vector<16xf32>, vector<16xf32>, vector<16xf32>, vector<16xf32>, vector<16xf32>, vector<16xf32>, vector<16xf32>, vector<16xf32>, vector<16xf32>, vector<16xf32>)  : i32 {
        %get3A = arith.index_cast %scan3A_409 : i32 to index
        %get3A_437 = tpu.vector_load %arg11[%get3A] {strides = array<i32>} : memref<216xi32, #tpu.memory_space<vmem>>, vector<16xi32>,
        %get3A_438 = vector.shape_cast %get3A_437 : vector<16xi32> to vector<16xi32>
        %slice3A = vector.extract_strided_slice %get3A_438 {offsets = [0], sizes = [1], strides = [1]} : vector<16xi32> to vector<1xi32>
        %squeeze3A = vector.extract %slice3A[0] : i32 from vector<1xi32>
        %ne3A = arith.cmpi ne, %squeeze3A, %scan3A_410 : i32
        %convert_element_type3A_439 = arith.extui %ne3A : i1 to i32
        %cond3A_440 = arith.constant 0 : i32
        %cond3A_441 = arith.cmpi ne, %convert_element_type3A_439, %cond3A_440 : i32
        %cond3A_442 = scf.if %cond3A_441 -> (i32) {
          %ge3A = arith.constant 0 : i32
          %ge3A_792 = arith.cmpi sge, %scan3A_410, %ge3A : i32
          %convert_element_type3A_793 = arith.extui %ge3A_792 : i1 to i32
          %cond3A_794 = arith.constant 0 : i32
          %cond3A_795 = arith.cmpi ne, %convert_element_type3A_793, %cond3A_794 : i32
          %cond3A_796 = scf.if %cond3A_795 -> (i32) {
            %eq3A = arith.constant 0 : i32
            %eq3A_797 = arith.cmpi eq, %scan3A_411, %eq3A : i32
            %convert_element_type3A_798 = arith.extui %eq3A_797 : i1 to i32
            %cond3A_799 = arith.constant 0 : i32
            %cond3A_800 = arith.cmpi ne, %convert_element_type3A_798, %cond3A_799 : i32
            %cond3A_801 = scf.if %cond3A_800 -> (i32) {
              %swap3A_802 = arith.constant 0 : index
              %swap3A_803 = tpu.vector_load %arg12[%swap3A_802] {strides = array<i32>} : memref<768xf32, #tpu.memory_space<vmem>>, vector<16xf32>,
              %swap3A_804 = vector.shape_cast %swap3A_803 : vector<16xf32> to vector<16xf32>
              %swap3A_805 = vector.shape_cast %scan3A_420 : vector<16xf32> to vector<16xf32>
              tpu.vector_store %arg12[%swap3A_802], %swap3A_805 {strides = array<i32>} : memref<768xf32, #tpu.memory_space<vmem>>, vector<16xf32>,
              %swap3A_806 = arith.constant 128 : index
              %swap3A_807 = tpu.vector_load %arg12[%swap3A_806] {strides = array<i32>} : memref<768xf32, #tpu.memory_space<vmem>>, vector<16xf32>,
              %swap3A_808 = vector.shape_cast %swap3A_807 : vector<16xf32> to vector<16xf32>
              %swap3A_809 = vector.shape_cast %scan3A_428 : vector<16xf32> to vector<16xf32>
              tpu.vector_store %arg12[%swap3A_806], %swap3A_809 {strides = array<i32>} : memref<768xf32, #tpu.memory_space<vmem>>, vector<16xf32>,
              %swap3A_810 = arith.constant 256 : index
              %swap3A_811 = tpu.vector_load %arg12[%swap3A_810] {strides = array<i32>} : memref<768xf32, #tpu.memory_space<vmem>>, vector<16xf32>,
              %swap3A_812 = vector.shape_cast %swap3A_811 : vector<16xf32> to vector<16xf32>
              %swap3A_813 = vector.shape_cast %scan3A_412 : vector<16xf32> to vector<16xf32>
              tpu.vector_store %arg12[%swap3A_810], %swap3A_813 {strides = array<i32>} : memref<768xf32, #tpu.memory_space<vmem>>, vector<16xf32>,
              %swap3A_814 = arith.constant 16 : index
              %swap3A_815 = tpu.vector_load %arg12[%swap3A_814] {strides = array<i32>} : memref<768xf32, #tpu.memory_space<vmem>>, vector<16xf32>,
              %swap3A_816 = vector.shape_cast %swap3A_815 : vector<16xf32> to vector<16xf32>
              %swap3A_817 = vector.shape_cast %scan3A_421 : vector<16xf32> to vector<16xf32>
              tpu.vector_store %arg12[%swap3A_814], %swap3A_817 {strides = array<i32>} : memref<768xf32, #tpu.memory_space<vmem>>, vector<16xf32>,
              %swap3A_818 = arith.constant 144 : index
              %swap3A_819 = tpu.vector_load %arg12[%swap3A_818] {strides = array<i32>} : memref<768xf32, #tpu.memory_space<vmem>>, vector<16xf32>,
              %swap3A_820 = vector.shape_cast %swap3A_819 : vector<16xf32> to vector<16xf32>
              %swap3A_821 = vector.shape_cast %scan3A_429 : vector<16xf32> to vector<16xf32>
              tpu.vector_store %arg12[%swap3A_818], %swap3A_821 {strides = array<i32>} : memref<768xf32, #tpu.memory_space<vmem>>, vector<16xf32>,
              %swap3A_822 = arith.constant 272 : index
              %swap3A_823 = tpu.vector_load %arg12[%swap3A_822] {strides = array<i32>} : memref<768xf32, #tpu.memory_space<vmem>>, vector<16xf32>,
              %swap3A_824 = vector.shape_cast %swap3A_823 : vector<16xf32> to vector<16xf32>
              %swap3A_825 = vector.shape_cast %scan3A_413 : vector<16xf32> to vector<16xf32>
              tpu.vector_store %arg12[%swap3A_822], %swap3A_825 {strides = array<i32>} : memref<768xf32, #tpu.memory_space<vmem>>, vector<16xf32>,
              %swap3A_826 = arith.constant 32 : index
              %swap3A_827 = tpu.vector_load %arg12[%swap3A_826] {strides = array<i32>} : memref<768xf32, #tpu.memory_space<vmem>>, vector<16xf32>,
              %swap3A_828 = vector.shape_cast %swap3A_827 : vector<16xf32> to vector<16xf32>
              %swap3A_829 = vector.shape_cast %scan3A_422 : vector<16xf32> to vector<16xf32>
              tpu.vector_store %arg12[%swap3A_826], %swap3A_829 {strides = array<i32>} : memref<768xf32, #tpu.memory_space<vmem>>, vector<16xf32>,
              %swap3A_830 = arith.constant 160 : index
              %swap3A_831 = tpu.vector_load %arg12[%swap3A_830] {strides = array<i32>} : memref<768xf32, #tpu.memory_space<vmem>>, vector<16xf32>,
              %swap3A_832 = vector.shape_cast %swap3A_831 : vector<16xf32> to vector<16xf32>
              %swap3A_833 = vector.shape_cast %scan3A_430 : vector<16xf32> to vector<16xf32>
              tpu.vector_store %arg12[%swap3A_830], %swap3A_833 {strides = array<i32>} : memref<768xf32, #tpu.memory_space<vmem>>, vector<16xf32>,
              %swap3A_834 = arith.constant 288 : index
              %swap3A_835 = tpu.vector_load %arg12[%swap3A_834] {strides = array<i32>} : memref<768xf32, #tpu.memory_space<vmem>>, vector<16xf32>,
              %swap3A_836 = vector.shape_cast %swap3A_835 : vector<16xf32> to vector<16xf32>
              %swap3A_837 = vector.shape_cast %scan3A_414 : vector<16xf32> to vector<16xf32>
              tpu.vector_store %arg12[%swap3A_834], %swap3A_837 {strides = array<i32>} : memref<768xf32, #tpu.memory_space<vmem>>, vector<16xf32>,
              %swap3A_838 = arith.constant 48 : index
              %swap3A_839 = tpu.vector_load %arg12[%swap3A_838] {strides = array<i32>} : memref<768xf32, #tpu.memory_space<vmem>>, vector<16xf32>,
              %swap3A_840 = vector.shape_cast %swap3A_839 : vector<16xf32> to vector<16xf32>
              %swap3A_841 = vector.shape_cast %scan3A_423 : vector<16xf32> to vector<16xf32>
              tpu.vector_store %arg12[%swap3A_838], %swap3A_841 {strides = array<i32>} : memref<768xf32, #tpu.memory_space<vmem>>, vector<16xf32>,
              %swap3A_842 = arith.constant 176 : index
              %swap3A_843 = tpu.vector_load %arg12[%swap3A_842] {strides = array<i32>} : memref<768xf32, #tpu.memory_space<vmem>>, vector<16xf32>,
              %swap3A_844 = vector.shape_cast %swap3A_843 : vector<16xf32> to vector<16xf32>
              %swap3A_845 = vector.shape_cast %scan3A_431 : vector<16xf32> to vector<16xf32>
              tpu.vector_store %arg12[%swap3A_842], %swap3A_845 {strides = array<i32>} : memref<768xf32, #tpu.memory_space<vmem>>, vector<16xf32>,
              %swap3A_846 = arith.constant 304 : index
              %swap3A_847 = tpu.vector_load %arg12[%swap3A_846] {strides = array<i32>} : memref<768xf32, #tpu.memory_space<vmem>>, vector<16xf32>,
              %swap3A_848 = vector.shape_cast %swap3A_847 : vector<16xf32> to vector<16xf32>
              %swap3A_849 = vector.shape_cast %scan3A_415 : vector<16xf32> to vector<16xf32>
              tpu.vector_store %arg12[%swap3A_846], %swap3A_849 {strides = array<i32>} : memref<768xf32, #tpu.memory_space<vmem>>, vector<16xf32>,
              %swap3A_850 = arith.constant 64 : index
              %swap3A_851 = tpu.vector_load %arg12[%swap3A_850] {strides = array<i32>} : memref<768xf32, #tpu.memory_space<vmem>>, vector<16xf32>,
              %swap3A_852 = vector.shape_cast %swap3A_851 : vector<16xf32> to vector<16xf32>
              %swap3A_853 = vector.shape_cast %scan3A_424 : vector<16xf32> to vector<16xf32>
              tpu.vector_store %arg12[%swap3A_850], %swap3A_853 {strides = array<i32>} : memref<768xf32, #tpu.memory_space<vmem>>, vector<16xf32>,
              %swap3A_854 = arith.constant 192 : index
              %swap3A_855 = tpu.vector_load %arg12[%swap3A_854] {strides = array<i32>} : memref<768xf32, #tpu.memory_space<vmem>>, vector<16xf32>,
              %swap3A_856 = vector.shape_cast %swap3A_855 : vector<16xf32> to vector<16xf32>
              %swap3A_857 = vector.shape_cast %scan3A_432 : vector<16xf32> to vector<16xf32>
              tpu.vector_store %arg12[%swap3A_854], %swap3A_857 {strides = array<i32>} : memref<768xf32, #tpu.memory_space<vmem>>, vector<16xf32>,
              %swap3A_858 = arith.constant 320 : index
              %swap3A_859 = tpu.vector_load %arg12[%swap3A_858] {strides = array<i32>} : memref<768xf32, #tpu.memory_space<vmem>>, vector<16xf32>,
              %swap3A_860 = vector.shape_cast %swap3A_859 : vector<16xf32> to vector<16xf32>
              %swap3A_861 = vector.shape_cast %scan3A_416 : vector<16xf32> to vector<16xf32>
              tpu.vector_store %arg12[%swap3A_858], %swap3A_861 {strides = array<i32>} : memref<768xf32, #tpu.memory_space<vmem>>, vector<16xf32>,
              %swap3A_862 = arith.constant 80 : index
              %swap3A_863 = tpu.vector_load %arg12[%swap3A_862] {strides = array<i32>} : memref<768xf32, #tpu.memory_space<vmem>>, vector<16xf32>,
              %swap3A_864 = vector.shape_cast %swap3A_863 : vector<16xf32> to vector<16xf32>
              %swap3A_865 = vector.shape_cast %scan3A_425 : vector<16xf32> to vector<16xf32>
              tpu.vector_store %arg12[%swap3A_862], %swap3A_865 {strides = array<i32>} : memref<768xf32, #tpu.memory_space<vmem>>, vector<16xf32>,
              %swap3A_866 = arith.constant 208 : index
              %swap3A_867 = tpu.vector_load %arg12[%swap3A_866] {strides = array<i32>} : memref<768xf32, #tpu.memory_space<vmem>>, vector<16xf32>,
              %swap3A_868 = vector.shape_cast %swap3A_867 : vector<16xf32> to vector<16xf32>
              %swap3A_869 = vector.shape_cast %scan3A_433 : vector<16xf32> to vector<16xf32>
              tpu.vector_store %arg12[%swap3A_866], %swap3A_869 {strides = array<i32>} : memref<768xf32, #tpu.memory_space<vmem>>, vector<16xf32>,
              %swap3A_870 = arith.constant 336 : index
              %swap3A_871 = tpu.vector_load %arg12[%swap3A_870] {strides = array<i32>} : memref<768xf32, #tpu.memory_space<vmem>>, vector<16xf32>,
              %swap3A_872 = vector.shape_cast %swap3A_871 : vector<16xf32> to vector<16xf32>
              %swap3A_873 = vector.shape_cast %scan3A_417 : vector<16xf32> to vector<16xf32>
              tpu.vector_store %arg12[%swap3A_870], %swap3A_873 {strides = array<i32>} : memref<768xf32, #tpu.memory_space<vmem>>, vector<16xf32>,
              %swap3A_874 = arith.constant 96 : index
              %swap3A_875 = tpu.vector_load %arg12[%swap3A_874] {strides = array<i32>} : memref<768xf32, #tpu.memory_space<vmem>>, vector<16xf32>,
              %swap3A_876 = vector.shape_cast %swap3A_875 : vector<16xf32> to vector<16xf32>
              %swap3A_877 = vector.shape_cast %scan3A_426 : vector<16xf32> to vector<16xf32>
              tpu.vector_store %arg12[%swap3A_874], %swap3A_877 {strides = array<i32>} : memref<768xf32, #tpu.memory_space<vmem>>, vector<16xf32>,
              %swap3A_878 = arith.constant 224 : index
              %swap3A_879 = tpu.vector_load %arg12[%swap3A_878] {strides = array<i32>} : memref<768xf32, #tpu.memory_space<vmem>>, vector<16xf32>,
              %swap3A_880 = vector.shape_cast %swap3A_879 : vector<16xf32> to vector<16xf32>
              %swap3A_881 = vector.shape_cast %scan3A_434 : vector<16xf32> to vector<16xf32>
              tpu.vector_store %arg12[%swap3A_878], %swap3A_881 {strides = array<i32>} : memref<768xf32, #tpu.memory_space<vmem>>, vector<16xf32>,
              %swap3A_882 = arith.constant 352 : index
              %swap3A_883 = tpu.vector_load %arg12[%swap3A_882] {strides = array<i32>} : memref<768xf32, #tpu.memory_space<vmem>>, vector<16xf32>,
              %swap3A_884 = vector.shape_cast %swap3A_883 : vector<16xf32> to vector<16xf32>
              %swap3A_885 = vector.shape_cast %scan3A_418 : vector<16xf32> to vector<16xf32>
              tpu.vector_store %arg12[%swap3A_882], %swap3A_885 {strides = array<i32>} : memref<768xf32, #tpu.memory_space<vmem>>, vector<16xf32>,
              %swap3A_886 = arith.constant 112 : index
              %swap3A_887 = tpu.vector_load %arg12[%swap3A_886] {strides = array<i32>} : memref<768xf32, #tpu.memory_space<vmem>>, vector<16xf32>,
              %swap3A_888 = vector.shape_cast %swap3A_887 : vector<16xf32> to vector<16xf32>
              %swap3A_889 = vector.shape_cast %scan3A_427 : vector<16xf32> to vector<16xf32>
              tpu.vector_store %arg12[%swap3A_886], %swap3A_889 {strides = array<i32>} : memref<768xf32, #tpu.memory_space<vmem>>, vector<16xf32>,
              %swap3A_890 = arith.constant 240 : index
              %swap3A_891 = tpu.vector_load %arg12[%swap3A_890] {strides = array<i32>} : memref<768xf32, #tpu.memory_space<vmem>>, vector<16xf32>,
              %swap3A_892 = vector.shape_cast %swap3A_891 : vector<16xf32> to vector<16xf32>
              %swap3A_893 = vector.shape_cast %scan3A_435 : vector<16xf32> to vector<16xf32>
              tpu.vector_store %arg12[%swap3A_890], %swap3A_893 {strides = array<i32>} : memref<768xf32, #tpu.memory_space<vmem>>, vector<16xf32>,
              %swap3A_894 = arith.constant 368 : index
              %swap3A_895 = tpu.vector_load %arg12[%swap3A_894] {strides = array<i32>} : memref<768xf32, #tpu.memory_space<vmem>>, vector<16xf32>,
              %swap3A_896 = vector.shape_cast %swap3A_895 : vector<16xf32> to vector<16xf32>
              %swap3A_897 = vector.shape_cast %scan3A_419 : vector<16xf32> to vector<16xf32>
              tpu.vector_store %arg12[%swap3A_894], %swap3A_897 {strides = array<i32>} : memref<768xf32, #tpu.memory_space<vmem>>, vector<16xf32>,
              %swap3A_898 = arith.constant 0 : index
              %swap3A_899 = tpu.vector_load %arg13[%swap3A_898] {strides = array<i32>} : memref<64xf32, #tpu.memory_space<vmem>>, vector<16xf32>,
              %swap3A_900 = vector.shape_cast %swap3A_899 : vector<16xf32> to vector<16xf32>
              %swap3A_901 = vector.shape_cast %scan3A_436 : vector<16xf32> to vector<16xf32>
              tpu.vector_store %arg13[%swap3A_898], %swap3A_901 {strides = array<i32>} : memref<64xf32, #tpu.memory_space<vmem>>, vector<16xf32>,
              %convert_element_type3A_902 = arith.sitofp %scan3A_410 : i32 to f32
              %broadcast_in_dim3A_903 = vector.broadcast %convert_element_type3A_902 : f32 to vector<16xf32>
              %swap3A_904 = arith.constant 16 : index
              %swap3A_905 = tpu.vector_load %arg13[%swap3A_904] {strides = array<i32>} : memref<64xf32, #tpu.memory_space<vmem>>, vector<16xf32>,
              %swap3A_906 = vector.shape_cast %swap3A_905 : vector<16xf32> to vector<16xf32>
              %swap3A_907 = vector.shape_cast %broadcast_in_dim3A_903 : vector<16xf32> to vector<16xf32>
              tpu.vector_store %arg13[%swap3A_904], %swap3A_907 {strides = array<i32>} : memref<64xf32, #tpu.memory_space<vmem>>, vector<16xf32>,
              %cond3A_908 = arith.constant 1 : i32
              scf.yield %cond3A_908 : i32
            } else {
              %bitcast_convert_type3A = tpu.bitcast %scan3A_420 : vector<16xf32> -> vector<16xi32>
              %shift_right_arithmetic3A = arith.constant 23 : i32
              %shift_right_arithmetic3A_802 = vector.broadcast %shift_right_arithmetic3A : i32 to vector<16xi32>
              %shift_right_arithmetic3A_803 = arith.shrsi %bitcast_convert_type3A, %shift_right_arithmetic3A_802 : vector<16xi32>
              %and3A = arith.constant 255 : i32
              %and3A_804 = vector.broadcast %and3A : i32 to vector<16xi32>
              %and3A_805 = arith.andi %shift_right_arithmetic3A_803, %and3A_804 : vector<16xi32>
              %sub3A_806 = arith.constant 127 : i32
              %sub3A_807 = vector.broadcast %sub3A_806 : i32 to vector<16xi32>
              %sub3A_808 = arith.subi %and3A_805, %sub3A_807 : vector<16xi32>
              %and3A_809 = arith.constant 8388607 : i32
              %and3A_810 = vector.broadcast %and3A_809 : i32 to vector<16xi32>
              %and3A_811 = arith.andi %bitcast_convert_type3A, %and3A_810 : vector<16xi32>
              %or3A = arith.constant 1065353216 : i32
              %or3A_812 = vector.broadcast %or3A : i32 to vector<16xi32>
              %or3A_813 = arith.ori %and3A_811, %or3A_812 : vector<16xi32>
              %bitcast_convert_type3A_814 = tpu.bitcast %or3A_813 : vector<16xi32> -> vector<16xf32>
              %gt3A = arith.constant 1.41421354 : f32
              %gt3A_815 = vector.broadcast %gt3A : f32 to vector<16xf32>
              %gt3A_816 = arith.cmpf ogt, %bitcast_convert_type3A_814, %gt3A_815 : vector<16xf32>
              %mul3A_817 = arith.constant 5.000000e-01 : f32
              %mul3A_818 = vector.broadcast %mul3A_817 : f32 to vector<16xf32>
              %mul3A_819 = arith.mulf %bitcast_convert_type3A_814, %mul3A_818 : vector<16xf32>
              %select_n3A_820 = arith.select %gt3A_816, %mul3A_819, %bitcast_convert_type3A_814 : vector<16xi1>, vector<16xf32>
              %convert_element_type3A_821 = arith.sitofp %sub3A_808 : vector<16xi32> to vector<16xf32>
              %jit3A = arith.constant 1.000000e+00 : f32
              %jit3A_822 = arith.constant 0.000000e+00 : f32
              %broadcast_in_dim3A_823 = vector.broadcast %jit3A : f32 to vector<16xf32>
              %broadcast_in_dim3A_824 = vector.broadcast %jit3A_822 : f32 to vector<16xf32>
              %select_n3A_825 = arith.select %gt3A_816, %broadcast_in_dim3A_823, %broadcast_in_dim3A_824 : vector<16xi1>, vector<16xf32>
              %add3A_826 = arith.addf %convert_element_type3A_821, %select_n3A_825 : vector<16xf32>
              %sub3A_827 = arith.constant 1.000000e+00 : f32
              %sub3A_828 = vector.broadcast %sub3A_827 : f32 to vector<16xf32>
              %sub3A_829 = arith.subf %select_n3A_820, %sub3A_828 : vector<16xf32>
              %add3A_830 = arith.constant 1.000000e+00 : f32
              %add3A_831 = vector.broadcast %add3A_830 : f32 to vector<16xf32>
              %add3A_832 = arith.addf %select_n3A_820, %add3A_831 : vector<16xf32>
              %div3A = arith.divf %sub3A_829, %add3A_832 : vector<16xf32>
              %mul3A_833 = arith.mulf %div3A, %div3A : vector<16xf32>
              %mul3A_834 = arith.constant 0.111111112 : f32
              %mul3A_835 = vector.broadcast %mul3A_834 : f32 to vector<16xf32>
              %mul3A_836 = arith.mulf %mul3A_835, %mul3A_833 : vector<16xf32>
              %add3A_837 = arith.constant 0.142857149 : f32
              %add3A_838 = vector.broadcast %add3A_837 : f32 to vector<16xf32>
              %add3A_839 = arith.addf %mul3A_836, %add3A_838 : vector<16xf32>
              %mul3A_840 = arith.mulf %add3A_839, %mul3A_833 : vector<16xf32>
              %add3A_841 = arith.constant 2.000000e-01 : f32
              %add3A_842 = vector.broadcast %add3A_841 : f32 to vector<16xf32>
              %add3A_843 = arith.addf %mul3A_840, %add3A_842 : vector<16xf32>
              %mul3A_844 = arith.mulf %add3A_843, %mul3A_833 : vector<16xf32>
              %add3A_845 = arith.constant 0.333333343 : f32
              %add3A_846 = vector.broadcast %add3A_845 : f32 to vector<16xf32>
              %add3A_847 = arith.addf %mul3A_844, %add3A_846 : vector<16xf32>
              %mul3A_848 = arith.mulf %add3A_847, %mul3A_833 : vector<16xf32>
              %add3A_849 = arith.constant 1.000000e+00 : f32
              %add3A_850 = vector.broadcast %add3A_849 : f32 to vector<16xf32>
              %add3A_851 = arith.addf %mul3A_848, %add3A_850 : vector<16xf32>
              %mul3A_852 = arith.constant 0.693147182 : f32
              %mul3A_853 = vector.broadcast %mul3A_852 : f32 to vector<16xf32>
              %mul3A_854 = arith.mulf %add3A_826, %mul3A_853 : vector<16xf32>
              %mul3A_855 = arith.constant 2.000000e+00 : f32
              %mul3A_856 = vector.broadcast %mul3A_855 : f32 to vector<16xf32>
              %mul3A_857 = arith.mulf %mul3A_856, %div3A : vector<16xf32>
              %mul3A_858 = arith.mulf %mul3A_857, %add3A_851 : vector<16xf32>
              %add3A_859 = arith.addf %mul3A_854, %mul3A_858 : vector<16xf32>
              %add3A_860 = arith.addf %scan3A_412, %add3A_859 : vector<16xf32>
              %mul3A_861 = arith.mulf %scan3A_428, %add3A_860 : vector<16xf32>
              %sub3A_862 = arith.subf %scan3A_436, %mul3A_861 : vector<16xf32>
              %bitcast_convert_type3A_863 = tpu.bitcast %scan3A_421 : vector<16xf32> -> vector<16xi32>
              %shift_right_arithmetic3A_864 = arith.constant 23 : i32
              %shift_right_arithmetic3A_865 = vector.broadcast %shift_right_arithmetic3A_864 : i32 to vector<16xi32>
              %shift_right_arithmetic3A_866 = arith.shrsi %bitcast_convert_type3A_863, %shift_right_arithmetic3A_865 : vector<16xi32>
              %and3A_867 = arith.constant 255 : i32
              %and3A_868 = vector.broadcast %and3A_867 : i32 to vector<16xi32>
              %and3A_869 = arith.andi %shift_right_arithmetic3A_866, %and3A_868 : vector<16xi32>
              %sub3A_870 = arith.constant 127 : i32
              %sub3A_871 = vector.broadcast %sub3A_870 : i32 to vector<16xi32>
              %sub3A_872 = arith.subi %and3A_869, %sub3A_871 : vector<16xi32>
              %and3A_873 = arith.constant 8388607 : i32
              %and3A_874 = vector.broadcast %and3A_873 : i32 to vector<16xi32>
              %and3A_875 = arith.andi %bitcast_convert_type3A_863, %and3A_874 : vector<16xi32>
              %or3A_876 = arith.constant 1065353216 : i32
              %or3A_877 = vector.broadcast %or3A_876 : i32 to vector<16xi32>
              %or3A_878 = arith.ori %and3A_875, %or3A_877 : vector<16xi32>
              %bitcast_convert_type3A_879 = tpu.bitcast %or3A_878 : vector<16xi32> -> vector<16xf32>
              %gt3A_880 = arith.constant 1.41421354 : f32
              %gt3A_881 = vector.broadcast %gt3A_880 : f32 to vector<16xf32>
              %gt3A_882 = arith.cmpf ogt, %bitcast_convert_type3A_879, %gt3A_881 : vector<16xf32>
              %mul3A_883 = arith.constant 5.000000e-01 : f32
              %mul3A_884 = vector.broadcast %mul3A_883 : f32 to vector<16xf32>
              %mul3A_885 = arith.mulf %bitcast_convert_type3A_879, %mul3A_884 : vector<16xf32>
              %select_n3A_886 = arith.select %gt3A_882, %mul3A_885, %bitcast_convert_type3A_879 : vector<16xi1>, vector<16xf32>
              %convert_element_type3A_887 = arith.sitofp %sub3A_872 : vector<16xi32> to vector<16xf32>
              %jit3A_888 = arith.constant 1.000000e+00 : f32
              %jit3A_889 = arith.constant 0.000000e+00 : f32
              %broadcast_in_dim3A_890 = vector.broadcast %jit3A_888 : f32 to vector<16xf32>
              %broadcast_in_dim3A_891 = vector.broadcast %jit3A_889 : f32 to vector<16xf32>
              %select_n3A_892 = arith.select %gt3A_882, %broadcast_in_dim3A_890, %broadcast_in_dim3A_891 : vector<16xi1>, vector<16xf32>
              %add3A_893 = arith.addf %convert_element_type3A_887, %select_n3A_892 : vector<16xf32>
              %sub3A_894 = arith.constant 1.000000e+00 : f32
              %sub3A_895 = vector.broadcast %sub3A_894 : f32 to vector<16xf32>
              %sub3A_896 = arith.subf %select_n3A_886, %sub3A_895 : vector<16xf32>
              %add3A_897 = arith.constant 1.000000e+00 : f32
              %add3A_898 = vector.broadcast %add3A_897 : f32 to vector<16xf32>
              %add3A_899 = arith.addf %select_n3A_886, %add3A_898 : vector<16xf32>
              %div3A_900 = arith.divf %sub3A_896, %add3A_899 : vector<16xf32>
              %mul3A_901 = arith.mulf %div3A_900, %div3A_900 : vector<16xf32>
              %mul3A_902 = arith.constant 0.111111112 : f32
              %mul3A_903 = vector.broadcast %mul3A_902 : f32 to vector<16xf32>
              %mul3A_904 = arith.mulf %mul3A_903, %mul3A_901 : vector<16xf32>
              %add3A_905 = arith.constant 0.142857149 : f32
              %add3A_906 = vector.broadcast %add3A_905 : f32 to vector<16xf32>
              %add3A_907 = arith.addf %mul3A_904, %add3A_906 : vector<16xf32>
              %mul3A_908 = arith.mulf %add3A_907, %mul3A_901 : vector<16xf32>
              %add3A_909 = arith.constant 2.000000e-01 : f32
              %add3A_910 = vector.broadcast %add3A_909 : f32 to vector<16xf32>
              %add3A_911 = arith.addf %mul3A_908, %add3A_910 : vector<16xf32>
              %mul3A_912 = arith.mulf %add3A_911, %mul3A_901 : vector<16xf32>
              %add3A_913 = arith.constant 0.333333343 : f32
              %add3A_914 = vector.broadcast %add3A_913 : f32 to vector<16xf32>
              %add3A_915 = arith.addf %mul3A_912, %add3A_914 : vector<16xf32>
              %mul3A_916 = arith.mulf %add3A_915, %mul3A_901 : vector<16xf32>
              %add3A_917 = arith.constant 1.000000e+00 : f32
              %add3A_918 = vector.broadcast %add3A_917 : f32 to vector<16xf32>
              %add3A_919 = arith.addf %mul3A_916, %add3A_918 : vector<16xf32>
              %mul3A_920 = arith.constant 0.693147182 : f32
              %mul3A_921 = vector.broadcast %mul3A_920 : f32 to vector<16xf32>
              %mul3A_922 = arith.mulf %add3A_893, %mul3A_921 : vector<16xf32>
              %mul3A_923 = arith.constant 2.000000e+00 : f32
              %mul3A_924 = vector.broadcast %mul3A_923 : f32 to vector<16xf32>
              %mul3A_925 = arith.mulf %mul3A_924, %div3A_900 : vector<16xf32>
              %mul3A_926 = arith.mulf %mul3A_925, %add3A_919 : vector<16xf32>
              %add3A_927 = arith.addf %mul3A_922, %mul3A_926 : vector<16xf32>
              %add3A_928 = arith.addf %scan3A_413, %add3A_927 : vector<16xf32>
              %mul3A_929 = arith.mulf %scan3A_429, %add3A_928 : vector<16xf32>
              %sub3A_930 = arith.subf %sub3A_862, %mul3A_929 : vector<16xf32>
              %bitcast_convert_type3A_931 = tpu.bitcast %scan3A_422 : vector<16xf32> -> vector<16xi32>
              %shift_right_arithmetic3A_932 = arith.constant 23 : i32
              %shift_right_arithmetic3A_933 = vector.broadcast %shift_right_arithmetic3A_932 : i32 to vector<16xi32>
              %shift_right_arithmetic3A_934 = arith.shrsi %bitcast_convert_type3A_931, %shift_right_arithmetic3A_933 : vector<16xi32>
              %and3A_935 = arith.constant 255 : i32
              %and3A_936 = vector.broadcast %and3A_935 : i32 to vector<16xi32>
              %and3A_937 = arith.andi %shift_right_arithmetic3A_934, %and3A_936 : vector<16xi32>
              %sub3A_938 = arith.constant 127 : i32
              %sub3A_939 = vector.broadcast %sub3A_938 : i32 to vector<16xi32>
              %sub3A_940 = arith.subi %and3A_937, %sub3A_939 : vector<16xi32>
              %and3A_941 = arith.constant 8388607 : i32
              %and3A_942 = vector.broadcast %and3A_941 : i32 to vector<16xi32>
              %and3A_943 = arith.andi %bitcast_convert_type3A_931, %and3A_942 : vector<16xi32>
              %or3A_944 = arith.constant 1065353216 : i32
              %or3A_945 = vector.broadcast %or3A_944 : i32 to vector<16xi32>
              %or3A_946 = arith.ori %and3A_943, %or3A_945 : vector<16xi32>
              %bitcast_convert_type3A_947 = tpu.bitcast %or3A_946 : vector<16xi32> -> vector<16xf32>
              %gt3A_948 = arith.constant 1.41421354 : f32
              %gt3A_949 = vector.broadcast %gt3A_948 : f32 to vector<16xf32>
              %gt3A_950 = arith.cmpf ogt, %bitcast_convert_type3A_947, %gt3A_949 : vector<16xf32>
              %mul3A_951 = arith.constant 5.000000e-01 : f32
              %mul3A_952 = vector.broadcast %mul3A_951 : f32 to vector<16xf32>
              %mul3A_953 = arith.mulf %bitcast_convert_type3A_947, %mul3A_952 : vector<16xf32>
              %select_n3A_954 = arith.select %gt3A_950, %mul3A_953, %bitcast_convert_type3A_947 : vector<16xi1>, vector<16xf32>
              %convert_element_type3A_955 = arith.sitofp %sub3A_940 : vector<16xi32> to vector<16xf32>
              %jit3A_956 = arith.constant 1.000000e+00 : f32
              %jit3A_957 = arith.constant 0.000000e+00 : f32
              %broadcast_in_dim3A_958 = vector.broadcast %jit3A_956 : f32 to vector<16xf32>
              %broadcast_in_dim3A_959 = vector.broadcast %jit3A_957 : f32 to vector<16xf32>
              %select_n3A_960 = arith.select %gt3A_950, %broadcast_in_dim3A_958, %broadcast_in_dim3A_959 : vector<16xi1>, vector<16xf32>
              %add3A_961 = arith.addf %convert_element_type3A_955, %select_n3A_960 : vector<16xf32>
              %sub3A_962 = arith.constant 1.000000e+00 : f32
              %sub3A_963 = vector.broadcast %sub3A_962 : f32 to vector<16xf32>
              %sub3A_964 = arith.subf %select_n3A_954, %sub3A_963 : vector<16xf32>
              %add3A_965 = arith.constant 1.000000e+00 : f32
              %add3A_966 = vector.broadcast %add3A_965 : f32 to vector<16xf32>
              %add3A_967 = arith.addf %select_n3A_954, %add3A_966 : vector<16xf32>
              %div3A_968 = arith.divf %sub3A_964, %add3A_967 : vector<16xf32>
              %mul3A_969 = arith.mulf %div3A_968, %div3A_968 : vector<16xf32>
              %mul3A_970 = arith.constant 0.111111112 : f32
              %mul3A_971 = vector.broadcast %mul3A_970 : f32 to vector<16xf32>
              %mul3A_972 = arith.mulf %mul3A_971, %mul3A_969 : vector<16xf32>
              %add3A_973 = arith.constant 0.142857149 : f32
              %add3A_974 = vector.broadcast %add3A_973 : f32 to vector<16xf32>
              %add3A_975 = arith.addf %mul3A_972, %add3A_974 : vector<16xf32>
              %mul3A_976 = arith.mulf %add3A_975, %mul3A_969 : vector<16xf32>
              %add3A_977 = arith.constant 2.000000e-01 : f32
              %add3A_978 = vector.broadcast %add3A_977 : f32 to vector<16xf32>
              %add3A_979 = arith.addf %mul3A_976, %add3A_978 : vector<16xf32>
              %mul3A_980 = arith.mulf %add3A_979, %mul3A_969 : vector<16xf32>
              %add3A_981 = arith.constant 0.333333343 : f32
              %add3A_982 = vector.broadcast %add3A_981 : f32 to vector<16xf32>
              %add3A_983 = arith.addf %mul3A_980, %add3A_982 : vector<16xf32>
              %mul3A_984 = arith.mulf %add3A_983, %mul3A_969 : vector<16xf32>
              %add3A_985 = arith.constant 1.000000e+00 : f32
              %add3A_986 = vector.broadcast %add3A_985 : f32 to vector<16xf32>
              %add3A_987 = arith.addf %mul3A_984, %add3A_986 : vector<16xf32>
              %mul3A_988 = arith.constant 0.693147182 : f32
              %mul3A_989 = vector.broadcast %mul3A_988 : f32 to vector<16xf32>
              %mul3A_990 = arith.mulf %add3A_961, %mul3A_989 : vector<16xf32>
              %mul3A_991 = arith.constant 2.000000e+00 : f32
              %mul3A_992 = vector.broadcast %mul3A_991 : f32 to vector<16xf32>
              %mul3A_993 = arith.mulf %mul3A_992, %div3A_968 : vector<16xf32>
              %mul3A_994 = arith.mulf %mul3A_993, %add3A_987 : vector<16xf32>
              %add3A_995 = arith.addf %mul3A_990, %mul3A_994 : vector<16xf32>
              %add3A_996 = arith.addf %scan3A_414, %add3A_995 : vector<16xf32>
              %mul3A_997 = arith.mulf %scan3A_430, %add3A_996 : vector<16xf32>
              %sub3A_998 = arith.subf %sub3A_930, %mul3A_997 : vector<16xf32>
              %bitcast_convert_type3A_999 = tpu.bitcast %scan3A_423 : vector<16xf32> -> vector<16xi32>
              %shift_right_arithmetic3A_1000 = arith.constant 23 : i32
              %shift_right_arithmetic3A_1001 = vector.broadcast %shift_right_arithmetic3A_1000 : i32 to vector<16xi32>
              %shift_right_arithmetic3A_1002 = arith.shrsi %bitcast_convert_type3A_999, %shift_right_arithmetic3A_1001 : vector<16xi32>
              %and3A_1003 = arith.constant 255 : i32
              %and3A_1004 = vector.broadcast %and3A_1003 : i32 to vector<16xi32>
              %and3A_1005 = arith.andi %shift_right_arithmetic3A_1002, %and3A_1004 : vector<16xi32>
              %sub3A_1006 = arith.constant 127 : i32
              %sub3A_1007 = vector.broadcast %sub3A_1006 : i32 to vector<16xi32>
              %sub3A_1008 = arith.subi %and3A_1005, %sub3A_1007 : vector<16xi32>
              %and3A_1009 = arith.constant 8388607 : i32
              %and3A_1010 = vector.broadcast %and3A_1009 : i32 to vector<16xi32>
              %and3A_1011 = arith.andi %bitcast_convert_type3A_999, %and3A_1010 : vector<16xi32>
              %or3A_1012 = arith.constant 1065353216 : i32
              %or3A_1013 = vector.broadcast %or3A_1012 : i32 to vector<16xi32>
              %or3A_1014 = arith.ori %and3A_1011, %or3A_1013 : vector<16xi32>
              %bitcast_convert_type3A_1015 = tpu.bitcast %or3A_1014 : vector<16xi32> -> vector<16xf32>
              %gt3A_1016 = arith.constant 1.41421354 : f32
              %gt3A_1017 = vector.broadcast %gt3A_1016 : f32 to vector<16xf32>
              %gt3A_1018 = arith.cmpf ogt, %bitcast_convert_type3A_1015, %gt3A_1017 : vector<16xf32>
              %mul3A_1019 = arith.constant 5.000000e-01 : f32
              %mul3A_1020 = vector.broadcast %mul3A_1019 : f32 to vector<16xf32>
              %mul3A_1021 = arith.mulf %bitcast_convert_type3A_1015, %mul3A_1020 : vector<16xf32>
              %select_n3A_1022 = arith.select %gt3A_1018, %mul3A_1021, %bitcast_convert_type3A_1015 : vector<16xi1>, vector<16xf32>
              %convert_element_type3A_1023 = arith.sitofp %sub3A_1008 : vector<16xi32> to vector<16xf32>
              %jit3A_1024 = arith.constant 1.000000e+00 : f32
              %jit3A_1025 = arith.constant 0.000000e+00 : f32
              %broadcast_in_dim3A_1026 = vector.broadcast %jit3A_1024 : f32 to vector<16xf32>
              %broadcast_in_dim3A_1027 = vector.broadcast %jit3A_1025 : f32 to vector<16xf32>
              %select_n3A_1028 = arith.select %gt3A_1018, %broadcast_in_dim3A_1026, %broadcast_in_dim3A_1027 : vector<16xi1>, vector<16xf32>
              %add3A_1029 = arith.addf %convert_element_type3A_1023, %select_n3A_1028 : vector<16xf32>
              %sub3A_1030 = arith.constant 1.000000e+00 : f32
              %sub3A_1031 = vector.broadcast %sub3A_1030 : f32 to vector<16xf32>
              %sub3A_1032 = arith.subf %select_n3A_1022, %sub3A_1031 : vector<16xf32>
              %add3A_1033 = arith.constant 1.000000e+00 : f32
              %add3A_1034 = vector.broadcast %add3A_1033 : f32 to vector<16xf32>
              %add3A_1035 = arith.addf %select_n3A_1022, %add3A_1034 : vector<16xf32>
              %div3A_1036 = arith.divf %sub3A_1032, %add3A_1035 : vector<16xf32>
              %mul3A_1037 = arith.mulf %div3A_1036, %div3A_1036 : vector<16xf32>
              %mul3A_1038 = arith.constant 0.111111112 : f32
              %mul3A_1039 = vector.broadcast %mul3A_1038 : f32 to vector<16xf32>
              %mul3A_1040 = arith.mulf %mul3A_1039, %mul3A_1037 : vector<16xf32>
              %add3A_1041 = arith.constant 0.142857149 : f32
              %add3A_1042 = vector.broadcast %add3A_1041 : f32 to vector<16xf32>
              %add3A_1043 = arith.addf %mul3A_1040, %add3A_1042 : vector<16xf32>
              %mul3A_1044 = arith.mulf %add3A_1043, %mul3A_1037 : vector<16xf32>
              %add3A_1045 = arith.constant 2.000000e-01 : f32
              %add3A_1046 = vector.broadcast %add3A_1045 : f32 to vector<16xf32>
              %add3A_1047 = arith.addf %mul3A_1044, %add3A_1046 : vector<16xf32>
              %mul3A_1048 = arith.mulf %add3A_1047, %mul3A_1037 : vector<16xf32>
              %add3A_1049 = arith.constant 0.333333343 : f32
              %add3A_1050 = vector.broadcast %add3A_1049 : f32 to vector<16xf32>
              %add3A_1051 = arith.addf %mul3A_1048, %add3A_1050 : vector<16xf32>
              %mul3A_1052 = arith.mulf %add3A_1051, %mul3A_1037 : vector<16xf32>
              %add3A_1053 = arith.constant 1.000000e+00 : f32
              %add3A_1054 = vector.broadcast %add3A_1053 : f32 to vector<16xf32>
              %add3A_1055 = arith.addf %mul3A_1052, %add3A_1054 : vector<16xf32>
              %mul3A_1056 = arith.constant 0.693147182 : f32
              %mul3A_1057 = vector.broadcast %mul3A_1056 : f32 to vector<16xf32>
              %mul3A_1058 = arith.mulf %add3A_1029, %mul3A_1057 : vector<16xf32>
              %mul3A_1059 = arith.constant 2.000000e+00 : f32
              %mul3A_1060 = vector.broadcast %mul3A_1059 : f32 to vector<16xf32>
              %mul3A_1061 = arith.mulf %mul3A_1060, %div3A_1036 : vector<16xf32>
              %mul3A_1062 = arith.mulf %mul3A_1061, %add3A_1055 : vector<16xf32>
              %add3A_1063 = arith.addf %mul3A_1058, %mul3A_1062 : vector<16xf32>
              %add3A_1064 = arith.addf %scan3A_415, %add3A_1063 : vector<16xf32>
              %mul3A_1065 = arith.mulf %scan3A_431, %add3A_1064 : vector<16xf32>
              %sub3A_1066 = arith.subf %sub3A_998, %mul3A_1065 : vector<16xf32>
              %bitcast_convert_type3A_1067 = tpu.bitcast %scan3A_424 : vector<16xf32> -> vector<16xi32>
              %shift_right_arithmetic3A_1068 = arith.constant 23 : i32
              %shift_right_arithmetic3A_1069 = vector.broadcast %shift_right_arithmetic3A_1068 : i32 to vector<16xi32>
              %shift_right_arithmetic3A_1070 = arith.shrsi %bitcast_convert_type3A_1067, %shift_right_arithmetic3A_1069 : vector<16xi32>
              %and3A_1071 = arith.constant 255 : i32
              %and3A_1072 = vector.broadcast %and3A_1071 : i32 to vector<16xi32>
              %and3A_1073 = arith.andi %shift_right_arithmetic3A_1070, %and3A_1072 : vector<16xi32>
              %sub3A_1074 = arith.constant 127 : i32
              %sub3A_1075 = vector.broadcast %sub3A_1074 : i32 to vector<16xi32>
              %sub3A_1076 = arith.subi %and3A_1073, %sub3A_1075 : vector<16xi32>
              %and3A_1077 = arith.constant 8388607 : i32
              %and3A_1078 = vector.broadcast %and3A_1077 : i32 to vector<16xi32>
              %and3A_1079 = arith.andi %bitcast_convert_type3A_1067, %and3A_1078 : vector<16xi32>
              %or3A_1080 = arith.constant 1065353216 : i32
              %or3A_1081 = vector.broadcast %or3A_1080 : i32 to vector<16xi32>
              %or3A_1082 = arith.ori %and3A_1079, %or3A_1081 : vector<16xi32>
              %bitcast_convert_type3A_1083 = tpu.bitcast %or3A_1082 : vector<16xi32> -> vector<16xf32>
              %gt3A_1084 = arith.constant 1.41421354 : f32
              %gt3A_1085 = vector.broadcast %gt3A_1084 : f32 to vector<16xf32>
              %gt3A_1086 = arith.cmpf ogt, %bitcast_convert_type3A_1083, %gt3A_1085 : vector<16xf32>
              %mul3A_1087 = arith.constant 5.000000e-01 : f32
              %mul3A_1088 = vector.broadcast %mul3A_1087 : f32 to vector<16xf32>
              %mul3A_1089 = arith.mulf %bitcast_convert_type3A_1083, %mul3A_1088 : vector<16xf32>
              %select_n3A_1090 = arith.select %gt3A_1086, %mul3A_1089, %bitcast_convert_type3A_1083 : vector<16xi1>, vector<16xf32>
              %convert_element_type3A_1091 = arith.sitofp %sub3A_1076 : vector<16xi32> to vector<16xf32>
              %jit3A_1092 = arith.constant 1.000000e+00 : f32
              %jit3A_1093 = arith.constant 0.000000e+00 : f32
              %broadcast_in_dim3A_1094 = vector.broadcast %jit3A_1092 : f32 to vector<16xf32>
              %broadcast_in_dim3A_1095 = vector.broadcast %jit3A_1093 : f32 to vector<16xf32>
              %select_n3A_1096 = arith.select %gt3A_1086, %broadcast_in_dim3A_1094, %broadcast_in_dim3A_1095 : vector<16xi1>, vector<16xf32>
              %add3A_1097 = arith.addf %convert_element_type3A_1091, %select_n3A_1096 : vector<16xf32>
              %sub3A_1098 = arith.constant 1.000000e+00 : f32
              %sub3A_1099 = vector.broadcast %sub3A_1098 : f32 to vector<16xf32>
              %sub3A_1100 = arith.subf %select_n3A_1090, %sub3A_1099 : vector<16xf32>
              %add3A_1101 = arith.constant 1.000000e+00 : f32
              %add3A_1102 = vector.broadcast %add3A_1101 : f32 to vector<16xf32>
              %add3A_1103 = arith.addf %select_n3A_1090, %add3A_1102 : vector<16xf32>
              %div3A_1104 = arith.divf %sub3A_1100, %add3A_1103 : vector<16xf32>
              %mul3A_1105 = arith.mulf %div3A_1104, %div3A_1104 : vector<16xf32>
              %mul3A_1106 = arith.constant 0.111111112 : f32
              %mul3A_1107 = vector.broadcast %mul3A_1106 : f32 to vector<16xf32>
              %mul3A_1108 = arith.mulf %mul3A_1107, %mul3A_1105 : vector<16xf32>
              %add3A_1109 = arith.constant 0.142857149 : f32
              %add3A_1110 = vector.broadcast %add3A_1109 : f32 to vector<16xf32>
              %add3A_1111 = arith.addf %mul3A_1108, %add3A_1110 : vector<16xf32>
              %mul3A_1112 = arith.mulf %add3A_1111, %mul3A_1105 : vector<16xf32>
              %add3A_1113 = arith.constant 2.000000e-01 : f32
              %add3A_1114 = vector.broadcast %add3A_1113 : f32 to vector<16xf32>
              %add3A_1115 = arith.addf %mul3A_1112, %add3A_1114 : vector<16xf32>
              %mul3A_1116 = arith.mulf %add3A_1115, %mul3A_1105 : vector<16xf32>
              %add3A_1117 = arith.constant 0.333333343 : f32
              %add3A_1118 = vector.broadcast %add3A_1117 : f32 to vector<16xf32>
              %add3A_1119 = arith.addf %mul3A_1116, %add3A_1118 : vector<16xf32>
              %mul3A_1120 = arith.mulf %add3A_1119, %mul3A_1105 : vector<16xf32>
              %add3A_1121 = arith.constant 1.000000e+00 : f32
              %add3A_1122 = vector.broadcast %add3A_1121 : f32 to vector<16xf32>
              %add3A_1123 = arith.addf %mul3A_1120, %add3A_1122 : vector<16xf32>
              %mul3A_1124 = arith.constant 0.693147182 : f32
              %mul3A_1125 = vector.broadcast %mul3A_1124 : f32 to vector<16xf32>
              %mul3A_1126 = arith.mulf %add3A_1097, %mul3A_1125 : vector<16xf32>
              %mul3A_1127 = arith.constant 2.000000e+00 : f32
              %mul3A_1128 = vector.broadcast %mul3A_1127 : f32 to vector<16xf32>
              %mul3A_1129 = arith.mulf %mul3A_1128, %div3A_1104 : vector<16xf32>
              %mul3A_1130 = arith.mulf %mul3A_1129, %add3A_1123 : vector<16xf32>
              %add3A_1131 = arith.addf %mul3A_1126, %mul3A_1130 : vector<16xf32>
              %add3A_1132 = arith.addf %scan3A_416, %add3A_1131 : vector<16xf32>
              %mul3A_1133 = arith.mulf %scan3A_432, %add3A_1132 : vector<16xf32>
              %sub3A_1134 = arith.subf %sub3A_1066, %mul3A_1133 : vector<16xf32>
              %bitcast_convert_type3A_1135 = tpu.bitcast %scan3A_425 : vector<16xf32> -> vector<16xi32>
              %shift_right_arithmetic3A_1136 = arith.constant 23 : i32
              %shift_right_arithmetic3A_1137 = vector.broadcast %shift_right_arithmetic3A_1136 : i32 to vector<16xi32>
              %shift_right_arithmetic3A_1138 = arith.shrsi %bitcast_convert_type3A_1135, %shift_right_arithmetic3A_1137 : vector<16xi32>
              %and3A_1139 = arith.constant 255 : i32
              %and3A_1140 = vector.broadcast %and3A_1139 : i32 to vector<16xi32>
              %and3A_1141 = arith.andi %shift_right_arithmetic3A_1138, %and3A_1140 : vector<16xi32>
              %sub3A_1142 = arith.constant 127 : i32
              %sub3A_1143 = vector.broadcast %sub3A_1142 : i32 to vector<16xi32>
              %sub3A_1144 = arith.subi %and3A_1141, %sub3A_1143 : vector<16xi32>
              %and3A_1145 = arith.constant 8388607 : i32
              %and3A_1146 = vector.broadcast %and3A_1145 : i32 to vector<16xi32>
              %and3A_1147 = arith.andi %bitcast_convert_type3A_1135, %and3A_1146 : vector<16xi32>
              %or3A_1148 = arith.constant 1065353216 : i32
              %or3A_1149 = vector.broadcast %or3A_1148 : i32 to vector<16xi32>
              %or3A_1150 = arith.ori %and3A_1147, %or3A_1149 : vector<16xi32>
              %bitcast_convert_type3A_1151 = tpu.bitcast %or3A_1150 : vector<16xi32> -> vector<16xf32>
              %gt3A_1152 = arith.constant 1.41421354 : f32
              %gt3A_1153 = vector.broadcast %gt3A_1152 : f32 to vector<16xf32>
              %gt3A_1154 = arith.cmpf ogt, %bitcast_convert_type3A_1151, %gt3A_1153 : vector<16xf32>
              %mul3A_1155 = arith.constant 5.000000e-01 : f32
              %mul3A_1156 = vector.broadcast %mul3A_1155 : f32 to vector<16xf32>
              %mul3A_1157 = arith.mulf %bitcast_convert_type3A_1151, %mul3A_1156 : vector<16xf32>
              %select_n3A_1158 = arith.select %gt3A_1154, %mul3A_1157, %bitcast_convert_type3A_1151 : vector<16xi1>, vector<16xf32>
              %convert_element_type3A_1159 = arith.sitofp %sub3A_1144 : vector<16xi32> to vector<16xf32>
              %jit3A_1160 = arith.constant 1.000000e+00 : f32
              %jit3A_1161 = arith.constant 0.000000e+00 : f32
              %broadcast_in_dim3A_1162 = vector.broadcast %jit3A_1160 : f32 to vector<16xf32>
              %broadcast_in_dim3A_1163 = vector.broadcast %jit3A_1161 : f32 to vector<16xf32>
              %select_n3A_1164 = arith.select %gt3A_1154, %broadcast_in_dim3A_1162, %broadcast_in_dim3A_1163 : vector<16xi1>, vector<16xf32>
              %add3A_1165 = arith.addf %convert_element_type3A_1159, %select_n3A_1164 : vector<16xf32>
              %sub3A_1166 = arith.constant 1.000000e+00 : f32
              %sub3A_1167 = vector.broadcast %sub3A_1166 : f32 to vector<16xf32>
              %sub3A_1168 = arith.subf %select_n3A_1158, %sub3A_1167 : vector<16xf32>
              %add3A_1169 = arith.constant 1.000000e+00 : f32
              %add3A_1170 = vector.broadcast %add3A_1169 : f32 to vector<16xf32>
              %add3A_1171 = arith.addf %select_n3A_1158, %add3A_1170 : vector<16xf32>
              %div3A_1172 = arith.divf %sub3A_1168, %add3A_1171 : vector<16xf32>
              %mul3A_1173 = arith.mulf %div3A_1172, %div3A_1172 : vector<16xf32>
              %mul3A_1174 = arith.constant 0.111111112 : f32
              %mul3A_1175 = vector.broadcast %mul3A_1174 : f32 to vector<16xf32>
              %mul3A_1176 = arith.mulf %mul3A_1175, %mul3A_1173 : vector<16xf32>
              %add3A_1177 = arith.constant 0.142857149 : f32
              %add3A_1178 = vector.broadcast %add3A_1177 : f32 to vector<16xf32>
              %add3A_1179 = arith.addf %mul3A_1176, %add3A_1178 : vector<16xf32>
              %mul3A_1180 = arith.mulf %add3A_1179, %mul3A_1173 : vector<16xf32>
              %add3A_1181 = arith.constant 2.000000e-01 : f32
              %add3A_1182 = vector.broadcast %add3A_1181 : f32 to vector<16xf32>
              %add3A_1183 = arith.addf %mul3A_1180, %add3A_1182 : vector<16xf32>
              %mul3A_1184 = arith.mulf %add3A_1183, %mul3A_1173 : vector<16xf32>
              %add3A_1185 = arith.constant 0.333333343 : f32
              %add3A_1186 = vector.broadcast %add3A_1185 : f32 to vector<16xf32>
              %add3A_1187 = arith.addf %mul3A_1184, %add3A_1186 : vector<16xf32>
              %mul3A_1188 = arith.mulf %add3A_1187, %mul3A_1173 : vector<16xf32>
              %add3A_1189 = arith.constant 1.000000e+00 : f32
              %add3A_1190 = vector.broadcast %add3A_1189 : f32 to vector<16xf32>
              %add3A_1191 = arith.addf %mul3A_1188, %add3A_1190 : vector<16xf32>
              %mul3A_1192 = arith.constant 0.693147182 : f32
              %mul3A_1193 = vector.broadcast %mul3A_1192 : f32 to vector<16xf32>
              %mul3A_1194 = arith.mulf %add3A_1165, %mul3A_1193 : vector<16xf32>
              %mul3A_1195 = arith.constant 2.000000e+00 : f32
              %mul3A_1196 = vector.broadcast %mul3A_1195 : f32 to vector<16xf32>
              %mul3A_1197 = arith.mulf %mul3A_1196, %div3A_1172 : vector<16xf32>
              %mul3A_1198 = arith.mulf %mul3A_1197, %add3A_1191 : vector<16xf32>
              %add3A_1199 = arith.addf %mul3A_1194, %mul3A_1198 : vector<16xf32>
              %add3A_1200 = arith.addf %scan3A_417, %add3A_1199 : vector<16xf32>
              %mul3A_1201 = arith.mulf %scan3A_433, %add3A_1200 : vector<16xf32>
              %sub3A_1202 = arith.subf %sub3A_1134, %mul3A_1201 : vector<16xf32>
              %bitcast_convert_type3A_1203 = tpu.bitcast %scan3A_426 : vector<16xf32> -> vector<16xi32>
              %shift_right_arithmetic3A_1204 = arith.constant 23 : i32
              %shift_right_arithmetic3A_1205 = vector.broadcast %shift_right_arithmetic3A_1204 : i32 to vector<16xi32>
              %shift_right_arithmetic3A_1206 = arith.shrsi %bitcast_convert_type3A_1203, %shift_right_arithmetic3A_1205 : vector<16xi32>
              %and3A_1207 = arith.constant 255 : i32
              %and3A_1208 = vector.broadcast %and3A_1207 : i32 to vector<16xi32>
              %and3A_1209 = arith.andi %shift_right_arithmetic3A_1206, %and3A_1208 : vector<16xi32>
              %sub3A_1210 = arith.constant 127 : i32
              %sub3A_1211 = vector.broadcast %sub3A_1210 : i32 to vector<16xi32>
              %sub3A_1212 = arith.subi %and3A_1209, %sub3A_1211 : vector<16xi32>
              %and3A_1213 = arith.constant 8388607 : i32
              %and3A_1214 = vector.broadcast %and3A_1213 : i32 to vector<16xi32>
              %and3A_1215 = arith.andi %bitcast_convert_type3A_1203, %and3A_1214 : vector<16xi32>
              %or3A_1216 = arith.constant 1065353216 : i32
              %or3A_1217 = vector.broadcast %or3A_1216 : i32 to vector<16xi32>
              %or3A_1218 = arith.ori %and3A_1215, %or3A_1217 : vector<16xi32>
              %bitcast_convert_type3A_1219 = tpu.bitcast %or3A_1218 : vector<16xi32> -> vector<16xf32>
              %gt3A_1220 = arith.constant 1.41421354 : f32
              %gt3A_1221 = vector.broadcast %gt3A_1220 : f32 to vector<16xf32>
              %gt3A_1222 = arith.cmpf ogt, %bitcast_convert_type3A_1219, %gt3A_1221 : vector<16xf32>
              %mul3A_1223 = arith.constant 5.000000e-01 : f32
              %mul3A_1224 = vector.broadcast %mul3A_1223 : f32 to vector<16xf32>
              %mul3A_1225 = arith.mulf %bitcast_convert_type3A_1219, %mul3A_1224 : vector<16xf32>
              %select_n3A_1226 = arith.select %gt3A_1222, %mul3A_1225, %bitcast_convert_type3A_1219 : vector<16xi1>, vector<16xf32>
              %convert_element_type3A_1227 = arith.sitofp %sub3A_1212 : vector<16xi32> to vector<16xf32>
              %jit3A_1228 = arith.constant 1.000000e+00 : f32
              %jit3A_1229 = arith.constant 0.000000e+00 : f32
              %broadcast_in_dim3A_1230 = vector.broadcast %jit3A_1228 : f32 to vector<16xf32>
              %broadcast_in_dim3A_1231 = vector.broadcast %jit3A_1229 : f32 to vector<16xf32>
              %select_n3A_1232 = arith.select %gt3A_1222, %broadcast_in_dim3A_1230, %broadcast_in_dim3A_1231 : vector<16xi1>, vector<16xf32>
              %add3A_1233 = arith.addf %convert_element_type3A_1227, %select_n3A_1232 : vector<16xf32>
              %sub3A_1234 = arith.constant 1.000000e+00 : f32
              %sub3A_1235 = vector.broadcast %sub3A_1234 : f32 to vector<16xf32>
              %sub3A_1236 = arith.subf %select_n3A_1226, %sub3A_1235 : vector<16xf32>
              %add3A_1237 = arith.constant 1.000000e+00 : f32
              %add3A_1238 = vector.broadcast %add3A_1237 : f32 to vector<16xf32>
              %add3A_1239 = arith.addf %select_n3A_1226, %add3A_1238 : vector<16xf32>
              %div3A_1240 = arith.divf %sub3A_1236, %add3A_1239 : vector<16xf32>
              %mul3A_1241 = arith.mulf %div3A_1240, %div3A_1240 : vector<16xf32>
              %mul3A_1242 = arith.constant 0.111111112 : f32
              %mul3A_1243 = vector.broadcast %mul3A_1242 : f32 to vector<16xf32>
              %mul3A_1244 = arith.mulf %mul3A_1243, %mul3A_1241 : vector<16xf32>
              %add3A_1245 = arith.constant 0.142857149 : f32
              %add3A_1246 = vector.broadcast %add3A_1245 : f32 to vector<16xf32>
              %add3A_1247 = arith.addf %mul3A_1244, %add3A_1246 : vector<16xf32>
              %mul3A_1248 = arith.mulf %add3A_1247, %mul3A_1241 : vector<16xf32>
              %add3A_1249 = arith.constant 2.000000e-01 : f32
              %add3A_1250 = vector.broadcast %add3A_1249 : f32 to vector<16xf32>
              %add3A_1251 = arith.addf %mul3A_1248, %add3A_1250 : vector<16xf32>
              %mul3A_1252 = arith.mulf %add3A_1251, %mul3A_1241 : vector<16xf32>
              %add3A_1253 = arith.constant 0.333333343 : f32
              %add3A_1254 = vector.broadcast %add3A_1253 : f32 to vector<16xf32>
              %add3A_1255 = arith.addf %mul3A_1252, %add3A_1254 : vector<16xf32>
              %mul3A_1256 = arith.mulf %add3A_1255, %mul3A_1241 : vector<16xf32>
              %add3A_1257 = arith.constant 1.000000e+00 : f32
              %add3A_1258 = vector.broadcast %add3A_1257 : f32 to vector<16xf32>
              %add3A_1259 = arith.addf %mul3A_1256, %add3A_1258 : vector<16xf32>
              %mul3A_1260 = arith.constant 0.693147182 : f32
              %mul3A_1261 = vector.broadcast %mul3A_1260 : f32 to vector<16xf32>
              %mul3A_1262 = arith.mulf %add3A_1233, %mul3A_1261 : vector<16xf32>
              %mul3A_1263 = arith.constant 2.000000e+00 : f32
              %mul3A_1264 = vector.broadcast %mul3A_1263 : f32 to vector<16xf32>
              %mul3A_1265 = arith.mulf %mul3A_1264, %div3A_1240 : vector<16xf32>
              %mul3A_1266 = arith.mulf %mul3A_1265, %add3A_1259 : vector<16xf32>
              %add3A_1267 = arith.addf %mul3A_1262, %mul3A_1266 : vector<16xf32>
              %add3A_1268 = arith.addf %scan3A_418, %add3A_1267 : vector<16xf32>
              %mul3A_1269 = arith.mulf %scan3A_434, %add3A_1268 : vector<16xf32>
              %sub3A_1270 = arith.subf %sub3A_1202, %mul3A_1269 : vector<16xf32>
              %bitcast_convert_type3A_1271 = tpu.bitcast %scan3A_427 : vector<16xf32> -> vector<16xi32>
              %shift_right_arithmetic3A_1272 = arith.constant 23 : i32
              %shift_right_arithmetic3A_1273 = vector.broadcast %shift_right_arithmetic3A_1272 : i32 to vector<16xi32>
              %shift_right_arithmetic3A_1274 = arith.shrsi %bitcast_convert_type3A_1271, %shift_right_arithmetic3A_1273 : vector<16xi32>
              %and3A_1275 = arith.constant 255 : i32
              %and3A_1276 = vector.broadcast %and3A_1275 : i32 to vector<16xi32>
              %and3A_1277 = arith.andi %shift_right_arithmetic3A_1274, %and3A_1276 : vector<16xi32>
              %sub3A_1278 = arith.constant 127 : i32
              %sub3A_1279 = vector.broadcast %sub3A_1278 : i32 to vector<16xi32>
              %sub3A_1280 = arith.subi %and3A_1277, %sub3A_1279 : vector<16xi32>
              %and3A_1281 = arith.constant 8388607 : i32
              %and3A_1282 = vector.broadcast %and3A_1281 : i32 to vector<16xi32>
              %and3A_1283 = arith.andi %bitcast_convert_type3A_1271, %and3A_1282 : vector<16xi32>
              %or3A_1284 = arith.constant 1065353216 : i32
              %or3A_1285 = vector.broadcast %or3A_1284 : i32 to vector<16xi32>
              %or3A_1286 = arith.ori %and3A_1283, %or3A_1285 : vector<16xi32>
              %bitcast_convert_type3A_1287 = tpu.bitcast %or3A_1286 : vector<16xi32> -> vector<16xf32>
              %gt3A_1288 = arith.constant 1.41421354 : f32
              %gt3A_1289 = vector.broadcast %gt3A_1288 : f32 to vector<16xf32>
              %gt3A_1290 = arith.cmpf ogt, %bitcast_convert_type3A_1287, %gt3A_1289 : vector<16xf32>
              %mul3A_1291 = arith.constant 5.000000e-01 : f32
              %mul3A_1292 = vector.broadcast %mul3A_1291 : f32 to vector<16xf32>
              %mul3A_1293 = arith.mulf %bitcast_convert_type3A_1287, %mul3A_1292 : vector<16xf32>
              %select_n3A_1294 = arith.select %gt3A_1290, %mul3A_1293, %bitcast_convert_type3A_1287 : vector<16xi1>, vector<16xf32>
              %convert_element_type3A_1295 = arith.sitofp %sub3A_1280 : vector<16xi32> to vector<16xf32>
              %jit3A_1296 = arith.constant 1.000000e+00 : f32
              %jit3A_1297 = arith.constant 0.000000e+00 : f32
              %broadcast_in_dim3A_1298 = vector.broadcast %jit3A_1296 : f32 to vector<16xf32>
              %broadcast_in_dim3A_1299 = vector.broadcast %jit3A_1297 : f32 to vector<16xf32>
              %select_n3A_1300 = arith.select %gt3A_1290, %broadcast_in_dim3A_1298, %broadcast_in_dim3A_1299 : vector<16xi1>, vector<16xf32>
              %add3A_1301 = arith.addf %convert_element_type3A_1295, %select_n3A_1300 : vector<16xf32>
              %sub3A_1302 = arith.constant 1.000000e+00 : f32
              %sub3A_1303 = vector.broadcast %sub3A_1302 : f32 to vector<16xf32>
              %sub3A_1304 = arith.subf %select_n3A_1294, %sub3A_1303 : vector<16xf32>
              %add3A_1305 = arith.constant 1.000000e+00 : f32
              %add3A_1306 = vector.broadcast %add3A_1305 : f32 to vector<16xf32>
              %add3A_1307 = arith.addf %select_n3A_1294, %add3A_1306 : vector<16xf32>
              %div3A_1308 = arith.divf %sub3A_1304, %add3A_1307 : vector<16xf32>
              %mul3A_1309 = arith.mulf %div3A_1308, %div3A_1308 : vector<16xf32>
              %mul3A_1310 = arith.constant 0.111111112 : f32
              %mul3A_1311 = vector.broadcast %mul3A_1310 : f32 to vector<16xf32>
              %mul3A_1312 = arith.mulf %mul3A_1311, %mul3A_1309 : vector<16xf32>
              %add3A_1313 = arith.constant 0.142857149 : f32
              %add3A_1314 = vector.broadcast %add3A_1313 : f32 to vector<16xf32>
              %add3A_1315 = arith.addf %mul3A_1312, %add3A_1314 : vector<16xf32>
              %mul3A_1316 = arith.mulf %add3A_1315, %mul3A_1309 : vector<16xf32>
              %add3A_1317 = arith.constant 2.000000e-01 : f32
              %add3A_1318 = vector.broadcast %add3A_1317 : f32 to vector<16xf32>
              %add3A_1319 = arith.addf %mul3A_1316, %add3A_1318 : vector<16xf32>
              %mul3A_1320 = arith.mulf %add3A_1319, %mul3A_1309 : vector<16xf32>
              %add3A_1321 = arith.constant 0.333333343 : f32
              %add3A_1322 = vector.broadcast %add3A_1321 : f32 to vector<16xf32>
              %add3A_1323 = arith.addf %mul3A_1320, %add3A_1322 : vector<16xf32>
              %mul3A_1324 = arith.mulf %add3A_1323, %mul3A_1309 : vector<16xf32>
              %add3A_1325 = arith.constant 1.000000e+00 : f32
              %add3A_1326 = vector.broadcast %add3A_1325 : f32 to vector<16xf32>
              %add3A_1327 = arith.addf %mul3A_1324, %add3A_1326 : vector<16xf32>
              %mul3A_1328 = arith.constant 0.693147182 : f32
              %mul3A_1329 = vector.broadcast %mul3A_1328 : f32 to vector<16xf32>
              %mul3A_1330 = arith.mulf %add3A_1301, %mul3A_1329 : vector<16xf32>
              %mul3A_1331 = arith.constant 2.000000e+00 : f32
              %mul3A_1332 = vector.broadcast %mul3A_1331 : f32 to vector<16xf32>
              %mul3A_1333 = arith.mulf %mul3A_1332, %div3A_1308 : vector<16xf32>
              %mul3A_1334 = arith.mulf %mul3A_1333, %add3A_1327 : vector<16xf32>
              %add3A_1335 = arith.addf %mul3A_1330, %mul3A_1334 : vector<16xf32>
              %add3A_1336 = arith.addf %scan3A_419, %add3A_1335 : vector<16xf32>
              %mul3A_1337 = arith.mulf %scan3A_435, %add3A_1336 : vector<16xf32>
              %sub3A_1338 = arith.subf %sub3A_1270, %mul3A_1337 : vector<16xf32>
              %get3A_1339 = arith.constant 0 : index
              %get3A_1340 = tpu.vector_load %arg14[%get3A_1339] {strides = array<i32>} : memref<16xf32, #tpu.memory_space<vmem>>, vector<16xf32>,
              %get3A_1341 = vector.shape_cast %get3A_1340 : vector<16xf32> to vector<16xf32>
              %add3A_1342 = arith.addf %get3A_1341, %sub3A_1338 : vector<16xf32>
              %swap3A_1343 = arith.constant 0 : index
              %swap3A_1344 = tpu.vector_load %arg14[%swap3A_1343] {strides = array<i32>} : memref<16xf32, #tpu.memory_space<vmem>>, vector<16xf32>,
              %swap3A_1345 = vector.shape_cast %swap3A_1344 : vector<16xf32> to vector<16xf32>
              %swap3A_1346 = vector.shape_cast %add3A_1342 : vector<16xf32> to vector<16xf32>
              tpu.vector_store %arg14[%swap3A_1343], %swap3A_1346 {strides = array<i32>} : memref<16xf32, #tpu.memory_space<vmem>>, vector<16xf32>,
              scf.yield %scan3A_411 : i32
            }
            scf.yield %cond3A_801 : i32
          } else {
            scf.yield %scan3A_411 : i32
          }
          scf.yield %cond3A_796 : i32
        } else {
          scf.yield %scan3A_411 : i32
        }
        %select_n3A = arith.select %ne3A, %squeeze3A, %scan3A_410 : i32
        %select_n3A_443 = arith.select %ne3A, %broadcast_in_dim3A_3, %scan3A_436 : vector<16xf32>
        %get3A_444 = arith.constant 1 : i32
        %get3A_445 = arith.index_cast %get3A_444 : i32 to index
        %get3A_446 = arith.index_cast %scan3A_409 : i32 to index
        %get3A_447 = arith.constant 0 : index
        %get3A_448 = tpu.vector_load %arg8[%get3A_445, %get3A_446, %get3A_447] {strides = array<i32>} : memref<2x200x128xf32, #tpu.memory_space<vmem>>, vector<1x1x16xf32>,
        %get3A_449 = vector.shape_cast %get3A_448 : vector<1x1x16xf32> to vector<16xf32>
        %get3A_450 = arith.constant 1 : i32
        %get3A_451 = arith.index_cast %get3A_450 : i32 to index
        %get3A_452 = arith.index_cast %scan3A_409 : i32 to index
        %get3A_453 = arith.constant 0 : index
        %get3A_454 = tpu.vector_load %arg9[%get3A_451, %get3A_452, %get3A_453] {strides = array<i32>} : memref<2x200x128xf32, #tpu.memory_space<vmem>>, vector<1x1x16xf32>,
        %get3A_455 = vector.shape_cast %get3A_454 : vector<1x1x16xf32> to vector<16xf32>
        %select_n3A_456 = arith.select %ne3A, %get3A_449, %scan3A_412 : vector<16xf32>
        %select_n3A_457 = arith.select %ne3A, %broadcast_in_dim3A_3, %scan3A_420 : vector<16xf32>
        %sub3A = arith.subf %get3A_449, %select_n3A_456 : vector<16xf32>
        %exp3A = math.exp %sub3A : vector<16xf32>
        %add3A_458 = arith.addf %select_n3A_457, %exp3A : vector<16xf32>
        %select_n3A_459 = arith.select %ne3A, %broadcast_in_dim3A_3, %scan3A_428 : vector<16xf32>
        %add3A_460 = arith.addf %select_n3A_459, %get3A_455 : vector<16xf32>
        %mul3A_461 = arith.mulf %get3A_455, %get3A_449 : vector<16xf32>
        %add3A_462 = arith.addf %select_n3A_443, %mul3A_461 : vector<16xf32>
        %get3A_463 = arith.constant 1 : i32
        %get3A_464 = arith.index_cast %get3A_463 : i32 to index
        %get3A_465 = arith.index_cast %scan3A_409 : i32 to index
        %get3A_466 = arith.constant 16 : index
        %get3A_467 = tpu.vector_load %arg8[%get3A_464, %get3A_465, %get3A_466] {strides = array<i32>} : memref<2x200x128xf32, #tpu.memory_space<vmem>>, vector<1x1x16xf32>,
        %get3A_468 = vector.shape_cast %get3A_467 : vector<1x1x16xf32> to vector<16xf32>
        %get3A_469 = arith.constant 1 : i32
        %get3A_470 = arith.index_cast %get3A_469 : i32 to index
        %get3A_471 = arith.index_cast %scan3A_409 : i32 to index
        %get3A_472 = arith.constant 16 : index
        %get3A_473 = tpu.vector_load %arg9[%get3A_470, %get3A_471, %get3A_472] {strides = array<i32>} : memref<2x200x128xf32, #tpu.memory_space<vmem>>, vector<1x1x16xf32>,
        %get3A_474 = vector.shape_cast %get3A_473 : vector<1x1x16xf32> to vector<16xf32>
        %select_n3A_475 = arith.select %ne3A, %get3A_468, %scan3A_413 : vector<16xf32>
        %select_n3A_476 = arith.select %ne3A, %broadcast_in_dim3A_3, %scan3A_421 : vector<16xf32>
        %sub3A_477 = arith.subf %get3A_468, %select_n3A_475 : vector<16xf32>
        %exp3A_478 = math.exp %sub3A_477 : vector<16xf32>
        %add3A_479 = arith.addf %select_n3A_476, %exp3A_478 : vector<16xf32>
        %select_n3A_480 = arith.select %ne3A, %broadcast_in_dim3A_3, %scan3A_429 : vector<16xf32>
        %add3A_481 = arith.addf %select_n3A_480, %get3A_474 : vector<16xf32>
        %mul3A_482 = arith.mulf %get3A_474, %get3A_468 : vector<16xf32>
        %add3A_483 = arith.addf %add3A_462, %mul3A_482 : vector<16xf32>
        %get3A_484 = arith.constant 1 : i32
        %get3A_485 = arith.index_cast %get3A_484 : i32 to index
        %get3A_486 = arith.index_cast %scan3A_409 : i32 to index
        %get3A_487 = arith.constant 32 : index
        %get3A_488 = tpu.vector_load %arg8[%get3A_485, %get3A_486, %get3A_487] {strides = array<i32>} : memref<2x200x128xf32, #tpu.memory_space<vmem>>, vector<1x1x16xf32>,
        %get3A_489 = vector.shape_cast %get3A_488 : vector<1x1x16xf32> to vector<16xf32>
        %get3A_490 = arith.constant 1 : i32
        %get3A_491 = arith.index_cast %get3A_490 : i32 to index
        %get3A_492 = arith.index_cast %scan3A_409 : i32 to index
        %get3A_493 = arith.constant 32 : index
        %get3A_494 = tpu.vector_load %arg9[%get3A_491, %get3A_492, %get3A_493] {strides = array<i32>} : memref<2x200x128xf32, #tpu.memory_space<vmem>>, vector<1x1x16xf32>,
        %get3A_495 = vector.shape_cast %get3A_494 : vector<1x1x16xf32> to vector<16xf32>
        %select_n3A_496 = arith.select %ne3A, %get3A_489, %scan3A_414 : vector<16xf32>
        %select_n3A_497 = arith.select %ne3A, %broadcast_in_dim3A_3, %scan3A_422 : vector<16xf32>
        %sub3A_498 = arith.subf %get3A_489, %select_n3A_496 : vector<16xf32>
        %exp3A_499 = math.exp %sub3A_498 : vector<16xf32>
        %add3A_500 = arith.addf %select_n3A_497, %exp3A_499 : vector<16xf32>
        %select_n3A_501 = arith.select %ne3A, %broadcast_in_dim3A_3, %scan3A_430 : vector<16xf32>
        %add3A_502 = arith.addf %select_n3A_501, %get3A_495 : vector<16xf32>
        %mul3A_503 = arith.mulf %get3A_495, %get3A_489 : vector<16xf32>
        %add3A_504 = arith.addf %add3A_483, %mul3A_503 : vector<16xf32>
        %get3A_505 = arith.constant 1 : i32
        %get3A_506 = arith.index_cast %get3A_505 : i32 to index
        %get3A_507 = arith.index_cast %scan3A_409 : i32 to index
        %get3A_508 = arith.constant 48 : index
        %get3A_509 = tpu.vector_load %arg8[%get3A_506, %get3A_507, %get3A_508] {strides = array<i32>} : memref<2x200x128xf32, #tpu.memory_space<vmem>>, vector<1x1x16xf32>,
        %get3A_510 = vector.shape_cast %get3A_509 : vector<1x1x16xf32> to vector<16xf32>
        %get3A_511 = arith.constant 1 : i32
        %get3A_512 = arith.index_cast %get3A_511 : i32 to index
        %get3A_513 = arith.index_cast %scan3A_409 : i32 to index
        %get3A_514 = arith.constant 48 : index
        %get3A_515 = tpu.vector_load %arg9[%get3A_512, %get3A_513, %get3A_514] {strides = array<i32>} : memref<2x200x128xf32, #tpu.memory_space<vmem>>, vector<1x1x16xf32>,
        %get3A_516 = vector.shape_cast %get3A_515 : vector<1x1x16xf32> to vector<16xf32>
        %select_n3A_517 = arith.select %ne3A, %get3A_510, %scan3A_415 : vector<16xf32>
        %select_n3A_518 = arith.select %ne3A, %broadcast_in_dim3A_3, %scan3A_423 : vector<16xf32>
        %sub3A_519 = arith.subf %get3A_510, %select_n3A_517 : vector<16xf32>
        %exp3A_520 = math.exp %sub3A_519 : vector<16xf32>
        %add3A_521 = arith.addf %select_n3A_518, %exp3A_520 : vector<16xf32>
        %select_n3A_522 = arith.select %ne3A, %broadcast_in_dim3A_3, %scan3A_431 : vector<16xf32>
        %add3A_523 = arith.addf %select_n3A_522, %get3A_516 : vector<16xf32>
        %mul3A_524 = arith.mulf %get3A_516, %get3A_510 : vector<16xf32>
        %add3A_525 = arith.addf %add3A_504, %mul3A_524 : vector<16xf32>
        %get3A_526 = arith.constant 1 : i32
        %get3A_527 = arith.index_cast %get3A_526 : i32 to index
        %get3A_528 = arith.index_cast %scan3A_409 : i32 to index
        %get3A_529 = arith.constant 64 : index
        %get3A_530 = tpu.vector_load %arg8[%get3A_527, %get3A_528, %get3A_529] {strides = array<i32>} : memref<2x200x128xf32, #tpu.memory_space<vmem>>, vector<1x1x16xf32>,
        %get3A_531 = vector.shape_cast %get3A_530 : vector<1x1x16xf32> to vector<16xf32>
        %get3A_532 = arith.constant 1 : i32
        %get3A_533 = arith.index_cast %get3A_532 : i32 to index
        %get3A_534 = arith.index_cast %scan3A_409 : i32 to index
        %get3A_535 = arith.constant 64 : index
        %get3A_536 = tpu.vector_load %arg9[%get3A_533, %get3A_534, %get3A_535] {strides = array<i32>} : memref<2x200x128xf32, #tpu.memory_space<vmem>>, vector<1x1x16xf32>,
        %get3A_537 = vector.shape_cast %get3A_536 : vector<1x1x16xf32> to vector<16xf32>
        %select_n3A_538 = arith.select %ne3A, %get3A_531, %scan3A_416 : vector<16xf32>
        %select_n3A_539 = arith.select %ne3A, %broadcast_in_dim3A_3, %scan3A_424 : vector<16xf32>
        %sub3A_540 = arith.subf %get3A_531, %select_n3A_538 : vector<16xf32>
        %exp3A_541 = math.exp %sub3A_540 : vector<16xf32>
        %add3A_542 = arith.addf %select_n3A_539, %exp3A_541 : vector<16xf32>
        %select_n3A_543 = arith.select %ne3A, %broadcast_in_dim3A_3, %scan3A_432 : vector<16xf32>
        %add3A_544 = arith.addf %select_n3A_543, %get3A_537 : vector<16xf32>
        %mul3A_545 = arith.mulf %get3A_537, %get3A_531 : vector<16xf32>
        %add3A_546 = arith.addf %add3A_525, %mul3A_545 : vector<16xf32>
        %get3A_547 = arith.constant 1 : i32
        %get3A_548 = arith.index_cast %get3A_547 : i32 to index
        %get3A_549 = arith.index_cast %scan3A_409 : i32 to index
        %get3A_550 = arith.constant 80 : index
        %get3A_551 = tpu.vector_load %arg8[%get3A_548, %get3A_549, %get3A_550] {strides = array<i32>} : memref<2x200x128xf32, #tpu.memory_space<vmem>>, vector<1x1x16xf32>,
        %get3A_552 = vector.shape_cast %get3A_551 : vector<1x1x16xf32> to vector<16xf32>
        %get3A_553 = arith.constant 1 : i32
        %get3A_554 = arith.index_cast %get3A_553 : i32 to index
        %get3A_555 = arith.index_cast %scan3A_409 : i32 to index
        %get3A_556 = arith.constant 80 : index
        %get3A_557 = tpu.vector_load %arg9[%get3A_554, %get3A_555, %get3A_556] {strides = array<i32>} : memref<2x200x128xf32, #tpu.memory_space<vmem>>, vector<1x1x16xf32>,
        %get3A_558 = vector.shape_cast %get3A_557 : vector<1x1x16xf32> to vector<16xf32>
        %select_n3A_559 = arith.select %ne3A, %get3A_552, %scan3A_417 : vector<16xf32>
        %select_n3A_560 = arith.select %ne3A, %broadcast_in_dim3A_3, %scan3A_425 : vector<16xf32>
        %sub3A_561 = arith.subf %get3A_552, %select_n3A_559 : vector<16xf32>
        %exp3A_562 = math.exp %sub3A_561 : vector<16xf32>
        %add3A_563 = arith.addf %select_n3A_560, %exp3A_562 : vector<16xf32>
        %select_n3A_564 = arith.select %ne3A, %broadcast_in_dim3A_3, %scan3A_433 : vector<16xf32>
        %add3A_565 = arith.addf %select_n3A_564, %get3A_558 : vector<16xf32>
        %mul3A_566 = arith.mulf %get3A_558, %get3A_552 : vector<16xf32>
        %add3A_567 = arith.addf %add3A_546, %mul3A_566 : vector<16xf32>
        %get3A_568 = arith.constant 1 : i32
        %get3A_569 = arith.index_cast %get3A_568 : i32 to index
        %get3A_570 = arith.index_cast %scan3A_409 : i32 to index
        %get3A_571 = arith.constant 96 : index
        %get3A_572 = tpu.vector_load %arg8[%get3A_569, %get3A_570, %get3A_571] {strides = array<i32>} : memref<2x200x128xf32, #tpu.memory_space<vmem>>, vector<1x1x16xf32>,
        %get3A_573 = vector.shape_cast %get3A_572 : vector<1x1x16xf32> to vector<16xf32>
        %get3A_574 = arith.constant 1 : i32
        %get3A_575 = arith.index_cast %get3A_574 : i32 to index
        %get3A_576 = arith.index_cast %scan3A_409 : i32 to index
        %get3A_577 = arith.constant 96 : index
        %get3A_578 = tpu.vector_load %arg9[%get3A_575, %get3A_576, %get3A_577] {strides = array<i32>} : memref<2x200x128xf32, #tpu.memory_space<vmem>>, vector<1x1x16xf32>,
        %get3A_579 = vector.shape_cast %get3A_578 : vector<1x1x16xf32> to vector<16xf32>
        %select_n3A_580 = arith.select %ne3A, %get3A_573, %scan3A_418 : vector<16xf32>
        %select_n3A_581 = arith.select %ne3A, %broadcast_in_dim3A_3, %scan3A_426 : vector<16xf32>
        %sub3A_582 = arith.subf %get3A_573, %select_n3A_580 : vector<16xf32>
        %exp3A_583 = math.exp %sub3A_582 : vector<16xf32>
        %add3A_584 = arith.addf %select_n3A_581, %exp3A_583 : vector<16xf32>
        %select_n3A_585 = arith.select %ne3A, %broadcast_in_dim3A_3, %scan3A_434 : vector<16xf32>
        %add3A_586 = arith.addf %select_n3A_585, %get3A_579 : vector<16xf32>
        %mul3A_587 = arith.mulf %get3A_579, %get3A_573 : vector<16xf32>
        %add3A_588 = arith.addf %add3A_567, %mul3A_587 : vector<16xf32>
        %get3A_589 = arith.constant 1 : i32
        %get3A_590 = arith.index_cast %get3A_589 : i32 to index
        %get3A_591 = arith.index_cast %scan3A_409 : i32 to index
        %get3A_592 = arith.constant 112 : index
        %get3A_593 = tpu.vector_load %arg8[%get3A_590, %get3A_591, %get3A_592] {strides = array<i32>} : memref<2x200x128xf32, #tpu.memory_space<vmem>>, vector<1x1x16xf32>,
        %get3A_594 = vector.shape_cast %get3A_593 : vector<1x1x16xf32> to vector<16xf32>
        %get3A_595 = arith.constant 1 : i32
        %get3A_596 = arith.index_cast %get3A_595 : i32 to index
        %get3A_597 = arith.index_cast %scan3A_409 : i32 to index
        %get3A_598 = arith.constant 112 : index
        %get3A_599 = tpu.vector_load %arg9[%get3A_596, %get3A_597, %get3A_598] {strides = array<i32>} : memref<2x200x128xf32, #tpu.memory_space<vmem>>, vector<1x1x16xf32>,
        %get3A_600 = vector.shape_cast %get3A_599 : vector<1x1x16xf32> to vector<16xf32>
        %select_n3A_601 = arith.select %ne3A, %get3A_594, %scan3A_419 : vector<16xf32>
        %select_n3A_602 = arith.select %ne3A, %broadcast_in_dim3A_3, %scan3A_427 : vector<16xf32>
        %sub3A_603 = arith.subf %get3A_594, %select_n3A_601 : vector<16xf32>
        %exp3A_604 = math.exp %sub3A_603 : vector<16xf32>
        %add3A_605 = arith.addf %select_n3A_602, %exp3A_604 : vector<16xf32>
        %select_n3A_606 = arith.select %ne3A, %broadcast_in_dim3A_3, %scan3A_435 : vector<16xf32>
        %add3A_607 = arith.addf %select_n3A_606, %get3A_600 : vector<16xf32>
        %mul3A_608 = arith.mulf %get3A_600, %get3A_594 : vector<16xf32>
        %add3A_609 = arith.addf %add3A_588, %mul3A_608 : vector<16xf32>
        %scan3A_610 = arith.constant 1 : i32
        %scan3A_611 = arith.addi %scan3A_409, %scan3A_610 : i32
        %get3A_612 = arith.index_cast %scan3A_611 : i32 to index
        %get3A_613 = tpu.vector_load %arg11[%get3A_612] {strides = array<i32>} : memref<216xi32, #tpu.memory_space<vmem>>, vector<16xi32>,
        %get3A_614 = vector.shape_cast %get3A_613 : vector<16xi32> to vector<16xi32>
        %slice3A_615 = vector.extract_strided_slice %get3A_614 {offsets = [0], sizes = [1], strides = [1]} : vector<16xi32> to vector<1xi32>
        %squeeze3A_616 = vector.extract %slice3A_615[0] : i32 from vector<1xi32>
        %ne3A_617 = arith.cmpi ne, %squeeze3A_616, %select_n3A : i32
        %convert_element_type3A_618 = arith.extui %ne3A_617 : i1 to i32
        %cond3A_619 = arith.constant 0 : i32
        %cond3A_620 = arith.cmpi ne, %convert_element_type3A_618, %cond3A_619 : i32
        %cond3A_621 = scf.if %cond3A_620 -> (i32) {
          %ge3A = arith.constant 0 : i32
          %ge3A_792 = arith.cmpi sge, %select_n3A, %ge3A : i32
          %convert_element_type3A_793 = arith.extui %ge3A_792 : i1 to i32
          %cond3A_794 = arith.constant 0 : i32
          %cond3A_795 = arith.cmpi ne, %convert_element_type3A_793, %cond3A_794 : i32
          %cond3A_796 = scf.if %cond3A_795 -> (i32) {
            %eq3A = arith.constant 0 : i32
            %eq3A_797 = arith.cmpi eq, %cond3A_442, %eq3A : i32
            %convert_element_type3A_798 = arith.extui %eq3A_797 : i1 to i32
            %cond3A_799 = arith.constant 0 : i32
            %cond3A_800 = arith.cmpi ne, %convert_element_type3A_798, %cond3A_799 : i32
            %cond3A_801 = scf.if %cond3A_800 -> (i32) {
              %swap3A_802 = arith.constant 0 : index
              %swap3A_803 = tpu.vector_load %arg12[%swap3A_802] {strides = array<i32>} : memref<768xf32, #tpu.memory_space<vmem>>, vector<16xf32>,
              %swap3A_804 = vector.shape_cast %swap3A_803 : vector<16xf32> to vector<16xf32>
              %swap3A_805 = vector.shape_cast %add3A_458 : vector<16xf32> to vector<16xf32>
              tpu.vector_store %arg12[%swap3A_802], %swap3A_805 {strides = array<i32>} : memref<768xf32, #tpu.memory_space<vmem>>, vector<16xf32>,
              %swap3A_806 = arith.constant 128 : index
              %swap3A_807 = tpu.vector_load %arg12[%swap3A_806] {strides = array<i32>} : memref<768xf32, #tpu.memory_space<vmem>>, vector<16xf32>,
              %swap3A_808 = vector.shape_cast %swap3A_807 : vector<16xf32> to vector<16xf32>
              %swap3A_809 = vector.shape_cast %add3A_460 : vector<16xf32> to vector<16xf32>
              tpu.vector_store %arg12[%swap3A_806], %swap3A_809 {strides = array<i32>} : memref<768xf32, #tpu.memory_space<vmem>>, vector<16xf32>,
              %swap3A_810 = arith.constant 256 : index
              %swap3A_811 = tpu.vector_load %arg12[%swap3A_810] {strides = array<i32>} : memref<768xf32, #tpu.memory_space<vmem>>, vector<16xf32>,
              %swap3A_812 = vector.shape_cast %swap3A_811 : vector<16xf32> to vector<16xf32>
              %swap3A_813 = vector.shape_cast %select_n3A_456 : vector<16xf32> to vector<16xf32>
              tpu.vector_store %arg12[%swap3A_810], %swap3A_813 {strides = array<i32>} : memref<768xf32, #tpu.memory_space<vmem>>, vector<16xf32>,
              %swap3A_814 = arith.constant 16 : index
              %swap3A_815 = tpu.vector_load %arg12[%swap3A_814] {strides = array<i32>} : memref<768xf32, #tpu.memory_space<vmem>>, vector<16xf32>,
              %swap3A_816 = vector.shape_cast %swap3A_815 : vector<16xf32> to vector<16xf32>
              %swap3A_817 = vector.shape_cast %add3A_479 : vector<16xf32> to vector<16xf32>
              tpu.vector_store %arg12[%swap3A_814], %swap3A_817 {strides = array<i32>} : memref<768xf32, #tpu.memory_space<vmem>>, vector<16xf32>,
              %swap3A_818 = arith.constant 144 : index
              %swap3A_819 = tpu.vector_load %arg12[%swap3A_818] {strides = array<i32>} : memref<768xf32, #tpu.memory_space<vmem>>, vector<16xf32>,
              %swap3A_820 = vector.shape_cast %swap3A_819 : vector<16xf32> to vector<16xf32>
              %swap3A_821 = vector.shape_cast %add3A_481 : vector<16xf32> to vector<16xf32>
              tpu.vector_store %arg12[%swap3A_818], %swap3A_821 {strides = array<i32>} : memref<768xf32, #tpu.memory_space<vmem>>, vector<16xf32>,
              %swap3A_822 = arith.constant 272 : index
              %swap3A_823 = tpu.vector_load %arg12[%swap3A_822] {strides = array<i32>} : memref<768xf32, #tpu.memory_space<vmem>>, vector<16xf32>,
              %swap3A_824 = vector.shape_cast %swap3A_823 : vector<16xf32> to vector<16xf32>
              %swap3A_825 = vector.shape_cast %select_n3A_475 : vector<16xf32> to vector<16xf32>
              tpu.vector_store %arg12[%swap3A_822], %swap3A_825 {strides = array<i32>} : memref<768xf32, #tpu.memory_space<vmem>>, vector<16xf32>,
              %swap3A_826 = arith.constant 32 : index
              %swap3A_827 = tpu.vector_load %arg12[%swap3A_826] {strides = array<i32>} : memref<768xf32, #tpu.memory_space<vmem>>, vector<16xf32>,
              %swap3A_828 = vector.shape_cast %swap3A_827 : vector<16xf32> to vector<16xf32>
              %swap3A_829 = vector.shape_cast %add3A_500 : vector<16xf32> to vector<16xf32>
              tpu.vector_store %arg12[%swap3A_826], %swap3A_829 {strides = array<i32>} : memref<768xf32, #tpu.memory_space<vmem>>, vector<16xf32>,
              %swap3A_830 = arith.constant 160 : index
              %swap3A_831 = tpu.vector_load %arg12[%swap3A_830] {strides = array<i32>} : memref<768xf32, #tpu.memory_space<vmem>>, vector<16xf32>,
              %swap3A_832 = vector.shape_cast %swap3A_831 : vector<16xf32> to vector<16xf32>
              %swap3A_833 = vector.shape_cast %add3A_502 : vector<16xf32> to vector<16xf32>
              tpu.vector_store %arg12[%swap3A_830], %swap3A_833 {strides = array<i32>} : memref<768xf32, #tpu.memory_space<vmem>>, vector<16xf32>,
              %swap3A_834 = arith.constant 288 : index
              %swap3A_835 = tpu.vector_load %arg12[%swap3A_834] {strides = array<i32>} : memref<768xf32, #tpu.memory_space<vmem>>, vector<16xf32>,
              %swap3A_836 = vector.shape_cast %swap3A_835 : vector<16xf32> to vector<16xf32>
              %swap3A_837 = vector.shape_cast %select_n3A_496 : vector<16xf32> to vector<16xf32>
              tpu.vector_store %arg12[%swap3A_834], %swap3A_837 {strides = array<i32>} : memref<768xf32, #tpu.memory_space<vmem>>, vector<16xf32>,
              %swap3A_838 = arith.constant 48 : index
              %swap3A_839 = tpu.vector_load %arg12[%swap3A_838] {strides = array<i32>} : memref<768xf32, #tpu.memory_space<vmem>>, vector<16xf32>,
              %swap3A_840 = vector.shape_cast %swap3A_839 : vector<16xf32> to vector<16xf32>
              %swap3A_841 = vector.shape_cast %add3A_521 : vector<16xf32> to vector<16xf32>
              tpu.vector_store %arg12[%swap3A_838], %swap3A_841 {strides = array<i32>} : memref<768xf32, #tpu.memory_space<vmem>>, vector<16xf32>,
              %swap3A_842 = arith.constant 176 : index
              %swap3A_843 = tpu.vector_load %arg12[%swap3A_842] {strides = array<i32>} : memref<768xf32, #tpu.memory_space<vmem>>, vector<16xf32>,
              %swap3A_844 = vector.shape_cast %swap3A_843 : vector<16xf32> to vector<16xf32>
              %swap3A_845 = vector.shape_cast %add3A_523 : vector<16xf32> to vector<16xf32>
              tpu.vector_store %arg12[%swap3A_842], %swap3A_845 {strides = array<i32>} : memref<768xf32, #tpu.memory_space<vmem>>, vector<16xf32>,
              %swap3A_846 = arith.constant 304 : index
              %swap3A_847 = tpu.vector_load %arg12[%swap3A_846] {strides = array<i32>} : memref<768xf32, #tpu.memory_space<vmem>>, vector<16xf32>,
              %swap3A_848 = vector.shape_cast %swap3A_847 : vector<16xf32> to vector<16xf32>
              %swap3A_849 = vector.shape_cast %select_n3A_517 : vector<16xf32> to vector<16xf32>
              tpu.vector_store %arg12[%swap3A_846], %swap3A_849 {strides = array<i32>} : memref<768xf32, #tpu.memory_space<vmem>>, vector<16xf32>,
              %swap3A_850 = arith.constant 64 : index
              %swap3A_851 = tpu.vector_load %arg12[%swap3A_850] {strides = array<i32>} : memref<768xf32, #tpu.memory_space<vmem>>, vector<16xf32>,
              %swap3A_852 = vector.shape_cast %swap3A_851 : vector<16xf32> to vector<16xf32>
              %swap3A_853 = vector.shape_cast %add3A_542 : vector<16xf32> to vector<16xf32>
              tpu.vector_store %arg12[%swap3A_850], %swap3A_853 {strides = array<i32>} : memref<768xf32, #tpu.memory_space<vmem>>, vector<16xf32>,
              %swap3A_854 = arith.constant 192 : index
              %swap3A_855 = tpu.vector_load %arg12[%swap3A_854] {strides = array<i32>} : memref<768xf32, #tpu.memory_space<vmem>>, vector<16xf32>,
              %swap3A_856 = vector.shape_cast %swap3A_855 : vector<16xf32> to vector<16xf32>
              %swap3A_857 = vector.shape_cast %add3A_544 : vector<16xf32> to vector<16xf32>
              tpu.vector_store %arg12[%swap3A_854], %swap3A_857 {strides = array<i32>} : memref<768xf32, #tpu.memory_space<vmem>>, vector<16xf32>,
              %swap3A_858 = arith.constant 320 : index
              %swap3A_859 = tpu.vector_load %arg12[%swap3A_858] {strides = array<i32>} : memref<768xf32, #tpu.memory_space<vmem>>, vector<16xf32>,
              %swap3A_860 = vector.shape_cast %swap3A_859 : vector<16xf32> to vector<16xf32>
              %swap3A_861 = vector.shape_cast %select_n3A_538 : vector<16xf32> to vector<16xf32>
              tpu.vector_store %arg12[%swap3A_858], %swap3A_861 {strides = array<i32>} : memref<768xf32, #tpu.memory_space<vmem>>, vector<16xf32>,
              %swap3A_862 = arith.constant 80 : index
              %swap3A_863 = tpu.vector_load %arg12[%swap3A_862] {strides = array<i32>} : memref<768xf32, #tpu.memory_space<vmem>>, vector<16xf32>,
              %swap3A_864 = vector.shape_cast %swap3A_863 : vector<16xf32> to vector<16xf32>
              %swap3A_865 = vector.shape_cast %add3A_563 : vector<16xf32> to vector<16xf32>
              tpu.vector_store %arg12[%swap3A_862], %swap3A_865 {strides = array<i32>} : memref<768xf32, #tpu.memory_space<vmem>>, vector<16xf32>,
              %swap3A_866 = arith.constant 208 : index
              %swap3A_867 = tpu.vector_load %arg12[%swap3A_866] {strides = array<i32>} : memref<768xf32, #tpu.memory_space<vmem>>, vector<16xf32>,
              %swap3A_868 = vector.shape_cast %swap3A_867 : vector<16xf32> to vector<16xf32>
              %swap3A_869 = vector.shape_cast %add3A_565 : vector<16xf32> to vector<16xf32>
              tpu.vector_store %arg12[%swap3A_866], %swap3A_869 {strides = array<i32>} : memref<768xf32, #tpu.memory_space<vmem>>, vector<16xf32>,
              %swap3A_870 = arith.constant 336 : index
              %swap3A_871 = tpu.vector_load %arg12[%swap3A_870] {strides = array<i32>} : memref<768xf32, #tpu.memory_space<vmem>>, vector<16xf32>,
              %swap3A_872 = vector.shape_cast %swap3A_871 : vector<16xf32> to vector<16xf32>
              %swap3A_873 = vector.shape_cast %select_n3A_559 : vector<16xf32> to vector<16xf32>
              tpu.vector_store %arg12[%swap3A_870], %swap3A_873 {strides = array<i32>} : memref<768xf32, #tpu.memory_space<vmem>>, vector<16xf32>,
              %swap3A_874 = arith.constant 96 : index
              %swap3A_875 = tpu.vector_load %arg12[%swap3A_874] {strides = array<i32>} : memref<768xf32, #tpu.memory_space<vmem>>, vector<16xf32>,
              %swap3A_876 = vector.shape_cast %swap3A_875 : vector<16xf32> to vector<16xf32>
              %swap3A_877 = vector.shape_cast %add3A_584 : vector<16xf32> to vector<16xf32>
              tpu.vector_store %arg12[%swap3A_874], %swap3A_877 {strides = array<i32>} : memref<768xf32, #tpu.memory_space<vmem>>, vector<16xf32>,
              %swap3A_878 = arith.constant 224 : index
              %swap3A_879 = tpu.vector_load %arg12[%swap3A_878] {strides = array<i32>} : memref<768xf32, #tpu.memory_space<vmem>>, vector<16xf32>,
              %swap3A_880 = vector.shape_cast %swap3A_879 : vector<16xf32> to vector<16xf32>
              %swap3A_881 = vector.shape_cast %add3A_586 : vector<16xf32> to vector<16xf32>
              tpu.vector_store %arg12[%swap3A_878], %swap3A_881 {strides = array<i32>} : memref<768xf32, #tpu.memory_space<vmem>>, vector<16xf32>,
              %swap3A_882 = arith.constant 352 : index
              %swap3A_883 = tpu.vector_load %arg12[%swap3A_882] {strides = array<i32>} : memref<768xf32, #tpu.memory_space<vmem>>, vector<16xf32>,
              %swap3A_884 = vector.shape_cast %swap3A_883 : vector<16xf32> to vector<16xf32>
              %swap3A_885 = vector.shape_cast %select_n3A_580 : vector<16xf32> to vector<16xf32>
              tpu.vector_store %arg12[%swap3A_882], %swap3A_885 {strides = array<i32>} : memref<768xf32, #tpu.memory_space<vmem>>, vector<16xf32>,
              %swap3A_886 = arith.constant 112 : index
              %swap3A_887 = tpu.vector_load %arg12[%swap3A_886] {strides = array<i32>} : memref<768xf32, #tpu.memory_space<vmem>>, vector<16xf32>,
              %swap3A_888 = vector.shape_cast %swap3A_887 : vector<16xf32> to vector<16xf32>
              %swap3A_889 = vector.shape_cast %add3A_605 : vector<16xf32> to vector<16xf32>
              tpu.vector_store %arg12[%swap3A_886], %swap3A_889 {strides = array<i32>} : memref<768xf32, #tpu.memory_space<vmem>>, vector<16xf32>,
              %swap3A_890 = arith.constant 240 : index
              %swap3A_891 = tpu.vector_load %arg12[%swap3A_890] {strides = array<i32>} : memref<768xf32, #tpu.memory_space<vmem>>, vector<16xf32>,
              %swap3A_892 = vector.shape_cast %swap3A_891 : vector<16xf32> to vector<16xf32>
              %swap3A_893 = vector.shape_cast %add3A_607 : vector<16xf32> to vector<16xf32>
              tpu.vector_store %arg12[%swap3A_890], %swap3A_893 {strides = array<i32>} : memref<768xf32, #tpu.memory_space<vmem>>, vector<16xf32>,
              %swap3A_894 = arith.constant 368 : index
              %swap3A_895 = tpu.vector_load %arg12[%swap3A_894] {strides = array<i32>} : memref<768xf32, #tpu.memory_space<vmem>>, vector<16xf32>,
              %swap3A_896 = vector.shape_cast %swap3A_895 : vector<16xf32> to vector<16xf32>
              %swap3A_897 = vector.shape_cast %select_n3A_601 : vector<16xf32> to vector<16xf32>
              tpu.vector_store %arg12[%swap3A_894], %swap3A_897 {strides = array<i32>} : memref<768xf32, #tpu.memory_space<vmem>>, vector<16xf32>,
              %swap3A_898 = arith.constant 0 : index
              %swap3A_899 = tpu.vector_load %arg13[%swap3A_898] {strides = array<i32>} : memref<64xf32, #tpu.memory_space<vmem>>, vector<16xf32>,
              %swap3A_900 = vector.shape_cast %swap3A_899 : vector<16xf32> to vector<16xf32>
              %swap3A_901 = vector.shape_cast %add3A_609 : vector<16xf32> to vector<16xf32>
              tpu.vector_store %arg13[%swap3A_898], %swap3A_901 {strides = array<i32>} : memref<64xf32, #tpu.memory_space<vmem>>, vector<16xf32>,
              %convert_element_type3A_902 = arith.sitofp %select_n3A : i32 to f32
              %broadcast_in_dim3A_903 = vector.broadcast %convert_element_type3A_902 : f32 to vector<16xf32>
              %swap3A_904 = arith.constant 16 : index
              %swap3A_905 = tpu.vector_load %arg13[%swap3A_904] {strides = array<i32>} : memref<64xf32, #tpu.memory_space<vmem>>, vector<16xf32>,
              %swap3A_906 = vector.shape_cast %swap3A_905 : vector<16xf32> to vector<16xf32>
              %swap3A_907 = vector.shape_cast %broadcast_in_dim3A_903 : vector<16xf32> to vector<16xf32>
              tpu.vector_store %arg13[%swap3A_904], %swap3A_907 {strides = array<i32>} : memref<64xf32, #tpu.memory_space<vmem>>, vector<16xf32>,
              %cond3A_908 = arith.constant 1 : i32
              scf.yield %cond3A_908 : i32
            } else {
              %bitcast_convert_type3A = tpu.bitcast %add3A_458 : vector<16xf32> -> vector<16xi32>
              %shift_right_arithmetic3A = arith.constant 23 : i32
              %shift_right_arithmetic3A_802 = vector.broadcast %shift_right_arithmetic3A : i32 to vector<16xi32>
              %shift_right_arithmetic3A_803 = arith.shrsi %bitcast_convert_type3A, %shift_right_arithmetic3A_802 : vector<16xi32>
              %and3A = arith.constant 255 : i32
              %and3A_804 = vector.broadcast %and3A : i32 to vector<16xi32>
              %and3A_805 = arith.andi %shift_right_arithmetic3A_803, %and3A_804 : vector<16xi32>
              %sub3A_806 = arith.constant 127 : i32
              %sub3A_807 = vector.broadcast %sub3A_806 : i32 to vector<16xi32>
              %sub3A_808 = arith.subi %and3A_805, %sub3A_807 : vector<16xi32>
              %and3A_809 = arith.constant 8388607 : i32
              %and3A_810 = vector.broadcast %and3A_809 : i32 to vector<16xi32>
              %and3A_811 = arith.andi %bitcast_convert_type3A, %and3A_810 : vector<16xi32>
              %or3A = arith.constant 1065353216 : i32
              %or3A_812 = vector.broadcast %or3A : i32 to vector<16xi32>
              %or3A_813 = arith.ori %and3A_811, %or3A_812 : vector<16xi32>
              %bitcast_convert_type3A_814 = tpu.bitcast %or3A_813 : vector<16xi32> -> vector<16xf32>
              %gt3A = arith.constant 1.41421354 : f32
              %gt3A_815 = vector.broadcast %gt3A : f32 to vector<16xf32>
              %gt3A_816 = arith.cmpf ogt, %bitcast_convert_type3A_814, %gt3A_815 : vector<16xf32>
              %mul3A_817 = arith.constant 5.000000e-01 : f32
              %mul3A_818 = vector.broadcast %mul3A_817 : f32 to vector<16xf32>
              %mul3A_819 = arith.mulf %bitcast_convert_type3A_814, %mul3A_818 : vector<16xf32>
              %select_n3A_820 = arith.select %gt3A_816, %mul3A_819, %bitcast_convert_type3A_814 : vector<16xi1>, vector<16xf32>
              %convert_element_type3A_821 = arith.sitofp %sub3A_808 : vector<16xi32> to vector<16xf32>
              %jit3A = arith.constant 1.000000e+00 : f32
              %jit3A_822 = arith.constant 0.000000e+00 : f32
              %broadcast_in_dim3A_823 = vector.broadcast %jit3A : f32 to vector<16xf32>
              %broadcast_in_dim3A_824 = vector.broadcast %jit3A_822 : f32 to vector<16xf32>
              %select_n3A_825 = arith.select %gt3A_816, %broadcast_in_dim3A_823, %broadcast_in_dim3A_824 : vector<16xi1>, vector<16xf32>
              %add3A_826 = arith.addf %convert_element_type3A_821, %select_n3A_825 : vector<16xf32>
              %sub3A_827 = arith.constant 1.000000e+00 : f32
              %sub3A_828 = vector.broadcast %sub3A_827 : f32 to vector<16xf32>
              %sub3A_829 = arith.subf %select_n3A_820, %sub3A_828 : vector<16xf32>
              %add3A_830 = arith.constant 1.000000e+00 : f32
              %add3A_831 = vector.broadcast %add3A_830 : f32 to vector<16xf32>
              %add3A_832 = arith.addf %select_n3A_820, %add3A_831 : vector<16xf32>
              %div3A = arith.divf %sub3A_829, %add3A_832 : vector<16xf32>
              %mul3A_833 = arith.mulf %div3A, %div3A : vector<16xf32>
              %mul3A_834 = arith.constant 0.111111112 : f32
              %mul3A_835 = vector.broadcast %mul3A_834 : f32 to vector<16xf32>
              %mul3A_836 = arith.mulf %mul3A_835, %mul3A_833 : vector<16xf32>
              %add3A_837 = arith.constant 0.142857149 : f32
              %add3A_838 = vector.broadcast %add3A_837 : f32 to vector<16xf32>
              %add3A_839 = arith.addf %mul3A_836, %add3A_838 : vector<16xf32>
              %mul3A_840 = arith.mulf %add3A_839, %mul3A_833 : vector<16xf32>
              %add3A_841 = arith.constant 2.000000e-01 : f32
              %add3A_842 = vector.broadcast %add3A_841 : f32 to vector<16xf32>
              %add3A_843 = arith.addf %mul3A_840, %add3A_842 : vector<16xf32>
              %mul3A_844 = arith.mulf %add3A_843, %mul3A_833 : vector<16xf32>
              %add3A_845 = arith.constant 0.333333343 : f32
              %add3A_846 = vector.broadcast %add3A_845 : f32 to vector<16xf32>
              %add3A_847 = arith.addf %mul3A_844, %add3A_846 : vector<16xf32>
              %mul3A_848 = arith.mulf %add3A_847, %mul3A_833 : vector<16xf32>
              %add3A_849 = arith.constant 1.000000e+00 : f32
              %add3A_850 = vector.broadcast %add3A_849 : f32 to vector<16xf32>
              %add3A_851 = arith.addf %mul3A_848, %add3A_850 : vector<16xf32>
              %mul3A_852 = arith.constant 0.693147182 : f32
              %mul3A_853 = vector.broadcast %mul3A_852 : f32 to vector<16xf32>
              %mul3A_854 = arith.mulf %add3A_826, %mul3A_853 : vector<16xf32>
              %mul3A_855 = arith.constant 2.000000e+00 : f32
              %mul3A_856 = vector.broadcast %mul3A_855 : f32 to vector<16xf32>
              %mul3A_857 = arith.mulf %mul3A_856, %div3A : vector<16xf32>
              %mul3A_858 = arith.mulf %mul3A_857, %add3A_851 : vector<16xf32>
              %add3A_859 = arith.addf %mul3A_854, %mul3A_858 : vector<16xf32>
              %add3A_860 = arith.addf %select_n3A_456, %add3A_859 : vector<16xf32>
              %mul3A_861 = arith.mulf %add3A_460, %add3A_860 : vector<16xf32>
              %sub3A_862 = arith.subf %add3A_609, %mul3A_861 : vector<16xf32>
              %bitcast_convert_type3A_863 = tpu.bitcast %add3A_479 : vector<16xf32> -> vector<16xi32>
              %shift_right_arithmetic3A_864 = arith.constant 23 : i32
              %shift_right_arithmetic3A_865 = vector.broadcast %shift_right_arithmetic3A_864 : i32 to vector<16xi32>
              %shift_right_arithmetic3A_866 = arith.shrsi %bitcast_convert_type3A_863, %shift_right_arithmetic3A_865 : vector<16xi32>
              %and3A_867 = arith.constant 255 : i32
              %and3A_868 = vector.broadcast %and3A_867 : i32 to vector<16xi32>
              %and3A_869 = arith.andi %shift_right_arithmetic3A_866, %and3A_868 : vector<16xi32>
              %sub3A_870 = arith.constant 127 : i32
              %sub3A_871 = vector.broadcast %sub3A_870 : i32 to vector<16xi32>
              %sub3A_872 = arith.subi %and3A_869, %sub3A_871 : vector<16xi32>
              %and3A_873 = arith.constant 8388607 : i32
              %and3A_874 = vector.broadcast %and3A_873 : i32 to vector<16xi32>
              %and3A_875 = arith.andi %bitcast_convert_type3A_863, %and3A_874 : vector<16xi32>
              %or3A_876 = arith.constant 1065353216 : i32
              %or3A_877 = vector.broadcast %or3A_876 : i32 to vector<16xi32>
              %or3A_878 = arith.ori %and3A_875, %or3A_877 : vector<16xi32>
              %bitcast_convert_type3A_879 = tpu.bitcast %or3A_878 : vector<16xi32> -> vector<16xf32>
              %gt3A_880 = arith.constant 1.41421354 : f32
              %gt3A_881 = vector.broadcast %gt3A_880 : f32 to vector<16xf32>
              %gt3A_882 = arith.cmpf ogt, %bitcast_convert_type3A_879, %gt3A_881 : vector<16xf32>
              %mul3A_883 = arith.constant 5.000000e-01 : f32
              %mul3A_884 = vector.broadcast %mul3A_883 : f32 to vector<16xf32>
              %mul3A_885 = arith.mulf %bitcast_convert_type3A_879, %mul3A_884 : vector<16xf32>
              %select_n3A_886 = arith.select %gt3A_882, %mul3A_885, %bitcast_convert_type3A_879 : vector<16xi1>, vector<16xf32>
              %convert_element_type3A_887 = arith.sitofp %sub3A_872 : vector<16xi32> to vector<16xf32>
              %jit3A_888 = arith.constant 1.000000e+00 : f32
              %jit3A_889 = arith.constant 0.000000e+00 : f32
              %broadcast_in_dim3A_890 = vector.broadcast %jit3A_888 : f32 to vector<16xf32>
              %broadcast_in_dim3A_891 = vector.broadcast %jit3A_889 : f32 to vector<16xf32>
              %select_n3A_892 = arith.select %gt3A_882, %broadcast_in_dim3A_890, %broadcast_in_dim3A_891 : vector<16xi1>, vector<16xf32>
              %add3A_893 = arith.addf %convert_element_type3A_887, %select_n3A_892 : vector<16xf32>
              %sub3A_894 = arith.constant 1.000000e+00 : f32
              %sub3A_895 = vector.broadcast %sub3A_894 : f32 to vector<16xf32>
              %sub3A_896 = arith.subf %select_n3A_886, %sub3A_895 : vector<16xf32>
              %add3A_897 = arith.constant 1.000000e+00 : f32
              %add3A_898 = vector.broadcast %add3A_897 : f32 to vector<16xf32>
              %add3A_899 = arith.addf %select_n3A_886, %add3A_898 : vector<16xf32>
              %div3A_900 = arith.divf %sub3A_896, %add3A_899 : vector<16xf32>
              %mul3A_901 = arith.mulf %div3A_900, %div3A_900 : vector<16xf32>
              %mul3A_902 = arith.constant 0.111111112 : f32
              %mul3A_903 = vector.broadcast %mul3A_902 : f32 to vector<16xf32>
              %mul3A_904 = arith.mulf %mul3A_903, %mul3A_901 : vector<16xf32>
              %add3A_905 = arith.constant 0.142857149 : f32
              %add3A_906 = vector.broadcast %add3A_905 : f32 to vector<16xf32>
              %add3A_907 = arith.addf %mul3A_904, %add3A_906 : vector<16xf32>
              %mul3A_908 = arith.mulf %add3A_907, %mul3A_901 : vector<16xf32>
              %add3A_909 = arith.constant 2.000000e-01 : f32
              %add3A_910 = vector.broadcast %add3A_909 : f32 to vector<16xf32>
              %add3A_911 = arith.addf %mul3A_908, %add3A_910 : vector<16xf32>
              %mul3A_912 = arith.mulf %add3A_911, %mul3A_901 : vector<16xf32>
              %add3A_913 = arith.constant 0.333333343 : f32
              %add3A_914 = vector.broadcast %add3A_913 : f32 to vector<16xf32>
              %add3A_915 = arith.addf %mul3A_912, %add3A_914 : vector<16xf32>
              %mul3A_916 = arith.mulf %add3A_915, %mul3A_901 : vector<16xf32>
              %add3A_917 = arith.constant 1.000000e+00 : f32
              %add3A_918 = vector.broadcast %add3A_917 : f32 to vector<16xf32>
              %add3A_919 = arith.addf %mul3A_916, %add3A_918 : vector<16xf32>
              %mul3A_920 = arith.constant 0.693147182 : f32
              %mul3A_921 = vector.broadcast %mul3A_920 : f32 to vector<16xf32>
              %mul3A_922 = arith.mulf %add3A_893, %mul3A_921 : vector<16xf32>
              %mul3A_923 = arith.constant 2.000000e+00 : f32
              %mul3A_924 = vector.broadcast %mul3A_923 : f32 to vector<16xf32>
              %mul3A_925 = arith.mulf %mul3A_924, %div3A_900 : vector<16xf32>
              %mul3A_926 = arith.mulf %mul3A_925, %add3A_919 : vector<16xf32>
              %add3A_927 = arith.addf %mul3A_922, %mul3A_926 : vector<16xf32>
              %add3A_928 = arith.addf %select_n3A_475, %add3A_927 : vector<16xf32>
              %mul3A_929 = arith.mulf %add3A_481, %add3A_928 : vector<16xf32>
              %sub3A_930 = arith.subf %sub3A_862, %mul3A_929 : vector<16xf32>
              %bitcast_convert_type3A_931 = tpu.bitcast %add3A_500 : vector<16xf32> -> vector<16xi32>
              %shift_right_arithmetic3A_932 = arith.constant 23 : i32
              %shift_right_arithmetic3A_933 = vector.broadcast %shift_right_arithmetic3A_932 : i32 to vector<16xi32>
              %shift_right_arithmetic3A_934 = arith.shrsi %bitcast_convert_type3A_931, %shift_right_arithmetic3A_933 : vector<16xi32>
              %and3A_935 = arith.constant 255 : i32
              %and3A_936 = vector.broadcast %and3A_935 : i32 to vector<16xi32>
              %and3A_937 = arith.andi %shift_right_arithmetic3A_934, %and3A_936 : vector<16xi32>
              %sub3A_938 = arith.constant 127 : i32
              %sub3A_939 = vector.broadcast %sub3A_938 : i32 to vector<16xi32>
              %sub3A_940 = arith.subi %and3A_937, %sub3A_939 : vector<16xi32>
              %and3A_941 = arith.constant 8388607 : i32
              %and3A_942 = vector.broadcast %and3A_941 : i32 to vector<16xi32>
              %and3A_943 = arith.andi %bitcast_convert_type3A_931, %and3A_942 : vector<16xi32>
              %or3A_944 = arith.constant 1065353216 : i32
              %or3A_945 = vector.broadcast %or3A_944 : i32 to vector<16xi32>
              %or3A_946 = arith.ori %and3A_943, %or3A_945 : vector<16xi32>
              %bitcast_convert_type3A_947 = tpu.bitcast %or3A_946 : vector<16xi32> -> vector<16xf32>
              %gt3A_948 = arith.constant 1.41421354 : f32
              %gt3A_949 = vector.broadcast %gt3A_948 : f32 to vector<16xf32>
              %gt3A_950 = arith.cmpf ogt, %bitcast_convert_type3A_947, %gt3A_949 : vector<16xf32>
              %mul3A_951 = arith.constant 5.000000e-01 : f32
              %mul3A_952 = vector.broadcast %mul3A_951 : f32 to vector<16xf32>
              %mul3A_953 = arith.mulf %bitcast_convert_type3A_947, %mul3A_952 : vector<16xf32>
              %select_n3A_954 = arith.select %gt3A_950, %mul3A_953, %bitcast_convert_type3A_947 : vector<16xi1>, vector<16xf32>
              %convert_element_type3A_955 = arith.sitofp %sub3A_940 : vector<16xi32> to vector<16xf32>
              %jit3A_956 = arith.constant 1.000000e+00 : f32
              %jit3A_957 = arith.constant 0.000000e+00 : f32
              %broadcast_in_dim3A_958 = vector.broadcast %jit3A_956 : f32 to vector<16xf32>
              %broadcast_in_dim3A_959 = vector.broadcast %jit3A_957 : f32 to vector<16xf32>
              %select_n3A_960 = arith.select %gt3A_950, %broadcast_in_dim3A_958, %broadcast_in_dim3A_959 : vector<16xi1>, vector<16xf32>
              %add3A_961 = arith.addf %convert_element_type3A_955, %select_n3A_960 : vector<16xf32>
              %sub3A_962 = arith.constant 1.000000e+00 : f32
              %sub3A_963 = vector.broadcast %sub3A_962 : f32 to vector<16xf32>
              %sub3A_964 = arith.subf %select_n3A_954, %sub3A_963 : vector<16xf32>
              %add3A_965 = arith.constant 1.000000e+00 : f32
              %add3A_966 = vector.broadcast %add3A_965 : f32 to vector<16xf32>
              %add3A_967 = arith.addf %select_n3A_954, %add3A_966 : vector<16xf32>
              %div3A_968 = arith.divf %sub3A_964, %add3A_967 : vector<16xf32>
              %mul3A_969 = arith.mulf %div3A_968, %div3A_968 : vector<16xf32>
              %mul3A_970 = arith.constant 0.111111112 : f32
              %mul3A_971 = vector.broadcast %mul3A_970 : f32 to vector<16xf32>
              %mul3A_972 = arith.mulf %mul3A_971, %mul3A_969 : vector<16xf32>
              %add3A_973 = arith.constant 0.142857149 : f32
              %add3A_974 = vector.broadcast %add3A_973 : f32 to vector<16xf32>
              %add3A_975 = arith.addf %mul3A_972, %add3A_974 : vector<16xf32>
              %mul3A_976 = arith.mulf %add3A_975, %mul3A_969 : vector<16xf32>
              %add3A_977 = arith.constant 2.000000e-01 : f32
              %add3A_978 = vector.broadcast %add3A_977 : f32 to vector<16xf32>
              %add3A_979 = arith.addf %mul3A_976, %add3A_978 : vector<16xf32>
              %mul3A_980 = arith.mulf %add3A_979, %mul3A_969 : vector<16xf32>
              %add3A_981 = arith.constant 0.333333343 : f32
              %add3A_982 = vector.broadcast %add3A_981 : f32 to vector<16xf32>
              %add3A_983 = arith.addf %mul3A_980, %add3A_982 : vector<16xf32>
              %mul3A_984 = arith.mulf %add3A_983, %mul3A_969 : vector<16xf32>
              %add3A_985 = arith.constant 1.000000e+00 : f32
              %add3A_986 = vector.broadcast %add3A_985 : f32 to vector<16xf32>
              %add3A_987 = arith.addf %mul3A_984, %add3A_986 : vector<16xf32>
              %mul3A_988 = arith.constant 0.693147182 : f32
              %mul3A_989 = vector.broadcast %mul3A_988 : f32 to vector<16xf32>
              %mul3A_990 = arith.mulf %add3A_961, %mul3A_989 : vector<16xf32>
              %mul3A_991 = arith.constant 2.000000e+00 : f32
              %mul3A_992 = vector.broadcast %mul3A_991 : f32 to vector<16xf32>
              %mul3A_993 = arith.mulf %mul3A_992, %div3A_968 : vector<16xf32>
              %mul3A_994 = arith.mulf %mul3A_993, %add3A_987 : vector<16xf32>
              %add3A_995 = arith.addf %mul3A_990, %mul3A_994 : vector<16xf32>
              %add3A_996 = arith.addf %select_n3A_496, %add3A_995 : vector<16xf32>
              %mul3A_997 = arith.mulf %add3A_502, %add3A_996 : vector<16xf32>
              %sub3A_998 = arith.subf %sub3A_930, %mul3A_997 : vector<16xf32>
              %bitcast_convert_type3A_999 = tpu.bitcast %add3A_521 : vector<16xf32> -> vector<16xi32>
              %shift_right_arithmetic3A_1000 = arith.constant 23 : i32
              %shift_right_arithmetic3A_1001 = vector.broadcast %shift_right_arithmetic3A_1000 : i32 to vector<16xi32>
              %shift_right_arithmetic3A_1002 = arith.shrsi %bitcast_convert_type3A_999, %shift_right_arithmetic3A_1001 : vector<16xi32>
              %and3A_1003 = arith.constant 255 : i32
              %and3A_1004 = vector.broadcast %and3A_1003 : i32 to vector<16xi32>
              %and3A_1005 = arith.andi %shift_right_arithmetic3A_1002, %and3A_1004 : vector<16xi32>
              %sub3A_1006 = arith.constant 127 : i32
              %sub3A_1007 = vector.broadcast %sub3A_1006 : i32 to vector<16xi32>
              %sub3A_1008 = arith.subi %and3A_1005, %sub3A_1007 : vector<16xi32>
              %and3A_1009 = arith.constant 8388607 : i32
              %and3A_1010 = vector.broadcast %and3A_1009 : i32 to vector<16xi32>
              %and3A_1011 = arith.andi %bitcast_convert_type3A_999, %and3A_1010 : vector<16xi32>
              %or3A_1012 = arith.constant 1065353216 : i32
              %or3A_1013 = vector.broadcast %or3A_1012 : i32 to vector<16xi32>
              %or3A_1014 = arith.ori %and3A_1011, %or3A_1013 : vector<16xi32>
              %bitcast_convert_type3A_1015 = tpu.bitcast %or3A_1014 : vector<16xi32> -> vector<16xf32>
              %gt3A_1016 = arith.constant 1.41421354 : f32
              %gt3A_1017 = vector.broadcast %gt3A_1016 : f32 to vector<16xf32>
              %gt3A_1018 = arith.cmpf ogt, %bitcast_convert_type3A_1015, %gt3A_1017 : vector<16xf32>
              %mul3A_1019 = arith.constant 5.000000e-01 : f32
              %mul3A_1020 = vector.broadcast %mul3A_1019 : f32 to vector<16xf32>
              %mul3A_1021 = arith.mulf %bitcast_convert_type3A_1015, %mul3A_1020 : vector<16xf32>
              %select_n3A_1022 = arith.select %gt3A_1018, %mul3A_1021, %bitcast_convert_type3A_1015 : vector<16xi1>, vector<16xf32>
              %convert_element_type3A_1023 = arith.sitofp %sub3A_1008 : vector<16xi32> to vector<16xf32>
              %jit3A_1024 = arith.constant 1.000000e+00 : f32
              %jit3A_1025 = arith.constant 0.000000e+00 : f32
              %broadcast_in_dim3A_1026 = vector.broadcast %jit3A_1024 : f32 to vector<16xf32>
              %broadcast_in_dim3A_1027 = vector.broadcast %jit3A_1025 : f32 to vector<16xf32>
              %select_n3A_1028 = arith.select %gt3A_1018, %broadcast_in_dim3A_1026, %broadcast_in_dim3A_1027 : vector<16xi1>, vector<16xf32>
              %add3A_1029 = arith.addf %convert_element_type3A_1023, %select_n3A_1028 : vector<16xf32>
              %sub3A_1030 = arith.constant 1.000000e+00 : f32
              %sub3A_1031 = vector.broadcast %sub3A_1030 : f32 to vector<16xf32>
              %sub3A_1032 = arith.subf %select_n3A_1022, %sub3A_1031 : vector<16xf32>
              %add3A_1033 = arith.constant 1.000000e+00 : f32
              %add3A_1034 = vector.broadcast %add3A_1033 : f32 to vector<16xf32>
              %add3A_1035 = arith.addf %select_n3A_1022, %add3A_1034 : vector<16xf32>
              %div3A_1036 = arith.divf %sub3A_1032, %add3A_1035 : vector<16xf32>
              %mul3A_1037 = arith.mulf %div3A_1036, %div3A_1036 : vector<16xf32>
              %mul3A_1038 = arith.constant 0.111111112 : f32
              %mul3A_1039 = vector.broadcast %mul3A_1038 : f32 to vector<16xf32>
              %mul3A_1040 = arith.mulf %mul3A_1039, %mul3A_1037 : vector<16xf32>
              %add3A_1041 = arith.constant 0.142857149 : f32
              %add3A_1042 = vector.broadcast %add3A_1041 : f32 to vector<16xf32>
              %add3A_1043 = arith.addf %mul3A_1040, %add3A_1042 : vector<16xf32>
              %mul3A_1044 = arith.mulf %add3A_1043, %mul3A_1037 : vector<16xf32>
              %add3A_1045 = arith.constant 2.000000e-01 : f32
              %add3A_1046 = vector.broadcast %add3A_1045 : f32 to vector<16xf32>
              %add3A_1047 = arith.addf %mul3A_1044, %add3A_1046 : vector<16xf32>
              %mul3A_1048 = arith.mulf %add3A_1047, %mul3A_1037 : vector<16xf32>
              %add3A_1049 = arith.constant 0.333333343 : f32
              %add3A_1050 = vector.broadcast %add3A_1049 : f32 to vector<16xf32>
              %add3A_1051 = arith.addf %mul3A_1048, %add3A_1050 : vector<16xf32>
              %mul3A_1052 = arith.mulf %add3A_1051, %mul3A_1037 : vector<16xf32>
              %add3A_1053 = arith.constant 1.000000e+00 : f32
              %add3A_1054 = vector.broadcast %add3A_1053 : f32 to vector<16xf32>
              %add3A_1055 = arith.addf %mul3A_1052, %add3A_1054 : vector<16xf32>
              %mul3A_1056 = arith.constant 0.693147182 : f32
              %mul3A_1057 = vector.broadcast %mul3A_1056 : f32 to vector<16xf32>
              %mul3A_1058 = arith.mulf %add3A_1029, %mul3A_1057 : vector<16xf32>
              %mul3A_1059 = arith.constant 2.000000e+00 : f32
              %mul3A_1060 = vector.broadcast %mul3A_1059 : f32 to vector<16xf32>
              %mul3A_1061 = arith.mulf %mul3A_1060, %div3A_1036 : vector<16xf32>
              %mul3A_1062 = arith.mulf %mul3A_1061, %add3A_1055 : vector<16xf32>
              %add3A_1063 = arith.addf %mul3A_1058, %mul3A_1062 : vector<16xf32>
              %add3A_1064 = arith.addf %select_n3A_517, %add3A_1063 : vector<16xf32>
              %mul3A_1065 = arith.mulf %add3A_523, %add3A_1064 : vector<16xf32>
              %sub3A_1066 = arith.subf %sub3A_998, %mul3A_1065 : vector<16xf32>
              %bitcast_convert_type3A_1067 = tpu.bitcast %add3A_542 : vector<16xf32> -> vector<16xi32>
              %shift_right_arithmetic3A_1068 = arith.constant 23 : i32
              %shift_right_arithmetic3A_1069 = vector.broadcast %shift_right_arithmetic3A_1068 : i32 to vector<16xi32>
              %shift_right_arithmetic3A_1070 = arith.shrsi %bitcast_convert_type3A_1067, %shift_right_arithmetic3A_1069 : vector<16xi32>
              %and3A_1071 = arith.constant 255 : i32
              %and3A_1072 = vector.broadcast %and3A_1071 : i32 to vector<16xi32>
              %and3A_1073 = arith.andi %shift_right_arithmetic3A_1070, %and3A_1072 : vector<16xi32>
              %sub3A_1074 = arith.constant 127 : i32
              %sub3A_1075 = vector.broadcast %sub3A_1074 : i32 to vector<16xi32>
              %sub3A_1076 = arith.subi %and3A_1073, %sub3A_1075 : vector<16xi32>
              %and3A_1077 = arith.constant 8388607 : i32
              %and3A_1078 = vector.broadcast %and3A_1077 : i32 to vector<16xi32>
              %and3A_1079 = arith.andi %bitcast_convert_type3A_1067, %and3A_1078 : vector<16xi32>
              %or3A_1080 = arith.constant 1065353216 : i32
              %or3A_1081 = vector.broadcast %or3A_1080 : i32 to vector<16xi32>
              %or3A_1082 = arith.ori %and3A_1079, %or3A_1081 : vector<16xi32>
              %bitcast_convert_type3A_1083 = tpu.bitcast %or3A_1082 : vector<16xi32> -> vector<16xf32>
              %gt3A_1084 = arith.constant 1.41421354 : f32
              %gt3A_1085 = vector.broadcast %gt3A_1084 : f32 to vector<16xf32>
              %gt3A_1086 = arith.cmpf ogt, %bitcast_convert_type3A_1083, %gt3A_1085 : vector<16xf32>
              %mul3A_1087 = arith.constant 5.000000e-01 : f32
              %mul3A_1088 = vector.broadcast %mul3A_1087 : f32 to vector<16xf32>
              %mul3A_1089 = arith.mulf %bitcast_convert_type3A_1083, %mul3A_1088 : vector<16xf32>
              %select_n3A_1090 = arith.select %gt3A_1086, %mul3A_1089, %bitcast_convert_type3A_1083 : vector<16xi1>, vector<16xf32>
              %convert_element_type3A_1091 = arith.sitofp %sub3A_1076 : vector<16xi32> to vector<16xf32>
              %jit3A_1092 = arith.constant 1.000000e+00 : f32
              %jit3A_1093 = arith.constant 0.000000e+00 : f32
              %broadcast_in_dim3A_1094 = vector.broadcast %jit3A_1092 : f32 to vector<16xf32>
              %broadcast_in_dim3A_1095 = vector.broadcast %jit3A_1093 : f32 to vector<16xf32>
              %select_n3A_1096 = arith.select %gt3A_1086, %broadcast_in_dim3A_1094, %broadcast_in_dim3A_1095 : vector<16xi1>, vector<16xf32>
              %add3A_1097 = arith.addf %convert_element_type3A_1091, %select_n3A_1096 : vector<16xf32>
              %sub3A_1098 = arith.constant 1.000000e+00 : f32
              %sub3A_1099 = vector.broadcast %sub3A_1098 : f32 to vector<16xf32>
              %sub3A_1100 = arith.subf %select_n3A_1090, %sub3A_1099 : vector<16xf32>
              %add3A_1101 = arith.constant 1.000000e+00 : f32
              %add3A_1102 = vector.broadcast %add3A_1101 : f32 to vector<16xf32>
              %add3A_1103 = arith.addf %select_n3A_1090, %add3A_1102 : vector<16xf32>
              %div3A_1104 = arith.divf %sub3A_1100, %add3A_1103 : vector<16xf32>
              %mul3A_1105 = arith.mulf %div3A_1104, %div3A_1104 : vector<16xf32>
              %mul3A_1106 = arith.constant 0.111111112 : f32
              %mul3A_1107 = vector.broadcast %mul3A_1106 : f32 to vector<16xf32>
              %mul3A_1108 = arith.mulf %mul3A_1107, %mul3A_1105 : vector<16xf32>
              %add3A_1109 = arith.constant 0.142857149 : f32
              %add3A_1110 = vector.broadcast %add3A_1109 : f32 to vector<16xf32>
              %add3A_1111 = arith.addf %mul3A_1108, %add3A_1110 : vector<16xf32>
              %mul3A_1112 = arith.mulf %add3A_1111, %mul3A_1105 : vector<16xf32>
              %add3A_1113 = arith.constant 2.000000e-01 : f32
              %add3A_1114 = vector.broadcast %add3A_1113 : f32 to vector<16xf32>
              %add3A_1115 = arith.addf %mul3A_1112, %add3A_1114 : vector<16xf32>
              %mul3A_1116 = arith.mulf %add3A_1115, %mul3A_1105 : vector<16xf32>
              %add3A_1117 = arith.constant 0.333333343 : f32
              %add3A_1118 = vector.broadcast %add3A_1117 : f32 to vector<16xf32>
              %add3A_1119 = arith.addf %mul3A_1116, %add3A_1118 : vector<16xf32>
              %mul3A_1120 = arith.mulf %add3A_1119, %mul3A_1105 : vector<16xf32>
              %add3A_1121 = arith.constant 1.000000e+00 : f32
              %add3A_1122 = vector.broadcast %add3A_1121 : f32 to vector<16xf32>
              %add3A_1123 = arith.addf %mul3A_1120, %add3A_1122 : vector<16xf32>
              %mul3A_1124 = arith.constant 0.693147182 : f32
              %mul3A_1125 = vector.broadcast %mul3A_1124 : f32 to vector<16xf32>
              %mul3A_1126 = arith.mulf %add3A_1097, %mul3A_1125 : vector<16xf32>
              %mul3A_1127 = arith.constant 2.000000e+00 : f32
              %mul3A_1128 = vector.broadcast %mul3A_1127 : f32 to vector<16xf32>
              %mul3A_1129 = arith.mulf %mul3A_1128, %div3A_1104 : vector<16xf32>
              %mul3A_1130 = arith.mulf %mul3A_1129, %add3A_1123 : vector<16xf32>
              %add3A_1131 = arith.addf %mul3A_1126, %mul3A_1130 : vector<16xf32>
              %add3A_1132 = arith.addf %select_n3A_538, %add3A_1131 : vector<16xf32>
              %mul3A_1133 = arith.mulf %add3A_544, %add3A_1132 : vector<16xf32>
              %sub3A_1134 = arith.subf %sub3A_1066, %mul3A_1133 : vector<16xf32>
              %bitcast_convert_type3A_1135 = tpu.bitcast %add3A_563 : vector<16xf32> -> vector<16xi32>
              %shift_right_arithmetic3A_1136 = arith.constant 23 : i32
              %shift_right_arithmetic3A_1137 = vector.broadcast %shift_right_arithmetic3A_1136 : i32 to vector<16xi32>
              %shift_right_arithmetic3A_1138 = arith.shrsi %bitcast_convert_type3A_1135, %shift_right_arithmetic3A_1137 : vector<16xi32>
              %and3A_1139 = arith.constant 255 : i32
              %and3A_1140 = vector.broadcast %and3A_1139 : i32 to vector<16xi32>
              %and3A_1141 = arith.andi %shift_right_arithmetic3A_1138, %and3A_1140 : vector<16xi32>
              %sub3A_1142 = arith.constant 127 : i32
              %sub3A_1143 = vector.broadcast %sub3A_1142 : i32 to vector<16xi32>
              %sub3A_1144 = arith.subi %and3A_1141, %sub3A_1143 : vector<16xi32>
              %and3A_1145 = arith.constant 8388607 : i32
              %and3A_1146 = vector.broadcast %and3A_1145 : i32 to vector<16xi32>
              %and3A_1147 = arith.andi %bitcast_convert_type3A_1135, %and3A_1146 : vector<16xi32>
              %or3A_1148 = arith.constant 1065353216 : i32
              %or3A_1149 = vector.broadcast %or3A_1148 : i32 to vector<16xi32>
              %or3A_1150 = arith.ori %and3A_1147, %or3A_1149 : vector<16xi32>
              %bitcast_convert_type3A_1151 = tpu.bitcast %or3A_1150 : vector<16xi32> -> vector<16xf32>
              %gt3A_1152 = arith.constant 1.41421354 : f32
              %gt3A_1153 = vector.broadcast %gt3A_1152 : f32 to vector<16xf32>
              %gt3A_1154 = arith.cmpf ogt, %bitcast_convert_type3A_1151, %gt3A_1153 : vector<16xf32>
              %mul3A_1155 = arith.constant 5.000000e-01 : f32
              %mul3A_1156 = vector.broadcast %mul3A_1155 : f32 to vector<16xf32>
              %mul3A_1157 = arith.mulf %bitcast_convert_type3A_1151, %mul3A_1156 : vector<16xf32>
              %select_n3A_1158 = arith.select %gt3A_1154, %mul3A_1157, %bitcast_convert_type3A_1151 : vector<16xi1>, vector<16xf32>
              %convert_element_type3A_1159 = arith.sitofp %sub3A_1144 : vector<16xi32> to vector<16xf32>
              %jit3A_1160 = arith.constant 1.000000e+00 : f32
              %jit3A_1161 = arith.constant 0.000000e+00 : f32
              %broadcast_in_dim3A_1162 = vector.broadcast %jit3A_1160 : f32 to vector<16xf32>
              %broadcast_in_dim3A_1163 = vector.broadcast %jit3A_1161 : f32 to vector<16xf32>
              %select_n3A_1164 = arith.select %gt3A_1154, %broadcast_in_dim3A_1162, %broadcast_in_dim3A_1163 : vector<16xi1>, vector<16xf32>
              %add3A_1165 = arith.addf %convert_element_type3A_1159, %select_n3A_1164 : vector<16xf32>
              %sub3A_1166 = arith.constant 1.000000e+00 : f32
              %sub3A_1167 = vector.broadcast %sub3A_1166 : f32 to vector<16xf32>
              %sub3A_1168 = arith.subf %select_n3A_1158, %sub3A_1167 : vector<16xf32>
              %add3A_1169 = arith.constant 1.000000e+00 : f32
              %add3A_1170 = vector.broadcast %add3A_1169 : f32 to vector<16xf32>
              %add3A_1171 = arith.addf %select_n3A_1158, %add3A_1170 : vector<16xf32>
              %div3A_1172 = arith.divf %sub3A_1168, %add3A_1171 : vector<16xf32>
              %mul3A_1173 = arith.mulf %div3A_1172, %div3A_1172 : vector<16xf32>
              %mul3A_1174 = arith.constant 0.111111112 : f32
              %mul3A_1175 = vector.broadcast %mul3A_1174 : f32 to vector<16xf32>
              %mul3A_1176 = arith.mulf %mul3A_1175, %mul3A_1173 : vector<16xf32>
              %add3A_1177 = arith.constant 0.142857149 : f32
              %add3A_1178 = vector.broadcast %add3A_1177 : f32 to vector<16xf32>
              %add3A_1179 = arith.addf %mul3A_1176, %add3A_1178 : vector<16xf32>
              %mul3A_1180 = arith.mulf %add3A_1179, %mul3A_1173 : vector<16xf32>
              %add3A_1181 = arith.constant 2.000000e-01 : f32
              %add3A_1182 = vector.broadcast %add3A_1181 : f32 to vector<16xf32>
              %add3A_1183 = arith.addf %mul3A_1180, %add3A_1182 : vector<16xf32>
              %mul3A_1184 = arith.mulf %add3A_1183, %mul3A_1173 : vector<16xf32>
              %add3A_1185 = arith.constant 0.333333343 : f32
              %add3A_1186 = vector.broadcast %add3A_1185 : f32 to vector<16xf32>
              %add3A_1187 = arith.addf %mul3A_1184, %add3A_1186 : vector<16xf32>
              %mul3A_1188 = arith.mulf %add3A_1187, %mul3A_1173 : vector<16xf32>
              %add3A_1189 = arith.constant 1.000000e+00 : f32
              %add3A_1190 = vector.broadcast %add3A_1189 : f32 to vector<16xf32>
              %add3A_1191 = arith.addf %mul3A_1188, %add3A_1190 : vector<16xf32>
              %mul3A_1192 = arith.constant 0.693147182 : f32
              %mul3A_1193 = vector.broadcast %mul3A_1192 : f32 to vector<16xf32>
              %mul3A_1194 = arith.mulf %add3A_1165, %mul3A_1193 : vector<16xf32>
              %mul3A_1195 = arith.constant 2.000000e+00 : f32
              %mul3A_1196 = vector.broadcast %mul3A_1195 : f32 to vector<16xf32>
              %mul3A_1197 = arith.mulf %mul3A_1196, %div3A_1172 : vector<16xf32>
              %mul3A_1198 = arith.mulf %mul3A_1197, %add3A_1191 : vector<16xf32>
              %add3A_1199 = arith.addf %mul3A_1194, %mul3A_1198 : vector<16xf32>
              %add3A_1200 = arith.addf %select_n3A_559, %add3A_1199 : vector<16xf32>
              %mul3A_1201 = arith.mulf %add3A_565, %add3A_1200 : vector<16xf32>
              %sub3A_1202 = arith.subf %sub3A_1134, %mul3A_1201 : vector<16xf32>
              %bitcast_convert_type3A_1203 = tpu.bitcast %add3A_584 : vector<16xf32> -> vector<16xi32>
              %shift_right_arithmetic3A_1204 = arith.constant 23 : i32
              %shift_right_arithmetic3A_1205 = vector.broadcast %shift_right_arithmetic3A_1204 : i32 to vector<16xi32>
              %shift_right_arithmetic3A_1206 = arith.shrsi %bitcast_convert_type3A_1203, %shift_right_arithmetic3A_1205 : vector<16xi32>
              %and3A_1207 = arith.constant 255 : i32
              %and3A_1208 = vector.broadcast %and3A_1207 : i32 to vector<16xi32>
              %and3A_1209 = arith.andi %shift_right_arithmetic3A_1206, %and3A_1208 : vector<16xi32>
              %sub3A_1210 = arith.constant 127 : i32
              %sub3A_1211 = vector.broadcast %sub3A_1210 : i32 to vector<16xi32>
              %sub3A_1212 = arith.subi %and3A_1209, %sub3A_1211 : vector<16xi32>
              %and3A_1213 = arith.constant 8388607 : i32
              %and3A_1214 = vector.broadcast %and3A_1213 : i32 to vector<16xi32>
              %and3A_1215 = arith.andi %bitcast_convert_type3A_1203, %and3A_1214 : vector<16xi32>
              %or3A_1216 = arith.constant 1065353216 : i32
              %or3A_1217 = vector.broadcast %or3A_1216 : i32 to vector<16xi32>
              %or3A_1218 = arith.ori %and3A_1215, %or3A_1217 : vector<16xi32>
              %bitcast_convert_type3A_1219 = tpu.bitcast %or3A_1218 : vector<16xi32> -> vector<16xf32>
              %gt3A_1220 = arith.constant 1.41421354 : f32
              %gt3A_1221 = vector.broadcast %gt3A_1220 : f32 to vector<16xf32>
              %gt3A_1222 = arith.cmpf ogt, %bitcast_convert_type3A_1219, %gt3A_1221 : vector<16xf32>
              %mul3A_1223 = arith.constant 5.000000e-01 : f32
              %mul3A_1224 = vector.broadcast %mul3A_1223 : f32 to vector<16xf32>
              %mul3A_1225 = arith.mulf %bitcast_convert_type3A_1219, %mul3A_1224 : vector<16xf32>
              %select_n3A_1226 = arith.select %gt3A_1222, %mul3A_1225, %bitcast_convert_type3A_1219 : vector<16xi1>, vector<16xf32>
              %convert_element_type3A_1227 = arith.sitofp %sub3A_1212 : vector<16xi32> to vector<16xf32>
              %jit3A_1228 = arith.constant 1.000000e+00 : f32
              %jit3A_1229 = arith.constant 0.000000e+00 : f32
              %broadcast_in_dim3A_1230 = vector.broadcast %jit3A_1228 : f32 to vector<16xf32>
              %broadcast_in_dim3A_1231 = vector.broadcast %jit3A_1229 : f32 to vector<16xf32>
              %select_n3A_1232 = arith.select %gt3A_1222, %broadcast_in_dim3A_1230, %broadcast_in_dim3A_1231 : vector<16xi1>, vector<16xf32>
              %add3A_1233 = arith.addf %convert_element_type3A_1227, %select_n3A_1232 : vector<16xf32>
              %sub3A_1234 = arith.constant 1.000000e+00 : f32
              %sub3A_1235 = vector.broadcast %sub3A_1234 : f32 to vector<16xf32>
              %sub3A_1236 = arith.subf %select_n3A_1226, %sub3A_1235 : vector<16xf32>
              %add3A_1237 = arith.constant 1.000000e+00 : f32
              %add3A_1238 = vector.broadcast %add3A_1237 : f32 to vector<16xf32>
              %add3A_1239 = arith.addf %select_n3A_1226, %add3A_1238 : vector<16xf32>
              %div3A_1240 = arith.divf %sub3A_1236, %add3A_1239 : vector<16xf32>
              %mul3A_1241 = arith.mulf %div3A_1240, %div3A_1240 : vector<16xf32>
              %mul3A_1242 = arith.constant 0.111111112 : f32
              %mul3A_1243 = vector.broadcast %mul3A_1242 : f32 to vector<16xf32>
              %mul3A_1244 = arith.mulf %mul3A_1243, %mul3A_1241 : vector<16xf32>
              %add3A_1245 = arith.constant 0.142857149 : f32
              %add3A_1246 = vector.broadcast %add3A_1245 : f32 to vector<16xf32>
              %add3A_1247 = arith.addf %mul3A_1244, %add3A_1246 : vector<16xf32>
              %mul3A_1248 = arith.mulf %add3A_1247, %mul3A_1241 : vector<16xf32>
              %add3A_1249 = arith.constant 2.000000e-01 : f32
              %add3A_1250 = vector.broadcast %add3A_1249 : f32 to vector<16xf32>
              %add3A_1251 = arith.addf %mul3A_1248, %add3A_1250 : vector<16xf32>
              %mul3A_1252 = arith.mulf %add3A_1251, %mul3A_1241 : vector<16xf32>
              %add3A_1253 = arith.constant 0.333333343 : f32
              %add3A_1254 = vector.broadcast %add3A_1253 : f32 to vector<16xf32>
              %add3A_1255 = arith.addf %mul3A_1252, %add3A_1254 : vector<16xf32>
              %mul3A_1256 = arith.mulf %add3A_1255, %mul3A_1241 : vector<16xf32>
              %add3A_1257 = arith.constant 1.000000e+00 : f32
              %add3A_1258 = vector.broadcast %add3A_1257 : f32 to vector<16xf32>
              %add3A_1259 = arith.addf %mul3A_1256, %add3A_1258 : vector<16xf32>
              %mul3A_1260 = arith.constant 0.693147182 : f32
              %mul3A_1261 = vector.broadcast %mul3A_1260 : f32 to vector<16xf32>
              %mul3A_1262 = arith.mulf %add3A_1233, %mul3A_1261 : vector<16xf32>
              %mul3A_1263 = arith.constant 2.000000e+00 : f32
              %mul3A_1264 = vector.broadcast %mul3A_1263 : f32 to vector<16xf32>
              %mul3A_1265 = arith.mulf %mul3A_1264, %div3A_1240 : vector<16xf32>
              %mul3A_1266 = arith.mulf %mul3A_1265, %add3A_1259 : vector<16xf32>
              %add3A_1267 = arith.addf %mul3A_1262, %mul3A_1266 : vector<16xf32>
              %add3A_1268 = arith.addf %select_n3A_580, %add3A_1267 : vector<16xf32>
              %mul3A_1269 = arith.mulf %add3A_586, %add3A_1268 : vector<16xf32>
              %sub3A_1270 = arith.subf %sub3A_1202, %mul3A_1269 : vector<16xf32>
              %bitcast_convert_type3A_1271 = tpu.bitcast %add3A_605 : vector<16xf32> -> vector<16xi32>
              %shift_right_arithmetic3A_1272 = arith.constant 23 : i32
              %shift_right_arithmetic3A_1273 = vector.broadcast %shift_right_arithmetic3A_1272 : i32 to vector<16xi32>
              %shift_right_arithmetic3A_1274 = arith.shrsi %bitcast_convert_type3A_1271, %shift_right_arithmetic3A_1273 : vector<16xi32>
              %and3A_1275 = arith.constant 255 : i32
              %and3A_1276 = vector.broadcast %and3A_1275 : i32 to vector<16xi32>
              %and3A_1277 = arith.andi %shift_right_arithmetic3A_1274, %and3A_1276 : vector<16xi32>
              %sub3A_1278 = arith.constant 127 : i32
              %sub3A_1279 = vector.broadcast %sub3A_1278 : i32 to vector<16xi32>
              %sub3A_1280 = arith.subi %and3A_1277, %sub3A_1279 : vector<16xi32>
              %and3A_1281 = arith.constant 8388607 : i32
              %and3A_1282 = vector.broadcast %and3A_1281 : i32 to vector<16xi32>
              %and3A_1283 = arith.andi %bitcast_convert_type3A_1271, %and3A_1282 : vector<16xi32>
              %or3A_1284 = arith.constant 1065353216 : i32
              %or3A_1285 = vector.broadcast %or3A_1284 : i32 to vector<16xi32>
              %or3A_1286 = arith.ori %and3A_1283, %or3A_1285 : vector<16xi32>
              %bitcast_convert_type3A_1287 = tpu.bitcast %or3A_1286 : vector<16xi32> -> vector<16xf32>
              %gt3A_1288 = arith.constant 1.41421354 : f32
              %gt3A_1289 = vector.broadcast %gt3A_1288 : f32 to vector<16xf32>
              %gt3A_1290 = arith.cmpf ogt, %bitcast_convert_type3A_1287, %gt3A_1289 : vector<16xf32>
              %mul3A_1291 = arith.constant 5.000000e-01 : f32
              %mul3A_1292 = vector.broadcast %mul3A_1291 : f32 to vector<16xf32>
              %mul3A_1293 = arith.mulf %bitcast_convert_type3A_1287, %mul3A_1292 : vector<16xf32>
              %select_n3A_1294 = arith.select %gt3A_1290, %mul3A_1293, %bitcast_convert_type3A_1287 : vector<16xi1>, vector<16xf32>
              %convert_element_type3A_1295 = arith.sitofp %sub3A_1280 : vector<16xi32> to vector<16xf32>
              %jit3A_1296 = arith.constant 1.000000e+00 : f32
              %jit3A_1297 = arith.constant 0.000000e+00 : f32
              %broadcast_in_dim3A_1298 = vector.broadcast %jit3A_1296 : f32 to vector<16xf32>
              %broadcast_in_dim3A_1299 = vector.broadcast %jit3A_1297 : f32 to vector<16xf32>
              %select_n3A_1300 = arith.select %gt3A_1290, %broadcast_in_dim3A_1298, %broadcast_in_dim3A_1299 : vector<16xi1>, vector<16xf32>
              %add3A_1301 = arith.addf %convert_element_type3A_1295, %select_n3A_1300 : vector<16xf32>
              %sub3A_1302 = arith.constant 1.000000e+00 : f32
              %sub3A_1303 = vector.broadcast %sub3A_1302 : f32 to vector<16xf32>
              %sub3A_1304 = arith.subf %select_n3A_1294, %sub3A_1303 : vector<16xf32>
              %add3A_1305 = arith.constant 1.000000e+00 : f32
              %add3A_1306 = vector.broadcast %add3A_1305 : f32 to vector<16xf32>
              %add3A_1307 = arith.addf %select_n3A_1294, %add3A_1306 : vector<16xf32>
              %div3A_1308 = arith.divf %sub3A_1304, %add3A_1307 : vector<16xf32>
              %mul3A_1309 = arith.mulf %div3A_1308, %div3A_1308 : vector<16xf32>
              %mul3A_1310 = arith.constant 0.111111112 : f32
              %mul3A_1311 = vector.broadcast %mul3A_1310 : f32 to vector<16xf32>
              %mul3A_1312 = arith.mulf %mul3A_1311, %mul3A_1309 : vector<16xf32>
              %add3A_1313 = arith.constant 0.142857149 : f32
              %add3A_1314 = vector.broadcast %add3A_1313 : f32 to vector<16xf32>
              %add3A_1315 = arith.addf %mul3A_1312, %add3A_1314 : vector<16xf32>
              %mul3A_1316 = arith.mulf %add3A_1315, %mul3A_1309 : vector<16xf32>
              %add3A_1317 = arith.constant 2.000000e-01 : f32
              %add3A_1318 = vector.broadcast %add3A_1317 : f32 to vector<16xf32>
              %add3A_1319 = arith.addf %mul3A_1316, %add3A_1318 : vector<16xf32>
              %mul3A_1320 = arith.mulf %add3A_1319, %mul3A_1309 : vector<16xf32>
              %add3A_1321 = arith.constant 0.333333343 : f32
              %add3A_1322 = vector.broadcast %add3A_1321 : f32 to vector<16xf32>
              %add3A_1323 = arith.addf %mul3A_1320, %add3A_1322 : vector<16xf32>
              %mul3A_1324 = arith.mulf %add3A_1323, %mul3A_1309 : vector<16xf32>
              %add3A_1325 = arith.constant 1.000000e+00 : f32
              %add3A_1326 = vector.broadcast %add3A_1325 : f32 to vector<16xf32>
              %add3A_1327 = arith.addf %mul3A_1324, %add3A_1326 : vector<16xf32>
              %mul3A_1328 = arith.constant 0.693147182 : f32
              %mul3A_1329 = vector.broadcast %mul3A_1328 : f32 to vector<16xf32>
              %mul3A_1330 = arith.mulf %add3A_1301, %mul3A_1329 : vector<16xf32>
              %mul3A_1331 = arith.constant 2.000000e+00 : f32
              %mul3A_1332 = vector.broadcast %mul3A_1331 : f32 to vector<16xf32>
              %mul3A_1333 = arith.mulf %mul3A_1332, %div3A_1308 : vector<16xf32>
              %mul3A_1334 = arith.mulf %mul3A_1333, %add3A_1327 : vector<16xf32>
              %add3A_1335 = arith.addf %mul3A_1330, %mul3A_1334 : vector<16xf32>
              %add3A_1336 = arith.addf %select_n3A_601, %add3A_1335 : vector<16xf32>
              %mul3A_1337 = arith.mulf %add3A_607, %add3A_1336 : vector<16xf32>
              %sub3A_1338 = arith.subf %sub3A_1270, %mul3A_1337 : vector<16xf32>
              %get3A_1339 = arith.constant 0 : index
              %get3A_1340 = tpu.vector_load %arg14[%get3A_1339] {strides = array<i32>} : memref<16xf32, #tpu.memory_space<vmem>>, vector<16xf32>,
              %get3A_1341 = vector.shape_cast %get3A_1340 : vector<16xf32> to vector<16xf32>
              %add3A_1342 = arith.addf %get3A_1341, %sub3A_1338 : vector<16xf32>
              %swap3A_1343 = arith.constant 0 : index
              %swap3A_1344 = tpu.vector_load %arg14[%swap3A_1343] {strides = array<i32>} : memref<16xf32, #tpu.memory_space<vmem>>, vector<16xf32>,
              %swap3A_1345 = vector.shape_cast %swap3A_1344 : vector<16xf32> to vector<16xf32>
              %swap3A_1346 = vector.shape_cast %add3A_1342 : vector<16xf32> to vector<16xf32>
              tpu.vector_store %arg14[%swap3A_1343], %swap3A_1346 {strides = array<i32>} : memref<16xf32, #tpu.memory_space<vmem>>, vector<16xf32>,
              scf.yield %cond3A_442 : i32
            }
            scf.yield %cond3A_801 : i32
          } else {
            scf.yield %cond3A_442 : i32
          }
          scf.yield %cond3A_796 : i32
        } else {
          scf.yield %cond3A_442 : i32
        }
        %select_n3A_622 = arith.select %ne3A_617, %squeeze3A_616, %select_n3A : i32
        %select_n3A_623 = arith.select %ne3A_617, %broadcast_in_dim3A_3, %add3A_609 : vector<16xf32>
        %get3A_624 = arith.constant 1 : i32
        %get3A_625 = arith.index_cast %get3A_624 : i32 to index
        %get3A_626 = arith.index_cast %scan3A_611 : i32 to index
        %get3A_627 = arith.constant 0 : index
        %get3A_628 = tpu.vector_load %arg8[%get3A_625, %get3A_626, %get3A_627] {strides = array<i32>} : memref<2x200x128xf32, #tpu.memory_space<vmem>>, vector<1x1x16xf32>,
        %get3A_629 = vector.shape_cast %get3A_628 : vector<1x1x16xf32> to vector<16xf32>
        %get3A_630 = arith.constant 1 : i32
        %get3A_631 = arith.index_cast %get3A_630 : i32 to index
        %get3A_632 = arith.index_cast %scan3A_611 : i32 to index
        %get3A_633 = arith.constant 0 : index
        %get3A_634 = tpu.vector_load %arg9[%get3A_631, %get3A_632, %get3A_633] {strides = array<i32>} : memref<2x200x128xf32, #tpu.memory_space<vmem>>, vector<1x1x16xf32>,
        %get3A_635 = vector.shape_cast %get3A_634 : vector<1x1x16xf32> to vector<16xf32>
        %select_n3A_636 = arith.select %ne3A_617, %get3A_629, %select_n3A_456 : vector<16xf32>
        %select_n3A_637 = arith.select %ne3A_617, %broadcast_in_dim3A_3, %add3A_458 : vector<16xf32>
        %sub3A_638 = arith.subf %get3A_629, %select_n3A_636 : vector<16xf32>
        %exp3A_639 = math.exp %sub3A_638 : vector<16xf32>
        %add3A_640 = arith.addf %select_n3A_637, %exp3A_639 : vector<16xf32>
        %select_n3A_641 = arith.select %ne3A_617, %broadcast_in_dim3A_3, %add3A_460 : vector<16xf32>
        %add3A_642 = arith.addf %select_n3A_641, %get3A_635 : vector<16xf32>
        %mul3A_643 = arith.mulf %get3A_635, %get3A_629 : vector<16xf32>
        %add3A_644 = arith.addf %select_n3A_623, %mul3A_643 : vector<16xf32>
        %get3A_645 = arith.constant 1 : i32
        %get3A_646 = arith.index_cast %get3A_645 : i32 to index
        %get3A_647 = arith.index_cast %scan3A_611 : i32 to index
        %get3A_648 = arith.constant 16 : index
        %get3A_649 = tpu.vector_load %arg8[%get3A_646, %get3A_647, %get3A_648] {strides = array<i32>} : memref<2x200x128xf32, #tpu.memory_space<vmem>>, vector<1x1x16xf32>,
        %get3A_650 = vector.shape_cast %get3A_649 : vector<1x1x16xf32> to vector<16xf32>
        %get3A_651 = arith.constant 1 : i32
        %get3A_652 = arith.index_cast %get3A_651 : i32 to index
        %get3A_653 = arith.index_cast %scan3A_611 : i32 to index
        %get3A_654 = arith.constant 16 : index
        %get3A_655 = tpu.vector_load %arg9[%get3A_652, %get3A_653, %get3A_654] {strides = array<i32>} : memref<2x200x128xf32, #tpu.memory_space<vmem>>, vector<1x1x16xf32>,
        %get3A_656 = vector.shape_cast %get3A_655 : vector<1x1x16xf32> to vector<16xf32>
        %select_n3A_657 = arith.select %ne3A_617, %get3A_650, %select_n3A_475 : vector<16xf32>
        %select_n3A_658 = arith.select %ne3A_617, %broadcast_in_dim3A_3, %add3A_479 : vector<16xf32>
        %sub3A_659 = arith.subf %get3A_650, %select_n3A_657 : vector<16xf32>
        %exp3A_660 = math.exp %sub3A_659 : vector<16xf32>
        %add3A_661 = arith.addf %select_n3A_658, %exp3A_660 : vector<16xf32>
        %select_n3A_662 = arith.select %ne3A_617, %broadcast_in_dim3A_3, %add3A_481 : vector<16xf32>
        %add3A_663 = arith.addf %select_n3A_662, %get3A_656 : vector<16xf32>
        %mul3A_664 = arith.mulf %get3A_656, %get3A_650 : vector<16xf32>
        %add3A_665 = arith.addf %add3A_644, %mul3A_664 : vector<16xf32>
        %get3A_666 = arith.constant 1 : i32
        %get3A_667 = arith.index_cast %get3A_666 : i32 to index
        %get3A_668 = arith.index_cast %scan3A_611 : i32 to index
        %get3A_669 = arith.constant 32 : index
        %get3A_670 = tpu.vector_load %arg8[%get3A_667, %get3A_668, %get3A_669] {strides = array<i32>} : memref<2x200x128xf32, #tpu.memory_space<vmem>>, vector<1x1x16xf32>,
        %get3A_671 = vector.shape_cast %get3A_670 : vector<1x1x16xf32> to vector<16xf32>
        %get3A_672 = arith.constant 1 : i32
        %get3A_673 = arith.index_cast %get3A_672 : i32 to index
        %get3A_674 = arith.index_cast %scan3A_611 : i32 to index
        %get3A_675 = arith.constant 32 : index
        %get3A_676 = tpu.vector_load %arg9[%get3A_673, %get3A_674, %get3A_675] {strides = array<i32>} : memref<2x200x128xf32, #tpu.memory_space<vmem>>, vector<1x1x16xf32>,
        %get3A_677 = vector.shape_cast %get3A_676 : vector<1x1x16xf32> to vector<16xf32>
        %select_n3A_678 = arith.select %ne3A_617, %get3A_671, %select_n3A_496 : vector<16xf32>
        %select_n3A_679 = arith.select %ne3A_617, %broadcast_in_dim3A_3, %add3A_500 : vector<16xf32>
        %sub3A_680 = arith.subf %get3A_671, %select_n3A_678 : vector<16xf32>
        %exp3A_681 = math.exp %sub3A_680 : vector<16xf32>
        %add3A_682 = arith.addf %select_n3A_679, %exp3A_681 : vector<16xf32>
        %select_n3A_683 = arith.select %ne3A_617, %broadcast_in_dim3A_3, %add3A_502 : vector<16xf32>
        %add3A_684 = arith.addf %select_n3A_683, %get3A_677 : vector<16xf32>
        %mul3A_685 = arith.mulf %get3A_677, %get3A_671 : vector<16xf32>
        %add3A_686 = arith.addf %add3A_665, %mul3A_685 : vector<16xf32>
        %get3A_687 = arith.constant 1 : i32
        %get3A_688 = arith.index_cast %get3A_687 : i32 to index
        %get3A_689 = arith.index_cast %scan3A_611 : i32 to index
        %get3A_690 = arith.constant 48 : index
        %get3A_691 = tpu.vector_load %arg8[%get3A_688, %get3A_689, %get3A_690] {strides = array<i32>} : memref<2x200x128xf32, #tpu.memory_space<vmem>>, vector<1x1x16xf32>,
        %get3A_692 = vector.shape_cast %get3A_691 : vector<1x1x16xf32> to vector<16xf32>
        %get3A_693 = arith.constant 1 : i32
        %get3A_694 = arith.index_cast %get3A_693 : i32 to index
        %get3A_695 = arith.index_cast %scan3A_611 : i32 to index
        %get3A_696 = arith.constant 48 : index
        %get3A_697 = tpu.vector_load %arg9[%get3A_694, %get3A_695, %get3A_696] {strides = array<i32>} : memref<2x200x128xf32, #tpu.memory_space<vmem>>, vector<1x1x16xf32>,
        %get3A_698 = vector.shape_cast %get3A_697 : vector<1x1x16xf32> to vector<16xf32>
        %select_n3A_699 = arith.select %ne3A_617, %get3A_692, %select_n3A_517 : vector<16xf32>
        %select_n3A_700 = arith.select %ne3A_617, %broadcast_in_dim3A_3, %add3A_521 : vector<16xf32>
        %sub3A_701 = arith.subf %get3A_692, %select_n3A_699 : vector<16xf32>
        %exp3A_702 = math.exp %sub3A_701 : vector<16xf32>
        %add3A_703 = arith.addf %select_n3A_700, %exp3A_702 : vector<16xf32>
        %select_n3A_704 = arith.select %ne3A_617, %broadcast_in_dim3A_3, %add3A_523 : vector<16xf32>
        %add3A_705 = arith.addf %select_n3A_704, %get3A_698 : vector<16xf32>
        %mul3A_706 = arith.mulf %get3A_698, %get3A_692 : vector<16xf32>
        %add3A_707 = arith.addf %add3A_686, %mul3A_706 : vector<16xf32>
        %get3A_708 = arith.constant 1 : i32
        %get3A_709 = arith.index_cast %get3A_708 : i32 to index
        %get3A_710 = arith.index_cast %scan3A_611 : i32 to index
        %get3A_711 = arith.constant 64 : index
        %get3A_712 = tpu.vector_load %arg8[%get3A_709, %get3A_710, %get3A_711] {strides = array<i32>} : memref<2x200x128xf32, #tpu.memory_space<vmem>>, vector<1x1x16xf32>,
        %get3A_713 = vector.shape_cast %get3A_712 : vector<1x1x16xf32> to vector<16xf32>
        %get3A_714 = arith.constant 1 : i32
        %get3A_715 = arith.index_cast %get3A_714 : i32 to index
        %get3A_716 = arith.index_cast %scan3A_611 : i32 to index
        %get3A_717 = arith.constant 64 : index
        %get3A_718 = tpu.vector_load %arg9[%get3A_715, %get3A_716, %get3A_717] {strides = array<i32>} : memref<2x200x128xf32, #tpu.memory_space<vmem>>, vector<1x1x16xf32>,
        %get3A_719 = vector.shape_cast %get3A_718 : vector<1x1x16xf32> to vector<16xf32>
        %select_n3A_720 = arith.select %ne3A_617, %get3A_713, %select_n3A_538 : vector<16xf32>
        %select_n3A_721 = arith.select %ne3A_617, %broadcast_in_dim3A_3, %add3A_542 : vector<16xf32>
        %sub3A_722 = arith.subf %get3A_713, %select_n3A_720 : vector<16xf32>
        %exp3A_723 = math.exp %sub3A_722 : vector<16xf32>
        %add3A_724 = arith.addf %select_n3A_721, %exp3A_723 : vector<16xf32>
        %select_n3A_725 = arith.select %ne3A_617, %broadcast_in_dim3A_3, %add3A_544 : vector<16xf32>
        %add3A_726 = arith.addf %select_n3A_725, %get3A_719 : vector<16xf32>
        %mul3A_727 = arith.mulf %get3A_719, %get3A_713 : vector<16xf32>
        %add3A_728 = arith.addf %add3A_707, %mul3A_727 : vector<16xf32>
        %get3A_729 = arith.constant 1 : i32
        %get3A_730 = arith.index_cast %get3A_729 : i32 to index
        %get3A_731 = arith.index_cast %scan3A_611 : i32 to index
        %get3A_732 = arith.constant 80 : index
        %get3A_733 = tpu.vector_load %arg8[%get3A_730, %get3A_731, %get3A_732] {strides = array<i32>} : memref<2x200x128xf32, #tpu.memory_space<vmem>>, vector<1x1x16xf32>,
        %get3A_734 = vector.shape_cast %get3A_733 : vector<1x1x16xf32> to vector<16xf32>
        %get3A_735 = arith.constant 1 : i32
        %get3A_736 = arith.index_cast %get3A_735 : i32 to index
        %get3A_737 = arith.index_cast %scan3A_611 : i32 to index
        %get3A_738 = arith.constant 80 : index
        %get3A_739 = tpu.vector_load %arg9[%get3A_736, %get3A_737, %get3A_738] {strides = array<i32>} : memref<2x200x128xf32, #tpu.memory_space<vmem>>, vector<1x1x16xf32>,
        %get3A_740 = vector.shape_cast %get3A_739 : vector<1x1x16xf32> to vector<16xf32>
        %select_n3A_741 = arith.select %ne3A_617, %get3A_734, %select_n3A_559 : vector<16xf32>
        %select_n3A_742 = arith.select %ne3A_617, %broadcast_in_dim3A_3, %add3A_563 : vector<16xf32>
        %sub3A_743 = arith.subf %get3A_734, %select_n3A_741 : vector<16xf32>
        %exp3A_744 = math.exp %sub3A_743 : vector<16xf32>
        %add3A_745 = arith.addf %select_n3A_742, %exp3A_744 : vector<16xf32>
        %select_n3A_746 = arith.select %ne3A_617, %broadcast_in_dim3A_3, %add3A_565 : vector<16xf32>
        %add3A_747 = arith.addf %select_n3A_746, %get3A_740 : vector<16xf32>
        %mul3A_748 = arith.mulf %get3A_740, %get3A_734 : vector<16xf32>
        %add3A_749 = arith.addf %add3A_728, %mul3A_748 : vector<16xf32>
        %get3A_750 = arith.constant 1 : i32
        %get3A_751 = arith.index_cast %get3A_750 : i32 to index
        %get3A_752 = arith.index_cast %scan3A_611 : i32 to index
        %get3A_753 = arith.constant 96 : index
        %get3A_754 = tpu.vector_load %arg8[%get3A_751, %get3A_752, %get3A_753] {strides = array<i32>} : memref<2x200x128xf32, #tpu.memory_space<vmem>>, vector<1x1x16xf32>,
        %get3A_755 = vector.shape_cast %get3A_754 : vector<1x1x16xf32> to vector<16xf32>
        %get3A_756 = arith.constant 1 : i32
        %get3A_757 = arith.index_cast %get3A_756 : i32 to index
        %get3A_758 = arith.index_cast %scan3A_611 : i32 to index
        %get3A_759 = arith.constant 96 : index
        %get3A_760 = tpu.vector_load %arg9[%get3A_757, %get3A_758, %get3A_759] {strides = array<i32>} : memref<2x200x128xf32, #tpu.memory_space<vmem>>, vector<1x1x16xf32>,
        %get3A_761 = vector.shape_cast %get3A_760 : vector<1x1x16xf32> to vector<16xf32>
        %select_n3A_762 = arith.select %ne3A_617, %get3A_755, %select_n3A_580 : vector<16xf32>
        %select_n3A_763 = arith.select %ne3A_617, %broadcast_in_dim3A_3, %add3A_584 : vector<16xf32>
        %sub3A_764 = arith.subf %get3A_755, %select_n3A_762 : vector<16xf32>
        %exp3A_765 = math.exp %sub3A_764 : vector<16xf32>
        %add3A_766 = arith.addf %select_n3A_763, %exp3A_765 : vector<16xf32>
        %select_n3A_767 = arith.select %ne3A_617, %broadcast_in_dim3A_3, %add3A_586 : vector<16xf32>
        %add3A_768 = arith.addf %select_n3A_767, %get3A_761 : vector<16xf32>
        %mul3A_769 = arith.mulf %get3A_761, %get3A_755 : vector<16xf32>
        %add3A_770 = arith.addf %add3A_749, %mul3A_769 : vector<16xf32>
        %get3A_771 = arith.constant 1 : i32
        %get3A_772 = arith.index_cast %get3A_771 : i32 to index
        %get3A_773 = arith.index_cast %scan3A_611 : i32 to index
        %get3A_774 = arith.constant 112 : index
        %get3A_775 = tpu.vector_load %arg8[%get3A_772, %get3A_773, %get3A_774] {strides = array<i32>} : memref<2x200x128xf32, #tpu.memory_space<vmem>>, vector<1x1x16xf32>,
        %get3A_776 = vector.shape_cast %get3A_775 : vector<1x1x16xf32> to vector<16xf32>
        %get3A_777 = arith.constant 1 : i32
        %get3A_778 = arith.index_cast %get3A_777 : i32 to index
        %get3A_779 = arith.index_cast %scan3A_611 : i32 to index
        %get3A_780 = arith.constant 112 : index
        %get3A_781 = tpu.vector_load %arg9[%get3A_778, %get3A_779, %get3A_780] {strides = array<i32>} : memref<2x200x128xf32, #tpu.memory_space<vmem>>, vector<1x1x16xf32>,
        %get3A_782 = vector.shape_cast %get3A_781 : vector<1x1x16xf32> to vector<16xf32>
        %select_n3A_783 = arith.select %ne3A_617, %get3A_776, %select_n3A_601 : vector<16xf32>
        %select_n3A_784 = arith.select %ne3A_617, %broadcast_in_dim3A_3, %add3A_605 : vector<16xf32>
        %sub3A_785 = arith.subf %get3A_776, %select_n3A_783 : vector<16xf32>
        %exp3A_786 = math.exp %sub3A_785 : vector<16xf32>
        %add3A_787 = arith.addf %select_n3A_784, %exp3A_786 : vector<16xf32>
        %select_n3A_788 = arith.select %ne3A_617, %broadcast_in_dim3A_3, %add3A_607 : vector<16xf32>
        %add3A_789 = arith.addf %select_n3A_788, %get3A_782 : vector<16xf32>
        %mul3A_790 = arith.mulf %get3A_782, %get3A_776 : vector<16xf32>
        %add3A_791 = arith.addf %add3A_770, %mul3A_790 : vector<16xf32>
        scf.yield %select_n3A_622, %cond3A_621, %select_n3A_636, %select_n3A_657, %select_n3A_678, %select_n3A_699, %select_n3A_720, %select_n3A_741, %select_n3A_762, %select_n3A_783, %add3A_640, %add3A_661, %add3A_682, %add3A_703, %add3A_724, %add3A_745, %add3A_766, %add3A_787, %add3A_642, %add3A_663, %add3A_684, %add3A_705, %add3A_726, %add3A_747, %add3A_768, %add3A_789, %add3A_791 : i32, i32, vector<16xf32>, vector<16xf32>, vector<16xf32>, vector<16xf32>, vector<16xf32>, vector<16xf32>, vector<16xf32>, vector<16xf32>, vector<16xf32>, vector<16xf32>, vector<16xf32>, vector<16xf32>, vector<16xf32>, vector<16xf32>, vector<16xf32>, vector<16xf32>, vector<16xf32>, vector<16xf32>, vector<16xf32>, vector<16xf32>, vector<16xf32>, vector<16xf32>, vector<16xf32>, vector<16xf32>, vector<16xf32>
      }
      %scan3A_401 = arith.constant 200 : i32
      %add3A_402 = arith.constant 2 : i32
      %add3A_403 = arith.addi %add3A_364, %add3A_402 : i32
      %lt3A_404 = arith.constant 50 : i32
      %lt3A_405 = arith.cmpi slt, %add3A_403, %lt3A_404 : i32
      %convert_element_type3A_406 = arith.extui %lt3A_405 : i1 to i32
      %cond3A_407 = arith.constant 0 : i32
      %cond3A_408 = arith.cmpi ne, %convert_element_type3A_406, %cond3A_407 : i32
      scf.if %cond3A_408 {
        %add3A_409 = arith.constant 2 : i32
        %add3A_410 = arith.addi %add3A_364, %add3A_409 : i32
        %mul3A_411 = arith.constant 200 : i32
        %mul3A_412 = arith.muli %add3A_410, %mul3A_411 : i32
        %add3A_413 = arith.addi %mul3A_2, %mul3A_412 : i32
        %dma_start3A_414 = arith.constant 1 : i32
        %dma_start3A_415 = arith.constant 0 : i32
        %dma_start3A_416 = arith.constant 0 : i32
        %dma_start3A_417 = tpu.memref_slice %arg8[%dma_start3A_414, %dma_start3A_415, %dma_start3A_416] : memref<2x200x128xf32, #tpu.memory_space<vmem>> -> memref<1x200x128xf32, #tpu.memory_space<vmem>>
        %dma_start3A_418 = tpu.memref_squeeze %dma_start3A_417 : memref<1x200x128xf32, #tpu.memory_space<vmem>> -> memref<200x128xf32, #tpu.memory_space<vmem>>
        %dma_start3A_419 = arith.constant 0 : i32
        %dma_start3A_420 = tpu.memref_slice %arg2[%add3A_413, %dma_start3A_419] : memref<320000x128xf32, #tpu.memory_space<hbm>> -> memref<200x128xf32, #tpu.memory_space<hbm>>
        %dma_start3A_421 = arith.constant 0 : i32
        %dma_start3A_422 = arith.constant 0 : i32
        %dma_start3A_423 = tpu.memref_slice %arg8[%dma_start3A_414, %dma_start3A_421, %dma_start3A_422] : memref<2x200x128xf32, #tpu.memory_space<vmem>> -> memref<1x200x128xf32, #tpu.memory_space<vmem>>
        %dma_start3A_424 = tpu.memref_squeeze %dma_start3A_423 : memref<1x200x128xf32, #tpu.memory_space<vmem>> -> memref<200x128xf32, #tpu.memory_space<vmem>>
        %dma_start3A_425 = arith.constant 0 : i32
        %dma_start3A_426 = tpu.memref_slice %arg2[%add3A_413, %dma_start3A_425] : memref<320000x128xf32, #tpu.memory_space<hbm>> -> memref<200x128xf32, #tpu.memory_space<hbm>>
        tpu.enqueue_dma source(%dma_start3A_426 : memref<200x128xf32, #tpu.memory_space<hbm>>) target(%dma_start3A_424 : memref<200x128xf32, #tpu.memory_space<vmem>>) target_semaphore(%arg16 : memref<!tpu.dma_semaphore, #tpu.memory_space<semaphore_mem>>)
        %dma_start3A_427 = arith.constant 1 : i32
        %dma_start3A_428 = arith.constant 0 : i32
        %dma_start3A_429 = arith.constant 0 : i32
        %dma_start3A_430 = tpu.memref_slice %arg9[%dma_start3A_427, %dma_start3A_428, %dma_start3A_429] : memref<2x200x128xf32, #tpu.memory_space<vmem>> -> memref<1x200x128xf32, #tpu.memory_space<vmem>>
        %dma_start3A_431 = tpu.memref_squeeze %dma_start3A_430 : memref<1x200x128xf32, #tpu.memory_space<vmem>> -> memref<200x128xf32, #tpu.memory_space<vmem>>
        %dma_start3A_432 = arith.constant 0 : i32
        %dma_start3A_433 = tpu.memref_slice %arg4[%add3A_413, %dma_start3A_432] : memref<320000x128xf32, #tpu.memory_space<hbm>> -> memref<200x128xf32, #tpu.memory_space<hbm>>
        %dma_start3A_434 = arith.constant 0 : i32
        %dma_start3A_435 = arith.constant 0 : i32
        %dma_start3A_436 = tpu.memref_slice %arg9[%dma_start3A_427, %dma_start3A_434, %dma_start3A_435] : memref<2x200x128xf32, #tpu.memory_space<vmem>> -> memref<1x200x128xf32, #tpu.memory_space<vmem>>
        %dma_start3A_437 = tpu.memref_squeeze %dma_start3A_436 : memref<1x200x128xf32, #tpu.memory_space<vmem>> -> memref<200x128xf32, #tpu.memory_space<vmem>>
        %dma_start3A_438 = arith.constant 0 : i32
        %dma_start3A_439 = tpu.memref_slice %arg4[%add3A_413, %dma_start3A_438] : memref<320000x128xf32, #tpu.memory_space<hbm>> -> memref<200x128xf32, #tpu.memory_space<hbm>>
        tpu.enqueue_dma source(%dma_start3A_439 : memref<200x128xf32, #tpu.memory_space<hbm>>) target(%dma_start3A_437 : memref<200x128xf32, #tpu.memory_space<vmem>>) target_semaphore(%arg16 : memref<!tpu.dma_semaphore, #tpu.memory_space<semaphore_mem>>)
        %dma_start3A_440 = tpu.memref_slice %arg3[%add3A_413] : memref<320016xi32, #tpu.memory_space<hbm>> -> memref<216xi32, #tpu.memory_space<hbm>>
        %dma_start3A_441 = tpu.memref_slice %arg3[%add3A_413] : memref<320016xi32, #tpu.memory_space<hbm>> -> memref<216xi32, #tpu.memory_space<hbm>>
        tpu.enqueue_dma source(%dma_start3A_441 : memref<216xi32, #tpu.memory_space<hbm>>) target(%arg11 : memref<216xi32, #tpu.memory_space<vmem>>) target_semaphore(%arg16 : memref<!tpu.dma_semaphore, #tpu.memory_space<semaphore_mem>>)
      } else {
      }
      scf.yield %scan3A_400#0, %scan3A_400#1, %scan3A_400#2, %scan3A_400#3, %scan3A_400#4, %scan3A_400#5, %scan3A_400#6, %scan3A_400#7, %scan3A_400#8, %scan3A_400#9, %scan3A_400#10, %scan3A_400#11, %scan3A_400#12, %scan3A_400#13, %scan3A_400#14, %scan3A_400#15, %scan3A_400#16, %scan3A_400#17, %scan3A_400#18, %scan3A_400#19, %scan3A_400#20, %scan3A_400#21, %scan3A_400#22, %scan3A_400#23, %scan3A_400#24, %scan3A_400#25, %scan3A_400#26 : i32, i32, vector<16xf32>, vector<16xf32>, vector<16xf32>, vector<16xf32>, vector<16xf32>, vector<16xf32>, vector<16xf32>, vector<16xf32>, vector<16xf32>, vector<16xf32>, vector<16xf32>, vector<16xf32>, vector<16xf32>, vector<16xf32>, vector<16xf32>, vector<16xf32>, vector<16xf32>, vector<16xf32>, vector<16xf32>, vector<16xf32>, vector<16xf32>, vector<16xf32>, vector<16xf32>, vector<16xf32>, vector<16xf32>
    }
    %scan3A_180 = arith.constant 25 : i32
    %swap3A_181 = arith.constant 384 : index
    %swap3A_182 = tpu.vector_load %arg12[%swap3A_181] {strides = array<i32>} : memref<768xf32, #tpu.memory_space<vmem>>, vector<16xf32>,
    %swap3A_183 = vector.shape_cast %swap3A_182 : vector<16xf32> to vector<16xf32>
    %swap3A_184 = vector.shape_cast %scan3A_179#10 : vector<16xf32> to vector<16xf32>
    tpu.vector_store %arg12[%swap3A_181], %swap3A_184 {strides = array<i32>} : memref<768xf32, #tpu.memory_space<vmem>>, vector<16xf32>,
    %swap3A_185 = arith.constant 512 : index
    %swap3A_186 = tpu.vector_load %arg12[%swap3A_185] {strides = array<i32>} : memref<768xf32, #tpu.memory_space<vmem>>, vector<16xf32>,
    %swap3A_187 = vector.shape_cast %swap3A_186 : vector<16xf32> to vector<16xf32>
    %swap3A_188 = vector.shape_cast %scan3A_179#18 : vector<16xf32> to vector<16xf32>
    tpu.vector_store %arg12[%swap3A_185], %swap3A_188 {strides = array<i32>} : memref<768xf32, #tpu.memory_space<vmem>>, vector<16xf32>,
    %swap3A_189 = arith.constant 640 : index
    %swap3A_190 = tpu.vector_load %arg12[%swap3A_189] {strides = array<i32>} : memref<768xf32, #tpu.memory_space<vmem>>, vector<16xf32>,
    %swap3A_191 = vector.shape_cast %swap3A_190 : vector<16xf32> to vector<16xf32>
    %swap3A_192 = vector.shape_cast %scan3A_179#2 : vector<16xf32> to vector<16xf32>
    tpu.vector_store %arg12[%swap3A_189], %swap3A_192 {strides = array<i32>} : memref<768xf32, #tpu.memory_space<vmem>>, vector<16xf32>,
    %swap3A_193 = arith.constant 400 : index
    %swap3A_194 = tpu.vector_load %arg12[%swap3A_193] {strides = array<i32>} : memref<768xf32, #tpu.memory_space<vmem>>, vector<16xf32>,
    %swap3A_195 = vector.shape_cast %swap3A_194 : vector<16xf32> to vector<16xf32>
    %swap3A_196 = vector.shape_cast %scan3A_179#11 : vector<16xf32> to vector<16xf32>
    tpu.vector_store %arg12[%swap3A_193], %swap3A_196 {strides = array<i32>} : memref<768xf32, #tpu.memory_space<vmem>>, vector<16xf32>,
    %swap3A_197 = arith.constant 528 : index
    %swap3A_198 = tpu.vector_load %arg12[%swap3A_197] {strides = array<i32>} : memref<768xf32, #tpu.memory_space<vmem>>, vector<16xf32>,
    %swap3A_199 = vector.shape_cast %swap3A_198 : vector<16xf32> to vector<16xf32>
    %swap3A_200 = vector.shape_cast %scan3A_179#19 : vector<16xf32> to vector<16xf32>
    tpu.vector_store %arg12[%swap3A_197], %swap3A_200 {strides = array<i32>} : memref<768xf32, #tpu.memory_space<vmem>>, vector<16xf32>,
    %swap3A_201 = arith.constant 656 : index
    %swap3A_202 = tpu.vector_load %arg12[%swap3A_201] {strides = array<i32>} : memref<768xf32, #tpu.memory_space<vmem>>, vector<16xf32>,
    %swap3A_203 = vector.shape_cast %swap3A_202 : vector<16xf32> to vector<16xf32>
    %swap3A_204 = vector.shape_cast %scan3A_179#3 : vector<16xf32> to vector<16xf32>
    tpu.vector_store %arg12[%swap3A_201], %swap3A_204 {strides = array<i32>} : memref<768xf32, #tpu.memory_space<vmem>>, vector<16xf32>,
    %swap3A_205 = arith.constant 416 : index
    %swap3A_206 = tpu.vector_load %arg12[%swap3A_205] {strides = array<i32>} : memref<768xf32, #tpu.memory_space<vmem>>, vector<16xf32>,
    %swap3A_207 = vector.shape_cast %swap3A_206 : vector<16xf32> to vector<16xf32>
    %swap3A_208 = vector.shape_cast %scan3A_179#12 : vector<16xf32> to vector<16xf32>
    tpu.vector_store %arg12[%swap3A_205], %swap3A_208 {strides = array<i32>} : memref<768xf32, #tpu.memory_space<vmem>>, vector<16xf32>,
    %swap3A_209 = arith.constant 544 : index
    %swap3A_210 = tpu.vector_load %arg12[%swap3A_209] {strides = array<i32>} : memref<768xf32, #tpu.memory_space<vmem>>, vector<16xf32>,
    %swap3A_211 = vector.shape_cast %swap3A_210 : vector<16xf32> to vector<16xf32>
    %swap3A_212 = vector.shape_cast %scan3A_179#20 : vector<16xf32> to vector<16xf32>
    tpu.vector_store %arg12[%swap3A_209], %swap3A_212 {strides = array<i32>} : memref<768xf32, #tpu.memory_space<vmem>>, vector<16xf32>,
    %swap3A_213 = arith.constant 672 : index
    %swap3A_214 = tpu.vector_load %arg12[%swap3A_213] {strides = array<i32>} : memref<768xf32, #tpu.memory_space<vmem>>, vector<16xf32>,
    %swap3A_215 = vector.shape_cast %swap3A_214 : vector<16xf32> to vector<16xf32>
    %swap3A_216 = vector.shape_cast %scan3A_179#4 : vector<16xf32> to vector<16xf32>
    tpu.vector_store %arg12[%swap3A_213], %swap3A_216 {strides = array<i32>} : memref<768xf32, #tpu.memory_space<vmem>>, vector<16xf32>,
    %swap3A_217 = arith.constant 432 : index
    %swap3A_218 = tpu.vector_load %arg12[%swap3A_217] {strides = array<i32>} : memref<768xf32, #tpu.memory_space<vmem>>, vector<16xf32>,
    %swap3A_219 = vector.shape_cast %swap3A_218 : vector<16xf32> to vector<16xf32>
    %swap3A_220 = vector.shape_cast %scan3A_179#13 : vector<16xf32> to vector<16xf32>
    tpu.vector_store %arg12[%swap3A_217], %swap3A_220 {strides = array<i32>} : memref<768xf32, #tpu.memory_space<vmem>>, vector<16xf32>,
    %swap3A_221 = arith.constant 560 : index
    %swap3A_222 = tpu.vector_load %arg12[%swap3A_221] {strides = array<i32>} : memref<768xf32, #tpu.memory_space<vmem>>, vector<16xf32>,
    %swap3A_223 = vector.shape_cast %swap3A_222 : vector<16xf32> to vector<16xf32>
    %swap3A_224 = vector.shape_cast %scan3A_179#21 : vector<16xf32> to vector<16xf32>
    tpu.vector_store %arg12[%swap3A_221], %swap3A_224 {strides = array<i32>} : memref<768xf32, #tpu.memory_space<vmem>>, vector<16xf32>,
    %swap3A_225 = arith.constant 688 : index
    %swap3A_226 = tpu.vector_load %arg12[%swap3A_225] {strides = array<i32>} : memref<768xf32, #tpu.memory_space<vmem>>, vector<16xf32>,
    %swap3A_227 = vector.shape_cast %swap3A_226 : vector<16xf32> to vector<16xf32>
    %swap3A_228 = vector.shape_cast %scan3A_179#5 : vector<16xf32> to vector<16xf32>
    tpu.vector_store %arg12[%swap3A_225], %swap3A_228 {strides = array<i32>} : memref<768xf32, #tpu.memory_space<vmem>>, vector<16xf32>,
    %swap3A_229 = arith.constant 448 : index
    %swap3A_230 = tpu.vector_load %arg12[%swap3A_229] {strides = array<i32>} : memref<768xf32, #tpu.memory_space<vmem>>, vector<16xf32>,
    %swap3A_231 = vector.shape_cast %swap3A_230 : vector<16xf32> to vector<16xf32>
    %swap3A_232 = vector.shape_cast %scan3A_179#14 : vector<16xf32> to vector<16xf32>
    tpu.vector_store %arg12[%swap3A_229], %swap3A_232 {strides = array<i32>} : memref<768xf32, #tpu.memory_space<vmem>>, vector<16xf32>,
    %swap3A_233 = arith.constant 576 : index
    %swap3A_234 = tpu.vector_load %arg12[%swap3A_233] {strides = array<i32>} : memref<768xf32, #tpu.memory_space<vmem>>, vector<16xf32>,
    %swap3A_235 = vector.shape_cast %swap3A_234 : vector<16xf32> to vector<16xf32>
    %swap3A_236 = vector.shape_cast %scan3A_179#22 : vector<16xf32> to vector<16xf32>
    tpu.vector_store %arg12[%swap3A_233], %swap3A_236 {strides = array<i32>} : memref<768xf32, #tpu.memory_space<vmem>>, vector<16xf32>,
    %swap3A_237 = arith.constant 704 : index
    %swap3A_238 = tpu.vector_load %arg12[%swap3A_237] {strides = array<i32>} : memref<768xf32, #tpu.memory_space<vmem>>, vector<16xf32>,
    %swap3A_239 = vector.shape_cast %swap3A_238 : vector<16xf32> to vector<16xf32>
    %swap3A_240 = vector.shape_cast %scan3A_179#6 : vector<16xf32> to vector<16xf32>
    tpu.vector_store %arg12[%swap3A_237], %swap3A_240 {strides = array<i32>} : memref<768xf32, #tpu.memory_space<vmem>>, vector<16xf32>,
    %swap3A_241 = arith.constant 464 : index
    %swap3A_242 = tpu.vector_load %arg12[%swap3A_241] {strides = array<i32>} : memref<768xf32, #tpu.memory_space<vmem>>, vector<16xf32>,
    %swap3A_243 = vector.shape_cast %swap3A_242 : vector<16xf32> to vector<16xf32>
    %swap3A_244 = vector.shape_cast %scan3A_179#15 : vector<16xf32> to vector<16xf32>
    tpu.vector_store %arg12[%swap3A_241], %swap3A_244 {strides = array<i32>} : memref<768xf32, #tpu.memory_space<vmem>>, vector<16xf32>,
    %swap3A_245 = arith.constant 592 : index
    %swap3A_246 = tpu.vector_load %arg12[%swap3A_245] {strides = array<i32>} : memref<768xf32, #tpu.memory_space<vmem>>, vector<16xf32>,
    %swap3A_247 = vector.shape_cast %swap3A_246 : vector<16xf32> to vector<16xf32>
    %swap3A_248 = vector.shape_cast %scan3A_179#23 : vector<16xf32> to vector<16xf32>
    tpu.vector_store %arg12[%swap3A_245], %swap3A_248 {strides = array<i32>} : memref<768xf32, #tpu.memory_space<vmem>>, vector<16xf32>,
    %swap3A_249 = arith.constant 720 : index
    %swap3A_250 = tpu.vector_load %arg12[%swap3A_249] {strides = array<i32>} : memref<768xf32, #tpu.memory_space<vmem>>, vector<16xf32>,
    %swap3A_251 = vector.shape_cast %swap3A_250 : vector<16xf32> to vector<16xf32>
    %swap3A_252 = vector.shape_cast %scan3A_179#7 : vector<16xf32> to vector<16xf32>
    tpu.vector_store %arg12[%swap3A_249], %swap3A_252 {strides = array<i32>} : memref<768xf32, #tpu.memory_space<vmem>>, vector<16xf32>,
    %swap3A_253 = arith.constant 480 : index
    %swap3A_254 = tpu.vector_load %arg12[%swap3A_253] {strides = array<i32>} : memref<768xf32, #tpu.memory_space<vmem>>, vector<16xf32>,
    %swap3A_255 = vector.shape_cast %swap3A_254 : vector<16xf32> to vector<16xf32>
    %swap3A_256 = vector.shape_cast %scan3A_179#16 : vector<16xf32> to vector<16xf32>
    tpu.vector_store %arg12[%swap3A_253], %swap3A_256 {strides = array<i32>} : memref<768xf32, #tpu.memory_space<vmem>>, vector<16xf32>,
    %swap3A_257 = arith.constant 608 : index
    %swap3A_258 = tpu.vector_load %arg12[%swap3A_257] {strides = array<i32>} : memref<768xf32, #tpu.memory_space<vmem>>, vector<16xf32>,
    %swap3A_259 = vector.shape_cast %swap3A_258 : vector<16xf32> to vector<16xf32>
    %swap3A_260 = vector.shape_cast %scan3A_179#24 : vector<16xf32> to vector<16xf32>
    tpu.vector_store %arg12[%swap3A_257], %swap3A_260 {strides = array<i32>} : memref<768xf32, #tpu.memory_space<vmem>>, vector<16xf32>,
    %swap3A_261 = arith.constant 736 : index
    %swap3A_262 = tpu.vector_load %arg12[%swap3A_261] {strides = array<i32>} : memref<768xf32, #tpu.memory_space<vmem>>, vector<16xf32>,
    %swap3A_263 = vector.shape_cast %swap3A_262 : vector<16xf32> to vector<16xf32>
    %swap3A_264 = vector.shape_cast %scan3A_179#8 : vector<16xf32> to vector<16xf32>
    tpu.vector_store %arg12[%swap3A_261], %swap3A_264 {strides = array<i32>} : memref<768xf32, #tpu.memory_space<vmem>>, vector<16xf32>,
    %swap3A_265 = arith.constant 496 : index
    %swap3A_266 = tpu.vector_load %arg12[%swap3A_265] {strides = array<i32>} : memref<768xf32, #tpu.memory_space<vmem>>, vector<16xf32>,
    %swap3A_267 = vector.shape_cast %swap3A_266 : vector<16xf32> to vector<16xf32>
    %swap3A_268 = vector.shape_cast %scan3A_179#17 : vector<16xf32> to vector<16xf32>
    tpu.vector_store %arg12[%swap3A_265], %swap3A_268 {strides = array<i32>} : memref<768xf32, #tpu.memory_space<vmem>>, vector<16xf32>,
    %swap3A_269 = arith.constant 624 : index
    %swap3A_270 = tpu.vector_load %arg12[%swap3A_269] {strides = array<i32>} : memref<768xf32, #tpu.memory_space<vmem>>, vector<16xf32>,
    %swap3A_271 = vector.shape_cast %swap3A_270 : vector<16xf32> to vector<16xf32>
    %swap3A_272 = vector.shape_cast %scan3A_179#25 : vector<16xf32> to vector<16xf32>
    tpu.vector_store %arg12[%swap3A_269], %swap3A_272 {strides = array<i32>} : memref<768xf32, #tpu.memory_space<vmem>>, vector<16xf32>,
    %swap3A_273 = arith.constant 752 : index
    %swap3A_274 = tpu.vector_load %arg12[%swap3A_273] {strides = array<i32>} : memref<768xf32, #tpu.memory_space<vmem>>, vector<16xf32>,
    %swap3A_275 = vector.shape_cast %swap3A_274 : vector<16xf32> to vector<16xf32>
    %swap3A_276 = vector.shape_cast %scan3A_179#9 : vector<16xf32> to vector<16xf32>
    tpu.vector_store %arg12[%swap3A_273], %swap3A_276 {strides = array<i32>} : memref<768xf32, #tpu.memory_space<vmem>>, vector<16xf32>,
    %swap3A_277 = arith.constant 32 : index
    %swap3A_278 = tpu.vector_load %arg13[%swap3A_277] {strides = array<i32>} : memref<64xf32, #tpu.memory_space<vmem>>, vector<16xf32>,
    %swap3A_279 = vector.shape_cast %swap3A_278 : vector<16xf32> to vector<16xf32>
    %swap3A_280 = vector.shape_cast %scan3A_179#26 : vector<16xf32> to vector<16xf32>
    tpu.vector_store %arg13[%swap3A_277], %swap3A_280 {strides = array<i32>} : memref<64xf32, #tpu.memory_space<vmem>>, vector<16xf32>,
    %convert_element_type3A = arith.sitofp %scan3A_179#0 : i32 to f32
    %broadcast_in_dim3A_281 = vector.broadcast %convert_element_type3A : f32 to vector<16xf32>
    %swap3A_282 = arith.constant 48 : index
    %swap3A_283 = tpu.vector_load %arg13[%swap3A_282] {strides = array<i32>} : memref<64xf32, #tpu.memory_space<vmem>>, vector<16xf32>,
    %swap3A_284 = vector.shape_cast %swap3A_283 : vector<16xf32> to vector<16xf32>
    %swap3A_285 = vector.shape_cast %broadcast_in_dim3A_281 : vector<16xf32> to vector<16xf32>
    tpu.vector_store %arg13[%swap3A_282], %swap3A_285 {strides = array<i32>} : memref<64xf32, #tpu.memory_space<vmem>>, vector<16xf32>,
    %mul3A_286 = arith.constant 768 : i32
    %mul3A_287 = arith.muli %add3A, %mul3A_286 : i32
    "tpu.region"() ({
      %run_scoped3A = tpu.sem_alloc : memref<!tpu.dma_semaphore, #tpu.memory_space<semaphore_mem>>
      %dma_start3A_292 = tpu.memref_slice %arg5[%mul3A_287] : memref<24576xf32, #tpu.memory_space<hbm>> -> memref<768xf32, #tpu.memory_space<hbm>>
      %dma_start3A_293 = tpu.memref_slice %arg5[%mul3A_287] : memref<24576xf32, #tpu.memory_space<hbm>> -> memref<768xf32, #tpu.memory_space<hbm>>
      tpu.enqueue_dma source(%arg12 : memref<768xf32, #tpu.memory_space<vmem>>) target(%dma_start3A_293 : memref<768xf32, #tpu.memory_space<hbm>>) target_semaphore(%run_scoped3A : memref<!tpu.dma_semaphore, #tpu.memory_space<semaphore_mem>>)
      %dma_wait3A = tpu.memref_slice %arg5[%mul3A_287] : memref<24576xf32, #tpu.memory_space<hbm>> -> memref<768xf32, #tpu.memory_space<hbm>>
      %dma_wait3A_294 = tpu.memref_slice %arg5[%mul3A_287] : memref<24576xf32, #tpu.memory_space<hbm>> -> memref<768xf32, #tpu.memory_space<hbm>>
      tpu.wait_dma2 semaphore(%run_scoped3A : memref<!tpu.dma_semaphore, #tpu.memory_space<semaphore_mem>>) src(%arg12 : memref<768xf32, #tpu.memory_space<vmem>>) dst(%dma_wait3A_294 : memref<768xf32, #tpu.memory_space<hbm>>)
      tpu.yield
    }) : () -> ()
    %mul3A_288 = arith.constant 64 : i32
    %mul3A_289 = arith.muli %add3A, %mul3A_288 : i32
    "tpu.region"() ({
      %run_scoped3A = tpu.sem_alloc : memref<!tpu.dma_semaphore, #tpu.memory_space<semaphore_mem>>
      %dma_start3A_292 = tpu.memref_slice %arg6[%mul3A_289] : memref<2048xf32, #tpu.memory_space<hbm>> -> memref<64xf32, #tpu.memory_space<hbm>>
      %dma_start3A_293 = tpu.memref_slice %arg6[%mul3A_289] : memref<2048xf32, #tpu.memory_space<hbm>> -> memref<64xf32, #tpu.memory_space<hbm>>
      tpu.enqueue_dma source(%arg13 : memref<64xf32, #tpu.memory_space<vmem>>) target(%dma_start3A_293 : memref<64xf32, #tpu.memory_space<hbm>>) target_semaphore(%run_scoped3A : memref<!tpu.dma_semaphore, #tpu.memory_space<semaphore_mem>>)
      %dma_wait3A = tpu.memref_slice %arg6[%mul3A_289] : memref<2048xf32, #tpu.memory_space<hbm>> -> memref<64xf32, #tpu.memory_space<hbm>>
      %dma_wait3A_294 = tpu.memref_slice %arg6[%mul3A_289] : memref<2048xf32, #tpu.memory_space<hbm>> -> memref<64xf32, #tpu.memory_space<hbm>>
      tpu.wait_dma2 semaphore(%run_scoped3A : memref<!tpu.dma_semaphore, #tpu.memory_space<semaphore_mem>>) src(%arg13 : memref<64xf32, #tpu.memory_space<vmem>>) dst(%dma_wait3A_294 : memref<64xf32, #tpu.memory_space<hbm>>)
      tpu.yield
    }) : () -> ()
    %mul3A_290 = arith.constant 16 : i32
    %mul3A_291 = arith.muli %add3A, %mul3A_290 : i32
    "tpu.region"() ({
      %run_scoped3A = tpu.sem_alloc : memref<!tpu.dma_semaphore, #tpu.memory_space<semaphore_mem>>
      %dma_start3A_292 = tpu.memref_slice %arg7[%mul3A_291] : memref<512xf32, #tpu.memory_space<hbm>> -> memref<16xf32, #tpu.memory_space<hbm>>
      %dma_start3A_293 = tpu.memref_slice %arg7[%mul3A_291] : memref<512xf32, #tpu.memory_space<hbm>> -> memref<16xf32, #tpu.memory_space<hbm>>
      tpu.enqueue_dma source(%arg14 : memref<16xf32, #tpu.memory_space<vmem>>) target(%dma_start3A_293 : memref<16xf32, #tpu.memory_space<hbm>>) target_semaphore(%run_scoped3A : memref<!tpu.dma_semaphore, #tpu.memory_space<semaphore_mem>>)
      %dma_wait3A = tpu.memref_slice %arg7[%mul3A_291] : memref<512xf32, #tpu.memory_space<hbm>> -> memref<16xf32, #tpu.memory_space<hbm>>
      %dma_wait3A_294 = tpu.memref_slice %arg7[%mul3A_291] : memref<512xf32, #tpu.memory_space<hbm>> -> memref<16xf32, #tpu.memory_space<hbm>>
      tpu.wait_dma2 semaphore(%run_scoped3A : memref<!tpu.dma_semaphore, #tpu.memory_space<semaphore_mem>>) src(%arg14 : memref<16xf32, #tpu.memory_space<vmem>>) dst(%dma_wait3A_294 : memref<16xf32, #tpu.memory_space<hbm>>)
      tpu.yield
    }) : () -> ()
    return
  }
}

module attributes {stable_mosaic.version = 14 : i64} {
  func.func @_tc_body(%arg0: memref<64x3x128xf32, #tpu.memory_space<vmem>>, %arg1: memref<64x32xf32, #tpu.memory_space<vmem>>, %arg2: memref<32x16xf32, #tpu.memory_space<vmem>>, %arg3: memref<1x1xf32, #tpu.memory_space<vmem>>) attributes {dimension_semantics = [], scalar_prefetch = 0 : i64, scratch_operands = 0 : i64, tpu.core_type = #tpu.core_type<tc>} {
    %get3A = arith.constant 0 : index
    %get3A_0 = arith.constant 0 : index
    %get3A_1 = vector.load %arg2[%get3A, %get3A_0] : memref<32x16xf32, #tpu.memory_space<vmem>>, vector<32x16xf32>
    %reduce_sum3A = vector.shape_cast %get3A_1 : vector<32x16xf32> to vector<1x32x16xf32>
    %reduce_sum3A_2 = arith.constant dense<0.000000e+00> : vector<1xf32>
    %reduce_sum3A_3 = vector.multi_reduction <add>, %reduce_sum3A, %reduce_sum3A_2 [1, 2] : vector<1x32x16xf32> to vector<1xf32>
    %reduce_sum3A_4 = vector.shape_cast %reduce_sum3A_3 : vector<1xf32> to vector<1x1x1xf32>
    %reduce_sum3A_5 = vector.extract %reduce_sum3A_4[0, 0, 0] : f32 from vector<1x1x1xf32>
    %broadcast_in_dim3A = arith.constant 0.000000e+00 : f32
    %broadcast_in_dim3A_6 = vector.broadcast %broadcast_in_dim3A : f32 to vector<1x128xf32>
    %broadcast_in_dim3A_7 = arith.constant 1.000000e+00 : f32
    %broadcast_in_dim3A_8 = vector.broadcast %broadcast_in_dim3A_7 : f32 to vector<1x128xf32>
    %broadcast_in_dim3A_9 = arith.constant 0.000000e+00 : f32
    %broadcast_in_dim3A_10 = vector.broadcast %broadcast_in_dim3A_9 : f32 to vector<1x128xf32>
    %scan3A = arith.constant -7.000000e+00 : f32
    %scan3A_11 = arith.constant 0.000000e+00 : f32
    %scan3A_12 = arith.constant 0.000000e+00 : f32
    %scan3A_13 = arith.constant 0 : i32
    %scan3A_14 = arith.constant 64 : i32
    %scan3A_15 = arith.addi %scan3A_13, %scan3A_14 : i32
    %scan3A_16 = arith.constant 1 : i32
    %scan3A_17:6 = scf.for %scan3A_31 = %scan3A_13 to %scan3A_15 step %scan3A_16 iter_args(%scan3A_32 = %scan3A, %scan3A_33 = %broadcast_in_dim3A_6, %scan3A_34 = %broadcast_in_dim3A_8, %scan3A_35 = %broadcast_in_dim3A_10, %scan3A_36 = %scan3A_11, %scan3A_37 = %scan3A_12) -> (f32, vector<1x128xf32>, vector<1x128xf32>, vector<1x128xf32>, f32, f32)  : i32 {
      %get3A_38 = arith.index_cast %scan3A_31 : i32 to index
      %get3A_39 = arith.constant 0 : index
      %get3A_40 = arith.constant 0 : index
      %get3A_41 = vector.load %arg0[%get3A_38, %get3A_39, %get3A_40] : memref<64x3x128xf32, #tpu.memory_space<vmem>>, vector<1x3x128xf32>
      %slice3A = vector.extract_strided_slice %get3A_41 {offsets = [0, 0, 0], sizes = [1, 1, 128], strides = [1, 1, 1]} : vector<1x3x128xf32> to vector<1x1x128xf32>
      %squeeze3A = vector.shape_cast %slice3A : vector<1x1x128xf32> to vector<1x128xf32>
      %slice3A_42 = vector.extract_strided_slice %get3A_41 {offsets = [0, 1, 0], sizes = [1, 1, 128], strides = [1, 1, 1]} : vector<1x3x128xf32> to vector<1x1x128xf32>
      %squeeze3A_43 = vector.shape_cast %slice3A_42 : vector<1x1x128xf32> to vector<1x128xf32>
      %slice3A_44 = vector.extract_strided_slice %get3A_41 {offsets = [0, 2, 0], sizes = [1, 1, 128], strides = [1, 1, 1]} : vector<1x3x128xf32> to vector<1x1x128xf32>
      %squeeze3A_45 = vector.shape_cast %slice3A_44 : vector<1x1x128xf32> to vector<1x128xf32>
      %get3A_46 = arith.index_cast %scan3A_31 : i32 to index
      %get3A_47 = arith.constant 0 : index
      %get3A_48 = vector.load %arg1[%get3A_46, %get3A_47] : memref<64x32xf32, #tpu.memory_space<vmem>>, vector<1x32xf32>
      %slice3A_49 = vector.extract_strided_slice %get3A_48 {offsets = [0, 0], sizes = [1, 16], strides = [1, 1]} : vector<1x32xf32> to vector<1x16xf32>
      %reduce_sum3A_50 = vector.shape_cast %slice3A_49 : vector<1x16xf32> to vector<1x1x16xf32>
      %reduce_sum3A_51 = arith.constant dense<0.000000e+00> : vector<1xf32>
      %reduce_sum3A_52 = vector.multi_reduction <add>, %reduce_sum3A_50, %reduce_sum3A_51 [1, 2] : vector<1x1x16xf32> to vector<1xf32>
      %reduce_sum3A_53 = vector.shape_cast %reduce_sum3A_52 : vector<1xf32> to vector<1x1x1xf32>
      %reduce_sum3A_54 = vector.extract %reduce_sum3A_53[0, 0, 0] : f32 from vector<1x1x1xf32>
      %slice3A_55 = vector.extract_strided_slice %get3A_48 {offsets = [0, 16], sizes = [1, 1], strides = [1, 1]} : vector<1x32xf32> to vector<1x1xf32>
      %squeeze3A_56 = vector.extract %slice3A_55[0, 0] : f32 from vector<1x1xf32>
      %lt3A = arith.constant 0.000000e+00 : f32
      %lt3A_57 = arith.cmpf olt, %squeeze3A_56, %lt3A : f32
      %eq3A = arith.cmpf oeq, %squeeze3A_56, %scan3A_32 : f32
      %not3A = arith.constant true
      %not3A_58 = arith.xori %lt3A_57, %not3A : i1
      %and3A = arith.andi %eq3A, %not3A_58 : i1
      %not3A_59 = arith.constant true
      %not3A_60 = arith.xori %and3A, %not3A_59 : i1
      %not3A_61 = arith.constant true
      %not3A_62 = arith.xori %lt3A_57, %not3A_61 : i1
      %and3A_63 = arith.andi %not3A_60, %not3A_62 : i1
      %log3A_64 = math.log %scan3A_34 : vector<1x128xf32>
      %add3A_65 = arith.addf %scan3A_33, %log3A_64 : vector<1x128xf32>
      %mul3A_66 = arith.mulf %scan3A_35, %add3A_65 : vector<1x128xf32>
      %reduce_sum3A_67 = vector.shape_cast %mul3A_66 : vector<1x128xf32> to vector<1x1x128xf32>
      %reduce_sum3A_68 = arith.constant dense<0.000000e+00> : vector<1xf32>
      %reduce_sum3A_69 = vector.multi_reduction <add>, %reduce_sum3A_67, %reduce_sum3A_68 [1, 2] : vector<1x1x128xf32> to vector<1xf32>
      %reduce_sum3A_70 = vector.shape_cast %reduce_sum3A_69 : vector<1xf32> to vector<1x1x1xf32>
      %reduce_sum3A_71 = vector.extract %reduce_sum3A_70[0, 0, 0] : f32 from vector<1x1x1xf32>
      %sub3A_72 = arith.subf %scan3A_36, %reduce_sum3A_71 : f32
      %jit3A = arith.constant 0.000000e+00 : f32
      %select_n3A = arith.select %and3A_63, %sub3A_72, %jit3A : f32
      %add3A_73 = arith.addf %scan3A_37, %select_n3A : f32
      %max3A = arith.maximumf %scan3A_33, %squeeze3A_45 : vector<1x128xf32>
      %sub3A_74 = arith.subf %scan3A_33, %max3A : vector<1x128xf32>
      %exp3A = math.exp %sub3A_74 : vector<1x128xf32>
      %mul3A_75 = arith.mulf %scan3A_34, %exp3A : vector<1x128xf32>
      %sub3A_76 = arith.subf %squeeze3A_45, %max3A : vector<1x128xf32>
      %exp3A_77 = math.exp %sub3A_76 : vector<1x128xf32>
      %mul3A_78 = arith.mulf %squeeze3A, %exp3A_77 : vector<1x128xf32>
      %add3A_79 = arith.addf %mul3A_75, %mul3A_78 : vector<1x128xf32>
      %select_n3A_80 = arith.select %and3A, %max3A, %squeeze3A_45 : vector<1x128xf32>
      %select_n3A_81 = arith.select %lt3A_57, %scan3A_33, %select_n3A_80 : vector<1x128xf32>
      %select_n3A_82 = arith.select %and3A, %add3A_79, %squeeze3A : vector<1x128xf32>
      %select_n3A_83 = arith.select %lt3A_57, %scan3A_34, %select_n3A_82 : vector<1x128xf32>
      %add3A_84 = arith.addf %scan3A_35, %squeeze3A_43 : vector<1x128xf32>
      %select_n3A_85 = arith.select %and3A, %add3A_84, %squeeze3A_43 : vector<1x128xf32>
      %select_n3A_86 = arith.select %lt3A_57, %scan3A_35, %select_n3A_85 : vector<1x128xf32>
      %add3A_87 = arith.addf %scan3A_36, %reduce_sum3A_54 : f32
      %select_n3A_88 = arith.select %and3A, %add3A_87, %reduce_sum3A_54 : f32
      %select_n3A_89 = arith.select %lt3A_57, %scan3A_36, %select_n3A_88 : f32
      %select_n3A_90 = arith.select %lt3A_57, %scan3A_32, %squeeze3A_56 : f32
      scf.yield %select_n3A_90, %select_n3A_81, %select_n3A_83, %select_n3A_86, %select_n3A_89, %add3A_73 : f32, vector<1x128xf32>, vector<1x128xf32>, vector<1x128xf32>, f32, f32
    }
    %scan3A_18 = arith.constant 64 : i32
    %add3A = arith.addf %scan3A_17#5, %scan3A_17#4 : f32
    %log3A = math.log %scan3A_17#2 : vector<1x128xf32>
    %add3A_19 = arith.addf %scan3A_17#1, %log3A : vector<1x128xf32>
    %mul3A = arith.mulf %scan3A_17#3, %add3A_19 : vector<1x128xf32>
    %reduce_sum3A_20 = vector.shape_cast %mul3A : vector<1x128xf32> to vector<1x1x128xf32>
    %reduce_sum3A_21 = arith.constant dense<0.000000e+00> : vector<1xf32>
    %reduce_sum3A_22 = vector.multi_reduction <add>, %reduce_sum3A_20, %reduce_sum3A_21 [1, 2] : vector<1x1x128xf32> to vector<1xf32>
    %reduce_sum3A_23 = vector.shape_cast %reduce_sum3A_22 : vector<1xf32> to vector<1x1x1xf32>
    %reduce_sum3A_24 = vector.extract %reduce_sum3A_23[0, 0, 0] : f32 from vector<1x1x1xf32>
    %sub3A = arith.subf %add3A, %reduce_sum3A_24 : f32
    %add3A_25 = arith.addf %sub3A, %reduce_sum3A_5 : f32
    %neg3A = arith.constant 0.000000e+00 : f32
    %neg3A_26 = arith.subf %neg3A, %add3A_25 : f32
    %div3A = arith.constant 1.280000e+06 : f32
    %div3A_27 = arith.divf %neg3A_26, %div3A : f32
    %broadcast_in_dim3A_28 = vector.broadcast %div3A_27 : f32 to vector<1x1xf32>
    %swap3A = arith.constant 0 : index
    %swap3A_29 = arith.constant 0 : index
    %swap3A_30 = vector.load %arg3[%swap3A, %swap3A_29] : memref<1x1xf32, #tpu.memory_space<vmem>>, vector<1x1xf32>
    tpu.vector_store %arg3[%swap3A, %swap3A_29], %broadcast_in_dim3A_28 {strides = array<i32>} : memref<1x1xf32, #tpu.memory_space<vmem>>, vector<1x1xf32>,
    return
  }
}

</mosaic_0001>

<sc_bundles>
// kernel: kernel.4.cloned.1.call-start
scs
__scs_entry_jumppad:
0x0: {  	(pc) =	sbr.rel $0x88, $3  }
0x1: {  	(tag) =	ssettag $0x0;
	lr =	simm.s32 $0x1  }
0x2: {  	[smem:$0x3F9E] =	sst lr;
	_ =	strace $0xD0000000  }
0x3: {  	_ = 	snop  }
0x4: {  	_ = 	snop  }
0x5: {  	_ = 	snop  }
0x6: {  	_ = 	snop  }
0x7: {  	_ = 	snop  }
__scs_overlays_trampoline_lowered:
0x8: {  	[smem:$0x3FAD] =	sst s0  }
0x9: {  	[smem:$0x3FAE] =	sst s1  }
0xa: {  	[smem:$0x3FAF] =	sst s2  }
0xb: {  	[smem:$0x3FB0] =	sst s3  }
0xc: {  	[smem:$0x3FB1] =	sst s4  }
0xd: {  	[smem:$0x3FB2] =	sst s5  }
0xe: {  	[smem:$0x3FB3] =	sst s6  }
0xf: {  	[smem:$0x3FB4] =	sst s7  }
0x10: {  	[smem:$0x3FB5] =	sst s8  }
0x11: {  	[smem:$0x3FB6] =	sst s9;
	s0 =	simm.s32 @!p0 $0x0  }
0x12: {  	s1 =	sld [smem:$0x3F9C];
	s0 =	simm.s32 @p0 $0x1  }
0x13: {  	[smem:$0x3FB7] =	sst s0;
	s0 =	simm.s32 @!p1 $0x0  }
0x14: {  	s2 =	sld [smem:$0x3F9B];
	s0 =	simm.s32 @p1 $0x1  }
0x15: {  	[smem:$0x3FB8] =	sst s0;
	s0 =	simm.s32 @!p2 $0x0  }
0x16: {  	s3 =	sld [smem:$0x3FDB];
	s0 =	simm.s32 @p2 $0x1  }
0x17: {  	s4 =	simm.s32 $0x1BF5;
	[smem:$0x3FBA] =	sst s0  }
0x18: {  	s0 =	sld [smem:$0x3F9D];
	_ =	swait.ge [sflag:s4], $0x0  }
0x19: {  	s7 =	sld [smem:$0x3F9E]  }
0x1a: {  	s8 =	sadd.s32 $0xFFFFE003, lr  }
0x1b: {  	s9 =	sadd.s32 $0xFFFFFEF7, lr;
	s5 =	simm.s32 $0xFFFFFFFF;
	p2 =	slt.u32 s8, $0xFFFFF086  }
0x1c: {  	p1 =	slt.u32 s9, $0xF7A;
	s5 =	simm.s32 @!p2 $0x0  }
0x1d: {  	s5 =	simm.s32 @p1 $0x1;
	p0 =	seq.s32 s7, s2  }
0x1e: {  	s7 =	smul.u32 @!p0 $0xF7A, s2;
	p2 =	seq.s32 @!p0 s5, $0x0  }
0x1f: {  	s9 =	smul.u32 $0xF7A, s1;
	s8 =	simm.s32 @!p0 $0x1BF5;
	p2 =	por !p2, p0  }
0x20: {  	[sflag:s8] =	ssyncset.s32 @!p0 $0xFFFFF086;
	s6 =	sadd.s32 @!p0 s3, s7;
	s7 =	simm.s32 @!p0 $0x108  }
0x21: {  	s3 =	sadd.s32 s3, s9;
	s6 =	sadd.s32 @!p0 $0x88, s6;
	s7 =	simm.s32 @p2 $0x1082  }
0x22: {  	[simem:s7], [sflag:s8] =	dma.local @!p0 [hbm:s6], $0xF7A  }
0x23: {  	s9 =	sor.u32 $0xD0000000, s2;
	s6 =	simm.s32 $0x108;
	_ =	swait.ge @!p0 [sflag:s8], $0x0  }
0x24: {  	s3 =	sadd.s32 $0x88, s3;
	s6 =	simm.s32 @!p1 $0x1082;
	[sflag:s4] =	ssyncset.s32 $0xFFFFF086  }
0x25: {  	[simem:s6], [sflag:s4] =	dma.local [hbm:s3], $0xF7A  }
0x26: {  	[smem:$0x3F9E] =	sst s1;
	(tag) =	ssettag s2;
	_ =	strace s9  }
0x27: {  	s1 =	sld [smem:$0x3FAE]  }
0x28: {  	s2 =	sld [smem:$0x3FAF]  }
0x29: {  	s4 =	sld [smem:$0x3FB1]  }
0x2a: {  	p0 =	seq.s32 s5, $0x0;
	s5 =	sld [smem:$0x3FB2]  }
0x2b: {  	s6 =	sld [smem:$0x3FB3]  }
0x2c: {  	s7 =	sld [smem:$0x3FB4]  }
0x2d: {  	s3 =	simm.s32 $0x108;
	s8 =	sld [smem:$0x3FB5]  }
0x2e: {  	s3 =	simm.s32 @!p0 $0x1082;
	s9 =	sld [smem:$0x3FB6]  }
0x2f: {  	lr =	sadd.s32 s0, s3;
	s0 =	sld [smem:$0x3FAD]  }
0x30: {  	s3 =	sld [smem:$0x3FB0]  }
0x31: {  	[smem:$0x3FB9] =	sst s10  }
0x32: {  	s10 =	sld [smem:$0x3FB7];
	_ =	sdelay $0x3  }
0x33: {  	p0 =	seq.s32 s10, $0x1;
	s10 =	sld [smem:$0x3FB9];
	_ =	sdelay $0x3  }
0x34: {  	[smem:$0x3FB9] =	sst s10  }
0x35: {  	s10 =	sld [smem:$0x3FB8];
	_ =	sdelay $0x3  }
0x36: {  	p1 =	seq.s32 s10, $0x1;
	s10 =	sld [smem:$0x3FB9];
	_ =	sdelay $0x3  }
0x37: {  	[smem:$0x3FB9] =	sst s10  }
0x38: {  	s10 =	sld [smem:$0x3FBA]  }
0x39: {  	_ = 	snop;
	(pc) =	sbr.ind lr, $3  }
0x3a: {  	_ = 	snop  }
0x3b: {  	_ = 	snop  }
0x3c: {  	p2 =	seq.s32 s10, $0x1;
	s10 =	sld [smem:$0x3FB9]  }
0x3d: {  	_ =	shalt  }
0x3e: {  	_ =	shalt  }
0x3f: {  	_ =	shalt  }
0x40: {  	_ =	shalt  }
0x41: {  	_ =	shalt  }
0x42: {  	_ =	shalt  }
0x43: {  	_ =	shalt  }
0x44: {  	_ =	shalt  }
0x45: {  	_ =	shalt  }
0x46: {  	_ =	shalt  }
0x47: {  	_ =	shalt  }
0x48: {  	_ =	shalt  }
0x49: {  	_ =	shalt  }
0x4a: {  	_ =	shalt  }
0x4b: {  	_ =	shalt  }
0x4c: {  	_ =	shalt  }
0x4d: {  	_ =	shalt  }
0x4e: {  	_ =	shalt  }
0x4f: {  	_ =	shalt  }
0x50: {  	_ =	shalt  }
0x51: {  	_ =	shalt  }
0x52: {  	_ =	shalt  }
0x53: {  	_ =	shalt  }
0x54: {  	_ =	shalt  }
0x55: {  	_ =	shalt  }
0x56: {  	_ =	shalt  }
0x57: {  	_ =	shalt  }
0x58: {  	_ =	shalt  }
0x59: {  	_ =	shalt  }
0x5a: {  	_ =	shalt  }
0x5b: {  	_ =	shalt  }
0x5c: {  	_ =	shalt  }
0x5d: {  	_ =	shalt  }
0x5e: {  	_ =	shalt  }
0x5f: {  	_ =	shalt  }
0x60: {  	_ =	shalt  }
0x61: {  	_ =	shalt  }
0x62: {  	_ =	shalt  }
0x63: {  	_ =	shalt  }
0x64: {  	_ =	shalt  }
0x65: {  	_ =	shalt  }
0x66: {  	_ =	shalt  }
0x67: {  	_ =	shalt  }
0x68: {  	_ =	shalt  }
0x69: {  	_ =	shalt  }
0x6a: {  	_ =	shalt  }
0x6b: {  	_ =	shalt  }
0x6c: {  	_ =	shalt  }
0x6d: {  	_ =	shalt  }
0x6e: {  	_ =	shalt  }
0x6f: {  	_ =	shalt  }
0x70: {  	_ =	shalt  }
0x71: {  	_ =	shalt  }
0x72: {  	_ =	shalt  }
0x73: {  	_ =	shalt  }
0x74: {  	_ =	shalt  }
0x75: {  	_ =	shalt  }
0x76: {  	_ =	shalt  }
0x77: {  	_ =	shalt  }
0x78: {  	_ =	shalt  }
0x79: {  	_ =	shalt  }
0x7a: {  	_ =	shalt  }
0x7b: {  	_ =	shalt  }
0x7c: {  	_ =	shalt  }
0x7d: {  	_ =	shalt  }
0x7e: {  	_ =	shalt  }
0x7f: {  	_ =	shalt  }
0x80: {  	_ =	shalt  }
0x81: {  	_ =	shalt  }
0x82: {  	_ =	shalt  }
0x83: {  	_ =	shalt  }
0x84: {  	_ =	shalt  }
0x85: {  	_ =	shalt  }
0x86: {  	_ =	shalt  }
0x87: {  	_ =	shalt  }
.Lfunc_end0:
.L_simem_size_0:
called_computation_lowered:
.L_overlay_start_0:
0x88: {  	s2 =	sld [smem:$0x3FD9]  }
0x89: {  	s3 =	sld [smem:$0x3FFE];
	_ =	sdelay $0x1  }
0x8a: {  	s1 =	srdreg.scid  }
0x8b: {  	s0 =	sand.u32 $0x1, s1  }
0x8c: {  	s17 =	sshll.u32 s0, $0xA;
	s2 =	sadd.s32 s3, s2  }
0x8d: {  	s2 =	sadd.s32 s2, s17  }
0x8e: {  	[smem:$0x3FC5] =	sst s2  }
0x8f: {  	_ = 	snop  }
0x90: {  	s2 =	sld [smem:$0x3FC9]  }
0x91: {  	s18 =	sld [smem:$0x3FC7];
	(tm) =	ssettm $0x1  }
0x92: {  	s4 =	sld [smem:$0x3FFB];
	_ =	sdelay $0x3  }
0x93: {  	_ =	strace s4  }
0x94: {  	s4 =	sld [smem:$0x3FFC];
	_ =	sdelay $0x3  }
0x95: {  	_ =	strace s4  }
0x96: {  	s4 =	sld [smem:$0x3FFD];
	_ =	sdelay $0x3  }
0x97: {  	_ =	strace s4  }
0x98: {  	_ =	strace $0x8FFFFFFF  }
0x99: {  	s19 =	sld [smem:$0x3FDB];
	_ =	sdelay $0x1  }
0x9a: {  	s5 =	simm.s32 $_scs_section_size  }
0x9b: {  	s6 =	simm.s32 $_size__tile_overlayer_lowered;
	s7 =	simm.s32 $_tile_overlayer_lowered  }
0x9c: {  	s22 =	simm.s32 $0x1BFF;
	s21 =	sshll.u32 s7, $0x1;
	s4 =	sadd.s32 s5, s19  }
0x9d: {  	s8 =	simm.s32 $0x0;
	s20 =	sshll.u32 s6, $0x1;
	s6 =	sadd.s32 s21, s4  }
0x9e: {  	[timem:s8], [sflag:s22] =	dma.local [hbm:s6], s20  }
0x9f: {  	_ =	swait.ge [sflag:s22], s20  }
0xa0: {  	s5 =	ssub.s32 $0x0, s20;
	[sflag:s22] =	ssyncset.done $0x0  }
0xa1: {  	[sflag:s22] =	ssyncadd.s32 s5;
	_ =	sdelay $0x1  }
0xa2: {  	s23 =	simm.s32 $0x1B8B  }
0xa3: {  	_ =	swait.ge [sflag:s23], $0x1  }
0xa4: {  	[sflag:s23] =	ssyncset.done $0x0  }
0xa5: {  	s25 =	simm.s32 $0x1B8E;
	s24 =	sld [smem:$0x3FFE];
	[sflag:s23] =	ssyncadd.s32 $0xFFFFFFFF  }
0xa6: {  	s26 =	simm.s32 $execute0_lowered;
	[smem:$0x3FD2] =	sst s25  }
0xa7: {  	s6 =	sshll.u32 s26, $0x1;
	_ =	strace $0x80000046;
	[dreg:$0x1] =	wrdreg $0xFFFFFFFF  }
0xa8: {  	s28 =	simm.s32 $_size_execute0_lowered;
	s4 =	sadd.s32 s4, s6;
	[dreg:$0x0] =	wrdreg $0x0  }
0xa9: {  	s6 =	sshll.u32 s28, $0x1;
	[dreg:$0x2] =	wrdreg s4  }
0xaa: {  	[dreg:$0x3] =	wrdreg s6  }
0xab: {  	[dreg:$0x4] =	wrdreg $0xC0  }
0xac: {  	_ =	task [dreg:s8], $0x5FFFF  }
0xad: {  	[dreg:$0x1] =	wrdreg $0xFFFFFFFF  }
0xae: {  	[dreg:$0x0] =	wrdreg $0x60  }
0xaf: {  	[dreg:$0x2] =	wrdreg s2  }
0xb0: {  	[dreg:$0x3] =	wrdreg s24  }
0xb1: {  	[dreg:$0x4] =	wrdreg s18  }
0xb2: {  	[dreg:$0x5] =	wrdreg $0x9  }
0xb3: {  	_ =	task.clear_ibuf [dreg:s8], $0x6FFFF;
	_ =	strace $0x90000046  }
0xb4: {  	s29 =	simm.s32 $0x9;
	_ =	strace $0x80000048  }
0xb5: {  	_ =	swait.ge [sflag:s29], $0x1  }
0xb6: {  	[sflag:s29] =	ssyncadd.s32 $0xFFFFFFFF  }
0xb7: {  	_ =	strace $0x90000048  }
0xb8: {  	_ =	sfence  }
0xb9: {  	s30 =	sld [smem:$0x0];
	_ =	sdelay $0x2  }
0xba: {  	s31 =	sshll.u32 s1, $0xD;
	s1 =	sshrl.u32 s1, $0x2  }
0xbb: {  	s3 =	sand.u32 $0x4000, s31;
	s1 =	sadd.s32 s1, s30  }
0xbc: {  	s0 =	sor.u32 s3, s0;
	s1 =	sshll.u32 s1, $0x11  }
0xbd: {  	s0 =	sor.u32 s1, s0  }
0xbe: {  	s0 =	sadd.s32 $0x8F2B, s0  }
0xbf: {  	[sflag:s0] =	ssyncadd.remote.s32 $0x1  }
0xc0: {  	_ =	sfence.sel $0xFFFF  }
0xc1: {  	[dreg:$0x0] =	wrdreg $0xFFFFFFFF;
	(pc) =	sbr.abs _section_cstart, $3  }
0xc2: {  	[dreg:$0x1] =	wrdreg $0xFFFFFFFF  }
0xc3: {  	_ =	task.clear_ibuf [dreg:s8], $0x2FFFF;
	_ =	strace $0x9FFFFFFF  }
0xc4: {  	(tm) =	ssettm $0x7FFFFFFF  }
0xc5: {  	_ =	shalt  }
tec
execute0_lowered:
.L_overlay_start_1:
0x0: {  	(tag) =	ssettag $0x1  }
0x1: {  	s1 =	rddreg [dreg:$0x0]  }
0x2: {  	s0 =	rddreg [dreg:$0x1];
	s2 =	srdreg.scid  }
0x3: {  	s4 =	stileid.u32;
	s3 =	rddreg [dreg:$0x2]  }
0x4: {  	s20 =	simm.s32 $0x6400;
	s21 =	simm.s32 $0x12C00;
	s22 =	simm.s32 $0x19100  }
0x5: {  	s23 =	simm.s32 $0x1;
	s24 =	simm.s32 $0x2;
	s30 =	simm.s32 $0x0  }
0x6: {  	s2 =	sand.u32 $0x1, s2;
	s5 =	sshll.u32 s4, $0x1;
	s4 =	simm.s32 $0x0  }
0x7: {  	s6 =	sor.u32 s2, s5;
	[smem:$0x7FF] =	sst s4;
	s5 =	sadd.s32 $0x800, s0  }
0x8: {  	s2 =	ssub.s32 $0x2, s2;
	s7 =	smul.u32 $0x60, s6;
	_ =	strace $0x80000047  }
0x9: {  	s26 =	sshll.u32 s6, $0x3;
	s28 =	smul.u32 $0x27100, s6;
	s8 =	sshll.u32 s6, $0x1  }
0xa: {  	s9 =	sshrl.u32 s2, $0x1;
	s13 =	smul.u32 $0x2710, s6;
	s15 =	sadd.s32 s26, s0  }
0xb: {  	s2 =	ssub.s32 s2, s9;
	s26 =	simm.s32 $0x3;
	s14 =	sadd.s32 s7, s0  }
0xc: {  	s0 =	sadd.s32 s8, s0;
	s6 =	sadd.s32 s1, s28;
	s7 =	sadd.s32 s3, s28  }
.Ltmp0:
0xd: {  	s29 =	sshrl.u32 s13, $0x3;
	s31 =	sadd.s32 $0xC8, s13;
	(pc) =	sbr.rel .LBB2_1-.Ltmp0, $4  }
0xe: {  	s12 =	sadd.s32 $0x190, s13;
	s13 =	sadd.s32 $0x258, s13;
	s15 =	sadd.s32 $0xB400, s15  }
0xf: {  	s17 =	smax.u32 s2, $0x1;
	s8 =	sadd.s32 s5, s29;
	s10 =	sshll.u32 s31, $0x4  }
0x10: {  	s11 =	sshrl.u32 s31, $0x3;
	s14 =	sadd.s32 $0xA800, s14;
	s16 =	sadd.s32 $0xA600, s0  }
0x11: {  	v0 =	vimm.f32 $-1.000000000e+00;
	v1 =	vimm.f32 $0.0e+00;
	s9 =	sadd.s32 s1, s10;
	s10 =	sadd.s32 s3, s10;
	s11 =	sadd.s32 s5, s11  }
.LBB2_28:
0x12: {  	[tilespmem:$0x19380] =	vst v23  }
0x13: {  	[tilespmem:$0x19400] =	vst v20  }
0x14: {  	[tilespmem:$0x19480] =	vst v24  }
0x15: {  	[tilespmem:$0x19390] =	vst v25  }
0x16: {  	[tilespmem:$0x19410] =	vst v13  }
0x17: {  	[tilespmem:$0x19490] =	vst v21  }
0x18: {  	[tilespmem:$0x193A0] =	vst v18  }
0x19: {  	[tilespmem:$0x19420] =	vst v12  }
0x1a: {  	[tilespmem:$0x194A0] =	vst v16  }
0x1b: {  	[tilespmem:$0x193B0] =	vst v19  }
0x1c: {  	[tilespmem:$0x19430] =	vst v11  }
0x1d: {  	[tilespmem:$0x194B0] =	vst v22  }
0x1e: {  	[tilespmem:$0x193C0] =	vst v17  }
0x1f: {  	[tilespmem:$0x19440] =	vst v10  }
0x20: {  	[tilespmem:$0x194C0] =	vst v15  }
0x21: {  	[tilespmem:$0x193D0] =	vst v8  }
0x22: {  	[tilespmem:$0x19450] =	vst v4  }
0x23: {  	[tilespmem:$0x194D0] =	vst v14  }
0x24: {  	[tilespmem:$0x193E0] =	vst v7  }
0x25: {  	[tilespmem:$0x19460] =	vst v5  }
0x26: {  	[tilespmem:$0x194E0] =	vst v9  }
0x27: {  	[tilespmem:$0x193F0] =	vst v6  }
0x28: {  	[tilespmem:$0x19470] =	vst v3;
	s0 =	scvt.s32.f32 s2  }
0x29: {  	[tilespmem:$0x194F0] =	vst v2  }
0x2a: {  	[tilespmem:$0x19520] =	vst v26;
	v2 =	vmov s0  }
0x2b: {  	s28 =	simm.s32 $0x19200;
	[tilespmem:$0x19530] =	vst v2  }
0x2c: {  	[hbm4b:s14+s4] =	stream.linear.scatter [tilespmem:s28], [sflag:$0x3], $0x300, $0x38;
	[tilespmem:$0x19600] =	vst v63  }
0x2d: {  	_ =	swait.ge [sflag:s26], $0x300  }
0x2e: {  	[sflag:s26] =	ssyncset.done $0x0  }
0x2f: {  	s29 =	simm.s32 $0x19500;
	[sflag:s26] =	ssyncadd.s32 $0xFFFFFD00  }
0x30: {  	[hbm4b:s15+s4] =	stream.linear.scatter [tilespmem:s29], [sflag:$0x3], $0x40, $0x38;
	[tilespmem:$0x19600] =	vst v63  }
0x31: {  	s30 =	sadd.s32 $0x1, s30;
	_ =	swait.ge [sflag:s26], $0x40  }
0x32: {  	p0 =	sne.s32 s30, s17;
	[sflag:s26] =	ssyncset.done $0x0  }
.Ltmp1:
0x33: {  	s31 =	simm.s32 $0x19580;
	[sflag:s26] =	ssyncadd.s32 $0xFFFFFFC0;
	(pc) =	sbr.rel @!p0 .LBB2_29-.Ltmp1, $4  }
0x34: {  	[hbm4b:s16+s4] =	stream.linear.scatter [tilespmem:s31], [sflag:$0x3], $0x10, $0x38;
	[tilespmem:$0x19600] =	vst v63  }
0x35: {  	_ =	swait.ge [sflag:s26], $0x10  }
0x36: {  	[sflag:s26] =	ssyncset.done $0x0  }
0x37: {  	[sflag:s26] =	ssyncadd.s32 $0xFFFFFFF0  }
.LBB2_1:
0x38: {  	[tilespmem:$0x19200] =	vst v1  }
0x39: {  	[tilespmem:$0x19210] =	vst v1  }
0x3a: {  	[tilespmem:$0x19220] =	vst v1  }
0x3b: {  	[tilespmem:$0x19230] =	vst v1  }
0x3c: {  	[tilespmem:$0x19240] =	vst v1  }
0x3d: {  	[tilespmem:$0x19250] =	vst v1  }
0x3e: {  	[tilespmem:$0x19260] =	vst v1  }
0x3f: {  	[tilespmem:$0x19270] =	vst v1  }
0x40: {  	[tilespmem:$0x19280] =	vst v1  }
0x41: {  	[tilespmem:$0x19290] =	vst v1  }
0x42: {  	[tilespmem:$0x192A0] =	vst v1  }
0x43: {  	[tilespmem:$0x192B0] =	vst v1  }
0x44: {  	[tilespmem:$0x192C0] =	vst v1  }
0x45: {  	[tilespmem:$0x192D0] =	vst v1  }
0x46: {  	[tilespmem:$0x192E0] =	vst v1  }
0x47: {  	[tilespmem:$0x192F0] =	vst v1  }
0x48: {  	[tilespmem:$0x19300] =	vst v1  }
0x49: {  	[tilespmem:$0x19310] =	vst v1  }
0x4a: {  	[tilespmem:$0x19320] =	vst v1  }
0x4b: {  	[tilespmem:$0x19330] =	vst v1  }
0x4c: {  	[tilespmem:$0x19340] =	vst v1  }
0x4d: {  	[tilespmem:$0x19350] =	vst v1  }
0x4e: {  	[tilespmem:$0x19360] =	vst v1  }
0x4f: {  	[tilespmem:$0x19370] =	vst v1  }
0x50: {  	[tilespmem:$0x19500] =	vst v1  }
0x51: {  	[tilespmem:$0x19510] =	vst v0  }
0x52: {  	[tilespmem:$0x19580] =	vst v1  }
0x53: {  	[tilespmem:s4], [sflag:$0x1] =	stream.linear.gather [hbm4b:s6+s4], $0x6400, $0x38;
	[tilespmem:$0x19600] =	vst v63  }
0x54: {  	s0 =	simm.s32 $0xC800  }
0x55: {  	v2 =	vimm.f32 $-1.000000020e+30;
	[tilespmem:s0], [sflag:$0x1] =	stream.linear.gather [hbm4b:s7+s4], $0x6400, $0x38;
	[tilespmem:$0x19600] =	vst v63  }
0x56: {  	s28 =	simm.s32 $0x19000;
	v26 =	vimm.f32 $0.0e+00;
	v3 =	vimm.f32 $0.0e+00;
	v5 =	vimm.f32 $0.0e+00  }
0x57: {  	v4 =	vimm.f32 $0.0e+00;
	v10 =	vimm.f32 $0.0e+00;
	v11 =	vimm.f32 $0.0e+00;
	[tilespmem:s28], [sflag:$0x1] =	stream.linear.gather [hbm4b:s8+s4], $0xD8, $0x38;
	[tilespmem:$0x19600] =	vst v63  }
0x58: {  	v12 =	vimm.f32 $0.0e+00;
	v13 =	vimm.f32 $0.0e+00;
	v20 =	vimm.f32 $0.0e+00  }
0x59: {  	v6 =	vimm.f32 $0.0e+00;
	v7 =	vimm.f32 $0.0e+00;
	v8 =	vimm.f32 $0.0e+00;
	[tilespmem:s20], [sflag:$0x2] =	stream.linear.gather [hbm4b:s9+s4], $0x6400, $0x38;
	[tilespmem:$0x19600] =	vst v63  }
0x5a: {  	v17 =	vimm.f32 $0.0e+00;
	v19 =	vimm.f32 $0.0e+00;
	v18 =	vimm.f32 $0.0e+00  }
0x5b: {  	v25 =	vimm.f32 $0.0e+00;
	v23 =	vimm.f32 $0.0e+00;
	v9 =	vimm.f32 $-1.000000020e+30;
	[tilespmem:s21], [sflag:$0x2] =	stream.linear.gather [hbm4b:s10+s4], $0x6400, $0x38;
	[tilespmem:$0x19600] =	vst v63  }
0x5c: {  	v14 =	vimm.f32 $-1.000000020e+30;
	v15 =	vimm.f32 $-1.000000020e+30;
	v22 =	vimm.f32 $-1.000000020e+30;
	s2 =	simm.s32 $0xFFFFFFFF;
	s29 =	simm.s32 $0x0;
	s31 =	simm.s32 $0x0  }
0x5d: {  	v16 =	vimm.f32 $-1.000000020e+30;
	v21 =	vimm.f32 $-1.000000020e+30;
	v24 =	vimm.f32 $-1.000000020e+30;
	[tilespmem:s22], [sflag:$0x2] =	stream.linear.gather [hbm4b:s11+s4], $0xD8, $0x38;
	[tilespmem:$0x19600] =	vst v63  }
.LBB2_2:
0x5e: {  	_ =	swait.ge [sflag:s23], $0x6400  }
0x5f: {  	[sflag:s23] =	ssyncset.done $0x0  }
0x60: {  	[sflag:s23] =	ssyncadd.s32 $0xFFFF9C00  }
0x61: {  	_ =	swait.ge [sflag:s23], $0x6400  }
.Ltmp2:
0x62: {  	[sflag:s23] =	ssyncset.done $0x0;
	(pc) =	sbr.rel .LBB2_3-.Ltmp2, $4  }
0x63: {  	[sflag:s23] =	ssyncadd.s32 $0xFFFF9C00  }
0x64: {  	_ =	swait.ge [sflag:s23], $0xD8  }
0x65: {  	s0 =	simm.s32 $0xFFFFFFFE;
	s18 =	simm.s32 $0x19001;
	[sflag:s23] =	ssyncset.done $0x0  }
0x66: {  	s19 =	simm.s32 $0x80;
	s25 =	simm.s32 $0xC880;
	[sflag:s23] =	ssyncadd.s32 $0xFFFFFF28  }
.LBB2_9:
0x67: {  	s29 =	smov.u32 @p1 s29  }
.LBB2_13:
0x68: {  	v27 =	vld [tilespmem:s19+$0x0]  }
0x69: {  	v61 =	vld [tilespmem:s19+$0x10]  }
0x6a: {  	v29 =	vld [tilespmem:s19+$0x20]  }
0x6b: {  	v30 =	vld [tilespmem:s19+$0x30]  }
0x6c: {  	p0 =	sne.s32 s2, s28;
	v33 =	vld [tilespmem:s19+$0x40]  }
0x6d: {  	v36 =	vld [tilespmem:s19+$0x50];
	v24 =	vpsel p0, v27, v24  }
0x6e: {  	v63 =	vld [tilespmem:s19+$0x60];
	v28 =	vsub.f32 v27, v24  }
0x6f: {  	v31 =	vld [tilespmem:s25+$0x0];
	v23 =	vpsel p0, $0x0, v23;
	v20 =	vpsel p0, $0x0, v20  }
0x70: {  	v26 =	vpsel p0, $0x0, v26;
	v25 =	vpsel p0, $0x0, v25;
	v28 =	vmul.f32 $1.442695020e+00, v28  }
0x71: {  	v21 =	vpsel p0, v61, v21;
	v16 =	vpsel p0, v29, v16;
	v22 =	vpsel p0, v30, v22  }
0x72: {  	v15 =	vpsel p0, v33, v15;
	v32 =	vsub.f32 v61, v21;
	(erf) = vpow2.f32 v28  }
0x73: {  	v14 =	vpsel p0, v36, v14;
	v9 =	vpsel p0, v63, v9;
	v35 =	vsub.f32 v29, v16  }
0x74: {  	v41 =	vsub.f32 v30, v22;
	v27 =	vmul.f32 v31, v27;
	v32 =	vmul.f32 $1.442695020e+00, v32  }
0x75: {  	v42 =	vld [tilespmem:s25+$0x10];
	v44 =	vsub.f32 v33, v15;
	v38 =	vsub.f32 v36, v14;
	v62 =	vmul.f32 $1.442695020e+00, v35  }
0x76: {  	v37 =	vld [tilespmem:s19+$0x70];
	v47 =	vsub.f32 v63, v9;
	v43 =	vmul.f32 $1.442695020e+00, v41;
	(erf) = vpow2.f32 v32  }
0x77: {  	v26 =	vadd.f32 v27, v26;
	v27 =	vld [tilespmem:s25+$0x20];
	v45 =	vmul.f32 $1.442695020e+00, v44;
	(erf) = vpow2.f32 v62  }
0x78: {  	v13 =	vpsel p0, $0x0, v13;
	v46 =	vmul.f32 $1.442695020e+00, v38;
	(erf) = vpow2.f32 v43  }
0x79: {  	v39 =	vld [tilespmem:s25+$0x30];
	v12 =	vpsel p0, $0x0, v12;
	v49 =	vmul.f32 $1.442695020e+00, v47;
	(erf) = vpow2.f32 v45  }
0x7a: {  	v55 =	vpsel p0, $0x0, v18;
	v28 =	vmul.f32 v42, v61;
	(erf) = vpow2.f32 v46  }
0x7b: {  	v19 =	vpsel p0, $0x0, v19;
	v2 =	vpsel p0, v37, v2;
	v34 =	vpop (erf);
	(erf) = vpow2.f32 v49  }
0x7c: {  	v52 =	vld [tilespmem:s25+$0x40];
	v48 =	vsub.f32 v37, v2;
	v26 =	vadd.f32 v28, v26;
	v51 =	vmul.f32 v27, v29  }
0x7d: {  	v11 =	vpsel p0, $0x0, v11;
	v17 =	vpsel p0, $0x0, v17;
	v10 =	vpsel p0, $0x0, v10  }
0x7e: {  	v53 =	vld [tilespmem:s25+$0x50];
	v30 =	vmul.f32 v39, v30;
	v32 =	vmul.f32 $1.442695020e+00, v48;
	v26 =	vadd.f32 v51, v26  }
0x7f: {  	v57 =	vld [tilespmem:s25+$0x60];
	v8 =	vpsel p0, $0x0, v8;
	v4 =	vpsel p0, $0x0, v4;
	v7 =	vpsel p0, $0x0, v7;
	v50 =	vpop (erf)  }
0x80: {  	v6 =	vpsel p0, $0x0, v6;
	v26 =	vadd.f32 v30, v26;
	(erf) = vpow2.f32 v32;
	v54 =	vpop (erf)  }
0x81: {  	v56 =	vmul.f32 v52, v33;
	v18 =	vadd.f32 v54, v12;
	v12 =	vadd.f32 v27, v55;
	v27 =	vpop (erf)  }
0x82: {  	v59 =	vld [tilespmem:s25+$0x70];
	v3 =	vpsel p0, $0x0, v3;
	v20 =	vadd.f32 v31, v20;
	v19 =	vadd.f32 v27, v19;
	v27 =	vpop (erf)  }
0x83: {  	v13 =	vadd.f32 v42, v13;
	v58 =	vmul.f32 v53, v36;
	v26 =	vadd.f32 v56, v26;
	v60 =	vpop (erf)  }
0x84: {  	s0 =	sadd.s32 $0x2, s0;
	v11 =	vadd.f32 v39, v11;
	v61 =	vmul.f32 v57, v63;
	v17 =	vadd.f32 v27, v17;
	v27 =	vpop (erf)  }
0x85: {  	v26 =	vadd.f32 v58, v26;
	v7 =	vadd.f32 v27, v7;
	v27 =	vpsel p0, $0x0, v5;
	p0 =	slt.u32 s0, $0xC6  }
.Ltmp3:
0x86: {  	v10 =	vadd.f32 v52, v10;
	v4 =	vadd.f32 v53, v4;
	(pc) =	sbr.rel @!p0 .LBB2_14-.Ltmp3, $4  }
0x87: {  	v3 =	vadd.f32 v59, v3;
	v63 =	vmul.f32 v59, v37;
	v26 =	vadd.f32 v61, v26  }
0x88: {  	v23 =	vadd.f32 v34, v23;
	v25 =	vadd.f32 v50, v25  }
0x89: {  	v8 =	vadd.f32 v60, v8;
	v26 =	vadd.f32 v63, v26;
	v62 =	vpop (erf)  }
0x8a: {  	s18 =	sadd.s32 $0x2, s18;
	s19 =	sadd.s32 $0x100, s19;
	s25 =	sadd.s32 $0x100, s25;
	v5 =	vadd.f32 v57, v6;
	v6 =	vadd.f32 v62, v27  }
.LBB2_3:
0x8b: {  	v27 =	vld [tilespmem:s18+$0xFFFFFFFF];
	_ =	sdelay $0x4  }
0x8c: {  	(v2sf) =	vpush v27, $0x0;
	_ =	sdelay $0xe  }
0x8d: {  	p0 =	slt.s32 s2, $0x0;
	s28 =	spop (v2sf)  }
0x8e: {  	p1 =	seq.s32 @!p0 s28, s2  }
0x8f: {  	p1 =	por p0, p1  }
.Ltmp4:
0x90: {  	_ = 	snop;
	(pc) =	sbr.rel @p1 .LBB2_4-.Ltmp4, $1  }
0x91: {  	_ =	sdelay $0x3  }
0x92: {  	p0 =	sne.s32 s29, $0x0  }
.Ltmp5:
0x93: {  	_ = 	snop;
	(pc) =	sbr.rel @!p0 .LBB2_6-.Ltmp5, $1  }
0x94: {  	_ =	sdelay $0x3  }
0x95: {  	v27 =	vand.u32 $0x7FFFFF, v23  }
0x96: {  	v27 =	vor.u32 $0x3F800000, v27  }
0x97: {  	v28 =	vmul.f32 $5.000000000e-01, v27  }
0x98: {  	vm1 =	vgt.f32 v27, $1.414213540e+00  }
0x99: {  	v27 =	vsel vm1, v28, v27  }
0x9a: {  	v28 =	vadd.f32 $1.000000000e+00, v27;
	_ =	sdelay $0x1  }
0x9b: {  	(erf) = vrcp.f32 v28;
	_ =	sdelay $0x2  }
0x9c: {  	v59 =	vand.u32 $0x7FFFFF, v25  }
0x9d: {  	v28 =	vor.u32 $0x3F800000, v59  }
0x9e: {  	v29 =	vmul.f32 $5.000000000e-01, v28  }
0x9f: {  	vm2 =	vgt.f32 v28, $1.414213540e+00  }
0xa0: {  	v28 =	vsel vm2, v29, v28  }
0xa1: {  	v27 =	vadd.f32 $-1.000000000e+00, v27;
	v29 =	vadd.f32 $1.000000000e+00, v28  }
0xa2: {  	v30 =	vpop (erf)  }
0xa3: {  	(erf) = vrcp.f32 v29;
	v27 =	vmul.f32 v30, v27;
	_ =	sdelay $0x1  }
0xa4: {  	v30 =	vmul.f32 v27, v27;
	_ =	sdelay $0x1  }
0xa5: {  	v31 =	vand.u32 $0x7FFFFF, v18;
	v60 =	vmul.f32 $1.111111120e-01, v30  }
0xa6: {  	v31 =	vor.u32 $0x3F800000, v31  }
0xa7: {  	v32 =	vmul.f32 $5.000000000e-01, v31;
	v29 =	vadd.f32 $1.428571490e-01, v60  }
0xa8: {  	v34 =	vshrl.u32 v23, $0x17;
	v42 =	vand.u32 $0x7FFFFF, v19;
	vm0 =	vgt.f32 v31, $1.414213540e+00  }
0xa9: {  	v31 =	vsel vm0, v32, v31;
	v28 =	vadd.f32 $-1.000000000e+00, v28;
	v29 =	vmul.f32 v29, v30  }
0xaa: {  	v43 =	vshrl.u32 v25, $0x17;
	v50 =	vand.u32 $0x7FFFFF, v8;
	v33 =	vadd.f32 $1.000000000e+00, v31;
	v61 =	vpop (erf)  }
0xab: {  	v51 =	vshrl.u32 v18, $0x17;
	v28 =	vmul.f32 v61, v28;
	v29 =	vadd.f32 $2.000000030e-01, v29  }
0xac: {  	v62 =	vand.u32 $0xFF, v34;
	v44 =	vor.u32 $0x3F800000, v42;
	(erf) = vrcp.f32 v33  }
0xad: {  	v45 =	vand.u32 $0xFF, v43;
	v63 =	vmul.f32 v28, v28;
	v29 =	vmul.f32 v29, v30  }
0xae: {  	v42 =	vand.u32 $0x7FFFFF, v6;
	v46 =	vmul.f32 $5.000000000e-01, v44;
	vm12 =	vgt.f32 v44, $1.414213540e+00  }
0xaf: {  	v42 =	vor.u32 $0x3F800000, v42;
	v38 =	vmul.f32 $1.111111120e-01, v63;
	v29 =	vadd.f32 $3.333333430e-01, v29  }
0xb0: {  	v37 =	vsel vm1, $0x3F800000, v1;
	v52 =	vsel vm0, $0x3F800000, v1;
	v32 =	vadd.s32 $0xFFFFFF81, v62  }
0xb1: {  	v32 =	vcvt.s32.f32 v32;
	v39 =	vadd.f32 $1.428571490e-01, v38;
	v29 =	vmul.f32 v29, v30  }
0xb2: {  	vm15 =	vgt.f32 v42, $1.414213540e+00;
	v59 =	vand.u32 $0x7FFFFF, v7;
	v27 =	vadd.f32 v27, v27  }
0xb3: {  	v40 =	vmul.f32 v39, v63;
	v30 =	vadd.f32 v32, v37;
	v29 =	vadd.f32 $1.000000000e+00, v29  }
0xb4: {  	v31 =	vadd.f32 $-1.000000000e+00, v31;
	v60 =	vor.u32 $0x3F800000, v59;
	v61 =	vshrl.u32 v19, $0x17  }
0xb5: {  	v30 =	vmul.f32 $6.931471820e-01, v30;
	v27 =	vmul.f32 v29, v27;
	v29 =	vadd.f32 $2.000000030e-01, v40  }
0xb6: {  	vm14 =	vgt.f32 v60, $1.414213540e+00;
	v28 =	vadd.f32 v28, v28;
	v41 =	vpop (erf);
	v37 =	vand.u32 $0x7FFFFF, v17  }
0xb7: {  	v27 =	vadd.f32 v27, v30;
	v30 =	vmul.f32 v41, v31;
	v29 =	vmul.f32 v29, v63  }
0xb8: {  	v38 =	vsel vm2, $0x3F800000, v1;
	v32 =	vadd.s32 $0xFFFFFF81, v45;
	v48 =	vor.u32 $0x3F800000, v37  }
0xb9: {  	v31 =	vsel vm12, v46, v44;
	v35 =	vmul.f32 v30, v30;
	v29 =	vadd.f32 $3.333333430e-01, v29  }
0xba: {  	v32 =	vcvt.s32.f32 v32;
	v49 =	vmul.f32 $5.000000000e-01, v48;
	v36 =	vadd.f32 $1.000000000e+00, v31  }
0xbb: {  	v39 =	vsel vm12, $0x3F800000, v1;
	v47 =	vmul.f32 $1.111111120e-01, v35;
	v29 =	vmul.f32 v29, v63  }
0xbc: {  	v37 =	vand.u32 $0xFF, v61;
	vm3 =	vgt.f32 v48, $1.414213540e+00;
	(erf) = vrcp.f32 v36  }
0xbd: {  	v33 =	vsel vm3, v49, v48;
	v34 =	vadd.f32 $1.428571490e-01, v47;
	v29 =	vadd.f32 $1.000000000e+00, v29  }
0xbe: {  	v61 =	vshrl.u32 v8, $0x17;
	v37 =	vadd.s32 $0xFFFFFF81, v37;
	v36 =	vadd.f32 $1.000000000e+00, v33  }
0xbf: {  	v34 =	vmul.f32 v34, v35;
	v28 =	vmul.f32 v29, v28;
	v29 =	vor.u32 $0x3F800000, v50  }
0xc0: {  	v32 =	vadd.f32 v32, v38;
	(erf) = vrcp.f32 v36;
	v53 =	vmul.f32 $5.000000000e-01, v29  }
0xc1: {  	v38 =	vmul.f32 $5.000000000e-01, v60;
	vm13 =	vgt.f32 v29, $1.414213540e+00;
	v34 =	vadd.f32 $2.000000030e-01, v34  }
0xc2: {  	v37 =	vcvt.s32.f32 v37;
	v32 =	vmul.f32 $6.931471820e-01, v32;
	v29 =	vsel vm13, v53, v29  }
0xc3: {  	v31 =	vadd.f32 $-1.000000000e+00, v31;
	v34 =	vmul.f32 v34, v35;
	v56 =	vadd.f32 $1.000000000e+00, v29  }
0xc4: {  	v44 =	vsel vm3, $0x3F800000, v1;
	v27 =	vadd.f32 v27, v24;
	v30 =	vadd.f32 v30, v30  }
0xc5: {  	v33 =	vadd.f32 $-1.000000000e+00, v33;
	v55 =	vpop (erf);
	v34 =	vadd.f32 $3.333333430e-01, v34;
	(erf) = vrcp.f32 v56  }
0xc6: {  	v27 =	vmul.f32 v27, v20;
	v63 =	vmul.f32 $5.000000000e-01, v42;
	v36 =	vand.u32 $0xFF, v51  }
0xc7: {  	v54 =	vadd.s32 $0xFFFFFF81, v36;
	v31 =	vmul.f32 v55, v31;
	v34 =	vmul.f32 v34, v35  }
0xc8: {  	v27 =	vsub.f32 v26, v27;
	v47 =	vsel vm14, $0x3F800000, v1;
	v28 =	vadd.f32 v28, v32  }
0xc9: {  	v32 =	vcvt.s32.f32 v54;
	v58 =	vpop (erf);
	v36 =	vmul.f32 v31, v31;
	v34 =	vadd.f32 $1.000000000e+00, v34  }
0xca: {  	v53 =	vadd.f32 v37, v39;
	v28 =	vadd.f32 v28, v21;
	v33 =	vmul.f32 v58, v33  }
0xcb: {  	v57 =	vmul.f32 $1.111111120e-01, v36;
	v30 =	vmul.f32 v34, v30;
	v34 =	vsel vm14, v38, v60  }
0xcc: {  	v32 =	vadd.f32 v32, v52;
	v40 =	vmul.f32 v33, v33;
	v41 =	vadd.f32 $1.000000000e+00, v34  }
0xcd: {  	v29 =	vadd.f32 $-1.000000000e+00, v29;
	v55 =	vsel vm13, $0x3F800000, v1;
	v35 =	vadd.f32 $1.428571490e-01, v57  }
0xce: {  	v62 =	vmul.f32 $1.111111120e-01, v40;
	v43 =	vpop (erf);
	(erf) = vrcp.f32 v41;
	v41 =	vsel vm15, v63, v42  }
0xcf: {  	v28 =	vmul.f32 v28, v13;
	v32 =	vmul.f32 $6.931471820e-01, v32;
	v49 =	vadd.f32 $1.000000000e+00, v41  }
0xd0: {  	v31 =	vadd.f32 v31, v31;
	v35 =	vmul.f32 v35, v36;
	v38 =	vadd.f32 $1.428571490e-01, v62  }
0xd1: {  	v27 =	vsub.f32 v27, v28;
	v33 =	vadd.f32 v33, v33;
	(erf) = vrcp.f32 v49  }
0xd2: {  	v57 =	vshrl.u32 v17, $0x17;
	v35 =	vadd.f32 $2.000000030e-01, v35;
	v38 =	vmul.f32 v38, v40  }
0xd3: {  	v34 =	vadd.f32 $-1.000000000e+00, v34;
	v51 =	vadd.f32 v30, v32;
	v32 =	vmul.f32 $6.931471820e-01, v53  }
0xd4: {  	v29 =	vmul.f32 v43, v29;
	v35 =	vmul.f32 v35, v36;
	v38 =	vadd.f32 $2.000000030e-01, v38  }
0xd5: {  	v28 =	vadd.f32 v51, v16;
	v58 =	vadd.f32 $-1.000000000e+00, v41;
	v51 =	vshrl.u32 v6, $0x17  }
0xd6: {  	v48 =	vmul.f32 v29, v29;
	v35 =	vadd.f32 $3.333333430e-01, v35;
	v52 =	vmul.f32 v38, v40  }
0xd7: {  	v29 =	vadd.f32 v29, v29;
	v28 =	vmul.f32 v28, v12;
	v49 =	vshrl.u32 v7, $0x17  }
0xd8: {  	v50 =	vmul.f32 $1.111111120e-01, v48;
	v35 =	vmul.f32 v35, v36;
	v30 =	vadd.f32 $3.333333430e-01, v52;
	v56 =	vpop (erf)  }
0xd9: {  	v27 =	vsub.f32 v27, v28;
	v52 =	vsel vm15, $0x3F800000, v1;
	v34 =	vmul.f32 v56, v34  }
0xda: {  	v54 =	vadd.f32 $1.428571490e-01, v50;
	v35 =	vadd.f32 $1.000000000e+00, v35;
	v30 =	vmul.f32 v30, v40;
	v60 =	vpop (erf)  }
0xdb: {  	v40 =	vand.u32 $0xFF, v61;
	v38 =	vmul.f32 v34, v34;
	v39 =	vmul.f32 v60, v58  }
0xdc: {  	v40 =	vadd.s32 $0xFFFFFF81, v40;
	v31 =	vmul.f32 v35, v31;
	v30 =	vadd.f32 $1.000000000e+00, v30  }
0xdd: {  	v35 =	vand.u32 $0xFF, v57;
	v59 =	vmul.f32 $1.111111120e-01, v38;
	v62 =	vmul.f32 v39, v39  }
0xde: {  	v36 =	vmul.f32 v54, v48;
	v40 =	vcvt.s32.f32 v40;
	v35 =	vadd.s32 $0xFFFFFF81, v35  }
0xdf: {  	v30 =	vmul.f32 v30, v33;
	v33 =	vadd.f32 $1.428571490e-01, v59;
	v63 =	vmul.f32 $1.111111120e-01, v62  }
0xe0: {  	v36 =	vadd.f32 $2.000000030e-01, v36;
	v35 =	vcvt.s32.f32 v35;
	v37 =	vadd.f32 v40, v55  }
0xe1: {  	v31 =	vadd.f32 v31, v32;
	v33 =	vmul.f32 v33, v38;
	v43 =	vadd.f32 $1.428571490e-01, v63  }
0xe2: {  	v32 =	vand.u32 $0xFF, v49;
	v34 =	vadd.f32 v34, v34;
	v36 =	vmul.f32 v36, v48  }
0xe3: {  	v32 =	vadd.s32 $0xFFFFFF81, v32;
	v33 =	vadd.f32 $2.000000030e-01, v33;
	v46 =	vmul.f32 v43, v62  }
0xe4: {  	v35 =	vadd.f32 v35, v44;
	v45 =	vmul.f32 $6.931471820e-01, v37;
	v32 =	vcvt.s32.f32 v32  }
0xe5: {  	v36 =	vadd.f32 $3.333333430e-01, v36;
	v33 =	vmul.f32 v33, v38;
	v50 =	vadd.f32 $2.000000030e-01, v46  }
0xe6: {  	v31 =	vadd.f32 v31, v22;
	v44 =	vmul.f32 $6.931471820e-01, v35;
	v35 =	vand.u32 $0xFF, v51  }
0xe7: {  	v36 =	vmul.f32 v36, v48;
	v48 =	vadd.f32 $3.333333430e-01, v33;
	v33 =	vmul.f32 v50, v62  }
0xe8: {  	v54 =	vadd.f32 v39, v39;
	v35 =	vadd.s32 $0xFFFFFF81, v35;
	v28 =	vadd.f32 v30, v44  }
0xe9: {  	v36 =	vadd.f32 $1.000000000e+00, v36;
	v30 =	vmul.f32 v48, v38;
	v33 =	vadd.f32 $3.333333430e-01, v33  }
0xea: {  	v32 =	vadd.f32 v32, v47;
	v31 =	vmul.f32 v31, v11;
	v35 =	vcvt.s32.f32 v35  }
0xeb: {  	v29 =	vmul.f32 v36, v29;
	v30 =	vadd.f32 $1.000000000e+00, v30;
	v33 =	vmul.f32 v33, v62  }
0xec: {  	v32 =	vmul.f32 $6.931471820e-01, v32;
	v53 =	vadd.f32 v35, v52;
	v28 =	vadd.f32 v28, v15  }
0xed: {  	v29 =	vadd.f32 v29, v45;
	v30 =	vmul.f32 v30, v34;
	v33 =	vadd.f32 $1.000000000e+00, v33  }
0xee: {  	v27 =	vsub.f32 v27, v31;
	v28 =	vmul.f32 v28, v10;
	v56 =	vmul.f32 $6.931471820e-01, v53  }
0xef: {  	v29 =	vadd.f32 v29, v14;
	v30 =	vadd.f32 v30, v32;
	v55 =	vmul.f32 v33, v54  }
0xf0: {  	v27 =	vsub.f32 v27, v28  }
0xf1: {  	v57 =	vmul.f32 v29, v4;
	v58 =	vadd.f32 v30, v9;
	v59 =	vadd.f32 v55, v56;
	_ =	sdelay $0x1  }
0xf2: {  	v27 =	vsub.f32 v27, v57;
	v60 =	vmul.f32 v58, v5;
	v61 =	vadd.f32 v59, v2  }
0xf3: {  	v62 =	vld [tilespmem:$0x19580]  }
0xf4: {  	v27 =	vsub.f32 v27, v60;
	v63 =	vmul.f32 v61, v3;
	_ =	sdelay $0x1  }
.Ltmp6:
0xf5: {  	v27 =	vsub.f32 v27, v63;
	(pc) =	sbr.rel .LBB2_8-.Ltmp6, $3  }
0xf6: {  	_ = 	snop  }
0xf7: {  	v27 =	vadd.f32 v62, v27;
	_ =	sdelay $0x1  }
0xf8: {  	s29 =	simm.s32 $0x1;
	[tilespmem:$0x19580] =	vst v27  }
.LBB2_4:
.Ltmp7:
0xf9: {  	(pc) =	sbr.rel .LBB2_8-.Ltmp7, $2  }
0xfa: {  	_ =	sdelay $0x2  }
0xfb: {  	s29 =	smov.u32 @p0 s29  }
.LBB2_6:
0xfc: {  	[tilespmem:$0x19200] =	vst v23  }
0xfd: {  	[tilespmem:$0x19280] =	vst v20  }
0xfe: {  	[tilespmem:$0x19300] =	vst v24  }
0xff: {  	[tilespmem:$0x19210] =	vst v25  }
0x100: {  	[tilespmem:$0x19290] =	vst v13  }
0x101: {  	[tilespmem:$0x19310] =	vst v21  }
0x102: {  	[tilespmem:$0x19220] =	vst v18  }
0x103: {  	[tilespmem:$0x192A0] =	vst v12  }
0x104: {  	[tilespmem:$0x19320] =	vst v16  }
0x105: {  	[tilespmem:$0x19230] =	vst v19  }
0x106: {  	[tilespmem:$0x192B0] =	vst v11  }
0x107: {  	[tilespmem:$0x19330] =	vst v22  }
0x108: {  	[tilespmem:$0x19240] =	vst v17  }
0x109: {  	[tilespmem:$0x192C0] =	vst v10  }
0x10a: {  	[tilespmem:$0x19340] =	vst v15  }
0x10b: {  	[tilespmem:$0x19250] =	vst v8  }
0x10c: {  	[tilespmem:$0x192D0] =	vst v4  }
0x10d: {  	[tilespmem:$0x19350] =	vst v14  }
0x10e: {  	[tilespmem:$0x19260] =	vst v7  }
0x10f: {  	[tilespmem:$0x192E0] =	vst v5  }
0x110: {  	[tilespmem:$0x19360] =	vst v9  }
0x111: {  	[tilespmem:$0x19270] =	vst v6  }
0x112: {  	[tilespmem:$0x192F0] =	vst v3;
	s29 =	scvt.s32.f32 s2  }
0x113: {  	[tilespmem:$0x19370] =	vst v2  }
0x114: {  	[tilespmem:$0x19500] =	vst v26;
	v27 =	vmov s29  }
0x115: {  	s29 =	simm.s32 $0x1;
	[tilespmem:$0x19510] =	vst v27  }
.LBB2_8:
0x116: {  	v27 =	vld [tilespmem:s19+$0xFFFFFF80]  }
0x117: {  	v29 =	vld [tilespmem:s19+$0xFFFFFF90]  }
0x118: {  	v42 =	vld [tilespmem:s19+$0xFFFFFFA0]  }
0x119: {  	v30 =	vld [tilespmem:s19+$0xFFFFFFB0]  }
0x11a: {  	v33 =	vld [tilespmem:s19+$0xFFFFFFC0]  }
0x11b: {  	p0 =	sne.s32 s28, s2;
	v34 =	vld [tilespmem:s19+$0xFFFFFFD0]  }
0x11c: {  	v36 =	vld [tilespmem:s19+$0xFFFFFFE0];
	v24 =	vpsel p0, v27, v24  }
0x11d: {  	v38 =	vld [tilespmem:s18+$0x0];
	v28 =	vsub.f32 v27, v24  }
0x11e: {  	v31 =	vld [tilespmem:s25+$0xFFFFFF80];
	v26 =	vpsel p0, $0x0, v26;
	v23 =	vpsel p0, $0x0, v23;
	v20 =	vpsel p0, $0x0, v20  }
0x11f: {  	v25 =	vpsel p0, $0x0, v25;
	v21 =	vpsel p0, v29, v21;
	v28 =	vmul.f32 $1.442695020e+00, v28  }
0x120: {  	v16 =	vpsel p0, v42, v16;
	v22 =	vpsel p0, v30, v22;
	v15 =	vpsel p0, v33, v15  }
0x121: {  	v14 =	vpsel p0, v34, v14;
	v32 =	vsub.f32 v29, v21;
	(erf) = vpow2.f32 v28  }
0x122: {  	v9 =	vpsel p0, v36, v9;
	(v2sf) =	vpush v38, $0x0;
	v35 =	vsub.f32 v42, v16  }
0x123: {  	v43 =	vsub.f32 v30, v22;
	v27 =	vmul.f32 v31, v27;
	v32 =	vmul.f32 $1.442695020e+00, v32  }
0x124: {  	v45 =	vld [tilespmem:s25+$0xFFFFFF90];
	v46 =	vsub.f32 v33, v15;
	v47 =	vsub.f32 v34, v14;
	v35 =	vmul.f32 $1.442695020e+00, v35  }
0x125: {  	v44 =	vld [tilespmem:s19+$0xFFFFFFF0];
	v48 =	vsub.f32 v36, v9;
	(erf) = vpow2.f32 v32;
	v32 =	vmul.f32 $1.442695020e+00, v43  }
0x126: {  	v26 =	vadd.f32 v27, v26;
	v27 =	vld [tilespmem:s25+$0xFFFFFFA0];
	(erf) = vpow2.f32 v35;
	v35 =	vmul.f32 $1.442695020e+00, v46  }
0x127: {  	v13 =	vpsel p0, $0x0, v13;
	(erf) = vpow2.f32 v32;
	v32 =	vmul.f32 $1.442695020e+00, v47  }
0x128: {  	v39 =	vld [tilespmem:s25+$0xFFFFFFB0];
	v18 =	vpsel p0, $0x0, v18;
	v50 =	vmul.f32 $1.442695020e+00, v48;
	(erf) = vpow2.f32 v35  }
0x129: {  	v55 =	vpsel p0, $0x0, v12;
	v29 =	vmul.f32 v45, v29;
	(erf) = vpow2.f32 v32  }
0x12a: {  	v19 =	vpsel p0, $0x0, v19;
	v2 =	vpsel p0, v44, v2;
	v37 =	vpop (erf);
	(erf) = vpow2.f32 v50  }
0x12b: {  	v52 =	vld [tilespmem:s25+$0xFFFFFFC0];
	v49 =	vsub.f32 v44, v2;
	v26 =	vadd.f32 v29, v26;
	v28 =	vmul.f32 v27, v42  }
0x12c: {  	v11 =	vpsel p0, $0x0, v11;
	v17 =	vpsel p0, $0x0, v17;
	v10 =	vpsel p0, $0x0, v10  }
0x12d: {  	v53 =	vld [tilespmem:s25+$0xFFFFFFD0];
	v30 =	vmul.f32 v39, v30;
	v35 =	vmul.f32 $1.442695020e+00, v49;
	v26 =	vadd.f32 v28, v26  }
0x12e: {  	v57 =	vld [tilespmem:s25+$0xFFFFFFE0];
	v8 =	vpsel p0, $0x0, v8;
	v4 =	vpsel p0, $0x0, v4;
	v7 =	vpsel p0, $0x0, v7;
	v51 =	vpop (erf)  }
0x12f: {  	v5 =	vpsel p0, $0x0, v5;
	v26 =	vadd.f32 v30, v26;
	(erf) = vpow2.f32 v35;
	v54 =	vpop (erf)  }
0x130: {  	v56 =	vmul.f32 v52, v33;
	v12 =	vadd.f32 v54, v18;
	v18 =	vadd.f32 v27, v55;
	v27 =	vpop (erf)  }
0x131: {  	v59 =	vld [tilespmem:s25+$0xFFFFFFF0];
	v3 =	vpsel p0, $0x0, v3;
	v20 =	vadd.f32 v31, v20;
	v19 =	vadd.f32 v27, v19;
	v27 =	vpop (erf)  }
0x132: {  	p1 =	slt.s32 s28, $0x0;
	v13 =	vadd.f32 v45, v13;
	v58 =	vmul.f32 v53, v34;
	v26 =	vadd.f32 v56, v26;
	s2 =	spop (v2sf);
	v60 =	vpop (erf)  }
0x133: {  	v11 =	vadd.f32 v39, v11;
	v61 =	vmul.f32 v57, v36;
	p2 =	seq.s32 @!p1 s2, s28;
	v17 =	vadd.f32 v27, v17;
	v27 =	vpop (erf)  }
0x134: {  	v26 =	vadd.f32 v58, v26;
	v7 =	vadd.f32 v27, v7;
	v27 =	vpsel p0, $0x0, v6;
	p0 =	por p1, p2  }
.Ltmp8:
0x135: {  	v10 =	vadd.f32 v52, v10;
	v4 =	vadd.f32 v53, v4;
	(pc) =	sbr.rel @p0 .LBB2_9-.Ltmp8, $4  }
0x136: {  	v63 =	vmul.f32 v59, v44;
	v3 =	vadd.f32 v59, v3;
	v26 =	vadd.f32 v61, v26  }
0x137: {  	v23 =	vadd.f32 v37, v23;
	v25 =	vadd.f32 v51, v25  }
0x138: {  	v8 =	vadd.f32 v60, v8;
	v26 =	vadd.f32 v63, v26;
	v62 =	vpop (erf)  }
0x139: {  	v6 =	vadd.f32 v57, v5;
	v5 =	vadd.f32 v62, v27  }
0x13a: {  	p0 =	sne.s32 s29, $0x0  }
.Ltmp9:
0x13b: {  	_ = 	snop;
	(pc) =	sbr.rel @!p0 .LBB2_11-.Ltmp9, $1  }
0x13c: {  	_ =	sdelay $0x3  }
0x13d: {  	v27 =	vand.u32 $0x7FFFFF, v23  }
0x13e: {  	v27 =	vor.u32 $0x3F800000, v27  }
0x13f: {  	v28 =	vmul.f32 $5.000000000e-01, v27  }
0x140: {  	vm1 =	vgt.f32 v27, $1.414213540e+00  }
0x141: {  	v27 =	vsel vm1, v28, v27  }
0x142: {  	v28 =	vadd.f32 $1.000000000e+00, v27;
	_ =	sdelay $0x1  }
0x143: {  	(erf) = vrcp.f32 v28;
	_ =	sdelay $0x2  }
0x144: {  	v59 =	vand.u32 $0x7FFFFF, v25  }
0x145: {  	v28 =	vor.u32 $0x3F800000, v59  }
0x146: {  	v29 =	vmul.f32 $5.000000000e-01, v28  }
0x147: {  	vm2 =	vgt.f32 v28, $1.414213540e+00  }
0x148: {  	v28 =	vsel vm2, v29, v28  }
0x149: {  	v27 =	vadd.f32 $-1.000000000e+00, v27;
	v29 =	vadd.f32 $1.000000000e+00, v28  }
0x14a: {  	v30 =	vpop (erf)  }
0x14b: {  	(erf) = vrcp.f32 v29;
	v27 =	vmul.f32 v30, v27;
	_ =	sdelay $0x1  }
0x14c: {  	v30 =	vmul.f32 v27, v27;
	_ =	sdelay $0x1  }
0x14d: {  	v31 =	vand.u32 $0x7FFFFF, v12;
	v60 =	vmul.f32 $1.111111120e-01, v30  }
0x14e: {  	v31 =	vor.u32 $0x3F800000, v31  }
0x14f: {  	v32 =	vmul.f32 $5.000000000e-01, v31;
	v29 =	vadd.f32 $1.428571490e-01, v60  }
0x150: {  	v34 =	vshrl.u32 v23, $0x17;
	v42 =	vand.u32 $0x7FFFFF, v19;
	vm0 =	vgt.f32 v31, $1.414213540e+00  }
0x151: {  	v31 =	vsel vm0, v32, v31;
	v28 =	vadd.f32 $-1.000000000e+00, v28;
	v29 =	vmul.f32 v29, v30  }
0x152: {  	v43 =	vshrl.u32 v25, $0x17;
	v50 =	vand.u32 $0x7FFFFF, v8;
	v33 =	vadd.f32 $1.000000000e+00, v31;
	v61 =	vpop (erf)  }
0x153: {  	v51 =	vshrl.u32 v12, $0x17;
	v28 =	vmul.f32 v61, v28;
	v29 =	vadd.f32 $2.000000030e-01, v29  }
0x154: {  	v62 =	vand.u32 $0xFF, v34;
	v44 =	vor.u32 $0x3F800000, v42;
	(erf) = vrcp.f32 v33  }
0x155: {  	v45 =	vand.u32 $0xFF, v43;
	v63 =	vmul.f32 v28, v28;
	v29 =	vmul.f32 v29, v30  }
0x156: {  	v42 =	vand.u32 $0x7FFFFF, v5;
	v46 =	vmul.f32 $5.000000000e-01, v44;
	vm12 =	vgt.f32 v44, $1.414213540e+00  }
0x157: {  	v42 =	vor.u32 $0x3F800000, v42;
	v38 =	vmul.f32 $1.111111120e-01, v63;
	v29 =	vadd.f32 $3.333333430e-01, v29  }
0x158: {  	v37 =	vsel vm1, $0x3F800000, v1;
	v52 =	vsel vm0, $0x3F800000, v1;
	v32 =	vadd.s32 $0xFFFFFF81, v62  }
0x159: {  	v32 =	vcvt.s32.f32 v32;
	v39 =	vadd.f32 $1.428571490e-01, v38;
	v29 =	vmul.f32 v29, v30  }
0x15a: {  	vm15 =	vgt.f32 v42, $1.414213540e+00;
	v59 =	vand.u32 $0x7FFFFF, v7;
	v27 =	vadd.f32 v27, v27  }
0x15b: {  	v40 =	vmul.f32 v39, v63;
	v30 =	vadd.f32 v32, v37;
	v29 =	vadd.f32 $1.000000000e+00, v29  }
0x15c: {  	v31 =	vadd.f32 $-1.000000000e+00, v31;
	v60 =	vor.u32 $0x3F800000, v59;
	v61 =	vshrl.u32 v19, $0x17  }
0x15d: {  	v30 =	vmul.f32 $6.931471820e-01, v30;
	v27 =	vmul.f32 v29, v27;
	v29 =	vadd.f32 $2.000000030e-01, v40  }
0x15e: {  	vm14 =	vgt.f32 v60, $1.414213540e+00;
	v28 =	vadd.f32 v28, v28;
	v41 =	vpop (erf);
	v37 =	vand.u32 $0x7FFFFF, v17  }
0x15f: {  	v27 =	vadd.f32 v27, v30;
	v30 =	vmul.f32 v41, v31;
	v29 =	vmul.f32 v29, v63  }
0x160: {  	v38 =	vsel vm2, $0x3F800000, v1;
	v32 =	vadd.s32 $0xFFFFFF81, v45;
	v48 =	vor.u32 $0x3F800000, v37  }
0x161: {  	v31 =	vsel vm12, v46, v44;
	v35 =	vmul.f32 v30, v30;
	v29 =	vadd.f32 $3.333333430e-01, v29  }
0x162: {  	v32 =	vcvt.s32.f32 v32;
	v49 =	vmul.f32 $5.000000000e-01, v48;
	v36 =	vadd.f32 $1.000000000e+00, v31  }
0x163: {  	v39 =	vsel vm12, $0x3F800000, v1;
	v47 =	vmul.f32 $1.111111120e-01, v35;
	v29 =	vmul.f32 v29, v63  }
0x164: {  	v37 =	vand.u32 $0xFF, v61;
	vm3 =	vgt.f32 v48, $1.414213540e+00;
	(erf) = vrcp.f32 v36  }
0x165: {  	v33 =	vsel vm3, v49, v48;
	v34 =	vadd.f32 $1.428571490e-01, v47;
	v29 =	vadd.f32 $1.000000000e+00, v29  }
0x166: {  	v61 =	vshrl.u32 v8, $0x17;
	v37 =	vadd.s32 $0xFFFFFF81, v37;
	v36 =	vadd.f32 $1.000000000e+00, v33  }
0x167: {  	v34 =	vmul.f32 v34, v35;
	v28 =	vmul.f32 v29, v28;
	v29 =	vor.u32 $0x3F800000, v50  }
0x168: {  	v32 =	vadd.f32 v32, v38;
	(erf) = vrcp.f32 v36;
	v53 =	vmul.f32 $5.000000000e-01, v29  }
0x169: {  	v38 =	vmul.f32 $5.000000000e-01, v60;
	vm13 =	vgt.f32 v29, $1.414213540e+00;
	v34 =	vadd.f32 $2.000000030e-01, v34  }
0x16a: {  	v37 =	vcvt.s32.f32 v37;
	v32 =	vmul.f32 $6.931471820e-01, v32;
	v29 =	vsel vm13, v53, v29  }
0x16b: {  	v31 =	vadd.f32 $-1.000000000e+00, v31;
	v34 =	vmul.f32 v34, v35;
	v56 =	vadd.f32 $1.000000000e+00, v29  }
0x16c: {  	v44 =	vsel vm3, $0x3F800000, v1;
	v27 =	vadd.f32 v27, v24;
	v30 =	vadd.f32 v30, v30  }
0x16d: {  	v33 =	vadd.f32 $-1.000000000e+00, v33;
	v55 =	vpop (erf);
	v34 =	vadd.f32 $3.333333430e-01, v34;
	(erf) = vrcp.f32 v56  }
0x16e: {  	v27 =	vmul.f32 v27, v20;
	v63 =	vmul.f32 $5.000000000e-01, v42;
	v36 =	vand.u32 $0xFF, v51  }
0x16f: {  	v54 =	vadd.s32 $0xFFFFFF81, v36;
	v31 =	vmul.f32 v55, v31;
	v34 =	vmul.f32 v34, v35  }
0x170: {  	v27 =	vsub.f32 v26, v27;
	v47 =	vsel vm14, $0x3F800000, v1;
	v28 =	vadd.f32 v28, v32  }
0x171: {  	v32 =	vcvt.s32.f32 v54;
	v58 =	vpop (erf);
	v36 =	vmul.f32 v31, v31;
	v34 =	vadd.f32 $1.000000000e+00, v34  }
0x172: {  	v53 =	vadd.f32 v37, v39;
	v28 =	vadd.f32 v28, v21;
	v33 =	vmul.f32 v58, v33  }
0x173: {  	v57 =	vmul.f32 $1.111111120e-01, v36;
	v30 =	vmul.f32 v34, v30;
	v34 =	vsel vm14, v38, v60  }
0x174: {  	v32 =	vadd.f32 v32, v52;
	v40 =	vmul.f32 v33, v33;
	v41 =	vadd.f32 $1.000000000e+00, v34  }
0x175: {  	v29 =	vadd.f32 $-1.000000000e+00, v29;
	v55 =	vsel vm13, $0x3F800000, v1;
	v35 =	vadd.f32 $1.428571490e-01, v57  }
0x176: {  	v62 =	vmul.f32 $1.111111120e-01, v40;
	v43 =	vpop (erf);
	(erf) = vrcp.f32 v41;
	v41 =	vsel vm15, v63, v42  }
0x177: {  	v28 =	vmul.f32 v28, v13;
	v32 =	vmul.f32 $6.931471820e-01, v32;
	v49 =	vadd.f32 $1.000000000e+00, v41  }
0x178: {  	v31 =	vadd.f32 v31, v31;
	v35 =	vmul.f32 v35, v36;
	v38 =	vadd.f32 $1.428571490e-01, v62  }
0x179: {  	v27 =	vsub.f32 v27, v28;
	v33 =	vadd.f32 v33, v33;
	(erf) = vrcp.f32 v49  }
0x17a: {  	v57 =	vshrl.u32 v17, $0x17;
	v35 =	vadd.f32 $2.000000030e-01, v35;
	v38 =	vmul.f32 v38, v40  }
0x17b: {  	v34 =	vadd.f32 $-1.000000000e+00, v34;
	v51 =	vadd.f32 v30, v32;
	v32 =	vmul.f32 $6.931471820e-01, v53  }
0x17c: {  	v29 =	vmul.f32 v43, v29;
	v35 =	vmul.f32 v35, v36;
	v38 =	vadd.f32 $2.000000030e-01, v38  }
0x17d: {  	v28 =	vadd.f32 v51, v16;
	v58 =	vadd.f32 $-1.000000000e+00, v41;
	v51 =	vshrl.u32 v5, $0x17  }
0x17e: {  	v48 =	vmul.f32 v29, v29;
	v35 =	vadd.f32 $3.333333430e-01, v35;
	v52 =	vmul.f32 v38, v40  }
0x17f: {  	v29 =	vadd.f32 v29, v29;
	v28 =	vmul.f32 v28, v18;
	v49 =	vshrl.u32 v7, $0x17  }
0x180: {  	v50 =	vmul.f32 $1.111111120e-01, v48;
	v35 =	vmul.f32 v35, v36;
	v30 =	vadd.f32 $3.333333430e-01, v52;
	v56 =	vpop (erf)  }
0x181: {  	v27 =	vsub.f32 v27, v28;
	v52 =	vsel vm15, $0x3F800000, v1;
	v34 =	vmul.f32 v56, v34  }
0x182: {  	v54 =	vadd.f32 $1.428571490e-01, v50;
	v35 =	vadd.f32 $1.000000000e+00, v35;
	v30 =	vmul.f32 v30, v40;
	v60 =	vpop (erf)  }
0x183: {  	v40 =	vand.u32 $0xFF, v61;
	v38 =	vmul.f32 v34, v34;
	v39 =	vmul.f32 v60, v58  }
0x184: {  	v40 =	vadd.s32 $0xFFFFFF81, v40;
	v31 =	vmul.f32 v35, v31;
	v30 =	vadd.f32 $1.000000000e+00, v30  }
0x185: {  	v35 =	vand.u32 $0xFF, v57;
	v59 =	vmul.f32 $1.111111120e-01, v38;
	v62 =	vmul.f32 v39, v39  }
0x186: {  	v36 =	vmul.f32 v54, v48;
	v40 =	vcvt.s32.f32 v40;
	v35 =	vadd.s32 $0xFFFFFF81, v35  }
0x187: {  	v30 =	vmul.f32 v30, v33;
	v33 =	vadd.f32 $1.428571490e-01, v59;
	v63 =	vmul.f32 $1.111111120e-01, v62  }
0x188: {  	v36 =	vadd.f32 $2.000000030e-01, v36;
	v35 =	vcvt.s32.f32 v35;
	v37 =	vadd.f32 v40, v55  }
0x189: {  	v31 =	vadd.f32 v31, v32;
	v33 =	vmul.f32 v33, v38;
	v43 =	vadd.f32 $1.428571490e-01, v63  }
0x18a: {  	v32 =	vand.u32 $0xFF, v49;
	v34 =	vadd.f32 v34, v34;
	v36 =	vmul.f32 v36, v48  }
0x18b: {  	v32 =	vadd.s32 $0xFFFFFF81, v32;
	v33 =	vadd.f32 $2.000000030e-01, v33;
	v46 =	vmul.f32 v43, v62  }
0x18c: {  	v35 =	vadd.f32 v35, v44;
	v45 =	vmul.f32 $6.931471820e-01, v37;
	v32 =	vcvt.s32.f32 v32  }
0x18d: {  	v36 =	vadd.f32 $3.333333430e-01, v36;
	v33 =	vmul.f32 v33, v38;
	v50 =	vadd.f32 $2.000000030e-01, v46  }
0x18e: {  	v31 =	vadd.f32 v31, v22;
	v44 =	vmul.f32 $6.931471820e-01, v35;
	v35 =	vand.u32 $0xFF, v51  }
0x18f: {  	v36 =	vmul.f32 v36, v48;
	v48 =	vadd.f32 $3.333333430e-01, v33;
	v33 =	vmul.f32 v50, v62  }
0x190: {  	v54 =	vadd.f32 v39, v39;
	v35 =	vadd.s32 $0xFFFFFF81, v35;
	v28 =	vadd.f32 v30, v44  }
0x191: {  	v36 =	vadd.f32 $1.000000000e+00, v36;
	v30 =	vmul.f32 v48, v38;
	v33 =	vadd.f32 $3.333333430e-01, v33  }
0x192: {  	v32 =	vadd.f32 v32, v47;
	v31 =	vmul.f32 v31, v11;
	v35 =	vcvt.s32.f32 v35  }
0x193: {  	v29 =	vmul.f32 v36, v29;
	v30 =	vadd.f32 $1.000000000e+00, v30;
	v33 =	vmul.f32 v33, v62  }
0x194: {  	v32 =	vmul.f32 $6.931471820e-01, v32;
	v53 =	vadd.f32 v35, v52;
	v28 =	vadd.f32 v28, v15  }
0x195: {  	v29 =	vadd.f32 v29, v45;
	v30 =	vmul.f32 v30, v34;
	v33 =	vadd.f32 $1.000000000e+00, v33  }
0x196: {  	v27 =	vsub.f32 v27, v31;
	v28 =	vmul.f32 v28, v10;
	v56 =	vmul.f32 $6.931471820e-01, v53  }
0x197: {  	v29 =	vadd.f32 v29, v14;
	v30 =	vadd.f32 v30, v32;
	v55 =	vmul.f32 v33, v54  }
0x198: {  	v27 =	vsub.f32 v27, v28  }
0x199: {  	v57 =	vmul.f32 v29, v4;
	v58 =	vadd.f32 v30, v9;
	v59 =	vadd.f32 v55, v56;
	_ =	sdelay $0x1  }
0x19a: {  	v27 =	vsub.f32 v27, v57;
	v60 =	vmul.f32 v58, v6;
	v61 =	vadd.f32 v59, v2  }
0x19b: {  	v62 =	vld [tilespmem:$0x19580]  }
0x19c: {  	v27 =	vsub.f32 v27, v60;
	v63 =	vmul.f32 v61, v3;
	_ =	sdelay $0x1  }
.Ltmp10:
0x19d: {  	v27 =	vsub.f32 v27, v63;
	(pc) =	sbr.rel .LBB2_13-.Ltmp10, $3  }
0x19e: {  	_ = 	snop  }
0x19f: {  	v27 =	vadd.f32 v62, v27;
	_ =	sdelay $0x1  }
0x1a0: {  	s29 =	simm.s32 $0x1;
	[tilespmem:$0x19580] =	vst v27  }
.LBB2_11:
0x1a1: {  	[tilespmem:$0x19200] =	vst v23  }
0x1a2: {  	[tilespmem:$0x19280] =	vst v20  }
0x1a3: {  	[tilespmem:$0x19300] =	vst v24  }
0x1a4: {  	[tilespmem:$0x19210] =	vst v25  }
0x1a5: {  	[tilespmem:$0x19290] =	vst v13  }
0x1a6: {  	[tilespmem:$0x19310] =	vst v21  }
0x1a7: {  	[tilespmem:$0x19220] =	vst v12  }
0x1a8: {  	[tilespmem:$0x192A0] =	vst v18  }
0x1a9: {  	[tilespmem:$0x19320] =	vst v16  }
0x1aa: {  	[tilespmem:$0x19230] =	vst v19  }
0x1ab: {  	[tilespmem:$0x192B0] =	vst v11  }
0x1ac: {  	[tilespmem:$0x19330] =	vst v22  }
0x1ad: {  	[tilespmem:$0x19240] =	vst v17  }
0x1ae: {  	[tilespmem:$0x192C0] =	vst v10  }
0x1af: {  	[tilespmem:$0x19340] =	vst v15  }
0x1b0: {  	[tilespmem:$0x19250] =	vst v8  }
0x1b1: {  	[tilespmem:$0x192D0] =	vst v4  }
0x1b2: {  	[tilespmem:$0x19350] =	vst v14  }
0x1b3: {  	[tilespmem:$0x19260] =	vst v7  }
0x1b4: {  	[tilespmem:$0x192E0] =	vst v6  }
0x1b5: {  	[tilespmem:$0x19360] =	vst v9  }
.Ltmp11:
0x1b6: {  	[tilespmem:$0x19270] =	vst v5;
	(pc) =	sbr.rel .LBB2_13-.Ltmp11, $4  }
0x1b7: {  	[tilespmem:$0x192F0] =	vst v3;
	s29 =	scvt.s32.f32 s28  }
0x1b8: {  	[tilespmem:$0x19370] =	vst v2  }
0x1b9: {  	[tilespmem:$0x19500] =	vst v26;
	v27 =	vmov s29  }
0x1ba: {  	s29 =	simm.s32 $0x1;
	[tilespmem:$0x19510] =	vst v27  }
.LBB2_14:
0x1bb: {  	p0 =	seq.s32 s31, $0x18  }
0x1bc: {  	s0 =	smul.u32 @!p0 $0x190, s31;
	_ =	sdelay $0x1  }
0x1bd: {  	s0 =	sadd.s32 @!p0 s0, s12  }
0x1be: {  	s18 =	sshll.u32 @!p0 s0, $0x4  }
0x1bf: {  	s25 =	simm.s32 @!p0 $0x0;
	s19 =	sadd.s32 @!p0 s1, s18  }
0x1c0: {  	[tilespmem:s25], [sflag:$0x1] =	stream.linear.gather @!p0 [hbm4b:s19+s25], $0x6400, $0x38;
	[tilespmem:$0x19600] =	vst v63  }
0x1c1: {  	s0 =	sshrl.u32 @!p0 s0, $0x3;
	s18 =	sadd.s32 @!p0 s3, s18;
	s19 =	simm.s32 @!p0 $0xC800  }
0x1c2: {  	[tilespmem:s19], [sflag:$0x1] =	stream.linear.gather @!p0 [hbm4b:s18+s25], $0x6400, $0x38;
	[tilespmem:$0x19600] =	vst v63  }
0x1c3: {  	s0 =	sadd.s32 @!p0 s5, s0;
	s18 =	simm.s32 @!p0 $0x19000  }
0x1c4: {  	[tilespmem:s18], [sflag:$0x1] =	stream.linear.gather @!p0 [hbm4b:s0+s25], $0xD8, $0x38;
	[tilespmem:$0x19600] =	vst v63  }
0x1c5: {  	_ =	swait.ge [sflag:s24], $0x6400  }
0x1c6: {  	[sflag:s24] =	ssyncset.done $0x0  }
0x1c7: {  	[sflag:s24] =	ssyncadd.s32 $0xFFFF9C00  }
0x1c8: {  	_ =	swait.ge [sflag:s24], $0x6400  }
.Ltmp12:
0x1c9: {  	[sflag:s24] =	ssyncset.done $0x0;
	(pc) =	sbr.rel .LBB2_15-.Ltmp12, $4  }
0x1ca: {  	[sflag:s24] =	ssyncadd.s32 $0xFFFF9C00  }
0x1cb: {  	_ =	swait.ge [sflag:s24], $0xD8  }
0x1cc: {  	s19 =	simm.s32 $0x19101;
	[sflag:s24] =	ssyncset.done $0x0  }
0x1cd: {  	s0 =	simm.s32 $0xFFFFFFFE;
	s18 =	simm.s32 $0x0;
	[sflag:s24] =	ssyncadd.s32 $0xFFFFFF28  }
.LBB2_21:
0x1ce: {  	s29 =	smov.u32 @p2 s29  }
.LBB2_25:
0x1cf: {  	v27 =	vld [tilespmem:s28+$0x6480]  }
0x1d0: {  	v61 =	vld [tilespmem:s28+$0x6490]  }
0x1d1: {  	v29 =	vld [tilespmem:s28+$0x64A0]  }
0x1d2: {  	v30 =	vld [tilespmem:s28+$0x64B0]  }
0x1d3: {  	p1 =	sne.s32 s2, s25;
	v33 =	vld [tilespmem:s28+$0x64C0]  }
0x1d4: {  	v36 =	vld [tilespmem:s28+$0x64D0];
	v24 =	vpsel p1, v27, v24  }
0x1d5: {  	v63 =	vld [tilespmem:s28+$0x64E0];
	v28 =	vsub.f32 v27, v24  }
0x1d6: {  	v31 =	vld [tilespmem:s28+$0x12C80];
	v23 =	vpsel p1, $0x0, v23;
	v20 =	vpsel p1, $0x0, v20  }
0x1d7: {  	v26 =	vpsel p1, $0x0, v26;
	v25 =	vpsel p1, $0x0, v25;
	v28 =	vmul.f32 $1.442695020e+00, v28  }
0x1d8: {  	v21 =	vpsel p1, v61, v21;
	v16 =	vpsel p1, v29, v16;
	v22 =	vpsel p1, v30, v22  }
0x1d9: {  	v15 =	vpsel p1, v33, v15;
	v32 =	vsub.f32 v61, v21;
	(erf) = vpow2.f32 v28  }
0x1da: {  	v14 =	vpsel p1, v36, v14;
	v9 =	vpsel p1, v63, v9;
	v35 =	vsub.f32 v29, v16  }
0x1db: {  	v41 =	vsub.f32 v30, v22;
	v27 =	vmul.f32 v31, v27;
	v32 =	vmul.f32 $1.442695020e+00, v32  }
0x1dc: {  	v42 =	vld [tilespmem:s28+$0x12C90];
	v44 =	vsub.f32 v33, v15;
	v38 =	vsub.f32 v36, v14;
	v62 =	vmul.f32 $1.442695020e+00, v35  }
0x1dd: {  	v37 =	vld [tilespmem:s28+$0x64F0];
	v47 =	vsub.f32 v63, v9;
	v43 =	vmul.f32 $1.442695020e+00, v41;
	(erf) = vpow2.f32 v32  }
0x1de: {  	v26 =	vadd.f32 v27, v26;
	v27 =	vld [tilespmem:s28+$0x12CA0];
	v45 =	vmul.f32 $1.442695020e+00, v44;
	(erf) = vpow2.f32 v62  }
0x1df: {  	v13 =	vpsel p1, $0x0, v13;
	v46 =	vmul.f32 $1.442695020e+00, v38;
	(erf) = vpow2.f32 v43  }
0x1e0: {  	v39 =	vld [tilespmem:s28+$0x12CB0];
	v12 =	vpsel p1, $0x0, v12;
	v49 =	vmul.f32 $1.442695020e+00, v47;
	(erf) = vpow2.f32 v45  }
0x1e1: {  	v55 =	vpsel p1, $0x0, v18;
	v28 =	vmul.f32 v42, v61;
	(erf) = vpow2.f32 v46  }
0x1e2: {  	v19 =	vpsel p1, $0x0, v19;
	v2 =	vpsel p1, v37, v2;
	v34 =	vpop (erf);
	(erf) = vpow2.f32 v49  }
0x1e3: {  	v52 =	vld [tilespmem:s28+$0x12CC0];
	v48 =	vsub.f32 v37, v2;
	v26 =	vadd.f32 v28, v26;
	v51 =	vmul.f32 v27, v29  }
0x1e4: {  	v11 =	vpsel p1, $0x0, v11;
	v17 =	vpsel p1, $0x0, v17;
	v10 =	vpsel p1, $0x0, v10  }
0x1e5: {  	v53 =	vld [tilespmem:s28+$0x12CD0];
	v30 =	vmul.f32 v39, v30;
	v32 =	vmul.f32 $1.442695020e+00, v48;
	v26 =	vadd.f32 v51, v26  }
0x1e6: {  	v57 =	vld [tilespmem:s28+$0x12CE0];
	v8 =	vpsel p1, $0x0, v8;
	v4 =	vpsel p1, $0x0, v4;
	v7 =	vpsel p1, $0x0, v7;
	v50 =	vpop (erf)  }
0x1e7: {  	v6 =	vpsel p1, $0x0, v6;
	v26 =	vadd.f32 v30, v26;
	(erf) = vpow2.f32 v32;
	v54 =	vpop (erf)  }
0x1e8: {  	v56 =	vmul.f32 v52, v33;
	v18 =	vadd.f32 v54, v12;
	v12 =	vadd.f32 v27, v55;
	v27 =	vpop (erf)  }
0x1e9: {  	v59 =	vld [tilespmem:s28+$0x12CF0];
	v3 =	vpsel p1, $0x0, v3;
	v20 =	vadd.f32 v31, v20;
	v19 =	vadd.f32 v27, v19;
	v27 =	vpop (erf)  }
0x1ea: {  	v13 =	vadd.f32 v42, v13;
	v58 =	vmul.f32 v53, v36;
	v26 =	vadd.f32 v56, v26;
	v60 =	vpop (erf)  }
0x1eb: {  	s0 =	sadd.s32 $0x2, s0;
	v11 =	vadd.f32 v39, v11;
	v61 =	vmul.f32 v57, v63;
	v17 =	vadd.f32 v27, v17;
	v27 =	vpop (erf)  }
0x1ec: {  	v26 =	vadd.f32 v58, v26;
	v7 =	vadd.f32 v27, v7;
	v27 =	vpsel p1, $0x0, v5;
	p1 =	slt.u32 s0, $0xC6  }
.Ltmp13:
0x1ed: {  	v10 =	vadd.f32 v52, v10;
	v4 =	vadd.f32 v53, v4;
	(pc) =	sbr.rel @!p1 .LBB2_26-.Ltmp13, $4  }
0x1ee: {  	v3 =	vadd.f32 v59, v3;
	v63 =	vmul.f32 v59, v37;
	v26 =	vadd.f32 v61, v26  }
0x1ef: {  	v23 =	vadd.f32 v34, v23;
	v25 =	vadd.f32 v50, v25  }
0x1f0: {  	v8 =	vadd.f32 v60, v8;
	v26 =	vadd.f32 v63, v26;
	v62 =	vpop (erf)  }
0x1f1: {  	s18 =	sadd.s32 $0x400, s18;
	s19 =	sadd.s32 $0x2, s19;
	v5 =	vadd.f32 v57, v6;
	v6 =	vadd.f32 v62, v27  }
.LBB2_15:
0x1f2: {  	v27 =	vld [tilespmem:s19+$0xFFFFFFFF];
	_ =	sdelay $0x4  }
0x1f3: {  	(v2sf) =	vpush v27, $0x0;
	_ =	sdelay $0xe  }
0x1f4: {  	p1 =	slt.s32 s2, $0x0;
	s25 =	spop (v2sf)  }
0x1f5: {  	p2 =	seq.s32 @!p1 s25, s2  }
0x1f6: {  	p2 =	por p1, p2  }
.Ltmp14:
0x1f7: {  	_ = 	snop;
	(pc) =	sbr.rel @p2 .LBB2_16-.Ltmp14, $1  }
0x1f8: {  	_ =	sdelay $0x3  }
0x1f9: {  	p1 =	sne.s32 s29, $0x0  }
.Ltmp15:
0x1fa: {  	_ = 	snop;
	(pc) =	sbr.rel @!p1 .LBB2_18-.Ltmp15, $1  }
0x1fb: {  	_ =	sdelay $0x3  }
0x1fc: {  	v27 =	vand.u32 $0x7FFFFF, v23  }
0x1fd: {  	v27 =	vor.u32 $0x3F800000, v27  }
0x1fe: {  	v28 =	vmul.f32 $5.000000000e-01, v27  }
0x1ff: {  	vm1 =	vgt.f32 v27, $1.414213540e+00  }
0x200: {  	v27 =	vsel vm1, v28, v27  }
0x201: {  	v28 =	vadd.f32 $1.000000000e+00, v27;
	_ =	sdelay $0x1  }
0x202: {  	(erf) = vrcp.f32 v28;
	_ =	sdelay $0x2  }
0x203: {  	v59 =	vand.u32 $0x7FFFFF, v25  }
0x204: {  	v28 =	vor.u32 $0x3F800000, v59  }
0x205: {  	v29 =	vmul.f32 $5.000000000e-01, v28  }
0x206: {  	vm2 =	vgt.f32 v28, $1.414213540e+00  }
0x207: {  	v28 =	vsel vm2, v29, v28  }
0x208: {  	v27 =	vadd.f32 $-1.000000000e+00, v27;
	v29 =	vadd.f32 $1.000000000e+00, v28  }
0x209: {  	v30 =	vpop (erf)  }
0x20a: {  	(erf) = vrcp.f32 v29;
	v27 =	vmul.f32 v30, v27;
	_ =	sdelay $0x1  }
0x20b: {  	v30 =	vmul.f32 v27, v27;
	_ =	sdelay $0x1  }
0x20c: {  	v31 =	vand.u32 $0x7FFFFF, v18;
	v60 =	vmul.f32 $1.111111120e-01, v30  }
0x20d: {  	v31 =	vor.u32 $0x3F800000, v31  }
0x20e: {  	v32 =	vmul.f32 $5.000000000e-01, v31;
	v29 =	vadd.f32 $1.428571490e-01, v60  }
0x20f: {  	v34 =	vshrl.u32 v23, $0x17;
	v42 =	vand.u32 $0x7FFFFF, v19;
	vm0 =	vgt.f32 v31, $1.414213540e+00  }
0x210: {  	v31 =	vsel vm0, v32, v31;
	v28 =	vadd.f32 $-1.000000000e+00, v28;
	v29 =	vmul.f32 v29, v30  }
0x211: {  	v43 =	vshrl.u32 v25, $0x17;
	v50 =	vand.u32 $0x7FFFFF, v8;
	v33 =	vadd.f32 $1.000000000e+00, v31;
	v61 =	vpop (erf)  }
0x212: {  	v51 =	vshrl.u32 v18, $0x17;
	v28 =	vmul.f32 v61, v28;
	v29 =	vadd.f32 $2.000000030e-01, v29  }
0x213: {  	v62 =	vand.u32 $0xFF, v34;
	v44 =	vor.u32 $0x3F800000, v42;
	(erf) = vrcp.f32 v33  }
0x214: {  	v45 =	vand.u32 $0xFF, v43;
	v63 =	vmul.f32 v28, v28;
	v29 =	vmul.f32 v29, v30  }
0x215: {  	v42 =	vand.u32 $0x7FFFFF, v6;
	v46 =	vmul.f32 $5.000000000e-01, v44;
	vm12 =	vgt.f32 v44, $1.414213540e+00  }
0x216: {  	v42 =	vor.u32 $0x3F800000, v42;
	v38 =	vmul.f32 $1.111111120e-01, v63;
	v29 =	vadd.f32 $3.333333430e-01, v29  }
0x217: {  	v37 =	vsel vm1, $0x3F800000, v1;
	v52 =	vsel vm0, $0x3F800000, v1;
	v32 =	vadd.s32 $0xFFFFFF81, v62  }
0x218: {  	v32 =	vcvt.s32.f32 v32;
	v39 =	vadd.f32 $1.428571490e-01, v38;
	v29 =	vmul.f32 v29, v30  }
0x219: {  	vm15 =	vgt.f32 v42, $1.414213540e+00;
	v59 =	vand.u32 $0x7FFFFF, v7;
	v27 =	vadd.f32 v27, v27  }
0x21a: {  	v40 =	vmul.f32 v39, v63;
	v30 =	vadd.f32 v32, v37;
	v29 =	vadd.f32 $1.000000000e+00, v29  }
0x21b: {  	v31 =	vadd.f32 $-1.000000000e+00, v31;
	v60 =	vor.u32 $0x3F800000, v59;
	v61 =	vshrl.u32 v19, $0x17  }
0x21c: {  	v30 =	vmul.f32 $6.931471820e-01, v30;
	v27 =	vmul.f32 v29, v27;
	v29 =	vadd.f32 $2.000000030e-01, v40  }
0x21d: {  	vm14 =	vgt.f32 v60, $1.414213540e+00;
	v28 =	vadd.f32 v28, v28;
	v41 =	vpop (erf);
	v37 =	vand.u32 $0x7FFFFF, v17  }
0x21e: {  	v27 =	vadd.f32 v27, v30;
	v30 =	vmul.f32 v41, v31;
	v29 =	vmul.f32 v29, v63  }
0x21f: {  	v38 =	vsel vm2, $0x3F800000, v1;
	v32 =	vadd.s32 $0xFFFFFF81, v45;
	v48 =	vor.u32 $0x3F800000, v37  }
0x220: {  	v31 =	vsel vm12, v46, v44;
	v35 =	vmul.f32 v30, v30;
	v29 =	vadd.f32 $3.333333430e-01, v29  }
0x221: {  	v32 =	vcvt.s32.f32 v32;
	v49 =	vmul.f32 $5.000000000e-01, v48;
	v36 =	vadd.f32 $1.000000000e+00, v31  }
0x222: {  	v39 =	vsel vm12, $0x3F800000, v1;
	v47 =	vmul.f32 $1.111111120e-01, v35;
	v29 =	vmul.f32 v29, v63  }
0x223: {  	v37 =	vand.u32 $0xFF, v61;
	vm3 =	vgt.f32 v48, $1.414213540e+00;
	(erf) = vrcp.f32 v36  }
0x224: {  	v33 =	vsel vm3, v49, v48;
	v34 =	vadd.f32 $1.428571490e-01, v47;
	v29 =	vadd.f32 $1.000000000e+00, v29  }
0x225: {  	v61 =	vshrl.u32 v8, $0x17;
	v37 =	vadd.s32 $0xFFFFFF81, v37;
	v36 =	vadd.f32 $1.000000000e+00, v33  }
0x226: {  	v34 =	vmul.f32 v34, v35;
	v28 =	vmul.f32 v29, v28;
	v29 =	vor.u32 $0x3F800000, v50  }
0x227: {  	v32 =	vadd.f32 v32, v38;
	(erf) = vrcp.f32 v36;
	v53 =	vmul.f32 $5.000000000e-01, v29  }
0x228: {  	v38 =	vmul.f32 $5.000000000e-01, v60;
	vm13 =	vgt.f32 v29, $1.414213540e+00;
	v34 =	vadd.f32 $2.000000030e-01, v34  }
0x229: {  	v37 =	vcvt.s32.f32 v37;
	v32 =	vmul.f32 $6.931471820e-01, v32;
	v29 =	vsel vm13, v53, v29  }
0x22a: {  	v31 =	vadd.f32 $-1.000000000e+00, v31;
	v34 =	vmul.f32 v34, v35;
	v56 =	vadd.f32 $1.000000000e+00, v29  }
0x22b: {  	v44 =	vsel vm3, $0x3F800000, v1;
	v27 =	vadd.f32 v27, v24;
	v30 =	vadd.f32 v30, v30  }
0x22c: {  	v33 =	vadd.f32 $-1.000000000e+00, v33;
	v55 =	vpop (erf);
	v34 =	vadd.f32 $3.333333430e-01, v34;
	(erf) = vrcp.f32 v56  }
0x22d: {  	v27 =	vmul.f32 v27, v20;
	v63 =	vmul.f32 $5.000000000e-01, v42;
	v36 =	vand.u32 $0xFF, v51  }
0x22e: {  	v54 =	vadd.s32 $0xFFFFFF81, v36;
	v31 =	vmul.f32 v55, v31;
	v34 =	vmul.f32 v34, v35  }
0x22f: {  	v27 =	vsub.f32 v26, v27;
	v47 =	vsel vm14, $0x3F800000, v1;
	v28 =	vadd.f32 v28, v32  }
0x230: {  	v32 =	vcvt.s32.f32 v54;
	v58 =	vpop (erf);
	v36 =	vmul.f32 v31, v31;
	v34 =	vadd.f32 $1.000000000e+00, v34  }
0x231: {  	v53 =	vadd.f32 v37, v39;
	v28 =	vadd.f32 v28, v21;
	v33 =	vmul.f32 v58, v33  }
0x232: {  	v57 =	vmul.f32 $1.111111120e-01, v36;
	v30 =	vmul.f32 v34, v30;
	v34 =	vsel vm14, v38, v60  }
0x233: {  	v32 =	vadd.f32 v32, v52;
	v40 =	vmul.f32 v33, v33;
	v41 =	vadd.f32 $1.000000000e+00, v34  }
0x234: {  	v29 =	vadd.f32 $-1.000000000e+00, v29;
	v55 =	vsel vm13, $0x3F800000, v1;
	v35 =	vadd.f32 $1.428571490e-01, v57  }
0x235: {  	v62 =	vmul.f32 $1.111111120e-01, v40;
	v43 =	vpop (erf);
	(erf) = vrcp.f32 v41;
	v41 =	vsel vm15, v63, v42  }
0x236: {  	v28 =	vmul.f32 v28, v13;
	v32 =	vmul.f32 $6.931471820e-01, v32;
	v49 =	vadd.f32 $1.000000000e+00, v41  }
0x237: {  	v31 =	vadd.f32 v31, v31;
	v35 =	vmul.f32 v35, v36;
	v38 =	vadd.f32 $1.428571490e-01, v62  }
0x238: {  	v27 =	vsub.f32 v27, v28;
	v33 =	vadd.f32 v33, v33;
	(erf) = vrcp.f32 v49  }
0x239: {  	v57 =	vshrl.u32 v17, $0x17;
	v35 =	vadd.f32 $2.000000030e-01, v35;
	v38 =	vmul.f32 v38, v40  }
0x23a: {  	v34 =	vadd.f32 $-1.000000000e+00, v34;
	v51 =	vadd.f32 v30, v32;
	v32 =	vmul.f32 $6.931471820e-01, v53  }
0x23b: {  	v29 =	vmul.f32 v43, v29;
	v35 =	vmul.f32 v35, v36;
	v38 =	vadd.f32 $2.000000030e-01, v38  }
0x23c: {  	v28 =	vadd.f32 v51, v16;
	v58 =	vadd.f32 $-1.000000000e+00, v41;
	v51 =	vshrl.u32 v6, $0x17  }
0x23d: {  	v48 =	vmul.f32 v29, v29;
	v35 =	vadd.f32 $3.333333430e-01, v35;
	v52 =	vmul.f32 v38, v40  }
0x23e: {  	v29 =	vadd.f32 v29, v29;
	v28 =	vmul.f32 v28, v12;
	v49 =	vshrl.u32 v7, $0x17  }
0x23f: {  	v50 =	vmul.f32 $1.111111120e-01, v48;
	v35 =	vmul.f32 v35, v36;
	v30 =	vadd.f32 $3.333333430e-01, v52;
	v56 =	vpop (erf)  }
0x240: {  	v27 =	vsub.f32 v27, v28;
	v52 =	vsel vm15, $0x3F800000, v1;
	v34 =	vmul.f32 v56, v34  }
0x241: {  	v54 =	vadd.f32 $1.428571490e-01, v50;
	v35 =	vadd.f32 $1.000000000e+00, v35;
	v30 =	vmul.f32 v30, v40;
	v60 =	vpop (erf)  }
0x242: {  	v40 =	vand.u32 $0xFF, v61;
	v38 =	vmul.f32 v34, v34;
	v39 =	vmul.f32 v60, v58  }
0x243: {  	v40 =	vadd.s32 $0xFFFFFF81, v40;
	v31 =	vmul.f32 v35, v31;
	v30 =	vadd.f32 $1.000000000e+00, v30  }
0x244: {  	v35 =	vand.u32 $0xFF, v57;
	v59 =	vmul.f32 $1.111111120e-01, v38;
	v62 =	vmul.f32 v39, v39  }
0x245: {  	v36 =	vmul.f32 v54, v48;
	v40 =	vcvt.s32.f32 v40;
	v35 =	vadd.s32 $0xFFFFFF81, v35  }
0x246: {  	v30 =	vmul.f32 v30, v33;
	v33 =	vadd.f32 $1.428571490e-01, v59;
	v63 =	vmul.f32 $1.111111120e-01, v62  }
0x247: {  	v36 =	vadd.f32 $2.000000030e-01, v36;
	v35 =	vcvt.s32.f32 v35;
	v37 =	vadd.f32 v40, v55  }
0x248: {  	v31 =	vadd.f32 v31, v32;
	v33 =	vmul.f32 v33, v38;
	v43 =	vadd.f32 $1.428571490e-01, v63  }
0x249: {  	v32 =	vand.u32 $0xFF, v49;
	v34 =	vadd.f32 v34, v34;
	v36 =	vmul.f32 v36, v48  }
0x24a: {  	v32 =	vadd.s32 $0xFFFFFF81, v32;
	v33 =	vadd.f32 $2.000000030e-01, v33;
	v46 =	vmul.f32 v43, v62  }
0x24b: {  	v35 =	vadd.f32 v35, v44;
	v45 =	vmul.f32 $6.931471820e-01, v37;
	v32 =	vcvt.s32.f32 v32  }
0x24c: {  	v36 =	vadd.f32 $3.333333430e-01, v36;
	v33 =	vmul.f32 v33, v38;
	v50 =	vadd.f32 $2.000000030e-01, v46  }
0x24d: {  	v31 =	vadd.f32 v31, v22;
	v44 =	vmul.f32 $6.931471820e-01, v35;
	v35 =	vand.u32 $0xFF, v51  }
0x24e: {  	v36 =	vmul.f32 v36, v48;
	v48 =	vadd.f32 $3.333333430e-01, v33;
	v33 =	vmul.f32 v50, v62  }
0x24f: {  	v54 =	vadd.f32 v39, v39;
	v35 =	vadd.s32 $0xFFFFFF81, v35;
	v28 =	vadd.f32 v30, v44  }
0x250: {  	v36 =	vadd.f32 $1.000000000e+00, v36;
	v30 =	vmul.f32 v48, v38;
	v33 =	vadd.f32 $3.333333430e-01, v33  }
0x251: {  	v32 =	vadd.f32 v32, v47;
	v31 =	vmul.f32 v31, v11;
	v35 =	vcvt.s32.f32 v35  }
0x252: {  	v29 =	vmul.f32 v36, v29;
	v30 =	vadd.f32 $1.000000000e+00, v30;
	v33 =	vmul.f32 v33, v62  }
0x253: {  	v32 =	vmul.f32 $6.931471820e-01, v32;
	v53 =	vadd.f32 v35, v52;
	v28 =	vadd.f32 v28, v15  }
0x254: {  	v29 =	vadd.f32 v29, v45;
	v30 =	vmul.f32 v30, v34;
	v33 =	vadd.f32 $1.000000000e+00, v33  }
0x255: {  	v27 =	vsub.f32 v27, v31;
	v28 =	vmul.f32 v28, v10;
	v56 =	vmul.f32 $6.931471820e-01, v53  }
0x256: {  	v29 =	vadd.f32 v29, v14;
	v30 =	vadd.f32 v30, v32;
	v55 =	vmul.f32 v33, v54  }
0x257: {  	v27 =	vsub.f32 v27, v28  }
0x258: {  	v57 =	vmul.f32 v29, v4;
	v58 =	vadd.f32 v30, v9;
	v59 =	vadd.f32 v55, v56;
	_ =	sdelay $0x1  }
0x259: {  	v27 =	vsub.f32 v27, v57;
	v60 =	vmul.f32 v58, v5;
	v61 =	vadd.f32 v59, v2  }
0x25a: {  	v62 =	vld [tilespmem:$0x19580]  }
0x25b: {  	v27 =	vsub.f32 v27, v60;
	v63 =	vmul.f32 v61, v3;
	_ =	sdelay $0x1  }
.Ltmp16:
0x25c: {  	v27 =	vsub.f32 v27, v63;
	(pc) =	sbr.rel .LBB2_20-.Ltmp16, $3  }
0x25d: {  	_ = 	snop  }
0x25e: {  	v27 =	vadd.f32 v62, v27;
	_ =	sdelay $0x1  }
0x25f: {  	s29 =	simm.s32 $0x1;
	[tilespmem:$0x19580] =	vst v27  }
.LBB2_16:
.Ltmp17:
0x260: {  	(pc) =	sbr.rel .LBB2_20-.Ltmp17, $2  }
0x261: {  	_ =	sdelay $0x2  }
0x262: {  	s29 =	smov.u32 @p1 s29  }
.LBB2_18:
0x263: {  	[tilespmem:$0x19200] =	vst v23  }
0x264: {  	[tilespmem:$0x19280] =	vst v20  }
0x265: {  	[tilespmem:$0x19300] =	vst v24  }
0x266: {  	[tilespmem:$0x19210] =	vst v25  }
0x267: {  	[tilespmem:$0x19290] =	vst v13  }
0x268: {  	[tilespmem:$0x19310] =	vst v21  }
0x269: {  	[tilespmem:$0x19220] =	vst v18  }
0x26a: {  	[tilespmem:$0x192A0] =	vst v12  }
0x26b: {  	[tilespmem:$0x19320] =	vst v16  }
0x26c: {  	[tilespmem:$0x19230] =	vst v19  }
0x26d: {  	[tilespmem:$0x192B0] =	vst v11  }
0x26e: {  	[tilespmem:$0x19330] =	vst v22  }
0x26f: {  	[tilespmem:$0x19240] =	vst v17  }
0x270: {  	[tilespmem:$0x192C0] =	vst v10  }
0x271: {  	[tilespmem:$0x19340] =	vst v15  }
0x272: {  	[tilespmem:$0x19250] =	vst v8  }
0x273: {  	[tilespmem:$0x192D0] =	vst v4  }
0x274: {  	[tilespmem:$0x19350] =	vst v14  }
0x275: {  	[tilespmem:$0x19260] =	vst v7  }
0x276: {  	[tilespmem:$0x192E0] =	vst v5  }
0x277: {  	[tilespmem:$0x19360] =	vst v9  }
0x278: {  	[tilespmem:$0x19270] =	vst v6  }
0x279: {  	[tilespmem:$0x192F0] =	vst v3;
	s28 =	scvt.s32.f32 s2  }
0x27a: {  	[tilespmem:$0x19370] =	vst v2  }
0x27b: {  	[tilespmem:$0x19500] =	vst v26;
	v27 =	vmov s28  }
0x27c: {  	s29 =	simm.s32 $0x1;
	[tilespmem:$0x19510] =	vst v27  }
.LBB2_20:
0x27d: {  	s28 =	sshra.s32 s18, $0x2;
	v38 =	vld [tilespmem:s19+$0x0]  }
0x27e: {  	v27 =	vld [tilespmem:s28+$0x6400]  }
0x27f: {  	v29 =	vld [tilespmem:s28+$0x6410]  }
0x280: {  	v42 =	vld [tilespmem:s28+$0x6420]  }
0x281: {  	v30 =	vld [tilespmem:s28+$0x6430]  }
0x282: {  	p1 =	sne.s32 s25, s2;
	v33 =	vld [tilespmem:s28+$0x6440]  }
0x283: {  	v34 =	vld [tilespmem:s28+$0x6450];
	v24 =	vpsel p1, v27, v24  }
0x284: {  	v36 =	vld [tilespmem:s28+$0x6460];
	v28 =	vsub.f32 v27, v24  }
0x285: {  	v31 =	vld [tilespmem:s28+$0x12C00];
	v26 =	vpsel p1, $0x0, v26;
	v23 =	vpsel p1, $0x0, v23;
	v20 =	vpsel p1, $0x0, v20  }
0x286: {  	v25 =	vpsel p1, $0x0, v25;
	(v2sf) =	vpush v38, $0x0;
	v28 =	vmul.f32 $1.442695020e+00, v28  }
0x287: {  	v21 =	vpsel p1, v29, v21;
	v16 =	vpsel p1, v42, v16;
	v22 =	vpsel p1, v30, v22  }
0x288: {  	v15 =	vpsel p1, v33, v15;
	v32 =	vsub.f32 v29, v21;
	(erf) = vpow2.f32 v28  }
0x289: {  	v14 =	vpsel p1, v34, v14;
	v9 =	vpsel p1, v36, v9;
	v35 =	vsub.f32 v42, v16  }
0x28a: {  	v43 =	vsub.f32 v30, v22;
	v27 =	vmul.f32 v31, v27;
	v32 =	vmul.f32 $1.442695020e+00, v32  }
0x28b: {  	v45 =	vld [tilespmem:s28+$0x12C10];
	v46 =	vsub.f32 v33, v15;
	v47 =	vsub.f32 v34, v14;
	v35 =	vmul.f32 $1.442695020e+00, v35  }
0x28c: {  	v44 =	vld [tilespmem:s28+$0x6470];
	v48 =	vsub.f32 v36, v9;
	(erf) = vpow2.f32 v32;
	v32 =	vmul.f32 $1.442695020e+00, v43  }
0x28d: {  	v26 =	vadd.f32 v27, v26;
	v27 =	vld [tilespmem:s28+$0x12C20];
	(erf) = vpow2.f32 v35;
	v35 =	vmul.f32 $1.442695020e+00, v46  }
0x28e: {  	v13 =	vpsel p1, $0x0, v13;
	(erf) = vpow2.f32 v32;
	v32 =	vmul.f32 $1.442695020e+00, v47  }
0x28f: {  	v39 =	vld [tilespmem:s28+$0x12C30];
	v18 =	vpsel p1, $0x0, v18;
	v50 =	vmul.f32 $1.442695020e+00, v48;
	(erf) = vpow2.f32 v35  }
0x290: {  	v55 =	vpsel p1, $0x0, v12;
	v29 =	vmul.f32 v45, v29;
	(erf) = vpow2.f32 v32  }
0x291: {  	v19 =	vpsel p1, $0x0, v19;
	v2 =	vpsel p1, v44, v2;
	v37 =	vpop (erf);
	(erf) = vpow2.f32 v50  }
0x292: {  	v52 =	vld [tilespmem:s28+$0x12C40];
	v49 =	vsub.f32 v44, v2;
	v26 =	vadd.f32 v29, v26;
	v28 =	vmul.f32 v27, v42  }
0x293: {  	v11 =	vpsel p1, $0x0, v11;
	v17 =	vpsel p1, $0x0, v17;
	v10 =	vpsel p1, $0x0, v10  }
0x294: {  	v53 =	vld [tilespmem:s28+$0x12C50];
	v30 =	vmul.f32 v39, v30;
	v35 =	vmul.f32 $1.442695020e+00, v49;
	v26 =	vadd.f32 v28, v26  }
0x295: {  	v57 =	vld [tilespmem:s28+$0x12C60];
	v8 =	vpsel p1, $0x0, v8;
	v4 =	vpsel p1, $0x0, v4;
	v7 =	vpsel p1, $0x0, v7;
	v51 =	vpop (erf)  }
0x296: {  	v5 =	vpsel p1, $0x0, v5;
	v26 =	vadd.f32 v30, v26;
	(erf) = vpow2.f32 v35;
	v54 =	vpop (erf)  }
0x297: {  	v56 =	vmul.f32 v52, v33;
	v12 =	vadd.f32 v54, v18;
	v18 =	vadd.f32 v27, v55;
	v27 =	vpop (erf)  }
0x298: {  	v59 =	vld [tilespmem:s28+$0x12C70];
	v3 =	vpsel p1, $0x0, v3;
	v20 =	vadd.f32 v31, v20;
	v19 =	vadd.f32 v27, v19;
	v27 =	vpop (erf)  }
0x299: {  	p2 =	slt.s32 s25, $0x0;
	v13 =	vadd.f32 v45, v13;
	v58 =	vmul.f32 v53, v34;
	v26 =	vadd.f32 v56, v26;
	s2 =	spop (v2sf);
	v60 =	vpop (erf)  }
0x29a: {  	v11 =	vadd.f32 v39, v11;
	v61 =	vmul.f32 v57, v36;
	p3 =	seq.s32 @!p2 s2, s25;
	v17 =	vadd.f32 v27, v17;
	v27 =	vpop (erf)  }
0x29b: {  	v26 =	vadd.f32 v58, v26;
	v7 =	vadd.f32 v27, v7;
	v27 =	vpsel p1, $0x0, v6;
	p1 =	por p2, p3  }
.Ltmp18:
0x29c: {  	v10 =	vadd.f32 v52, v10;
	v4 =	vadd.f32 v53, v4;
	(pc) =	sbr.rel @p1 .LBB2_21-.Ltmp18, $4  }
0x29d: {  	v63 =	vmul.f32 v59, v44;
	v3 =	vadd.f32 v59, v3;
	v26 =	vadd.f32 v61, v26  }
0x29e: {  	v23 =	vadd.f32 v37, v23;
	v25 =	vadd.f32 v51, v25  }
0x29f: {  	v8 =	vadd.f32 v60, v8;
	v26 =	vadd.f32 v63, v26;
	v62 =	vpop (erf)  }
0x2a0: {  	v6 =	vadd.f32 v57, v5;
	v5 =	vadd.f32 v62, v27  }
0x2a1: {  	p1 =	sne.s32 s29, $0x0  }
.Ltmp19:
0x2a2: {  	_ = 	snop;
	(pc) =	sbr.rel @!p1 .LBB2_23-.Ltmp19, $1  }
0x2a3: {  	_ =	sdelay $0x3  }
0x2a4: {  	v27 =	vand.u32 $0x7FFFFF, v23  }
0x2a5: {  	v27 =	vor.u32 $0x3F800000, v27  }
0x2a6: {  	v28 =	vmul.f32 $5.000000000e-01, v27  }
0x2a7: {  	vm1 =	vgt.f32 v27, $1.414213540e+00  }
0x2a8: {  	v27 =	vsel vm1, v28, v27  }
0x2a9: {  	v28 =	vadd.f32 $1.000000000e+00, v27;
	_ =	sdelay $0x1  }
0x2aa: {  	(erf) = vrcp.f32 v28;
	_ =	sdelay $0x2  }
0x2ab: {  	v59 =	vand.u32 $0x7FFFFF, v25  }
0x2ac: {  	v28 =	vor.u32 $0x3F800000, v59  }
0x2ad: {  	v29 =	vmul.f32 $5.000000000e-01, v28  }
0x2ae: {  	vm2 =	vgt.f32 v28, $1.414213540e+00  }
0x2af: {  	v28 =	vsel vm2, v29, v28  }
0x2b0: {  	v27 =	vadd.f32 $-1.000000000e+00, v27;
	v29 =	vadd.f32 $1.000000000e+00, v28  }
0x2b1: {  	v30 =	vpop (erf)  }
0x2b2: {  	(erf) = vrcp.f32 v29;
	v27 =	vmul.f32 v30, v27;
	_ =	sdelay $0x1  }
0x2b3: {  	v30 =	vmul.f32 v27, v27;
	_ =	sdelay $0x1  }
0x2b4: {  	v31 =	vand.u32 $0x7FFFFF, v12;
	v60 =	vmul.f32 $1.111111120e-01, v30  }
0x2b5: {  	v31 =	vor.u32 $0x3F800000, v31  }
0x2b6: {  	v32 =	vmul.f32 $5.000000000e-01, v31;
	v29 =	vadd.f32 $1.428571490e-01, v60  }
0x2b7: {  	v34 =	vshrl.u32 v23, $0x17;
	v42 =	vand.u32 $0x7FFFFF, v19;
	vm0 =	vgt.f32 v31, $1.414213540e+00  }
0x2b8: {  	v31 =	vsel vm0, v32, v31;
	v28 =	vadd.f32 $-1.000000000e+00, v28;
	v29 =	vmul.f32 v29, v30  }
0x2b9: {  	v43 =	vshrl.u32 v25, $0x17;
	v50 =	vand.u32 $0x7FFFFF, v8;
	v33 =	vadd.f32 $1.000000000e+00, v31;
	v61 =	vpop (erf)  }
0x2ba: {  	v51 =	vshrl.u32 v12, $0x17;
	v28 =	vmul.f32 v61, v28;
	v29 =	vadd.f32 $2.000000030e-01, v29  }
0x2bb: {  	v62 =	vand.u32 $0xFF, v34;
	v44 =	vor.u32 $0x3F800000, v42;
	(erf) = vrcp.f32 v33  }
0x2bc: {  	v45 =	vand.u32 $0xFF, v43;
	v63 =	vmul.f32 v28, v28;
	v29 =	vmul.f32 v29, v30  }
0x2bd: {  	v42 =	vand.u32 $0x7FFFFF, v5;
	v46 =	vmul.f32 $5.000000000e-01, v44;
	vm12 =	vgt.f32 v44, $1.414213540e+00  }
0x2be: {  	v42 =	vor.u32 $0x3F800000, v42;
	v38 =	vmul.f32 $1.111111120e-01, v63;
	v29 =	vadd.f32 $3.333333430e-01, v29  }
0x2bf: {  	v37 =	vsel vm1, $0x3F800000, v1;
	v52 =	vsel vm0, $0x3F800000, v1;
	v32 =	vadd.s32 $0xFFFFFF81, v62  }
0x2c0: {  	v32 =	vcvt.s32.f32 v32;
	v39 =	vadd.f32 $1.428571490e-01, v38;
	v29 =	vmul.f32 v29, v30  }
0x2c1: {  	vm15 =	vgt.f32 v42, $1.414213540e+00;
	v59 =	vand.u32 $0x7FFFFF, v7;
	v27 =	vadd.f32 v27, v27  }
0x2c2: {  	v40 =	vmul.f32 v39, v63;
	v30 =	vadd.f32 v32, v37;
	v29 =	vadd.f32 $1.000000000e+00, v29  }
0x2c3: {  	v31 =	vadd.f32 $-1.000000000e+00, v31;
	v60 =	vor.u32 $0x3F800000, v59;
	v61 =	vshrl.u32 v19, $0x17  }
0x2c4: {  	v30 =	vmul.f32 $6.931471820e-01, v30;
	v27 =	vmul.f32 v29, v27;
	v29 =	vadd.f32 $2.000000030e-01, v40  }
0x2c5: {  	vm14 =	vgt.f32 v60, $1.414213540e+00;
	v28 =	vadd.f32 v28, v28;
	v41 =	vpop (erf);
	v37 =	vand.u32 $0x7FFFFF, v17  }
0x2c6: {  	v27 =	vadd.f32 v27, v30;
	v30 =	vmul.f32 v41, v31;
	v29 =	vmul.f32 v29, v63  }
0x2c7: {  	v38 =	vsel vm2, $0x3F800000, v1;
	v32 =	vadd.s32 $0xFFFFFF81, v45;
	v48 =	vor.u32 $0x3F800000, v37  }
0x2c8: {  	v31 =	vsel vm12, v46, v44;
	v35 =	vmul.f32 v30, v30;
	v29 =	vadd.f32 $3.333333430e-01, v29  }
0x2c9: {  	v32 =	vcvt.s32.f32 v32;
	v49 =	vmul.f32 $5.000000000e-01, v48;
	v36 =	vadd.f32 $1.000000000e+00, v31  }
0x2ca: {  	v39 =	vsel vm12, $0x3F800000, v1;
	v47 =	vmul.f32 $1.111111120e-01, v35;
	v29 =	vmul.f32 v29, v63  }
0x2cb: {  	v37 =	vand.u32 $0xFF, v61;
	vm3 =	vgt.f32 v48, $1.414213540e+00;
	(erf) = vrcp.f32 v36  }
0x2cc: {  	v33 =	vsel vm3, v49, v48;
	v34 =	vadd.f32 $1.428571490e-01, v47;
	v29 =	vadd.f32 $1.000000000e+00, v29  }
0x2cd: {  	v61 =	vshrl.u32 v8, $0x17;
	v37 =	vadd.s32 $0xFFFFFF81, v37;
	v36 =	vadd.f32 $1.000000000e+00, v33  }
0x2ce: {  	v34 =	vmul.f32 v34, v35;
	v28 =	vmul.f32 v29, v28;
	v29 =	vor.u32 $0x3F800000, v50  }
0x2cf: {  	v32 =	vadd.f32 v32, v38;
	(erf) = vrcp.f32 v36;
	v53 =	vmul.f32 $5.000000000e-01, v29  }
0x2d0: {  	v38 =	vmul.f32 $5.000000000e-01, v60;
	vm13 =	vgt.f32 v29, $1.414213540e+00;
	v34 =	vadd.f32 $2.000000030e-01, v34  }
0x2d1: {  	v37 =	vcvt.s32.f32 v37;
	v32 =	vmul.f32 $6.931471820e-01, v32;
	v29 =	vsel vm13, v53, v29  }
0x2d2: {  	v31 =	vadd.f32 $-1.000000000e+00, v31;
	v34 =	vmul.f32 v34, v35;
	v56 =	vadd.f32 $1.000000000e+00, v29  }
0x2d3: {  	v44 =	vsel vm3, $0x3F800000, v1;
	v27 =	vadd.f32 v27, v24;
	v30 =	vadd.f32 v30, v30  }
0x2d4: {  	v33 =	vadd.f32 $-1.000000000e+00, v33;
	v55 =	vpop (erf);
	v34 =	vadd.f32 $3.333333430e-01, v34;
	(erf) = vrcp.f32 v56  }
0x2d5: {  	v27 =	vmul.f32 v27, v20;
	v63 =	vmul.f32 $5.000000000e-01, v42;
	v36 =	vand.u32 $0xFF, v51  }
0x2d6: {  	v54 =	vadd.s32 $0xFFFFFF81, v36;
	v31 =	vmul.f32 v55, v31;
	v34 =	vmul.f32 v34, v35  }
0x2d7: {  	v27 =	vsub.f32 v26, v27;
	v47 =	vsel vm14, $0x3F800000, v1;
	v28 =	vadd.f32 v28, v32  }
0x2d8: {  	v32 =	vcvt.s32.f32 v54;
	v58 =	vpop (erf);
	v36 =	vmul.f32 v31, v31;
	v34 =	vadd.f32 $1.000000000e+00, v34  }
0x2d9: {  	v53 =	vadd.f32 v37, v39;
	v28 =	vadd.f32 v28, v21;
	v33 =	vmul.f32 v58, v33  }
0x2da: {  	v57 =	vmul.f32 $1.111111120e-01, v36;
	v30 =	vmul.f32 v34, v30;
	v34 =	vsel vm14, v38, v60  }
0x2db: {  	v32 =	vadd.f32 v32, v52;
	v40 =	vmul.f32 v33, v33;
	v41 =	vadd.f32 $1.000000000e+00, v34  }
0x2dc: {  	v29 =	vadd.f32 $-1.000000000e+00, v29;
	v55 =	vsel vm13, $0x3F800000, v1;
	v35 =	vadd.f32 $1.428571490e-01, v57  }
0x2dd: {  	v62 =	vmul.f32 $1.111111120e-01, v40;
	v43 =	vpop (erf);
	(erf) = vrcp.f32 v41;
	v41 =	vsel vm15, v63, v42  }
0x2de: {  	v28 =	vmul.f32 v28, v13;
	v32 =	vmul.f32 $6.931471820e-01, v32;
	v49 =	vadd.f32 $1.000000000e+00, v41  }
0x2df: {  	v31 =	vadd.f32 v31, v31;
	v35 =	vmul.f32 v35, v36;
	v38 =	vadd.f32 $1.428571490e-01, v62  }
0x2e0: {  	v27 =	vsub.f32 v27, v28;
	v33 =	vadd.f32 v33, v33;
	(erf) = vrcp.f32 v49  }
0x2e1: {  	v57 =	vshrl.u32 v17, $0x17;
	v35 =	vadd.f32 $2.000000030e-01, v35;
	v38 =	vmul.f32 v38, v40  }
0x2e2: {  	v34 =	vadd.f32 $-1.000000000e+00, v34;
	v51 =	vadd.f32 v30, v32;
	v32 =	vmul.f32 $6.931471820e-01, v53  }
0x2e3: {  	v29 =	vmul.f32 v43, v29;
	v35 =	vmul.f32 v35, v36;
	v38 =	vadd.f32 $2.000000030e-01, v38  }
0x2e4: {  	v28 =	vadd.f32 v51, v16;
	v58 =	vadd.f32 $-1.000000000e+00, v41;
	v51 =	vshrl.u32 v5, $0x17  }
0x2e5: {  	v48 =	vmul.f32 v29, v29;
	v35 =	vadd.f32 $3.333333430e-01, v35;
	v52 =	vmul.f32 v38, v40  }
0x2e6: {  	v29 =	vadd.f32 v29, v29;
	v28 =	vmul.f32 v28, v18;
	v49 =	vshrl.u32 v7, $0x17  }
0x2e7: {  	v50 =	vmul.f32 $1.111111120e-01, v48;
	v35 =	vmul.f32 v35, v36;
	v30 =	vadd.f32 $3.333333430e-01, v52;
	v56 =	vpop (erf)  }
0x2e8: {  	v27 =	vsub.f32 v27, v28;
	v52 =	vsel vm15, $0x3F800000, v1;
	v34 =	vmul.f32 v56, v34  }
0x2e9: {  	v54 =	vadd.f32 $1.428571490e-01, v50;
	v35 =	vadd.f32 $1.000000000e+00, v35;
	v30 =	vmul.f32 v30, v40;
	v60 =	vpop (erf)  }
0x2ea: {  	v40 =	vand.u32 $0xFF, v61;
	v38 =	vmul.f32 v34, v34;
	v39 =	vmul.f32 v60, v58  }
0x2eb: {  	v40 =	vadd.s32 $0xFFFFFF81, v40;
	v31 =	vmul.f32 v35, v31;
	v30 =	vadd.f32 $1.000000000e+00, v30  }
0x2ec: {  	v35 =	vand.u32 $0xFF, v57;
	v59 =	vmul.f32 $1.111111120e-01, v38;
	v62 =	vmul.f32 v39, v39  }
0x2ed: {  	v36 =	vmul.f32 v54, v48;
	v40 =	vcvt.s32.f32 v40;
	v35 =	vadd.s32 $0xFFFFFF81, v35  }
0x2ee: {  	v30 =	vmul.f32 v30, v33;
	v33 =	vadd.f32 $1.428571490e-01, v59;
	v63 =	vmul.f32 $1.111111120e-01, v62  }
0x2ef: {  	v36 =	vadd.f32 $2.000000030e-01, v36;
	v35 =	vcvt.s32.f32 v35;
	v37 =	vadd.f32 v40, v55  }
0x2f0: {  	v31 =	vadd.f32 v31, v32;
	v33 =	vmul.f32 v33, v38;
	v43 =	vadd.f32 $1.428571490e-01, v63  }
0x2f1: {  	v32 =	vand.u32 $0xFF, v49;
	v34 =	vadd.f32 v34, v34;
	v36 =	vmul.f32 v36, v48  }
0x2f2: {  	v32 =	vadd.s32 $0xFFFFFF81, v32;
	v33 =	vadd.f32 $2.000000030e-01, v33;
	v46 =	vmul.f32 v43, v62  }
0x2f3: {  	v35 =	vadd.f32 v35, v44;
	v45 =	vmul.f32 $6.931471820e-01, v37;
	v32 =	vcvt.s32.f32 v32  }
0x2f4: {  	v36 =	vadd.f32 $3.333333430e-01, v36;
	v33 =	vmul.f32 v33, v38;
	v50 =	vadd.f32 $2.000000030e-01, v46  }
0x2f5: {  	v31 =	vadd.f32 v31, v22;
	v44 =	vmul.f32 $6.931471820e-01, v35;
	v35 =	vand.u32 $0xFF, v51  }
0x2f6: {  	v36 =	vmul.f32 v36, v48;
	v48 =	vadd.f32 $3.333333430e-01, v33;
	v33 =	vmul.f32 v50, v62  }
0x2f7: {  	v54 =	vadd.f32 v39, v39;
	v35 =	vadd.s32 $0xFFFFFF81, v35;
	v28 =	vadd.f32 v30, v44  }
0x2f8: {  	v36 =	vadd.f32 $1.000000000e+00, v36;
	v30 =	vmul.f32 v48, v38;
	v33 =	vadd.f32 $3.333333430e-01, v33  }
0x2f9: {  	v32 =	vadd.f32 v32, v47;
	v31 =	vmul.f32 v31, v11;
	v35 =	vcvt.s32.f32 v35  }
0x2fa: {  	v29 =	vmul.f32 v36, v29;
	v30 =	vadd.f32 $1.000000000e+00, v30;
	v33 =	vmul.f32 v33, v62  }
0x2fb: {  	v32 =	vmul.f32 $6.931471820e-01, v32;
	v53 =	vadd.f32 v35, v52;
	v28 =	vadd.f32 v28, v15  }
0x2fc: {  	v29 =	vadd.f32 v29, v45;
	v30 =	vmul.f32 v30, v34;
	v33 =	vadd.f32 $1.000000000e+00, v33  }
0x2fd: {  	v27 =	vsub.f32 v27, v31;
	v28 =	vmul.f32 v28, v10;
	v56 =	vmul.f32 $6.931471820e-01, v53  }
0x2fe: {  	v29 =	vadd.f32 v29, v14;
	v30 =	vadd.f32 v30, v32;
	v55 =	vmul.f32 v33, v54  }
0x2ff: {  	v27 =	vsub.f32 v27, v28  }
0x300: {  	v57 =	vmul.f32 v29, v4;
	v58 =	vadd.f32 v30, v9;
	v59 =	vadd.f32 v55, v56;
	_ =	sdelay $0x1  }
0x301: {  	v27 =	vsub.f32 v27, v57;
	v60 =	vmul.f32 v58, v6;
	v61 =	vadd.f32 v59, v2  }
0x302: {  	v62 =	vld [tilespmem:$0x19580]  }
0x303: {  	v27 =	vsub.f32 v27, v60;
	v63 =	vmul.f32 v61, v3;
	_ =	sdelay $0x1  }
.Ltmp20:
0x304: {  	v27 =	vsub.f32 v27, v63;
	(pc) =	sbr.rel .LBB2_25-.Ltmp20, $3  }
0x305: {  	_ = 	snop  }
0x306: {  	v27 =	vadd.f32 v62, v27;
	_ =	sdelay $0x1  }
0x307: {  	s29 =	simm.s32 $0x1;
	[tilespmem:$0x19580] =	vst v27  }
.LBB2_23:
0x308: {  	[tilespmem:$0x19200] =	vst v23  }
0x309: {  	[tilespmem:$0x19280] =	vst v20  }
0x30a: {  	[tilespmem:$0x19300] =	vst v24  }
0x30b: {  	[tilespmem:$0x19210] =	vst v25  }
0x30c: {  	[tilespmem:$0x19290] =	vst v13  }
0x30d: {  	[tilespmem:$0x19310] =	vst v21  }
0x30e: {  	[tilespmem:$0x19220] =	vst v12  }
0x30f: {  	[tilespmem:$0x192A0] =	vst v18  }
0x310: {  	[tilespmem:$0x19320] =	vst v16  }
0x311: {  	[tilespmem:$0x19230] =	vst v19  }
0x312: {  	[tilespmem:$0x192B0] =	vst v11  }
0x313: {  	[tilespmem:$0x19330] =	vst v22  }
0x314: {  	[tilespmem:$0x19240] =	vst v17  }
0x315: {  	[tilespmem:$0x192C0] =	vst v10  }
0x316: {  	[tilespmem:$0x19340] =	vst v15  }
0x317: {  	[tilespmem:$0x19250] =	vst v8  }
0x318: {  	[tilespmem:$0x192D0] =	vst v4  }
0x319: {  	[tilespmem:$0x19350] =	vst v14  }
0x31a: {  	[tilespmem:$0x19260] =	vst v7  }
0x31b: {  	[tilespmem:$0x192E0] =	vst v6  }
0x31c: {  	[tilespmem:$0x19360] =	vst v9  }
.Ltmp21:
0x31d: {  	[tilespmem:$0x19270] =	vst v5;
	(pc) =	sbr.rel .LBB2_25-.Ltmp21, $4  }
0x31e: {  	[tilespmem:$0x192F0] =	vst v3;
	s29 =	scvt.s32.f32 s25  }
0x31f: {  	[tilespmem:$0x19370] =	vst v2  }
0x320: {  	[tilespmem:$0x19500] =	vst v26;
	v27 =	vmov s29  }
0x321: {  	s29 =	simm.s32 $0x1;
	[tilespmem:$0x19510] =	vst v27  }
.LBB2_26:
.Ltmp22:
0x322: {  	(pc) =	sbr.rel @p0 .LBB2_28-.Ltmp22, $1  }
0x323: {  	_ =	sdelay $0x3  }
0x324: {  	s0 =	smul.u32 $0x190, s31;
	_ =	sdelay $0x1  }
0x325: {  	s0 =	sadd.s32 s0, s13  }
0x326: {  	s18 =	sshll.u32 s0, $0x4  }
0x327: {  	s19 =	sadd.s32 s1, s18  }
0x328: {  	[tilespmem:s20], [sflag:$0x2] =	stream.linear.gather [hbm4b:s19+s4], $0x6400, $0x38;
	[tilespmem:$0x19600] =	vst v63  }
.Ltmp23:
0x329: {  	_ = 	snop;
	(pc) =	sbr.rel .LBB2_2-.Ltmp23, $4  }
0x32a: {  	s0 =	sshrl.u32 s0, $0x3;
	s18 =	sadd.s32 s3, s18  }
0x32b: {  	[tilespmem:s21], [sflag:$0x2] =	stream.linear.gather [hbm4b:s18+s4], $0x6400, $0x38;
	[tilespmem:$0x19600] =	vst v63  }
0x32c: {  	s31 =	sadd.s32 $0x1, s31;
	s0 =	sadd.s32 s5, s0  }
0x32d: {  	[tilespmem:s22], [sflag:$0x2] =	stream.linear.gather [hbm4b:s0+s4], $0xD8, $0x38;
	[tilespmem:$0x19600] =	vst v63  }
.LBB2_29:
0x32e: {  	_ =	sfence.sel $0x180000  }
0x32f: {  	[bflag:$0x0] =	sbarrier.arrive $0xFFFF  }
0x330: {  	_ =	strace $0x90000047  }
0x331: {  	s0 =	stileid.u32;
	[bflag:$0x2] =	sbarrier.arrive $0xFFFF  }
0x332: {  	p0 =	sne.s32 s0, $0x0;
	s0 =	rddreg [dreg:$0x3]  }
0x333: {  	s0 =	sadd.s32 @!p0 $0x100000, s0  }
0x334: {  	[sflag:s0] =	ssyncadd.tile.s32 @!p0 $0x1;
	_ =	shalt  }
.Lfunc_end2:
_tile_overlayer_lowered:
.L_overlay_start_2:
0x335: {  	(tag) =	ssettag $0x2  }
0x336: {  	s0 =	rddreg [dreg:$0x0];
	s2 =	stileid.u32  }
0x337: {  	s1 =	rddreg [dreg:$0x1];
	p0 =	sne.s32 s2, $0x0  }
0x338: {  	s3 =	rddreg [dreg:$0x2];
	[bflag:$0x3] =	sbarrier.arrive $0xFFFF;
	s2 =	simm.s32 @!p0 $0x1C03  }
0x339: {  	[timem:s3], [sflag:s2] =	dma.local @!p0 [hbm:s0], s1  }
0x33a: {  	s0 =	simm.s32 @!p0 $0x3  }
0x33b: {  	_ =	swait.ge @!p0 [sflag:s0], s1  }
0x33c: {  	s1 =	ssub.s32 @!p0 $0x0, s1;
	[sflag:s0] =	ssyncset.done @!p0 $0x0  }
0x33d: {  	[sflag:s0] =	ssyncadd.s32 @!p0 s1  }
0x33e: {  	[bflag:$0x3] =	sbarrier.arrive $0xFFFF  }
0x33f: {  	_ =	shalt  }

</sc_bundles>
